<compile_context>
chip_gen: v7x
topology: tpu7x:2x2x1
jax: 0.10.2.dev20260603
libtpu: 0.0.44.dev20260713+nightly
codegen_flags: <defaults>
</compile_context>

<pallas_src>
import functools

import jax
import jax.numpy as jnp
from jax import lax
from jax.experimental import pallas as pl
from jax.experimental.pallas import tpu as pltpu
from jax.experimental.pallas import tpu_sc as plsc

GAMMA = 1.3
C = 19
NB = 1024
NCLS2 = 2 * C
HSIZE = NCLS2 * NB
B = 4
H = 512
W = 512
HB = 8
NW = 32


RB = 128


def _stage1(s_ref, l_ref, out_ref):
    cls = lax.broadcasted_iota(jnp.int32, (C, RB, W), 0)
    x = s_ref[0]
    lab = l_ref[0]
    ex = jnp.exp(x)
    s = jnp.sum(ex, axis=0, keepdims=True)
    p = ex * (1.0 / s)
    fg = lab[None] == cls
    b = jnp.minimum((p * NB).astype(jnp.int32), NB - 1)
    idv = (cls * NB + b + jnp.where(fg, C * NB + (NB - 1) - 2 * b, 0)).astype(
        jnp.uint32
    )
    w = idv[:, 0 : RB // 2] | (idv[:, RB // 2 : RB] << 16)
    for q in range(RB // 2 // HB):
        out_ref[q] = w[:, q * HB : (q + 1) * HB]


def _make_ids(scores, labels, b0, nb):
    return pl.pallas_call(
        _stage1,
        grid=(nb, H // RB),
        in_specs=[
            pl.BlockSpec((1, C, RB, W), lambda b, h: (b + b0, 0, h, 0)),
            pl.BlockSpec((1, RB, W), lambda b, h: (b + b0, h, 0)),
        ],
        out_specs=pl.BlockSpec((RB // 2 // HB, C, HB, W), lambda b, h: (h, b, 0, 0)),
        out_shape=jax.ShapeDtypeStruct((NW, nb * C, HB, W), jnp.uint32),
    )(scores, labels)


_MESH = plsc.VectorSubcoreMesh(core_axis_name="c", subcore_axis_name="s")


def _make_sc_hist(nbc, cpb):
  ndma = nbc // cpb
  assert nbc % cpb == 0

  @functools.partial(
      pl.kernel,
      mesh=_MESH,
      out_type=jax.ShapeDtypeStruct((2 * NW, HSIZE), jnp.int32),
      scratch_types=[
          pltpu.VMEM((2, cpb, HB, W), jnp.uint32),
          pltpu.VMEM((HSIZE,), jnp.int32),
          pltpu.VMEM((HSIZE,), jnp.int32),
          pltpu.SemaphoreType.DMA,
          pltpu.SemaphoreType.DMA,
      ],
      compiler_params=pltpu.CompilerParams(needs_layout_passes=False),
  )
  def _sc_hist(ids_hbm, out_hbm, buf, hist, hist2, sem0, sem1):
    wid = lax.axis_index("s") * 2 + lax.axis_index("c")

    zeros16 = jnp.zeros((16,), jnp.int32)

    def zbody(r, carry):
        for j in range(8):
            hist[pl.ds((r * 8 + j) * 16, 16)] = zeros16
            hist2[pl.ds((r * 8 + j) * 16, 16)] = zeros16
        return carry

    lax.fori_loop(0, HSIZE // 128, zbody, 0)

    sems = [sem0, sem1]

    def start(i, slot):
        return pltpu.async_copy(
            ids_hbm.at[wid, pl.ds(i * cpb, cpb)], buf.at[slot], sems[slot]
        )

    def wait(slot):
        pltpu.make_async_copy(
            ids_hbm.at[wid, pl.ds(0, cpb)], buf.at[slot], sems[slot]
        ).wait()

    ones16 = jnp.ones((16,), jnp.int32)
    mask16 = jnp.full((16,), 0xFFFF, jnp.uint32)
    sh16 = jnp.full((16,), 16, jnp.uint32)

    def process(slot):
        for bb in range(cpb):
            for r in range(HB):
                @plsc.parallel_loop(0, W // 16, unroll=8)
                def _body(k):
                    w = buf[slot, bb, r, pl.ds(k * 16, 16)]
                    lo = plsc.bitcast(w & mask16, jnp.int32)
                    hi = plsc.bitcast(lax.shift_right_logical(w, sh16), jnp.int32)
                    plsc.addupdate_scatter(hist, [lo], ones16)
                    plsc.addupdate_scatter(hist2, [hi], ones16)

    start(0, 0)
    start(1, 1)

    def loop_body(j, carry):
        wait(0)
        process(0)

        @pl.when(2 * j + 2 < ndma)
        def _():
            start(2 * j + 2, 0)

        wait(1)
        process(1)

        @pl.when(2 * j + 3 < ndma)
        def _():
            start(2 * j + 3, 1)

        return carry

    lax.fori_loop(0, ndma // 2, loop_body, 0)
    if ndma % 2:
        wait(0)
        process(0)

    pltpu.sync_copy(hist, out_hbm.at[2 * wid])
    pltpu.sync_copy(hist2, out_hbm.at[2 * wid + 1])

  return _sc_hist


_SC_HALF = _make_sc_hist(2 * C, 1)


def _stage3(ha_ref, hb_ref, out_ref):
    h = (
        jnp.sum(ha_ref[...].astype(jnp.float32), axis=0)
        + jnp.sum(hb_ref[...].astype(jnp.float32), axis=0)
    ).reshape(NCLS2, NB)
    bg = h[0:C]
    fgh = h[C:NCLS2]
    alls = bg + fgh
    row = lax.broadcasted_iota(jnp.int32, (NB, NB), 0)
    col = lax.broadcasted_iota(jnp.int32, (NB, NB), 1)
    tri = (row >= col).astype(jnp.float32)
    n = jnp.dot(alls, tri, preferred_element_type=jnp.float32)
    m = jnp.dot(fgh, tri, preferred_element_type=jnp.float32)
    g = m[:, 0:1]
    f = 1.0 - (g - m) / jnp.maximum(g + n - m, 0.5)
    lossc = (jnp.sum(f, axis=1, keepdims=True) - 0.5 * f[:, 0:1]) / NB
    present = (g > 0).astype(jnp.float32)
    powed = jnp.exp(GAMMA * jnp.log(jnp.maximum(lossc, 1e-30)))
    total = jnp.sum(powed * present)
    cnt = jnp.sum(present)
    out_ref[...] = (total / cnt) * jnp.ones((1, 1), jnp.float32)


def _finish(ha, hb):
    return pl.pallas_call(
        _stage3,
        in_specs=[
            pl.BlockSpec((2 * NW, HSIZE), lambda: (0, 0)),
            pl.BlockSpec((2 * NW, HSIZE), lambda: (0, 0)),
        ],
        out_specs=pl.BlockSpec((1, 1), lambda: (0, 0)),
        out_shape=jax.ShapeDtypeStruct((1, 1), jnp.float32),
    )(ha, hb)


def kernel(cls_score, label):
    ids_a = _make_ids(cls_score, label, 0, 2)
    hists_a = _SC_HALF(ids_a)
    ids_b = _make_ids(cls_score, label, 2, 2)
    hists_b = _SC_HALF(ids_b)
    return _finish(hists_a, hists_b).reshape(())

# --- scband reference (transcript-rebuilt; emitter-appended) ---
"""Pipeline reference for scband-focal-lovasz-loss-35330400977468 (READ-ONLY COPY).

The authoritative reference and input builder live on the scoring server;
editing this copy changes nothing except your own understanding.
"""

import jax, jax.numpy as jnp
import numpy as np

GAMMA = 1.3
LOSS_WEIGHT = 1.0
IGNORE_INDEX = 255


def lovasz_grad(gt_sorted):
    gts = jnp.sum(gt_sorted)
    intersection = gts - jnp.cumsum(gt_sorted)
    union = gts + jnp.cumsum(1.0 - gt_sorted)
    jaccard = 1.0 - intersection / union
    jaccard = jnp.concatenate([jaccard[:1], jaccard[1:] - jaccard[:-1]])
    return jaccard


def setup_inputs(seed: int = 0):
    key = jax.random.key(seed)
    k1, k2 = jax.random.split(key)
    cls_score = jax.random.normal(k1, (4, 19, 512, 512), dtype=jnp.float32)
    label = jax.random.randint(k2, (4, 512, 512), 0, 19, dtype=jnp.int32)
    return {"cls_score": cls_score, "label": label}


def reference(cls_score, label):
    C = cls_score.shape[1]
    probs = jax.nn.softmax(cls_score, axis=1)
    # flatten_probs: [B, C, H, W] -> [P, C], labels -> [P], drop ignore_index
    probs_f = jnp.transpose(probs, (0, 2, 3, 1)).reshape(-1, C)
    labels_v = label.reshape(-1)
    valid = labels_v != IGNORE_INDEX
    losses = []
    counts = []
    for c in range(C):
        fg = (valid & (labels_v == c)).astype(jnp.float32)
        present = jnp.sum(fg) > 0  # classes == 'present'
        class_pred = probs_f[:, c]
        errors = jnp.abs(fg - class_pred)
        order = jnp.argsort(-errors)  # descending, stable (matches torch.sort)
        errors_sorted = errors[order]
        fg_sorted = fg[order]
        loss = jnp.dot(errors_sorted, lovasz_grad(fg_sorted))
        loss = jnp.power(loss, GAMMA)
        losses.append(jnp.where(present, loss, 0.0))
        counts.append(present.astype(jnp.float32))
    total = jnp.sum(jnp.stack(losses))
    count = jnp.sum(jnp.stack(counts))
    return LOSS_WEIGHT * (total / count)

if __name__ == "__main__":
    import jax
    _d = setup_inputs()
    print(jax.jit(kernel)(*tuple(_d.values())))

</pallas_src>

<mosaic_0001>
#map = affine_map<(d0, d1) -> (0, 0, 0, 0)>
#map1 = affine_map<(d0, d1) -> (0, 0)>
module attributes {stable_mosaic.version = 14 : i64} {
  func.func @_sc_hist(%arg0: i32, %arg1: i32, %arg2: memref<32x38x8x512xi32, #tpu.memory_space<hbm>>, %arg3: memref<64x38912xi32, #tpu.memory_space<hbm>>, %arg4: memref<2x1x8x512xi32, #tpu.memory_space<vmem>>, %arg5: memref<38912xi32, #tpu.memory_space<vmem>>, %arg6: memref<38912xi32, #tpu.memory_space<vmem>>, %arg7: memref<!tpu.dma_semaphore, #tpu.memory_space<semaphore_mem>>, %arg8: memref<!tpu.dma_semaphore, #tpu.memory_space<semaphore_mem>>) attributes {dimension_semantics = [#tpu.dimension_semantics<core_parallel>, #tpu.dimension_semantics<subcore_parallel>], iteration_bounds = array<i64: 2, 16>, scalar_prefetch = 0 : i64, scratch_operands = 5 : i64, tpu.core_type = #tpu.core_type<sc_vector_subcore>, window_params = [{transform_indices = #map}, {transform_indices = #map1}]} {
    %mul3A = arith.constant 2 : i32
    %mul3A_0 = arith.muli %arg1, %mul3A : i32
    %add3A = arith.addi %mul3A_0, %arg0 : i32
    %broadcast_in_dim3A = arith.constant 0 : i32
    %broadcast_in_dim3A_1 = vector.broadcast %broadcast_in_dim3A : i32 to vector<16xi32>
    %scan3A = arith.constant 0 : i32
    %scan3A_2 = arith.constant 0 : i32
    %scan3A_3 = arith.constant 304 : i32
    %scan3A_4 = arith.addi %scan3A_2, %scan3A_3 : i32
    %scan3A_5 = arith.constant 1 : i32
    scf.for %scan3A_66 = %scan3A_2 to %scan3A_4 step %scan3A_5  : i32 {
      %mul3A_67 = arith.constant 8 : i32
      %mul3A_68 = arith.muli %scan3A_66, %mul3A_67 : i32
      %add3A_69 = arith.constant 0 : i32
      %add3A_70 = arith.addi %mul3A_68, %add3A_69 : i32
      %mul3A_71 = arith.constant 16 : i32
      %mul3A_72 = arith.muli %add3A_70, %mul3A_71 : i32
      %swap3A = arith.index_cast %mul3A_72 : i32 to index
      %swap3A_73 = tpu.vector_load %arg5[%swap3A] {strides = array<i32>} : memref<38912xi32, #tpu.memory_space<vmem>>, vector<16xi32>,
      tpu.vector_store %arg5[%swap3A], %broadcast_in_dim3A_1 {strides = array<i32>} : memref<38912xi32, #tpu.memory_space<vmem>>, vector<16xi32>,
      %mul3A_74 = arith.constant 8 : i32
      %mul3A_75 = arith.muli %scan3A_66, %mul3A_74 : i32
      %add3A_76 = arith.constant 0 : i32
      %add3A_77 = arith.addi %mul3A_75, %add3A_76 : i32
      %mul3A_78 = arith.constant 16 : i32
      %mul3A_79 = arith.muli %add3A_77, %mul3A_78 : i32
      %swap3A_80 = arith.index_cast %mul3A_79 : i32 to index
      %swap3A_81 = tpu.vector_load %arg6[%swap3A_80] {strides = array<i32>} : memref<38912xi32, #tpu.memory_space<vmem>>, vector<16xi32>,
      tpu.vector_store %arg6[%swap3A_80], %broadcast_in_dim3A_1 {strides = array<i32>} : memref<38912xi32, #tpu.memory_space<vmem>>, vector<16xi32>,
      %mul3A_82 = arith.constant 8 : i32
      %mul3A_83 = arith.muli %scan3A_66, %mul3A_82 : i32
      %add3A_84 = arith.constant 1 : i32
      %add3A_85 = arith.addi %mul3A_83, %add3A_84 : i32
      %mul3A_86 = arith.constant 16 : i32
      %mul3A_87 = arith.muli %add3A_85, %mul3A_86 : i32
      %swap3A_88 = arith.index_cast %mul3A_87 : i32 to index
      %swap3A_89 = tpu.vector_load %arg5[%swap3A_88] {strides = array<i32>} : memref<38912xi32, #tpu.memory_space<vmem>>, vector<16xi32>,
      tpu.vector_store %arg5[%swap3A_88], %broadcast_in_dim3A_1 {strides = array<i32>} : memref<38912xi32, #tpu.memory_space<vmem>>, vector<16xi32>,
      %mul3A_90 = arith.constant 8 : i32
      %mul3A_91 = arith.muli %scan3A_66, %mul3A_90 : i32
      %add3A_92 = arith.constant 1 : i32
      %add3A_93 = arith.addi %mul3A_91, %add3A_92 : i32
      %mul3A_94 = arith.constant 16 : i32
      %mul3A_95 = arith.muli %add3A_93, %mul3A_94 : i32
      %swap3A_96 = arith.index_cast %mul3A_95 : i32 to index
      %swap3A_97 = tpu.vector_load %arg6[%swap3A_96] {strides = array<i32>} : memref<38912xi32, #tpu.memory_space<vmem>>, vector<16xi32>,
      tpu.vector_store %arg6[%swap3A_96], %broadcast_in_dim3A_1 {strides = array<i32>} : memref<38912xi32, #tpu.memory_space<vmem>>, vector<16xi32>,
      %mul3A_98 = arith.constant 8 : i32
      %mul3A_99 = arith.muli %scan3A_66, %mul3A_98 : i32
      %add3A_100 = arith.constant 2 : i32
      %add3A_101 = arith.addi %mul3A_99, %add3A_100 : i32
      %mul3A_102 = arith.constant 16 : i32
      %mul3A_103 = arith.muli %add3A_101, %mul3A_102 : i32
      %swap3A_104 = arith.index_cast %mul3A_103 : i32 to index
      %swap3A_105 = tpu.vector_load %arg5[%swap3A_104] {strides = array<i32>} : memref<38912xi32, #tpu.memory_space<vmem>>, vector<16xi32>,
      tpu.vector_store %arg5[%swap3A_104], %broadcast_in_dim3A_1 {strides = array<i32>} : memref<38912xi32, #tpu.memory_space<vmem>>, vector<16xi32>,
      %mul3A_106 = arith.constant 8 : i32
      %mul3A_107 = arith.muli %scan3A_66, %mul3A_106 : i32
      %add3A_108 = arith.constant 2 : i32
      %add3A_109 = arith.addi %mul3A_107, %add3A_108 : i32
      %mul3A_110 = arith.constant 16 : i32
      %mul3A_111 = arith.muli %add3A_109, %mul3A_110 : i32
      %swap3A_112 = arith.index_cast %mul3A_111 : i32 to index
      %swap3A_113 = tpu.vector_load %arg6[%swap3A_112] {strides = array<i32>} : memref<38912xi32, #tpu.memory_space<vmem>>, vector<16xi32>,
      tpu.vector_store %arg6[%swap3A_112], %broadcast_in_dim3A_1 {strides = array<i32>} : memref<38912xi32, #tpu.memory_space<vmem>>, vector<16xi32>,
      %mul3A_114 = arith.constant 8 : i32
      %mul3A_115 = arith.muli %scan3A_66, %mul3A_114 : i32
      %add3A_116 = arith.constant 3 : i32
      %add3A_117 = arith.addi %mul3A_115, %add3A_116 : i32
      %mul3A_118 = arith.constant 16 : i32
      %mul3A_119 = arith.muli %add3A_117, %mul3A_118 : i32
      %swap3A_120 = arith.index_cast %mul3A_119 : i32 to index
      %swap3A_121 = tpu.vector_load %arg5[%swap3A_120] {strides = array<i32>} : memref<38912xi32, #tpu.memory_space<vmem>>, vector<16xi32>,
      tpu.vector_store %arg5[%swap3A_120], %broadcast_in_dim3A_1 {strides = array<i32>} : memref<38912xi32, #tpu.memory_space<vmem>>, vector<16xi32>,
      %mul3A_122 = arith.constant 8 : i32
      %mul3A_123 = arith.muli %scan3A_66, %mul3A_122 : i32
      %add3A_124 = arith.constant 3 : i32
      %add3A_125 = arith.addi %mul3A_123, %add3A_124 : i32
      %mul3A_126 = arith.constant 16 : i32
      %mul3A_127 = arith.muli %add3A_125, %mul3A_126 : i32
      %swap3A_128 = arith.index_cast %mul3A_127 : i32 to index
      %swap3A_129 = tpu.vector_load %arg6[%swap3A_128] {strides = array<i32>} : memref<38912xi32, #tpu.memory_space<vmem>>, vector<16xi32>,
      tpu.vector_store %arg6[%swap3A_128], %broadcast_in_dim3A_1 {strides = array<i32>} : memref<38912xi32, #tpu.memory_space<vmem>>, vector<16xi32>,
      %mul3A_130 = arith.constant 8 : i32
      %mul3A_131 = arith.muli %scan3A_66, %mul3A_130 : i32
      %add3A_132 = arith.constant 4 : i32
      %add3A_133 = arith.addi %mul3A_131, %add3A_132 : i32
      %mul3A_134 = arith.constant 16 : i32
      %mul3A_135 = arith.muli %add3A_133, %mul3A_134 : i32
      %swap3A_136 = arith.index_cast %mul3A_135 : i32 to index
      %swap3A_137 = tpu.vector_load %arg5[%swap3A_136] {strides = array<i32>} : memref<38912xi32, #tpu.memory_space<vmem>>, vector<16xi32>,
      tpu.vector_store %arg5[%swap3A_136], %broadcast_in_dim3A_1 {strides = array<i32>} : memref<38912xi32, #tpu.memory_space<vmem>>, vector<16xi32>,
      %mul3A_138 = arith.constant 8 : i32
      %mul3A_139 = arith.muli %scan3A_66, %mul3A_138 : i32
      %add3A_140 = arith.constant 4 : i32
      %add3A_141 = arith.addi %mul3A_139, %add3A_140 : i32
      %mul3A_142 = arith.constant 16 : i32
      %mul3A_143 = arith.muli %add3A_141, %mul3A_142 : i32
      %swap3A_144 = arith.index_cast %mul3A_143 : i32 to index
      %swap3A_145 = tpu.vector_load %arg6[%swap3A_144] {strides = array<i32>} : memref<38912xi32, #tpu.memory_space<vmem>>, vector<16xi32>,
      tpu.vector_store %arg6[%swap3A_144], %broadcast_in_dim3A_1 {strides = array<i32>} : memref<38912xi32, #tpu.memory_space<vmem>>, vector<16xi32>,
      %mul3A_146 = arith.constant 8 : i32
      %mul3A_147 = arith.muli %scan3A_66, %mul3A_146 : i32
      %add3A_148 = arith.constant 5 : i32
      %add3A_149 = arith.addi %mul3A_147, %add3A_148 : i32
      %mul3A_150 = arith.constant 16 : i32
      %mul3A_151 = arith.muli %add3A_149, %mul3A_150 : i32
      %swap3A_152 = arith.index_cast %mul3A_151 : i32 to index
      %swap3A_153 = tpu.vector_load %arg5[%swap3A_152] {strides = array<i32>} : memref<38912xi32, #tpu.memory_space<vmem>>, vector<16xi32>,
      tpu.vector_store %arg5[%swap3A_152], %broadcast_in_dim3A_1 {strides = array<i32>} : memref<38912xi32, #tpu.memory_space<vmem>>, vector<16xi32>,
      %mul3A_154 = arith.constant 8 : i32
      %mul3A_155 = arith.muli %scan3A_66, %mul3A_154 : i32
      %add3A_156 = arith.constant 5 : i32
      %add3A_157 = arith.addi %mul3A_155, %add3A_156 : i32
      %mul3A_158 = arith.constant 16 : i32
      %mul3A_159 = arith.muli %add3A_157, %mul3A_158 : i32
      %swap3A_160 = arith.index_cast %mul3A_159 : i32 to index
      %swap3A_161 = tpu.vector_load %arg6[%swap3A_160] {strides = array<i32>} : memref<38912xi32, #tpu.memory_space<vmem>>, vector<16xi32>,
      tpu.vector_store %arg6[%swap3A_160], %broadcast_in_dim3A_1 {strides = array<i32>} : memref<38912xi32, #tpu.memory_space<vmem>>, vector<16xi32>,
      %mul3A_162 = arith.constant 8 : i32
      %mul3A_163 = arith.muli %scan3A_66, %mul3A_162 : i32
      %add3A_164 = arith.constant 6 : i32
      %add3A_165 = arith.addi %mul3A_163, %add3A_164 : i32
      %mul3A_166 = arith.constant 16 : i32
      %mul3A_167 = arith.muli %add3A_165, %mul3A_166 : i32
      %swap3A_168 = arith.index_cast %mul3A_167 : i32 to index
      %swap3A_169 = tpu.vector_load %arg5[%swap3A_168] {strides = array<i32>} : memref<38912xi32, #tpu.memory_space<vmem>>, vector<16xi32>,
      tpu.vector_store %arg5[%swap3A_168], %broadcast_in_dim3A_1 {strides = array<i32>} : memref<38912xi32, #tpu.memory_space<vmem>>, vector<16xi32>,
      %mul3A_170 = arith.constant 8 : i32
      %mul3A_171 = arith.muli %scan3A_66, %mul3A_170 : i32
      %add3A_172 = arith.constant 6 : i32
      %add3A_173 = arith.addi %mul3A_171, %add3A_172 : i32
      %mul3A_174 = arith.constant 16 : i32
      %mul3A_175 = arith.muli %add3A_173, %mul3A_174 : i32
      %swap3A_176 = arith.index_cast %mul3A_175 : i32 to index
      %swap3A_177 = tpu.vector_load %arg6[%swap3A_176] {strides = array<i32>} : memref<38912xi32, #tpu.memory_space<vmem>>, vector<16xi32>,
      tpu.vector_store %arg6[%swap3A_176], %broadcast_in_dim3A_1 {strides = array<i32>} : memref<38912xi32, #tpu.memory_space<vmem>>, vector<16xi32>,
      %mul3A_178 = arith.constant 8 : i32
      %mul3A_179 = arith.muli %scan3A_66, %mul3A_178 : i32
      %add3A_180 = arith.constant 7 : i32
      %add3A_181 = arith.addi %mul3A_179, %add3A_180 : i32
      %mul3A_182 = arith.constant 16 : i32
      %mul3A_183 = arith.muli %add3A_181, %mul3A_182 : i32
      %swap3A_184 = arith.index_cast %mul3A_183 : i32 to index
      %swap3A_185 = tpu.vector_load %arg5[%swap3A_184] {strides = array<i32>} : memref<38912xi32, #tpu.memory_space<vmem>>, vector<16xi32>,
      tpu.vector_store %arg5[%swap3A_184], %broadcast_in_dim3A_1 {strides = array<i32>} : memref<38912xi32, #tpu.memory_space<vmem>>, vector<16xi32>,
      %mul3A_186 = arith.constant 8 : i32
      %mul3A_187 = arith.muli %scan3A_66, %mul3A_186 : i32
      %add3A_188 = arith.constant 7 : i32
      %add3A_189 = arith.addi %mul3A_187, %add3A_188 : i32
      %mul3A_190 = arith.constant 16 : i32
      %mul3A_191 = arith.muli %add3A_189, %mul3A_190 : i32
      %swap3A_192 = arith.index_cast %mul3A_191 : i32 to index
      %swap3A_193 = tpu.vector_load %arg6[%swap3A_192] {strides = array<i32>} : memref<38912xi32, #tpu.memory_space<vmem>>, vector<16xi32>,
      tpu.vector_store %arg6[%swap3A_192], %broadcast_in_dim3A_1 {strides = array<i32>} : memref<38912xi32, #tpu.memory_space<vmem>>, vector<16xi32>,
    }
    %scan3A_6 = arith.constant 304 : i32
    %broadcast_in_dim3A_7 = arith.constant 1 : i32
    %broadcast_in_dim3A_8 = vector.broadcast %broadcast_in_dim3A_7 : i32 to vector<16xi32>
    %broadcast_in_dim3A_9 = arith.constant 65535 : i32
    %broadcast_in_dim3A_10 = vector.broadcast %broadcast_in_dim3A_9 : i32 to vector<16xi32>
    %broadcast_in_dim3A_11 = arith.constant 16 : i32
    %broadcast_in_dim3A_12 = vector.broadcast %broadcast_in_dim3A_11 : i32 to vector<16xi32>
    %dma_start3A = arith.constant 0 : i32
    %dma_start3A_13 = arith.constant 0 : i32
    %dma_start3A_14 = arith.constant 0 : i32
    %dma_start3A_15 = arith.constant 0 : i32
    %dma_start3A_16 = tpu.memref_slice %arg4[%dma_start3A, %dma_start3A_13, %dma_start3A_14, %dma_start3A_15] : memref<2x1x8x512xi32, #tpu.memory_space<vmem>> -> memref<1x1x8x512xi32, #tpu.memory_space<vmem>>
    %dma_start3A_17 = tpu.memref_squeeze %dma_start3A_16 : memref<1x1x8x512xi32, #tpu.memory_space<vmem>> -> memref<1x8x512xi32, #tpu.memory_space<vmem>>
    %dma_start3A_18 = arith.constant 0 : i32
    %dma_start3A_19 = arith.constant 0 : i32
    %dma_start3A_20 = arith.constant 0 : i32
    %dma_start3A_21 = tpu.memref_slice %arg2[%add3A, %dma_start3A_18, %dma_start3A_19, %dma_start3A_20] : memref<32x38x8x512xi32, #tpu.memory_space<hbm>> -> memref<1x1x8x512xi32, #tpu.memory_space<hbm>>
    %dma_start3A_22 = tpu.memref_squeeze %dma_start3A_21 : memref<1x1x8x512xi32, #tpu.memory_space<hbm>> -> memref<1x8x512xi32, #tpu.memory_space<hbm>>
    %dma_start3A_23 = arith.constant 0 : i32
    %dma_start3A_24 = arith.constant 0 : i32
    %dma_start3A_25 = arith.constant 0 : i32
    %dma_start3A_26 = tpu.memref_slice %arg4[%dma_start3A, %dma_start3A_23, %dma_start3A_24, %dma_start3A_25] : memref<2x1x8x512xi32, #tpu.memory_space<vmem>> -> memref<1x1x8x512xi32, #tpu.memory_space<vmem>>
    %dma_start3A_27 = tpu.memref_squeeze %dma_start3A_26 : memref<1x1x8x512xi32, #tpu.memory_space<vmem>> -> memref<1x8x512xi32, #tpu.memory_space<vmem>>
    %dma_start3A_28 = arith.constant 0 : i32
    %dma_start3A_29 = arith.constant 0 : i32
    %dma_start3A_30 = arith.constant 0 : i32
    %dma_start3A_31 = tpu.memref_slice %arg2[%add3A, %dma_start3A_28, %dma_start3A_29, %dma_start3A_30] : memref<32x38x8x512xi32, #tpu.memory_space<hbm>> -> memref<1x1x8x512xi32, #tpu.memory_space<hbm>>
    %dma_start3A_32 = tpu.memref_squeeze %dma_start3A_31 : memref<1x1x8x512xi32, #tpu.memory_space<hbm>> -> memref<1x8x512xi32, #tpu.memory_space<hbm>>
    tpu.enqueue_dma source(%dma_start3A_32 : memref<1x8x512xi32, #tpu.memory_space<hbm>>) target(%dma_start3A_27 : memref<1x8x512xi32, #tpu.memory_space<vmem>>) target_semaphore(%arg7 : memref<!tpu.dma_semaphore, #tpu.memory_space<semaphore_mem>>)
    %dma_start3A_33 = arith.constant 1 : i32
    %dma_start3A_34 = arith.constant 0 : i32
    %dma_start3A_35 = arith.constant 0 : i32
    %dma_start3A_36 = arith.constant 0 : i32
    %dma_start3A_37 = tpu.memref_slice %arg4[%dma_start3A_33, %dma_start3A_34, %dma_start3A_35, %dma_start3A_36] : memref<2x1x8x512xi32, #tpu.memory_space<vmem>> -> memref<1x1x8x512xi32, #tpu.memory_space<vmem>>
    %dma_start3A_38 = tpu.memref_squeeze %dma_start3A_37 : memref<1x1x8x512xi32, #tpu.memory_space<vmem>> -> memref<1x8x512xi32, #tpu.memory_space<vmem>>
    %dma_start3A_39 = arith.constant 1 : i32
    %dma_start3A_40 = arith.constant 0 : i32
    %dma_start3A_41 = arith.constant 0 : i32
    %dma_start3A_42 = tpu.memref_slice %arg2[%add3A, %dma_start3A_39, %dma_start3A_40, %dma_start3A_41] : memref<32x38x8x512xi32, #tpu.memory_space<hbm>> -> memref<1x1x8x512xi32, #tpu.memory_space<hbm>>
    %dma_start3A_43 = tpu.memref_squeeze %dma_start3A_42 : memref<1x1x8x512xi32, #tpu.memory_space<hbm>> -> memref<1x8x512xi32, #tpu.memory_space<hbm>>
    %dma_start3A_44 = arith.constant 0 : i32
    %dma_start3A_45 = arith.constant 0 : i32
    %dma_start3A_46 = arith.constant 0 : i32
    %dma_start3A_47 = tpu.memref_slice %arg4[%dma_start3A_33, %dma_start3A_44, %dma_start3A_45, %dma_start3A_46] : memref<2x1x8x512xi32, #tpu.memory_space<vmem>> -> memref<1x1x8x512xi32, #tpu.memory_space<vmem>>
    %dma_start3A_48 = tpu.memref_squeeze %dma_start3A_47 : memref<1x1x8x512xi32, #tpu.memory_space<vmem>> -> memref<1x8x512xi32, #tpu.memory_space<vmem>>
    %dma_start3A_49 = arith.constant 1 : i32
    %dma_start3A_50 = arith.constant 0 : i32
    %dma_start3A_51 = arith.constant 0 : i32
    %dma_start3A_52 = tpu.memref_slice %arg2[%add3A, %dma_start3A_49, %dma_start3A_50, %dma_start3A_51] : memref<32x38x8x512xi32, #tpu.memory_space<hbm>> -> memref<1x1x8x512xi32, #tpu.memory_space<hbm>>
    %dma_start3A_53 = tpu.memref_squeeze %dma_start3A_52 : memref<1x1x8x512xi32, #tpu.memory_space<hbm>> -> memref<1x8x512xi32, #tpu.memory_space<hbm>>
    tpu.enqueue_dma source(%dma_start3A_53 : memref<1x8x512xi32, #tpu.memory_space<hbm>>) target(%dma_start3A_48 : memref<1x8x512xi32, #tpu.memory_space<vmem>>) target_semaphore(%arg8 : memref<!tpu.dma_semaphore, #tpu.memory_space<semaphore_mem>>)
    %scan3A_54 = arith.constant 0 : i32
    %scan3A_55 = arith.constant 0 : i32
    %scan3A_56 = arith.constant 19 : i32
    %scan3A_57 = arith.addi %scan3A_55, %scan3A_56 : i32
    %scan3A_58 = arith.constant 1 : i32
    scf.for %scan3A_66 = %scan3A_55 to %scan3A_57 step %scan3A_58  : i32 {
      %dma_wait3A = arith.constant 0 : i32
      %dma_wait3A_67 = arith.constant 0 : i32
      %dma_wait3A_68 = arith.constant 0 : i32
      %dma_wait3A_69 = arith.constant 0 : i32
      %dma_wait3A_70 = tpu.memref_slice %arg4[%dma_wait3A, %dma_wait3A_67, %dma_wait3A_68, %dma_wait3A_69] : memref<2x1x8x512xi32, #tpu.memory_space<vmem>> -> memref<1x1x8x512xi32, #tpu.memory_space<vmem>>
      %dma_wait3A_71 = tpu.memref_squeeze %dma_wait3A_70 : memref<1x1x8x512xi32, #tpu.memory_space<vmem>> -> memref<1x8x512xi32, #tpu.memory_space<vmem>>
      %dma_wait3A_72 = arith.constant 0 : i32
      %dma_wait3A_73 = arith.constant 0 : i32
      %dma_wait3A_74 = arith.constant 0 : i32
      %dma_wait3A_75 = tpu.memref_slice %arg2[%add3A, %dma_wait3A_72, %dma_wait3A_73, %dma_wait3A_74] : memref<32x38x8x512xi32, #tpu.memory_space<hbm>> -> memref<1x1x8x512xi32, #tpu.memory_space<hbm>>
      %dma_wait3A_76 = tpu.memref_squeeze %dma_wait3A_75 : memref<1x1x8x512xi32, #tpu.memory_space<hbm>> -> memref<1x8x512xi32, #tpu.memory_space<hbm>>
      %dma_wait3A_77 = arith.constant 0 : i32
      %dma_wait3A_78 = arith.constant 0 : i32
      %dma_wait3A_79 = arith.constant 0 : i32
      %dma_wait3A_80 = tpu.memref_slice %arg4[%dma_wait3A, %dma_wait3A_77, %dma_wait3A_78, %dma_wait3A_79] : memref<2x1x8x512xi32, #tpu.memory_space<vmem>> -> memref<1x1x8x512xi32, #tpu.memory_space<vmem>>
      %dma_wait3A_81 = tpu.memref_squeeze %dma_wait3A_80 : memref<1x1x8x512xi32, #tpu.memory_space<vmem>> -> memref<1x8x512xi32, #tpu.memory_space<vmem>>
      %dma_wait3A_82 = arith.constant 0 : i32
      %dma_wait3A_83 = arith.constant 0 : i32
      %dma_wait3A_84 = arith.constant 0 : i32
      %dma_wait3A_85 = tpu.memref_slice %arg2[%add3A, %dma_wait3A_82, %dma_wait3A_83, %dma_wait3A_84] : memref<32x38x8x512xi32, #tpu.memory_space<hbm>> -> memref<1x1x8x512xi32, #tpu.memory_space<hbm>>
      %dma_wait3A_86 = tpu.memref_squeeze %dma_wait3A_85 : memref<1x1x8x512xi32, #tpu.memory_space<hbm>> -> memref<1x8x512xi32, #tpu.memory_space<hbm>>
      tpu.wait_dma2 semaphore(%arg7 : memref<!tpu.dma_semaphore, #tpu.memory_space<semaphore_mem>>) src(%dma_wait3A_86 : memref<1x8x512xi32, #tpu.memory_space<hbm>>) dst(%dma_wait3A_81 : memref<1x8x512xi32, #tpu.memory_space<vmem>>)
      %parallel_loop3A = arith.constant 0 : i32
      %parallel_loop3A_87 = arith.constant 32 : i32
      %parallel_loop3A_88 = arith.constant 1 : i32
      scf.for %parallel_loop3A_170 = %parallel_loop3A to %parallel_loop3A_87 step %parallel_loop3A_88  : i32 {
        %parallel_loop3A_171 = arith.constant 16 : i32
        %parallel_loop3A_172 = arith.muli %parallel_loop3A_170, %parallel_loop3A_171 : i32
        %parallel_loop3A_173 = arith.constant 0 : i32
        %parallel_loop3A_174 = arith.constant 0 : i32
        %parallel_loop3A_175 = arith.constant 0 : i32
        %parallel_loop3A_176 = arith.index_cast %parallel_loop3A_173 : i32 to index
        %parallel_loop3A_177 = arith.index_cast %parallel_loop3A_174 : i32 to index
        %parallel_loop3A_178 = arith.index_cast %parallel_loop3A_175 : i32 to index
        %parallel_loop3A_179 = arith.index_cast %parallel_loop3A_172 : i32 to index
        %parallel_loop3A_180 = tpu.vector_load %arg4[%parallel_loop3A_176, %parallel_loop3A_177, %parallel_loop3A_178, %parallel_loop3A_179] {strides = array<i32>} : memref<2x1x8x512xi32, #tpu.memory_space<vmem>>, vector<16xi32>,
        %parallel_loop3A_181 = arith.andi %parallel_loop3A_180, %broadcast_in_dim3A_10 : vector<16xi32>
        %parallel_loop3A_182 = vector.bitcast %parallel_loop3A_181 : vector<16xi32> to vector<16xi32>
        %parallel_loop3A_183 = arith.shrui %parallel_loop3A_180, %broadcast_in_dim3A_12 : vector<16xi32>
        %parallel_loop3A_184 = vector.bitcast %parallel_loop3A_183 : vector<16xi32> to vector<16xi32>
        tpu.vector_store_idx %arg5[%parallel_loop3A_182], %broadcast_in_dim3A_8 {add = true} : memref<38912xi32, #tpu.memory_space<vmem>>[vector<16xi32>], vector<16xi32>,
        tpu.vector_store_idx %arg6[%parallel_loop3A_184], %broadcast_in_dim3A_8 {add = true} : memref<38912xi32, #tpu.memory_space<vmem>>[vector<16xi32>], vector<16xi32>,
      } {sc.loop_unroll_factor = 8 : i64, sc.parallel_access}
      %parallel_loop3A_89 = arith.constant 0 : i32
      %parallel_loop3A_90 = arith.constant 32 : i32
      %parallel_loop3A_91 = arith.constant 1 : i32
      scf.for %parallel_loop3A_170 = %parallel_loop3A_89 to %parallel_loop3A_90 step %parallel_loop3A_91  : i32 {
        %parallel_loop3A_171 = arith.constant 16 : i32
        %parallel_loop3A_172 = arith.muli %parallel_loop3A_170, %parallel_loop3A_171 : i32
        %parallel_loop3A_173 = arith.constant 0 : i32
        %parallel_loop3A_174 = arith.constant 0 : i32
        %parallel_loop3A_175 = arith.constant 1 : i32
        %parallel_loop3A_176 = arith.index_cast %parallel_loop3A_173 : i32 to index
        %parallel_loop3A_177 = arith.index_cast %parallel_loop3A_174 : i32 to index
        %parallel_loop3A_178 = arith.index_cast %parallel_loop3A_175 : i32 to index
        %parallel_loop3A_179 = arith.index_cast %parallel_loop3A_172 : i32 to index
        %parallel_loop3A_180 = tpu.vector_load %arg4[%parallel_loop3A_176, %parallel_loop3A_177, %parallel_loop3A_178, %parallel_loop3A_179] {strides = array<i32>} : memref<2x1x8x512xi32, #tpu.memory_space<vmem>>, vector<16xi32>,
        %parallel_loop3A_181 = arith.andi %parallel_loop3A_180, %broadcast_in_dim3A_10 : vector<16xi32>
        %parallel_loop3A_182 = vector.bitcast %parallel_loop3A_181 : vector<16xi32> to vector<16xi32>
        %parallel_loop3A_183 = arith.shrui %parallel_loop3A_180, %broadcast_in_dim3A_12 : vector<16xi32>
        %parallel_loop3A_184 = vector.bitcast %parallel_loop3A_183 : vector<16xi32> to vector<16xi32>
        tpu.vector_store_idx %arg5[%parallel_loop3A_182], %broadcast_in_dim3A_8 {add = true} : memref<38912xi32, #tpu.memory_space<vmem>>[vector<16xi32>], vector<16xi32>,
        tpu.vector_store_idx %arg6[%parallel_loop3A_184], %broadcast_in_dim3A_8 {add = true} : memref<38912xi32, #tpu.memory_space<vmem>>[vector<16xi32>], vector<16xi32>,
      } {sc.loop_unroll_factor = 8 : i64, sc.parallel_access}
      %parallel_loop3A_92 = arith.constant 0 : i32
      %parallel_loop3A_93 = arith.constant 32 : i32
      %parallel_loop3A_94 = arith.constant 1 : i32
      scf.for %parallel_loop3A_170 = %parallel_loop3A_92 to %parallel_loop3A_93 step %parallel_loop3A_94  : i32 {
        %parallel_loop3A_171 = arith.constant 16 : i32
        %parallel_loop3A_172 = arith.muli %parallel_loop3A_170, %parallel_loop3A_171 : i32
        %parallel_loop3A_173 = arith.constant 0 : i32
        %parallel_loop3A_174 = arith.constant 0 : i32
        %parallel_loop3A_175 = arith.constant 2 : i32
        %parallel_loop3A_176 = arith.index_cast %parallel_loop3A_173 : i32 to index
        %parallel_loop3A_177 = arith.index_cast %parallel_loop3A_174 : i32 to index
        %parallel_loop3A_178 = arith.index_cast %parallel_loop3A_175 : i32 to index
        %parallel_loop3A_179 = arith.index_cast %parallel_loop3A_172 : i32 to index
        %parallel_loop3A_180 = tpu.vector_load %arg4[%parallel_loop3A_176, %parallel_loop3A_177, %parallel_loop3A_178, %parallel_loop3A_179] {strides = array<i32>} : memref<2x1x8x512xi32, #tpu.memory_space<vmem>>, vector<16xi32>,
        %parallel_loop3A_181 = arith.andi %parallel_loop3A_180, %broadcast_in_dim3A_10 : vector<16xi32>
        %parallel_loop3A_182 = vector.bitcast %parallel_loop3A_181 : vector<16xi32> to vector<16xi32>
        %parallel_loop3A_183 = arith.shrui %parallel_loop3A_180, %broadcast_in_dim3A_12 : vector<16xi32>
        %parallel_loop3A_184 = vector.bitcast %parallel_loop3A_183 : vector<16xi32> to vector<16xi32>
        tpu.vector_store_idx %arg5[%parallel_loop3A_182], %broadcast_in_dim3A_8 {add = true} : memref<38912xi32, #tpu.memory_space<vmem>>[vector<16xi32>], vector<16xi32>,
        tpu.vector_store_idx %arg6[%parallel_loop3A_184], %broadcast_in_dim3A_8 {add = true} : memref<38912xi32, #tpu.memory_space<vmem>>[vector<16xi32>], vector<16xi32>,
      } {sc.loop_unroll_factor = 8 : i64, sc.parallel_access}
      %parallel_loop3A_95 = arith.constant 0 : i32
      %parallel_loop3A_96 = arith.constant 32 : i32
      %parallel_loop3A_97 = arith.constant 1 : i32
      scf.for %parallel_loop3A_170 = %parallel_loop3A_95 to %parallel_loop3A_96 step %parallel_loop3A_97  : i32 {
        %parallel_loop3A_171 = arith.constant 16 : i32
        %parallel_loop3A_172 = arith.muli %parallel_loop3A_170, %parallel_loop3A_171 : i32
        %parallel_loop3A_173 = arith.constant 0 : i32
        %parallel_loop3A_174 = arith.constant 0 : i32
        %parallel_loop3A_175 = arith.constant 3 : i32
        %parallel_loop3A_176 = arith.index_cast %parallel_loop3A_173 : i32 to index
        %parallel_loop3A_177 = arith.index_cast %parallel_loop3A_174 : i32 to index
        %parallel_loop3A_178 = arith.index_cast %parallel_loop3A_175 : i32 to index
        %parallel_loop3A_179 = arith.index_cast %parallel_loop3A_172 : i32 to index
        %parallel_loop3A_180 = tpu.vector_load %arg4[%parallel_loop3A_176, %parallel_loop3A_177, %parallel_loop3A_178, %parallel_loop3A_179] {strides = array<i32>} : memref<2x1x8x512xi32, #tpu.memory_space<vmem>>, vector<16xi32>,
        %parallel_loop3A_181 = arith.andi %parallel_loop3A_180, %broadcast_in_dim3A_10 : vector<16xi32>
        %parallel_loop3A_182 = vector.bitcast %parallel_loop3A_181 : vector<16xi32> to vector<16xi32>
        %parallel_loop3A_183 = arith.shrui %parallel_loop3A_180, %broadcast_in_dim3A_12 : vector<16xi32>
        %parallel_loop3A_184 = vector.bitcast %parallel_loop3A_183 : vector<16xi32> to vector<16xi32>
        tpu.vector_store_idx %arg5[%parallel_loop3A_182], %broadcast_in_dim3A_8 {add = true} : memref<38912xi32, #tpu.memory_space<vmem>>[vector<16xi32>], vector<16xi32>,
        tpu.vector_store_idx %arg6[%parallel_loop3A_184], %broadcast_in_dim3A_8 {add = true} : memref<38912xi32, #tpu.memory_space<vmem>>[vector<16xi32>], vector<16xi32>,
      } {sc.loop_unroll_factor = 8 : i64, sc.parallel_access}
      %parallel_loop3A_98 = arith.constant 0 : i32
      %parallel_loop3A_99 = arith.constant 32 : i32
      %parallel_loop3A_100 = arith.constant 1 : i32
      scf.for %parallel_loop3A_170 = %parallel_loop3A_98 to %parallel_loop3A_99 step %parallel_loop3A_100  : i32 {
        %parallel_loop3A_171 = arith.constant 16 : i32
        %parallel_loop3A_172 = arith.muli %parallel_loop3A_170, %parallel_loop3A_171 : i32
        %parallel_loop3A_173 = arith.constant 0 : i32
        %parallel_loop3A_174 = arith.constant 0 : i32
        %parallel_loop3A_175 = arith.constant 4 : i32
        %parallel_loop3A_176 = arith.index_cast %parallel_loop3A_173 : i32 to index
        %parallel_loop3A_177 = arith.index_cast %parallel_loop3A_174 : i32 to index
        %parallel_loop3A_178 = arith.index_cast %parallel_loop3A_175 : i32 to index
        %parallel_loop3A_179 = arith.index_cast %parallel_loop3A_172 : i32 to index
        %parallel_loop3A_180 = tpu.vector_load %arg4[%parallel_loop3A_176, %parallel_loop3A_177, %parallel_loop3A_178, %parallel_loop3A_179] {strides = array<i32>} : memref<2x1x8x512xi32, #tpu.memory_space<vmem>>, vector<16xi32>,
        %parallel_loop3A_181 = arith.andi %parallel_loop3A_180, %broadcast_in_dim3A_10 : vector<16xi32>
        %parallel_loop3A_182 = vector.bitcast %parallel_loop3A_181 : vector<16xi32> to vector<16xi32>
        %parallel_loop3A_183 = arith.shrui %parallel_loop3A_180, %broadcast_in_dim3A_12 : vector<16xi32>
        %parallel_loop3A_184 = vector.bitcast %parallel_loop3A_183 : vector<16xi32> to vector<16xi32>
        tpu.vector_store_idx %arg5[%parallel_loop3A_182], %broadcast_in_dim3A_8 {add = true} : memref<38912xi32, #tpu.memory_space<vmem>>[vector<16xi32>], vector<16xi32>,
        tpu.vector_store_idx %arg6[%parallel_loop3A_184], %broadcast_in_dim3A_8 {add = true} : memref<38912xi32, #tpu.memory_space<vmem>>[vector<16xi32>], vector<16xi32>,
      } {sc.loop_unroll_factor = 8 : i64, sc.parallel_access}
      %parallel_loop3A_101 = arith.constant 0 : i32
      %parallel_loop3A_102 = arith.constant 32 : i32
      %parallel_loop3A_103 = arith.constant 1 : i32
      scf.for %parallel_loop3A_170 = %parallel_loop3A_101 to %parallel_loop3A_102 step %parallel_loop3A_103  : i32 {
        %parallel_loop3A_171 = arith.constant 16 : i32
        %parallel_loop3A_172 = arith.muli %parallel_loop3A_170, %parallel_loop3A_171 : i32
        %parallel_loop3A_173 = arith.constant 0 : i32
        %parallel_loop3A_174 = arith.constant 0 : i32
        %parallel_loop3A_175 = arith.constant 5 : i32
        %parallel_loop3A_176 = arith.index_cast %parallel_loop3A_173 : i32 to index
        %parallel_loop3A_177 = arith.index_cast %parallel_loop3A_174 : i32 to index
        %parallel_loop3A_178 = arith.index_cast %parallel_loop3A_175 : i32 to index
        %parallel_loop3A_179 = arith.index_cast %parallel_loop3A_172 : i32 to index
        %parallel_loop3A_180 = tpu.vector_load %arg4[%parallel_loop3A_176, %parallel_loop3A_177, %parallel_loop3A_178, %parallel_loop3A_179] {strides = array<i32>} : memref<2x1x8x512xi32, #tpu.memory_space<vmem>>, vector<16xi32>,
        %parallel_loop3A_181 = arith.andi %parallel_loop3A_180, %broadcast_in_dim3A_10 : vector<16xi32>
        %parallel_loop3A_182 = vector.bitcast %parallel_loop3A_181 : vector<16xi32> to vector<16xi32>
        %parallel_loop3A_183 = arith.shrui %parallel_loop3A_180, %broadcast_in_dim3A_12 : vector<16xi32>
        %parallel_loop3A_184 = vector.bitcast %parallel_loop3A_183 : vector<16xi32> to vector<16xi32>
        tpu.vector_store_idx %arg5[%parallel_loop3A_182], %broadcast_in_dim3A_8 {add = true} : memref<38912xi32, #tpu.memory_space<vmem>>[vector<16xi32>], vector<16xi32>,
        tpu.vector_store_idx %arg6[%parallel_loop3A_184], %broadcast_in_dim3A_8 {add = true} : memref<38912xi32, #tpu.memory_space<vmem>>[vector<16xi32>], vector<16xi32>,
      } {sc.loop_unroll_factor = 8 : i64, sc.parallel_access}
      %parallel_loop3A_104 = arith.constant 0 : i32
      %parallel_loop3A_105 = arith.constant 32 : i32
      %parallel_loop3A_106 = arith.constant 1 : i32
      scf.for %parallel_loop3A_170 = %parallel_loop3A_104 to %parallel_loop3A_105 step %parallel_loop3A_106  : i32 {
        %parallel_loop3A_171 = arith.constant 16 : i32
        %parallel_loop3A_172 = arith.muli %parallel_loop3A_170, %parallel_loop3A_171 : i32
        %parallel_loop3A_173 = arith.constant 0 : i32
        %parallel_loop3A_174 = arith.constant 0 : i32
        %parallel_loop3A_175 = arith.constant 6 : i32
        %parallel_loop3A_176 = arith.index_cast %parallel_loop3A_173 : i32 to index
        %parallel_loop3A_177 = arith.index_cast %parallel_loop3A_174 : i32 to index
        %parallel_loop3A_178 = arith.index_cast %parallel_loop3A_175 : i32 to index
        %parallel_loop3A_179 = arith.index_cast %parallel_loop3A_172 : i32 to index
        %parallel_loop3A_180 = tpu.vector_load %arg4[%parallel_loop3A_176, %parallel_loop3A_177, %parallel_loop3A_178, %parallel_loop3A_179] {strides = array<i32>} : memref<2x1x8x512xi32, #tpu.memory_space<vmem>>, vector<16xi32>,
        %parallel_loop3A_181 = arith.andi %parallel_loop3A_180, %broadcast_in_dim3A_10 : vector<16xi32>
        %parallel_loop3A_182 = vector.bitcast %parallel_loop3A_181 : vector<16xi32> to vector<16xi32>
        %parallel_loop3A_183 = arith.shrui %parallel_loop3A_180, %broadcast_in_dim3A_12 : vector<16xi32>
        %parallel_loop3A_184 = vector.bitcast %parallel_loop3A_183 : vector<16xi32> to vector<16xi32>
        tpu.vector_store_idx %arg5[%parallel_loop3A_182], %broadcast_in_dim3A_8 {add = true} : memref<38912xi32, #tpu.memory_space<vmem>>[vector<16xi32>], vector<16xi32>,
        tpu.vector_store_idx %arg6[%parallel_loop3A_184], %broadcast_in_dim3A_8 {add = true} : memref<38912xi32, #tpu.memory_space<vmem>>[vector<16xi32>], vector<16xi32>,
      } {sc.loop_unroll_factor = 8 : i64, sc.parallel_access}
      %parallel_loop3A_107 = arith.constant 0 : i32
      %parallel_loop3A_108 = arith.constant 32 : i32
      %parallel_loop3A_109 = arith.constant 1 : i32
      scf.for %parallel_loop3A_170 = %parallel_loop3A_107 to %parallel_loop3A_108 step %parallel_loop3A_109  : i32 {
        %parallel_loop3A_171 = arith.constant 16 : i32
        %parallel_loop3A_172 = arith.muli %parallel_loop3A_170, %parallel_loop3A_171 : i32
        %parallel_loop3A_173 = arith.constant 0 : i32
        %parallel_loop3A_174 = arith.constant 0 : i32
        %parallel_loop3A_175 = arith.constant 7 : i32
        %parallel_loop3A_176 = arith.index_cast %parallel_loop3A_173 : i32 to index
        %parallel_loop3A_177 = arith.index_cast %parallel_loop3A_174 : i32 to index
        %parallel_loop3A_178 = arith.index_cast %parallel_loop3A_175 : i32 to index
        %parallel_loop3A_179 = arith.index_cast %parallel_loop3A_172 : i32 to index
        %parallel_loop3A_180 = tpu.vector_load %arg4[%parallel_loop3A_176, %parallel_loop3A_177, %parallel_loop3A_178, %parallel_loop3A_179] {strides = array<i32>} : memref<2x1x8x512xi32, #tpu.memory_space<vmem>>, vector<16xi32>,
        %parallel_loop3A_181 = arith.andi %parallel_loop3A_180, %broadcast_in_dim3A_10 : vector<16xi32>
        %parallel_loop3A_182 = vector.bitcast %parallel_loop3A_181 : vector<16xi32> to vector<16xi32>
        %parallel_loop3A_183 = arith.shrui %parallel_loop3A_180, %broadcast_in_dim3A_12 : vector<16xi32>
        %parallel_loop3A_184 = vector.bitcast %parallel_loop3A_183 : vector<16xi32> to vector<16xi32>
        tpu.vector_store_idx %arg5[%parallel_loop3A_182], %broadcast_in_dim3A_8 {add = true} : memref<38912xi32, #tpu.memory_space<vmem>>[vector<16xi32>], vector<16xi32>,
        tpu.vector_store_idx %arg6[%parallel_loop3A_184], %broadcast_in_dim3A_8 {add = true} : memref<38912xi32, #tpu.memory_space<vmem>>[vector<16xi32>], vector<16xi32>,
      } {sc.loop_unroll_factor = 8 : i64, sc.parallel_access}
      %mul3A_110 = arith.constant 2 : i32
      %mul3A_111 = arith.muli %mul3A_110, %scan3A_66 : i32
      %add3A_112 = arith.constant 2 : i32
      %add3A_113 = arith.addi %mul3A_111, %add3A_112 : i32
      %lt3A = arith.constant 38 : i32
      %lt3A_114 = arith.cmpi slt, %add3A_113, %lt3A : i32
      %convert_element_type3A = arith.extui %lt3A_114 : i1 to i32
      %cond3A = arith.constant 0 : i32
      %cond3A_115 = arith.cmpi ne, %convert_element_type3A, %cond3A : i32
      scf.if %cond3A_115 {
        %mul3A_170 = arith.constant 2 : i32
        %mul3A_171 = arith.muli %mul3A_170, %scan3A_66 : i32
        %add3A_172 = arith.constant 2 : i32
        %add3A_173 = arith.addi %mul3A_171, %add3A_172 : i32
        %mul3A_174 = arith.constant 1 : i32
        %mul3A_175 = arith.muli %add3A_173, %mul3A_174 : i32
        %dma_start3A_176 = arith.constant 0 : i32
        %dma_start3A_177 = arith.constant 0 : i32
        %dma_start3A_178 = arith.constant 0 : i32
        %dma_start3A_179 = arith.constant 0 : i32
        %dma_start3A_180 = tpu.memref_slice %arg4[%dma_start3A_176, %dma_start3A_177, %dma_start3A_178, %dma_start3A_179] : memref<2x1x8x512xi32, #tpu.memory_space<vmem>> -> memref<1x1x8x512xi32, #tpu.memory_space<vmem>>
        %dma_start3A_181 = tpu.memref_squeeze %dma_start3A_180 : memref<1x1x8x512xi32, #tpu.memory_space<vmem>> -> memref<1x8x512xi32, #tpu.memory_space<vmem>>
        %dma_start3A_182 = arith.constant 0 : i32
        %dma_start3A_183 = arith.constant 0 : i32
        %dma_start3A_184 = tpu.memref_slice %arg2[%add3A, %mul3A_175, %dma_start3A_182, %dma_start3A_183] : memref<32x38x8x512xi32, #tpu.memory_space<hbm>> -> memref<1x1x8x512xi32, #tpu.memory_space<hbm>>
        %dma_start3A_185 = tpu.memref_squeeze %dma_start3A_184 : memref<1x1x8x512xi32, #tpu.memory_space<hbm>> -> memref<1x8x512xi32, #tpu.memory_space<hbm>>
        %dma_start3A_186 = arith.constant 0 : i32
        %dma_start3A_187 = arith.constant 0 : i32
        %dma_start3A_188 = arith.constant 0 : i32
        %dma_start3A_189 = tpu.memref_slice %arg4[%dma_start3A_176, %dma_start3A_186, %dma_start3A_187, %dma_start3A_188] : memref<2x1x8x512xi32, #tpu.memory_space<vmem>> -> memref<1x1x8x512xi32, #tpu.memory_space<vmem>>
        %dma_start3A_190 = tpu.memref_squeeze %dma_start3A_189 : memref<1x1x8x512xi32, #tpu.memory_space<vmem>> -> memref<1x8x512xi32, #tpu.memory_space<vmem>>
        %dma_start3A_191 = arith.constant 0 : i32
        %dma_start3A_192 = arith.constant 0 : i32
        %dma_start3A_193 = tpu.memref_slice %arg2[%add3A, %mul3A_175, %dma_start3A_191, %dma_start3A_192] : memref<32x38x8x512xi32, #tpu.memory_space<hbm>> -> memref<1x1x8x512xi32, #tpu.memory_space<hbm>>
        %dma_start3A_194 = tpu.memref_squeeze %dma_start3A_193 : memref<1x1x8x512xi32, #tpu.memory_space<hbm>> -> memref<1x8x512xi32, #tpu.memory_space<hbm>>
        tpu.enqueue_dma source(%dma_start3A_194 : memref<1x8x512xi32, #tpu.memory_space<hbm>>) target(%dma_start3A_190 : memref<1x8x512xi32, #tpu.memory_space<vmem>>) target_semaphore(%arg7 : memref<!tpu.dma_semaphore, #tpu.memory_space<semaphore_mem>>)
      } else {
      }
      %dma_wait3A_116 = arith.constant 1 : i32
      %dma_wait3A_117 = arith.constant 0 : i32
      %dma_wait3A_118 = arith.constant 0 : i32
      %dma_wait3A_119 = arith.constant 0 : i32
      %dma_wait3A_120 = tpu.memref_slice %arg4[%dma_wait3A_116, %dma_wait3A_117, %dma_wait3A_118, %dma_wait3A_119] : memref<2x1x8x512xi32, #tpu.memory_space<vmem>> -> memref<1x1x8x512xi32, #tpu.memory_space<vmem>>
      %dma_wait3A_121 = tpu.memref_squeeze %dma_wait3A_120 : memref<1x1x8x512xi32, #tpu.memory_space<vmem>> -> memref<1x8x512xi32, #tpu.memory_space<vmem>>
      %dma_wait3A_122 = arith.constant 0 : i32
      %dma_wait3A_123 = arith.constant 0 : i32
      %dma_wait3A_124 = arith.constant 0 : i32
      %dma_wait3A_125 = tpu.memref_slice %arg2[%add3A, %dma_wait3A_122, %dma_wait3A_123, %dma_wait3A_124] : memref<32x38x8x512xi32, #tpu.memory_space<hbm>> -> memref<1x1x8x512xi32, #tpu.memory_space<hbm>>
      %dma_wait3A_126 = tpu.memref_squeeze %dma_wait3A_125 : memref<1x1x8x512xi32, #tpu.memory_space<hbm>> -> memref<1x8x512xi32, #tpu.memory_space<hbm>>
      %dma_wait3A_127 = arith.constant 0 : i32
      %dma_wait3A_128 = arith.constant 0 : i32
      %dma_wait3A_129 = arith.constant 0 : i32
      %dma_wait3A_130 = tpu.memref_slice %arg4[%dma_wait3A_116, %dma_wait3A_127, %dma_wait3A_128, %dma_wait3A_129] : memref<2x1x8x512xi32, #tpu.memory_space<vmem>> -> memref<1x1x8x512xi32, #tpu.memory_space<vmem>>
      %dma_wait3A_131 = tpu.memref_squeeze %dma_wait3A_130 : memref<1x1x8x512xi32, #tpu.memory_space<vmem>> -> memref<1x8x512xi32, #tpu.memory_space<vmem>>
      %dma_wait3A_132 = arith.constant 0 : i32
      %dma_wait3A_133 = arith.constant 0 : i32
      %dma_wait3A_134 = arith.constant 0 : i32
      %dma_wait3A_135 = tpu.memref_slice %arg2[%add3A, %dma_wait3A_132, %dma_wait3A_133, %dma_wait3A_134] : memref<32x38x8x512xi32, #tpu.memory_space<hbm>> -> memref<1x1x8x512xi32, #tpu.memory_space<hbm>>
      %dma_wait3A_136 = tpu.memref_squeeze %dma_wait3A_135 : memref<1x1x8x512xi32, #tpu.memory_space<hbm>> -> memref<1x8x512xi32, #tpu.memory_space<hbm>>
      tpu.wait_dma2 semaphore(%arg8 : memref<!tpu.dma_semaphore, #tpu.memory_space<semaphore_mem>>) src(%dma_wait3A_136 : memref<1x8x512xi32, #tpu.memory_space<hbm>>) dst(%dma_wait3A_131 : memref<1x8x512xi32, #tpu.memory_space<vmem>>)
      %parallel_loop3A_137 = arith.constant 0 : i32
      %parallel_loop3A_138 = arith.constant 32 : i32
      %parallel_loop3A_139 = arith.constant 1 : i32
      scf.for %parallel_loop3A_170 = %parallel_loop3A_137 to %parallel_loop3A_138 step %parallel_loop3A_139  : i32 {
        %parallel_loop3A_171 = arith.constant 16 : i32
        %parallel_loop3A_172 = arith.muli %parallel_loop3A_170, %parallel_loop3A_171 : i32
        %parallel_loop3A_173 = arith.constant 1 : i32
        %parallel_loop3A_174 = arith.constant 0 : i32
        %parallel_loop3A_175 = arith.constant 0 : i32
        %parallel_loop3A_176 = arith.index_cast %parallel_loop3A_173 : i32 to index
        %parallel_loop3A_177 = arith.index_cast %parallel_loop3A_174 : i32 to index
        %parallel_loop3A_178 = arith.index_cast %parallel_loop3A_175 : i32 to index
        %parallel_loop3A_179 = arith.index_cast %parallel_loop3A_172 : i32 to index
        %parallel_loop3A_180 = tpu.vector_load %arg4[%parallel_loop3A_176, %parallel_loop3A_177, %parallel_loop3A_178, %parallel_loop3A_179] {strides = array<i32>} : memref<2x1x8x512xi32, #tpu.memory_space<vmem>>, vector<16xi32>,
        %parallel_loop3A_181 = arith.andi %parallel_loop3A_180, %broadcast_in_dim3A_10 : vector<16xi32>
        %parallel_loop3A_182 = vector.bitcast %parallel_loop3A_181 : vector<16xi32> to vector<16xi32>
        %parallel_loop3A_183 = arith.shrui %parallel_loop3A_180, %broadcast_in_dim3A_12 : vector<16xi32>
        %parallel_loop3A_184 = vector.bitcast %parallel_loop3A_183 : vector<16xi32> to vector<16xi32>
        tpu.vector_store_idx %arg5[%parallel_loop3A_182], %broadcast_in_dim3A_8 {add = true} : memref<38912xi32, #tpu.memory_space<vmem>>[vector<16xi32>], vector<16xi32>,
        tpu.vector_store_idx %arg6[%parallel_loop3A_184], %broadcast_in_dim3A_8 {add = true} : memref<38912xi32, #tpu.memory_space<vmem>>[vector<16xi32>], vector<16xi32>,
      } {sc.loop_unroll_factor = 8 : i64, sc.parallel_access}
      %parallel_loop3A_140 = arith.constant 0 : i32
      %parallel_loop3A_141 = arith.constant 32 : i32
      %parallel_loop3A_142 = arith.constant 1 : i32
      scf.for %parallel_loop3A_170 = %parallel_loop3A_140 to %parallel_loop3A_141 step %parallel_loop3A_142  : i32 {
        %parallel_loop3A_171 = arith.constant 16 : i32
        %parallel_loop3A_172 = arith.muli %parallel_loop3A_170, %parallel_loop3A_171 : i32
        %parallel_loop3A_173 = arith.constant 1 : i32
        %parallel_loop3A_174 = arith.constant 0 : i32
        %parallel_loop3A_175 = arith.constant 1 : i32
        %parallel_loop3A_176 = arith.index_cast %parallel_loop3A_173 : i32 to index
        %parallel_loop3A_177 = arith.index_cast %parallel_loop3A_174 : i32 to index
        %parallel_loop3A_178 = arith.index_cast %parallel_loop3A_175 : i32 to index
        %parallel_loop3A_179 = arith.index_cast %parallel_loop3A_172 : i32 to index
        %parallel_loop3A_180 = tpu.vector_load %arg4[%parallel_loop3A_176, %parallel_loop3A_177, %parallel_loop3A_178, %parallel_loop3A_179] {strides = array<i32>} : memref<2x1x8x512xi32, #tpu.memory_space<vmem>>, vector<16xi32>,
        %parallel_loop3A_181 = arith.andi %parallel_loop3A_180, %broadcast_in_dim3A_10 : vector<16xi32>
        %parallel_loop3A_182 = vector.bitcast %parallel_loop3A_181 : vector<16xi32> to vector<16xi32>
        %parallel_loop3A_183 = arith.shrui %parallel_loop3A_180, %broadcast_in_dim3A_12 : vector<16xi32>
        %parallel_loop3A_184 = vector.bitcast %parallel_loop3A_183 : vector<16xi32> to vector<16xi32>
        tpu.vector_store_idx %arg5[%parallel_loop3A_182], %broadcast_in_dim3A_8 {add = true} : memref<38912xi32, #tpu.memory_space<vmem>>[vector<16xi32>], vector<16xi32>,
        tpu.vector_store_idx %arg6[%parallel_loop3A_184], %broadcast_in_dim3A_8 {add = true} : memref<38912xi32, #tpu.memory_space<vmem>>[vector<16xi32>], vector<16xi32>,
      } {sc.loop_unroll_factor = 8 : i64, sc.parallel_access}
      %parallel_loop3A_143 = arith.constant 0 : i32
      %parallel_loop3A_144 = arith.constant 32 : i32
      %parallel_loop3A_145 = arith.constant 1 : i32
      scf.for %parallel_loop3A_170 = %parallel_loop3A_143 to %parallel_loop3A_144 step %parallel_loop3A_145  : i32 {
        %parallel_loop3A_171 = arith.constant 16 : i32
        %parallel_loop3A_172 = arith.muli %parallel_loop3A_170, %parallel_loop3A_171 : i32
        %parallel_loop3A_173 = arith.constant 1 : i32
        %parallel_loop3A_174 = arith.constant 0 : i32
        %parallel_loop3A_175 = arith.constant 2 : i32
        %parallel_loop3A_176 = arith.index_cast %parallel_loop3A_173 : i32 to index
        %parallel_loop3A_177 = arith.index_cast %parallel_loop3A_174 : i32 to index
        %parallel_loop3A_178 = arith.index_cast %parallel_loop3A_175 : i32 to index
        %parallel_loop3A_179 = arith.index_cast %parallel_loop3A_172 : i32 to index
        %parallel_loop3A_180 = tpu.vector_load %arg4[%parallel_loop3A_176, %parallel_loop3A_177, %parallel_loop3A_178, %parallel_loop3A_179] {strides = array<i32>} : memref<2x1x8x512xi32, #tpu.memory_space<vmem>>, vector<16xi32>,
        %parallel_loop3A_181 = arith.andi %parallel_loop3A_180, %broadcast_in_dim3A_10 : vector<16xi32>
        %parallel_loop3A_182 = vector.bitcast %parallel_loop3A_181 : vector<16xi32> to vector<16xi32>
        %parallel_loop3A_183 = arith.shrui %parallel_loop3A_180, %broadcast_in_dim3A_12 : vector<16xi32>
        %parallel_loop3A_184 = vector.bitcast %parallel_loop3A_183 : vector<16xi32> to vector<16xi32>
        tpu.vector_store_idx %arg5[%parallel_loop3A_182], %broadcast_in_dim3A_8 {add = true} : memref<38912xi32, #tpu.memory_space<vmem>>[vector<16xi32>], vector<16xi32>,
        tpu.vector_store_idx %arg6[%parallel_loop3A_184], %broadcast_in_dim3A_8 {add = true} : memref<38912xi32, #tpu.memory_space<vmem>>[vector<16xi32>], vector<16xi32>,
      } {sc.loop_unroll_factor = 8 : i64, sc.parallel_access}
      %parallel_loop3A_146 = arith.constant 0 : i32
      %parallel_loop3A_147 = arith.constant 32 : i32
      %parallel_loop3A_148 = arith.constant 1 : i32
      scf.for %parallel_loop3A_170 = %parallel_loop3A_146 to %parallel_loop3A_147 step %parallel_loop3A_148  : i32 {
        %parallel_loop3A_171 = arith.constant 16 : i32
        %parallel_loop3A_172 = arith.muli %parallel_loop3A_170, %parallel_loop3A_171 : i32
        %parallel_loop3A_173 = arith.constant 1 : i32
        %parallel_loop3A_174 = arith.constant 0 : i32
        %parallel_loop3A_175 = arith.constant 3 : i32
        %parallel_loop3A_176 = arith.index_cast %parallel_loop3A_173 : i32 to index
        %parallel_loop3A_177 = arith.index_cast %parallel_loop3A_174 : i32 to index
        %parallel_loop3A_178 = arith.index_cast %parallel_loop3A_175 : i32 to index
        %parallel_loop3A_179 = arith.index_cast %parallel_loop3A_172 : i32 to index
        %parallel_loop3A_180 = tpu.vector_load %arg4[%parallel_loop3A_176, %parallel_loop3A_177, %parallel_loop3A_178, %parallel_loop3A_179] {strides = array<i32>} : memref<2x1x8x512xi32, #tpu.memory_space<vmem>>, vector<16xi32>,
        %parallel_loop3A_181 = arith.andi %parallel_loop3A_180, %broadcast_in_dim3A_10 : vector<16xi32>
        %parallel_loop3A_182 = vector.bitcast %parallel_loop3A_181 : vector<16xi32> to vector<16xi32>
        %parallel_loop3A_183 = arith.shrui %parallel_loop3A_180, %broadcast_in_dim3A_12 : vector<16xi32>
        %parallel_loop3A_184 = vector.bitcast %parallel_loop3A_183 : vector<16xi32> to vector<16xi32>
        tpu.vector_store_idx %arg5[%parallel_loop3A_182], %broadcast_in_dim3A_8 {add = true} : memref<38912xi32, #tpu.memory_space<vmem>>[vector<16xi32>], vector<16xi32>,
        tpu.vector_store_idx %arg6[%parallel_loop3A_184], %broadcast_in_dim3A_8 {add = true} : memref<38912xi32, #tpu.memory_space<vmem>>[vector<16xi32>], vector<16xi32>,
      } {sc.loop_unroll_factor = 8 : i64, sc.parallel_access}
      %parallel_loop3A_149 = arith.constant 0 : i32
      %parallel_loop3A_150 = arith.constant 32 : i32
      %parallel_loop3A_151 = arith.constant 1 : i32
      scf.for %parallel_loop3A_170 = %parallel_loop3A_149 to %parallel_loop3A_150 step %parallel_loop3A_151  : i32 {
        %parallel_loop3A_171 = arith.constant 16 : i32
        %parallel_loop3A_172 = arith.muli %parallel_loop3A_170, %parallel_loop3A_171 : i32
        %parallel_loop3A_173 = arith.constant 1 : i32
        %parallel_loop3A_174 = arith.constant 0 : i32
        %parallel_loop3A_175 = arith.constant 4 : i32
        %parallel_loop3A_176 = arith.index_cast %parallel_loop3A_173 : i32 to index
        %parallel_loop3A_177 = arith.index_cast %parallel_loop3A_174 : i32 to index
        %parallel_loop3A_178 = arith.index_cast %parallel_loop3A_175 : i32 to index
        %parallel_loop3A_179 = arith.index_cast %parallel_loop3A_172 : i32 to index
        %parallel_loop3A_180 = tpu.vector_load %arg4[%parallel_loop3A_176, %parallel_loop3A_177, %parallel_loop3A_178, %parallel_loop3A_179] {strides = array<i32>} : memref<2x1x8x512xi32, #tpu.memory_space<vmem>>, vector<16xi32>,
        %parallel_loop3A_181 = arith.andi %parallel_loop3A_180, %broadcast_in_dim3A_10 : vector<16xi32>
        %parallel_loop3A_182 = vector.bitcast %parallel_loop3A_181 : vector<16xi32> to vector<16xi32>
        %parallel_loop3A_183 = arith.shrui %parallel_loop3A_180, %broadcast_in_dim3A_12 : vector<16xi32>
        %parallel_loop3A_184 = vector.bitcast %parallel_loop3A_183 : vector<16xi32> to vector<16xi32>
        tpu.vector_store_idx %arg5[%parallel_loop3A_182], %broadcast_in_dim3A_8 {add = true} : memref<38912xi32, #tpu.memory_space<vmem>>[vector<16xi32>], vector<16xi32>,
        tpu.vector_store_idx %arg6[%parallel_loop3A_184], %broadcast_in_dim3A_8 {add = true} : memref<38912xi32, #tpu.memory_space<vmem>>[vector<16xi32>], vector<16xi32>,
      } {sc.loop_unroll_factor = 8 : i64, sc.parallel_access}
      %parallel_loop3A_152 = arith.constant 0 : i32
      %parallel_loop3A_153 = arith.constant 32 : i32
      %parallel_loop3A_154 = arith.constant 1 : i32
      scf.for %parallel_loop3A_170 = %parallel_loop3A_152 to %parallel_loop3A_153 step %parallel_loop3A_154  : i32 {
        %parallel_loop3A_171 = arith.constant 16 : i32
        %parallel_loop3A_172 = arith.muli %parallel_loop3A_170, %parallel_loop3A_171 : i32
        %parallel_loop3A_173 = arith.constant 1 : i32
        %parallel_loop3A_174 = arith.constant 0 : i32
        %parallel_loop3A_175 = arith.constant 5 : i32
        %parallel_loop3A_176 = arith.index_cast %parallel_loop3A_173 : i32 to index
        %parallel_loop3A_177 = arith.index_cast %parallel_loop3A_174 : i32 to index
        %parallel_loop3A_178 = arith.index_cast %parallel_loop3A_175 : i32 to index
        %parallel_loop3A_179 = arith.index_cast %parallel_loop3A_172 : i32 to index
        %parallel_loop3A_180 = tpu.vector_load %arg4[%parallel_loop3A_176, %parallel_loop3A_177, %parallel_loop3A_178, %parallel_loop3A_179] {strides = array<i32>} : memref<2x1x8x512xi32, #tpu.memory_space<vmem>>, vector<16xi32>,
        %parallel_loop3A_181 = arith.andi %parallel_loop3A_180, %broadcast_in_dim3A_10 : vector<16xi32>
        %parallel_loop3A_182 = vector.bitcast %parallel_loop3A_181 : vector<16xi32> to vector<16xi32>
        %parallel_loop3A_183 = arith.shrui %parallel_loop3A_180, %broadcast_in_dim3A_12 : vector<16xi32>
        %parallel_loop3A_184 = vector.bitcast %parallel_loop3A_183 : vector<16xi32> to vector<16xi32>
        tpu.vector_store_idx %arg5[%parallel_loop3A_182], %broadcast_in_dim3A_8 {add = true} : memref<38912xi32, #tpu.memory_space<vmem>>[vector<16xi32>], vector<16xi32>,
        tpu.vector_store_idx %arg6[%parallel_loop3A_184], %broadcast_in_dim3A_8 {add = true} : memref<38912xi32, #tpu.memory_space<vmem>>[vector<16xi32>], vector<16xi32>,
      } {sc.loop_unroll_factor = 8 : i64, sc.parallel_access}
      %parallel_loop3A_155 = arith.constant 0 : i32
      %parallel_loop3A_156 = arith.constant 32 : i32
      %parallel_loop3A_157 = arith.constant 1 : i32
      scf.for %parallel_loop3A_170 = %parallel_loop3A_155 to %parallel_loop3A_156 step %parallel_loop3A_157  : i32 {
        %parallel_loop3A_171 = arith.constant 16 : i32
        %parallel_loop3A_172 = arith.muli %parallel_loop3A_170, %parallel_loop3A_171 : i32
        %parallel_loop3A_173 = arith.constant 1 : i32
        %parallel_loop3A_174 = arith.constant 0 : i32
        %parallel_loop3A_175 = arith.constant 6 : i32
        %parallel_loop3A_176 = arith.index_cast %parallel_loop3A_173 : i32 to index
        %parallel_loop3A_177 = arith.index_cast %parallel_loop3A_174 : i32 to index
        %parallel_loop3A_178 = arith.index_cast %parallel_loop3A_175 : i32 to index
        %parallel_loop3A_179 = arith.index_cast %parallel_loop3A_172 : i32 to index
        %parallel_loop3A_180 = tpu.vector_load %arg4[%parallel_loop3A_176, %parallel_loop3A_177, %parallel_loop3A_178, %parallel_loop3A_179] {strides = array<i32>} : memref<2x1x8x512xi32, #tpu.memory_space<vmem>>, vector<16xi32>,
        %parallel_loop3A_181 = arith.andi %parallel_loop3A_180, %broadcast_in_dim3A_10 : vector<16xi32>
        %parallel_loop3A_182 = vector.bitcast %parallel_loop3A_181 : vector<16xi32> to vector<16xi32>
        %parallel_loop3A_183 = arith.shrui %parallel_loop3A_180, %broadcast_in_dim3A_12 : vector<16xi32>
        %parallel_loop3A_184 = vector.bitcast %parallel_loop3A_183 : vector<16xi32> to vector<16xi32>
        tpu.vector_store_idx %arg5[%parallel_loop3A_182], %broadcast_in_dim3A_8 {add = true} : memref<38912xi32, #tpu.memory_space<vmem>>[vector<16xi32>], vector<16xi32>,
        tpu.vector_store_idx %arg6[%parallel_loop3A_184], %broadcast_in_dim3A_8 {add = true} : memref<38912xi32, #tpu.memory_space<vmem>>[vector<16xi32>], vector<16xi32>,
      } {sc.loop_unroll_factor = 8 : i64, sc.parallel_access}
      %parallel_loop3A_158 = arith.constant 0 : i32
      %parallel_loop3A_159 = arith.constant 32 : i32
      %parallel_loop3A_160 = arith.constant 1 : i32
      scf.for %parallel_loop3A_170 = %parallel_loop3A_158 to %parallel_loop3A_159 step %parallel_loop3A_160  : i32 {
        %parallel_loop3A_171 = arith.constant 16 : i32
        %parallel_loop3A_172 = arith.muli %parallel_loop3A_170, %parallel_loop3A_171 : i32
        %parallel_loop3A_173 = arith.constant 1 : i32
        %parallel_loop3A_174 = arith.constant 0 : i32
        %parallel_loop3A_175 = arith.constant 7 : i32
        %parallel_loop3A_176 = arith.index_cast %parallel_loop3A_173 : i32 to index
        %parallel_loop3A_177 = arith.index_cast %parallel_loop3A_174 : i32 to index
        %parallel_loop3A_178 = arith.index_cast %parallel_loop3A_175 : i32 to index
        %parallel_loop3A_179 = arith.index_cast %parallel_loop3A_172 : i32 to index
        %parallel_loop3A_180 = tpu.vector_load %arg4[%parallel_loop3A_176, %parallel_loop3A_177, %parallel_loop3A_178, %parallel_loop3A_179] {strides = array<i32>} : memref<2x1x8x512xi32, #tpu.memory_space<vmem>>, vector<16xi32>,
        %parallel_loop3A_181 = arith.andi %parallel_loop3A_180, %broadcast_in_dim3A_10 : vector<16xi32>
        %parallel_loop3A_182 = vector.bitcast %parallel_loop3A_181 : vector<16xi32> to vector<16xi32>
        %parallel_loop3A_183 = arith.shrui %parallel_loop3A_180, %broadcast_in_dim3A_12 : vector<16xi32>
        %parallel_loop3A_184 = vector.bitcast %parallel_loop3A_183 : vector<16xi32> to vector<16xi32>
        tpu.vector_store_idx %arg5[%parallel_loop3A_182], %broadcast_in_dim3A_8 {add = true} : memref<38912xi32, #tpu.memory_space<vmem>>[vector<16xi32>], vector<16xi32>,
        tpu.vector_store_idx %arg6[%parallel_loop3A_184], %broadcast_in_dim3A_8 {add = true} : memref<38912xi32, #tpu.memory_space<vmem>>[vector<16xi32>], vector<16xi32>,
      } {sc.loop_unroll_factor = 8 : i64, sc.parallel_access}
      %mul3A_161 = arith.constant 2 : i32
      %mul3A_162 = arith.muli %mul3A_161, %scan3A_66 : i32
      %add3A_163 = arith.constant 3 : i32
      %add3A_164 = arith.addi %mul3A_162, %add3A_163 : i32
      %lt3A_165 = arith.constant 38 : i32
      %lt3A_166 = arith.cmpi slt, %add3A_164, %lt3A_165 : i32
      %convert_element_type3A_167 = arith.extui %lt3A_166 : i1 to i32
      %cond3A_168 = arith.constant 0 : i32
      %cond3A_169 = arith.cmpi ne, %convert_element_type3A_167, %cond3A_168 : i32
      scf.if %cond3A_169 {
        %mul3A_170 = arith.constant 2 : i32
        %mul3A_171 = arith.muli %mul3A_170, %scan3A_66 : i32
        %add3A_172 = arith.constant 3 : i32
        %add3A_173 = arith.addi %mul3A_171, %add3A_172 : i32
        %mul3A_174 = arith.constant 1 : i32
        %mul3A_175 = arith.muli %add3A_173, %mul3A_174 : i32
        %dma_start3A_176 = arith.constant 1 : i32
        %dma_start3A_177 = arith.constant 0 : i32
        %dma_start3A_178 = arith.constant 0 : i32
        %dma_start3A_179 = arith.constant 0 : i32
        %dma_start3A_180 = tpu.memref_slice %arg4[%dma_start3A_176, %dma_start3A_177, %dma_start3A_178, %dma_start3A_179] : memref<2x1x8x512xi32, #tpu.memory_space<vmem>> -> memref<1x1x8x512xi32, #tpu.memory_space<vmem>>
        %dma_start3A_181 = tpu.memref_squeeze %dma_start3A_180 : memref<1x1x8x512xi32, #tpu.memory_space<vmem>> -> memref<1x8x512xi32, #tpu.memory_space<vmem>>
        %dma_start3A_182 = arith.constant 0 : i32
        %dma_start3A_183 = arith.constant 0 : i32
        %dma_start3A_184 = tpu.memref_slice %arg2[%add3A, %mul3A_175, %dma_start3A_182, %dma_start3A_183] : memref<32x38x8x512xi32, #tpu.memory_space<hbm>> -> memref<1x1x8x512xi32, #tpu.memory_space<hbm>>
        %dma_start3A_185 = tpu.memref_squeeze %dma_start3A_184 : memref<1x1x8x512xi32, #tpu.memory_space<hbm>> -> memref<1x8x512xi32, #tpu.memory_space<hbm>>
        %dma_start3A_186 = arith.constant 0 : i32
        %dma_start3A_187 = arith.constant 0 : i32
        %dma_start3A_188 = arith.constant 0 : i32
        %dma_start3A_189 = tpu.memref_slice %arg4[%dma_start3A_176, %dma_start3A_186, %dma_start3A_187, %dma_start3A_188] : memref<2x1x8x512xi32, #tpu.memory_space<vmem>> -> memref<1x1x8x512xi32, #tpu.memory_space<vmem>>
        %dma_start3A_190 = tpu.memref_squeeze %dma_start3A_189 : memref<1x1x8x512xi32, #tpu.memory_space<vmem>> -> memref<1x8x512xi32, #tpu.memory_space<vmem>>
        %dma_start3A_191 = arith.constant 0 : i32
        %dma_start3A_192 = arith.constant 0 : i32
        %dma_start3A_193 = tpu.memref_slice %arg2[%add3A, %mul3A_175, %dma_start3A_191, %dma_start3A_192] : memref<32x38x8x512xi32, #tpu.memory_space<hbm>> -> memref<1x1x8x512xi32, #tpu.memory_space<hbm>>
        %dma_start3A_194 = tpu.memref_squeeze %dma_start3A_193 : memref<1x1x8x512xi32, #tpu.memory_space<hbm>> -> memref<1x8x512xi32, #tpu.memory_space<hbm>>
        tpu.enqueue_dma source(%dma_start3A_194 : memref<1x8x512xi32, #tpu.memory_space<hbm>>) target(%dma_start3A_190 : memref<1x8x512xi32, #tpu.memory_space<vmem>>) target_semaphore(%arg8 : memref<!tpu.dma_semaphore, #tpu.memory_space<semaphore_mem>>)
      } else {
      }
    }
    %scan3A_59 = arith.constant 19 : i32
    %mul3A_60 = arith.constant 2 : i32
    %mul3A_61 = arith.muli %mul3A_60, %add3A : i32
    "tpu.region"() ({
      %run_scoped3A = tpu.sem_alloc : memref<!tpu.dma_semaphore, #tpu.memory_space<semaphore_mem>>
      %dma_start3A_66 = arith.constant 0 : i32
      %dma_start3A_67 = tpu.memref_slice %arg3[%mul3A_61, %dma_start3A_66] : memref<64x38912xi32, #tpu.memory_space<hbm>> -> memref<1x38912xi32, #tpu.memory_space<hbm>>
      %dma_start3A_68 = tpu.memref_squeeze %dma_start3A_67 : memref<1x38912xi32, #tpu.memory_space<hbm>> -> memref<38912xi32, #tpu.memory_space<hbm>>
      %dma_start3A_69 = arith.constant 0 : i32
      %dma_start3A_70 = tpu.memref_slice %arg3[%mul3A_61, %dma_start3A_69] : memref<64x38912xi32, #tpu.memory_space<hbm>> -> memref<1x38912xi32, #tpu.memory_space<hbm>>
      %dma_start3A_71 = tpu.memref_squeeze %dma_start3A_70 : memref<1x38912xi32, #tpu.memory_space<hbm>> -> memref<38912xi32, #tpu.memory_space<hbm>>
      tpu.enqueue_dma source(%arg5 : memref<38912xi32, #tpu.memory_space<vmem>>) target(%dma_start3A_71 : memref<38912xi32, #tpu.memory_space<hbm>>) target_semaphore(%run_scoped3A : memref<!tpu.dma_semaphore, #tpu.memory_space<semaphore_mem>>)
      %dma_wait3A = arith.constant 0 : i32
      %dma_wait3A_72 = tpu.memref_slice %arg3[%mul3A_61, %dma_wait3A] : memref<64x38912xi32, #tpu.memory_space<hbm>> -> memref<1x38912xi32, #tpu.memory_space<hbm>>
      %dma_wait3A_73 = tpu.memref_squeeze %dma_wait3A_72 : memref<1x38912xi32, #tpu.memory_space<hbm>> -> memref<38912xi32, #tpu.memory_space<hbm>>
      %dma_wait3A_74 = arith.constant 0 : i32
      %dma_wait3A_75 = tpu.memref_slice %arg3[%mul3A_61, %dma_wait3A_74] : memref<64x38912xi32, #tpu.memory_space<hbm>> -> memref<1x38912xi32, #tpu.memory_space<hbm>>
      %dma_wait3A_76 = tpu.memref_squeeze %dma_wait3A_75 : memref<1x38912xi32, #tpu.memory_space<hbm>> -> memref<38912xi32, #tpu.memory_space<hbm>>
      tpu.wait_dma2 semaphore(%run_scoped3A : memref<!tpu.dma_semaphore, #tpu.memory_space<semaphore_mem>>) src(%arg5 : memref<38912xi32, #tpu.memory_space<vmem>>) dst(%dma_wait3A_76 : memref<38912xi32, #tpu.memory_space<hbm>>)
      tpu.yield
    }) : () -> ()
    %mul3A_62 = arith.constant 2 : i32
    %mul3A_63 = arith.muli %mul3A_62, %add3A : i32
    %add3A_64 = arith.constant 1 : i32
    %add3A_65 = arith.addi %mul3A_63, %add3A_64 : i32
    "tpu.region"() ({
      %run_scoped3A = tpu.sem_alloc : memref<!tpu.dma_semaphore, #tpu.memory_space<semaphore_mem>>
      %dma_start3A_66 = arith.constant 0 : i32
      %dma_start3A_67 = tpu.memref_slice %arg3[%add3A_65, %dma_start3A_66] : memref<64x38912xi32, #tpu.memory_space<hbm>> -> memref<1x38912xi32, #tpu.memory_space<hbm>>
      %dma_start3A_68 = tpu.memref_squeeze %dma_start3A_67 : memref<1x38912xi32, #tpu.memory_space<hbm>> -> memref<38912xi32, #tpu.memory_space<hbm>>
      %dma_start3A_69 = arith.constant 0 : i32
      %dma_start3A_70 = tpu.memref_slice %arg3[%add3A_65, %dma_start3A_69] : memref<64x38912xi32, #tpu.memory_space<hbm>> -> memref<1x38912xi32, #tpu.memory_space<hbm>>
      %dma_start3A_71 = tpu.memref_squeeze %dma_start3A_70 : memref<1x38912xi32, #tpu.memory_space<hbm>> -> memref<38912xi32, #tpu.memory_space<hbm>>
      tpu.enqueue_dma source(%arg6 : memref<38912xi32, #tpu.memory_space<vmem>>) target(%dma_start3A_71 : memref<38912xi32, #tpu.memory_space<hbm>>) target_semaphore(%run_scoped3A : memref<!tpu.dma_semaphore, #tpu.memory_space<semaphore_mem>>)
      %dma_wait3A = arith.constant 0 : i32
      %dma_wait3A_72 = tpu.memref_slice %arg3[%add3A_65, %dma_wait3A] : memref<64x38912xi32, #tpu.memory_space<hbm>> -> memref<1x38912xi32, #tpu.memory_space<hbm>>
      %dma_wait3A_73 = tpu.memref_squeeze %dma_wait3A_72 : memref<1x38912xi32, #tpu.memory_space<hbm>> -> memref<38912xi32, #tpu.memory_space<hbm>>
      %dma_wait3A_74 = arith.constant 0 : i32
      %dma_wait3A_75 = tpu.memref_slice %arg3[%add3A_65, %dma_wait3A_74] : memref<64x38912xi32, #tpu.memory_space<hbm>> -> memref<1x38912xi32, #tpu.memory_space<hbm>>
      %dma_wait3A_76 = tpu.memref_squeeze %dma_wait3A_75 : memref<1x38912xi32, #tpu.memory_space<hbm>> -> memref<38912xi32, #tpu.memory_space<hbm>>
      tpu.wait_dma2 semaphore(%run_scoped3A : memref<!tpu.dma_semaphore, #tpu.memory_space<semaphore_mem>>) src(%arg6 : memref<38912xi32, #tpu.memory_space<vmem>>) dst(%dma_wait3A_76 : memref<38912xi32, #tpu.memory_space<hbm>>)
      tpu.yield
    }) : () -> ()
    return
  }
}

#map = affine_map<(d0, d1) -> (0, 0, 0, 0)>
#map1 = affine_map<(d0, d1) -> (0, 0)>
module attributes {stable_mosaic.version = 14 : i64} {
  func.func @_sc_hist(%arg0: i32, %arg1: i32, %arg2: memref<32x38x8x512xi32, #tpu.memory_space<hbm>>, %arg3: memref<64x38912xi32, #tpu.memory_space<hbm>>, %arg4: memref<2x1x8x512xi32, #tpu.memory_space<vmem>>, %arg5: memref<38912xi32, #tpu.memory_space<vmem>>, %arg6: memref<38912xi32, #tpu.memory_space<vmem>>, %arg7: memref<!tpu.dma_semaphore, #tpu.memory_space<semaphore_mem>>, %arg8: memref<!tpu.dma_semaphore, #tpu.memory_space<semaphore_mem>>) attributes {dimension_semantics = [#tpu.dimension_semantics<core_parallel>, #tpu.dimension_semantics<subcore_parallel>], iteration_bounds = array<i64: 2, 16>, scalar_prefetch = 0 : i64, scratch_operands = 5 : i64, tpu.core_type = #tpu.core_type<sc_vector_subcore>, window_params = [{transform_indices = #map}, {transform_indices = #map1}]} {
    %mul3A = arith.constant 2 : i32
    %mul3A_0 = arith.muli %arg1, %mul3A : i32
    %add3A = arith.addi %mul3A_0, %arg0 : i32
    %broadcast_in_dim3A = arith.constant 0 : i32
    %broadcast_in_dim3A_1 = vector.broadcast %broadcast_in_dim3A : i32 to vector<16xi32>
    %scan3A = arith.constant 0 : i32
    %scan3A_2 = arith.constant 0 : i32
    %scan3A_3 = arith.constant 304 : i32
    %scan3A_4 = arith.addi %scan3A_2, %scan3A_3 : i32
    %scan3A_5 = arith.constant 1 : i32
    scf.for %scan3A_66 = %scan3A_2 to %scan3A_4 step %scan3A_5  : i32 {
      %mul3A_67 = arith.constant 8 : i32
      %mul3A_68 = arith.muli %scan3A_66, %mul3A_67 : i32
      %add3A_69 = arith.constant 0 : i32
      %add3A_70 = arith.addi %mul3A_68, %add3A_69 : i32
      %mul3A_71 = arith.constant 16 : i32
      %mul3A_72 = arith.muli %add3A_70, %mul3A_71 : i32
      %swap3A = arith.index_cast %mul3A_72 : i32 to index
      %swap3A_73 = tpu.vector_load %arg5[%swap3A] {strides = array<i32>} : memref<38912xi32, #tpu.memory_space<vmem>>, vector<16xi32>,
      tpu.vector_store %arg5[%swap3A], %broadcast_in_dim3A_1 {strides = array<i32>} : memref<38912xi32, #tpu.memory_space<vmem>>, vector<16xi32>,
      %mul3A_74 = arith.constant 8 : i32
      %mul3A_75 = arith.muli %scan3A_66, %mul3A_74 : i32
      %add3A_76 = arith.constant 0 : i32
      %add3A_77 = arith.addi %mul3A_75, %add3A_76 : i32
      %mul3A_78 = arith.constant 16 : i32
      %mul3A_79 = arith.muli %add3A_77, %mul3A_78 : i32
      %swap3A_80 = arith.index_cast %mul3A_79 : i32 to index
      %swap3A_81 = tpu.vector_load %arg6[%swap3A_80] {strides = array<i32>} : memref<38912xi32, #tpu.memory_space<vmem>>, vector<16xi32>,
      tpu.vector_store %arg6[%swap3A_80], %broadcast_in_dim3A_1 {strides = array<i32>} : memref<38912xi32, #tpu.memory_space<vmem>>, vector<16xi32>,
      %mul3A_82 = arith.constant 8 : i32
      %mul3A_83 = arith.muli %scan3A_66, %mul3A_82 : i32
      %add3A_84 = arith.constant 1 : i32
      %add3A_85 = arith.addi %mul3A_83, %add3A_84 : i32
      %mul3A_86 = arith.constant 16 : i32
      %mul3A_87 = arith.muli %add3A_85, %mul3A_86 : i32
      %swap3A_88 = arith.index_cast %mul3A_87 : i32 to index
      %swap3A_89 = tpu.vector_load %arg5[%swap3A_88] {strides = array<i32>} : memref<38912xi32, #tpu.memory_space<vmem>>, vector<16xi32>,
      tpu.vector_store %arg5[%swap3A_88], %broadcast_in_dim3A_1 {strides = array<i32>} : memref<38912xi32, #tpu.memory_space<vmem>>, vector<16xi32>,
      %mul3A_90 = arith.constant 8 : i32
      %mul3A_91 = arith.muli %scan3A_66, %mul3A_90 : i32
      %add3A_92 = arith.constant 1 : i32
      %add3A_93 = arith.addi %mul3A_91, %add3A_92 : i32
      %mul3A_94 = arith.constant 16 : i32
      %mul3A_95 = arith.muli %add3A_93, %mul3A_94 : i32
      %swap3A_96 = arith.index_cast %mul3A_95 : i32 to index
      %swap3A_97 = tpu.vector_load %arg6[%swap3A_96] {strides = array<i32>} : memref<38912xi32, #tpu.memory_space<vmem>>, vector<16xi32>,
      tpu.vector_store %arg6[%swap3A_96], %broadcast_in_dim3A_1 {strides = array<i32>} : memref<38912xi32, #tpu.memory_space<vmem>>, vector<16xi32>,
      %mul3A_98 = arith.constant 8 : i32
      %mul3A_99 = arith.muli %scan3A_66, %mul3A_98 : i32
      %add3A_100 = arith.constant 2 : i32
      %add3A_101 = arith.addi %mul3A_99, %add3A_100 : i32
      %mul3A_102 = arith.constant 16 : i32
      %mul3A_103 = arith.muli %add3A_101, %mul3A_102 : i32
      %swap3A_104 = arith.index_cast %mul3A_103 : i32 to index
      %swap3A_105 = tpu.vector_load %arg5[%swap3A_104] {strides = array<i32>} : memref<38912xi32, #tpu.memory_space<vmem>>, vector<16xi32>,
      tpu.vector_store %arg5[%swap3A_104], %broadcast_in_dim3A_1 {strides = array<i32>} : memref<38912xi32, #tpu.memory_space<vmem>>, vector<16xi32>,
      %mul3A_106 = arith.constant 8 : i32
      %mul3A_107 = arith.muli %scan3A_66, %mul3A_106 : i32
      %add3A_108 = arith.constant 2 : i32
      %add3A_109 = arith.addi %mul3A_107, %add3A_108 : i32
      %mul3A_110 = arith.constant 16 : i32
      %mul3A_111 = arith.muli %add3A_109, %mul3A_110 : i32
      %swap3A_112 = arith.index_cast %mul3A_111 : i32 to index
      %swap3A_113 = tpu.vector_load %arg6[%swap3A_112] {strides = array<i32>} : memref<38912xi32, #tpu.memory_space<vmem>>, vector<16xi32>,
      tpu.vector_store %arg6[%swap3A_112], %broadcast_in_dim3A_1 {strides = array<i32>} : memref<38912xi32, #tpu.memory_space<vmem>>, vector<16xi32>,
      %mul3A_114 = arith.constant 8 : i32
      %mul3A_115 = arith.muli %scan3A_66, %mul3A_114 : i32
      %add3A_116 = arith.constant 3 : i32
      %add3A_117 = arith.addi %mul3A_115, %add3A_116 : i32
      %mul3A_118 = arith.constant 16 : i32
      %mul3A_119 = arith.muli %add3A_117, %mul3A_118 : i32
      %swap3A_120 = arith.index_cast %mul3A_119 : i32 to index
      %swap3A_121 = tpu.vector_load %arg5[%swap3A_120] {strides = array<i32>} : memref<38912xi32, #tpu.memory_space<vmem>>, vector<16xi32>,
      tpu.vector_store %arg5[%swap3A_120], %broadcast_in_dim3A_1 {strides = array<i32>} : memref<38912xi32, #tpu.memory_space<vmem>>, vector<16xi32>,
      %mul3A_122 = arith.constant 8 : i32
      %mul3A_123 = arith.muli %scan3A_66, %mul3A_122 : i32
      %add3A_124 = arith.constant 3 : i32
      %add3A_125 = arith.addi %mul3A_123, %add3A_124 : i32
      %mul3A_126 = arith.constant 16 : i32
      %mul3A_127 = arith.muli %add3A_125, %mul3A_126 : i32
      %swap3A_128 = arith.index_cast %mul3A_127 : i32 to index
      %swap3A_129 = tpu.vector_load %arg6[%swap3A_128] {strides = array<i32>} : memref<38912xi32, #tpu.memory_space<vmem>>, vector<16xi32>,
      tpu.vector_store %arg6[%swap3A_128], %broadcast_in_dim3A_1 {strides = array<i32>} : memref<38912xi32, #tpu.memory_space<vmem>>, vector<16xi32>,
      %mul3A_130 = arith.constant 8 : i32
      %mul3A_131 = arith.muli %scan3A_66, %mul3A_130 : i32
      %add3A_132 = arith.constant 4 : i32
      %add3A_133 = arith.addi %mul3A_131, %add3A_132 : i32
      %mul3A_134 = arith.constant 16 : i32
      %mul3A_135 = arith.muli %add3A_133, %mul3A_134 : i32
      %swap3A_136 = arith.index_cast %mul3A_135 : i32 to index
      %swap3A_137 = tpu.vector_load %arg5[%swap3A_136] {strides = array<i32>} : memref<38912xi32, #tpu.memory_space<vmem>>, vector<16xi32>,
      tpu.vector_store %arg5[%swap3A_136], %broadcast_in_dim3A_1 {strides = array<i32>} : memref<38912xi32, #tpu.memory_space<vmem>>, vector<16xi32>,
      %mul3A_138 = arith.constant 8 : i32
      %mul3A_139 = arith.muli %scan3A_66, %mul3A_138 : i32
      %add3A_140 = arith.constant 4 : i32
      %add3A_141 = arith.addi %mul3A_139, %add3A_140 : i32
      %mul3A_142 = arith.constant 16 : i32
      %mul3A_143 = arith.muli %add3A_141, %mul3A_142 : i32
      %swap3A_144 = arith.index_cast %mul3A_143 : i32 to index
      %swap3A_145 = tpu.vector_load %arg6[%swap3A_144] {strides = array<i32>} : memref<38912xi32, #tpu.memory_space<vmem>>, vector<16xi32>,
      tpu.vector_store %arg6[%swap3A_144], %broadcast_in_dim3A_1 {strides = array<i32>} : memref<38912xi32, #tpu.memory_space<vmem>>, vector<16xi32>,
      %mul3A_146 = arith.constant 8 : i32
      %mul3A_147 = arith.muli %scan3A_66, %mul3A_146 : i32
      %add3A_148 = arith.constant 5 : i32
      %add3A_149 = arith.addi %mul3A_147, %add3A_148 : i32
      %mul3A_150 = arith.constant 16 : i32
      %mul3A_151 = arith.muli %add3A_149, %mul3A_150 : i32
      %swap3A_152 = arith.index_cast %mul3A_151 : i32 to index
      %swap3A_153 = tpu.vector_load %arg5[%swap3A_152] {strides = array<i32>} : memref<38912xi32, #tpu.memory_space<vmem>>, vector<16xi32>,
      tpu.vector_store %arg5[%swap3A_152], %broadcast_in_dim3A_1 {strides = array<i32>} : memref<38912xi32, #tpu.memory_space<vmem>>, vector<16xi32>,
      %mul3A_154 = arith.constant 8 : i32
      %mul3A_155 = arith.muli %scan3A_66, %mul3A_154 : i32
      %add3A_156 = arith.constant 5 : i32
      %add3A_157 = arith.addi %mul3A_155, %add3A_156 : i32
      %mul3A_158 = arith.constant 16 : i32
      %mul3A_159 = arith.muli %add3A_157, %mul3A_158 : i32
      %swap3A_160 = arith.index_cast %mul3A_159 : i32 to index
      %swap3A_161 = tpu.vector_load %arg6[%swap3A_160] {strides = array<i32>} : memref<38912xi32, #tpu.memory_space<vmem>>, vector<16xi32>,
      tpu.vector_store %arg6[%swap3A_160], %broadcast_in_dim3A_1 {strides = array<i32>} : memref<38912xi32, #tpu.memory_space<vmem>>, vector<16xi32>,
      %mul3A_162 = arith.constant 8 : i32
      %mul3A_163 = arith.muli %scan3A_66, %mul3A_162 : i32
      %add3A_164 = arith.constant 6 : i32
      %add3A_165 = arith.addi %mul3A_163, %add3A_164 : i32
      %mul3A_166 = arith.constant 16 : i32
      %mul3A_167 = arith.muli %add3A_165, %mul3A_166 : i32
      %swap3A_168 = arith.index_cast %mul3A_167 : i32 to index
      %swap3A_169 = tpu.vector_load %arg5[%swap3A_168] {strides = array<i32>} : memref<38912xi32, #tpu.memory_space<vmem>>, vector<16xi32>,
      tpu.vector_store %arg5[%swap3A_168], %broadcast_in_dim3A_1 {strides = array<i32>} : memref<38912xi32, #tpu.memory_space<vmem>>, vector<16xi32>,
      %mul3A_170 = arith.constant 8 : i32
      %mul3A_171 = arith.muli %scan3A_66, %mul3A_170 : i32
      %add3A_172 = arith.constant 6 : i32
      %add3A_173 = arith.addi %mul3A_171, %add3A_172 : i32
      %mul3A_174 = arith.constant 16 : i32
      %mul3A_175 = arith.muli %add3A_173, %mul3A_174 : i32
      %swap3A_176 = arith.index_cast %mul3A_175 : i32 to index
      %swap3A_177 = tpu.vector_load %arg6[%swap3A_176] {strides = array<i32>} : memref<38912xi32, #tpu.memory_space<vmem>>, vector<16xi32>,
      tpu.vector_store %arg6[%swap3A_176], %broadcast_in_dim3A_1 {strides = array<i32>} : memref<38912xi32, #tpu.memory_space<vmem>>, vector<16xi32>,
      %mul3A_178 = arith.constant 8 : i32
      %mul3A_179 = arith.muli %scan3A_66, %mul3A_178 : i32
      %add3A_180 = arith.constant 7 : i32
      %add3A_181 = arith.addi %mul3A_179, %add3A_180 : i32
      %mul3A_182 = arith.constant 16 : i32
      %mul3A_183 = arith.muli %add3A_181, %mul3A_182 : i32
      %swap3A_184 = arith.index_cast %mul3A_183 : i32 to index
      %swap3A_185 = tpu.vector_load %arg5[%swap3A_184] {strides = array<i32>} : memref<38912xi32, #tpu.memory_space<vmem>>, vector<16xi32>,
      tpu.vector_store %arg5[%swap3A_184], %broadcast_in_dim3A_1 {strides = array<i32>} : memref<38912xi32, #tpu.memory_space<vmem>>, vector<16xi32>,
      %mul3A_186 = arith.constant 8 : i32
      %mul3A_187 = arith.muli %scan3A_66, %mul3A_186 : i32
      %add3A_188 = arith.constant 7 : i32
      %add3A_189 = arith.addi %mul3A_187, %add3A_188 : i32
      %mul3A_190 = arith.constant 16 : i32
      %mul3A_191 = arith.muli %add3A_189, %mul3A_190 : i32
      %swap3A_192 = arith.index_cast %mul3A_191 : i32 to index
      %swap3A_193 = tpu.vector_load %arg6[%swap3A_192] {strides = array<i32>} : memref<38912xi32, #tpu.memory_space<vmem>>, vector<16xi32>,
      tpu.vector_store %arg6[%swap3A_192], %broadcast_in_dim3A_1 {strides = array<i32>} : memref<38912xi32, #tpu.memory_space<vmem>>, vector<16xi32>,
    }
    %scan3A_6 = arith.constant 304 : i32
    %broadcast_in_dim3A_7 = arith.constant 1 : i32
    %broadcast_in_dim3A_8 = vector.broadcast %broadcast_in_dim3A_7 : i32 to vector<16xi32>
    %broadcast_in_dim3A_9 = arith.constant 65535 : i32
    %broadcast_in_dim3A_10 = vector.broadcast %broadcast_in_dim3A_9 : i32 to vector<16xi32>
    %broadcast_in_dim3A_11 = arith.constant 16 : i32
    %broadcast_in_dim3A_12 = vector.broadcast %broadcast_in_dim3A_11 : i32 to vector<16xi32>
    %dma_start3A = arith.constant 0 : i32
    %dma_start3A_13 = arith.constant 0 : i32
    %dma_start3A_14 = arith.constant 0 : i32
    %dma_start3A_15 = arith.constant 0 : i32
    %dma_start3A_16 = tpu.memref_slice %arg4[%dma_start3A, %dma_start3A_13, %dma_start3A_14, %dma_start3A_15] : memref<2x1x8x512xi32, #tpu.memory_space<vmem>> -> memref<1x1x8x512xi32, #tpu.memory_space<vmem>>
    %dma_start3A_17 = tpu.memref_squeeze %dma_start3A_16 : memref<1x1x8x512xi32, #tpu.memory_space<vmem>> -> memref<1x8x512xi32, #tpu.memory_space<vmem>>
    %dma_start3A_18 = arith.constant 0 : i32
    %dma_start3A_19 = arith.constant 0 : i32
    %dma_start3A_20 = arith.constant 0 : i32
    %dma_start3A_21 = tpu.memref_slice %arg2[%add3A, %dma_start3A_18, %dma_start3A_19, %dma_start3A_20] : memref<32x38x8x512xi32, #tpu.memory_space<hbm>> -> memref<1x1x8x512xi32, #tpu.memory_space<hbm>>
    %dma_start3A_22 = tpu.memref_squeeze %dma_start3A_21 : memref<1x1x8x512xi32, #tpu.memory_space<hbm>> -> memref<1x8x512xi32, #tpu.memory_space<hbm>>
    %dma_start3A_23 = arith.constant 0 : i32
    %dma_start3A_24 = arith.constant 0 : i32
    %dma_start3A_25 = arith.constant 0 : i32
    %dma_start3A_26 = tpu.memref_slice %arg4[%dma_start3A, %dma_start3A_23, %dma_start3A_24, %dma_start3A_25] : memref<2x1x8x512xi32, #tpu.memory_space<vmem>> -> memref<1x1x8x512xi32, #tpu.memory_space<vmem>>
    %dma_start3A_27 = tpu.memref_squeeze %dma_start3A_26 : memref<1x1x8x512xi32, #tpu.memory_space<vmem>> -> memref<1x8x512xi32, #tpu.memory_space<vmem>>
    %dma_start3A_28 = arith.constant 0 : i32
    %dma_start3A_29 = arith.constant 0 : i32
    %dma_start3A_30 = arith.constant 0 : i32
    %dma_start3A_31 = tpu.memref_slice %arg2[%add3A, %dma_start3A_28, %dma_start3A_29, %dma_start3A_30] : memref<32x38x8x512xi32, #tpu.memory_space<hbm>> -> memref<1x1x8x512xi32, #tpu.memory_space<hbm>>
    %dma_start3A_32 = tpu.memref_squeeze %dma_start3A_31 : memref<1x1x8x512xi32, #tpu.memory_space<hbm>> -> memref<1x8x512xi32, #tpu.memory_space<hbm>>
    tpu.enqueue_dma source(%dma_start3A_32 : memref<1x8x512xi32, #tpu.memory_space<hbm>>) target(%dma_start3A_27 : memref<1x8x512xi32, #tpu.memory_space<vmem>>) target_semaphore(%arg7 : memref<!tpu.dma_semaphore, #tpu.memory_space<semaphore_mem>>)
    %dma_start3A_33 = arith.constant 1 : i32
    %dma_start3A_34 = arith.constant 0 : i32
    %dma_start3A_35 = arith.constant 0 : i32
    %dma_start3A_36 = arith.constant 0 : i32
    %dma_start3A_37 = tpu.memref_slice %arg4[%dma_start3A_33, %dma_start3A_34, %dma_start3A_35, %dma_start3A_36] : memref<2x1x8x512xi32, #tpu.memory_space<vmem>> -> memref<1x1x8x512xi32, #tpu.memory_space<vmem>>
    %dma_start3A_38 = tpu.memref_squeeze %dma_start3A_37 : memref<1x1x8x512xi32, #tpu.memory_space<vmem>> -> memref<1x8x512xi32, #tpu.memory_space<vmem>>
    %dma_start3A_39 = arith.constant 1 : i32
    %dma_start3A_40 = arith.constant 0 : i32
    %dma_start3A_41 = arith.constant 0 : i32
    %dma_start3A_42 = tpu.memref_slice %arg2[%add3A, %dma_start3A_39, %dma_start3A_40, %dma_start3A_41] : memref<32x38x8x512xi32, #tpu.memory_space<hbm>> -> memref<1x1x8x512xi32, #tpu.memory_space<hbm>>
    %dma_start3A_43 = tpu.memref_squeeze %dma_start3A_42 : memref<1x1x8x512xi32, #tpu.memory_space<hbm>> -> memref<1x8x512xi32, #tpu.memory_space<hbm>>
    %dma_start3A_44 = arith.constant 0 : i32
    %dma_start3A_45 = arith.constant 0 : i32
    %dma_start3A_46 = arith.constant 0 : i32
    %dma_start3A_47 = tpu.memref_slice %arg4[%dma_start3A_33, %dma_start3A_44, %dma_start3A_45, %dma_start3A_46] : memref<2x1x8x512xi32, #tpu.memory_space<vmem>> -> memref<1x1x8x512xi32, #tpu.memory_space<vmem>>
    %dma_start3A_48 = tpu.memref_squeeze %dma_start3A_47 : memref<1x1x8x512xi32, #tpu.memory_space<vmem>> -> memref<1x8x512xi32, #tpu.memory_space<vmem>>
    %dma_start3A_49 = arith.constant 1 : i32
    %dma_start3A_50 = arith.constant 0 : i32
    %dma_start3A_51 = arith.constant 0 : i32
    %dma_start3A_52 = tpu.memref_slice %arg2[%add3A, %dma_start3A_49, %dma_start3A_50, %dma_start3A_51] : memref<32x38x8x512xi32, #tpu.memory_space<hbm>> -> memref<1x1x8x512xi32, #tpu.memory_space<hbm>>
    %dma_start3A_53 = tpu.memref_squeeze %dma_start3A_52 : memref<1x1x8x512xi32, #tpu.memory_space<hbm>> -> memref<1x8x512xi32, #tpu.memory_space<hbm>>
    tpu.enqueue_dma source(%dma_start3A_53 : memref<1x8x512xi32, #tpu.memory_space<hbm>>) target(%dma_start3A_48 : memref<1x8x512xi32, #tpu.memory_space<vmem>>) target_semaphore(%arg8 : memref<!tpu.dma_semaphore, #tpu.memory_space<semaphore_mem>>)
    %scan3A_54 = arith.constant 0 : i32
    %scan3A_55 = arith.constant 0 : i32
    %scan3A_56 = arith.constant 19 : i32
    %scan3A_57 = arith.addi %scan3A_55, %scan3A_56 : i32
    %scan3A_58 = arith.constant 1 : i32
    scf.for %scan3A_66 = %scan3A_55 to %scan3A_57 step %scan3A_58  : i32 {
      %dma_wait3A = arith.constant 0 : i32
      %dma_wait3A_67 = arith.constant 0 : i32
      %dma_wait3A_68 = arith.constant 0 : i32
      %dma_wait3A_69 = arith.constant 0 : i32
      %dma_wait3A_70 = tpu.memref_slice %arg4[%dma_wait3A, %dma_wait3A_67, %dma_wait3A_68, %dma_wait3A_69] : memref<2x1x8x512xi32, #tpu.memory_space<vmem>> -> memref<1x1x8x512xi32, #tpu.memory_space<vmem>>
      %dma_wait3A_71 = tpu.memref_squeeze %dma_wait3A_70 : memref<1x1x8x512xi32, #tpu.memory_space<vmem>> -> memref<1x8x512xi32, #tpu.memory_space<vmem>>
      %dma_wait3A_72 = arith.constant 0 : i32
      %dma_wait3A_73 = arith.constant 0 : i32
      %dma_wait3A_74 = arith.constant 0 : i32
      %dma_wait3A_75 = tpu.memref_slice %arg2[%add3A, %dma_wait3A_72, %dma_wait3A_73, %dma_wait3A_74] : memref<32x38x8x512xi32, #tpu.memory_space<hbm>> -> memref<1x1x8x512xi32, #tpu.memory_space<hbm>>
      %dma_wait3A_76 = tpu.memref_squeeze %dma_wait3A_75 : memref<1x1x8x512xi32, #tpu.memory_space<hbm>> -> memref<1x8x512xi32, #tpu.memory_space<hbm>>
      %dma_wait3A_77 = arith.constant 0 : i32
      %dma_wait3A_78 = arith.constant 0 : i32
      %dma_wait3A_79 = arith.constant 0 : i32
      %dma_wait3A_80 = tpu.memref_slice %arg4[%dma_wait3A, %dma_wait3A_77, %dma_wait3A_78, %dma_wait3A_79] : memref<2x1x8x512xi32, #tpu.memory_space<vmem>> -> memref<1x1x8x512xi32, #tpu.memory_space<vmem>>
      %dma_wait3A_81 = tpu.memref_squeeze %dma_wait3A_80 : memref<1x1x8x512xi32, #tpu.memory_space<vmem>> -> memref<1x8x512xi32, #tpu.memory_space<vmem>>
      %dma_wait3A_82 = arith.constant 0 : i32
      %dma_wait3A_83 = arith.constant 0 : i32
      %dma_wait3A_84 = arith.constant 0 : i32
      %dma_wait3A_85 = tpu.memref_slice %arg2[%add3A, %dma_wait3A_82, %dma_wait3A_83, %dma_wait3A_84] : memref<32x38x8x512xi32, #tpu.memory_space<hbm>> -> memref<1x1x8x512xi32, #tpu.memory_space<hbm>>
      %dma_wait3A_86 = tpu.memref_squeeze %dma_wait3A_85 : memref<1x1x8x512xi32, #tpu.memory_space<hbm>> -> memref<1x8x512xi32, #tpu.memory_space<hbm>>
      tpu.wait_dma2 semaphore(%arg7 : memref<!tpu.dma_semaphore, #tpu.memory_space<semaphore_mem>>) src(%dma_wait3A_86 : memref<1x8x512xi32, #tpu.memory_space<hbm>>) dst(%dma_wait3A_81 : memref<1x8x512xi32, #tpu.memory_space<vmem>>)
      %parallel_loop3A = arith.constant 0 : i32
      %parallel_loop3A_87 = arith.constant 32 : i32
      %parallel_loop3A_88 = arith.constant 1 : i32
      scf.for %parallel_loop3A_170 = %parallel_loop3A to %parallel_loop3A_87 step %parallel_loop3A_88  : i32 {
        %parallel_loop3A_171 = arith.constant 16 : i32
        %parallel_loop3A_172 = arith.muli %parallel_loop3A_170, %parallel_loop3A_171 : i32
        %parallel_loop3A_173 = arith.constant 0 : i32
        %parallel_loop3A_174 = arith.constant 0 : i32
        %parallel_loop3A_175 = arith.constant 0 : i32
        %parallel_loop3A_176 = arith.index_cast %parallel_loop3A_173 : i32 to index
        %parallel_loop3A_177 = arith.index_cast %parallel_loop3A_174 : i32 to index
        %parallel_loop3A_178 = arith.index_cast %parallel_loop3A_175 : i32 to index
        %parallel_loop3A_179 = arith.index_cast %parallel_loop3A_172 : i32 to index
        %parallel_loop3A_180 = tpu.vector_load %arg4[%parallel_loop3A_176, %parallel_loop3A_177, %parallel_loop3A_178, %parallel_loop3A_179] {strides = array<i32>} : memref<2x1x8x512xi32, #tpu.memory_space<vmem>>, vector<16xi32>,
        %parallel_loop3A_181 = arith.andi %parallel_loop3A_180, %broadcast_in_dim3A_10 : vector<16xi32>
        %parallel_loop3A_182 = vector.bitcast %parallel_loop3A_181 : vector<16xi32> to vector<16xi32>
        %parallel_loop3A_183 = arith.shrui %parallel_loop3A_180, %broadcast_in_dim3A_12 : vector<16xi32>
        %parallel_loop3A_184 = vector.bitcast %parallel_loop3A_183 : vector<16xi32> to vector<16xi32>
        tpu.vector_store_idx %arg5[%parallel_loop3A_182], %broadcast_in_dim3A_8 {add = true} : memref<38912xi32, #tpu.memory_space<vmem>>[vector<16xi32>], vector<16xi32>,
        tpu.vector_store_idx %arg6[%parallel_loop3A_184], %broadcast_in_dim3A_8 {add = true} : memref<38912xi32, #tpu.memory_space<vmem>>[vector<16xi32>], vector<16xi32>,
      } {sc.loop_unroll_factor = 8 : i64, sc.parallel_access}
      %parallel_loop3A_89 = arith.constant 0 : i32
      %parallel_loop3A_90 = arith.constant 32 : i32
      %parallel_loop3A_91 = arith.constant 1 : i32
      scf.for %parallel_loop3A_170 = %parallel_loop3A_89 to %parallel_loop3A_90 step %parallel_loop3A_91  : i32 {
        %parallel_loop3A_171 = arith.constant 16 : i32
        %parallel_loop3A_172 = arith.muli %parallel_loop3A_170, %parallel_loop3A_171 : i32
        %parallel_loop3A_173 = arith.constant 0 : i32
        %parallel_loop3A_174 = arith.constant 0 : i32
        %parallel_loop3A_175 = arith.constant 1 : i32
        %parallel_loop3A_176 = arith.index_cast %parallel_loop3A_173 : i32 to index
        %parallel_loop3A_177 = arith.index_cast %parallel_loop3A_174 : i32 to index
        %parallel_loop3A_178 = arith.index_cast %parallel_loop3A_175 : i32 to index
        %parallel_loop3A_179 = arith.index_cast %parallel_loop3A_172 : i32 to index
        %parallel_loop3A_180 = tpu.vector_load %arg4[%parallel_loop3A_176, %parallel_loop3A_177, %parallel_loop3A_178, %parallel_loop3A_179] {strides = array<i32>} : memref<2x1x8x512xi32, #tpu.memory_space<vmem>>, vector<16xi32>,
        %parallel_loop3A_181 = arith.andi %parallel_loop3A_180, %broadcast_in_dim3A_10 : vector<16xi32>
        %parallel_loop3A_182 = vector.bitcast %parallel_loop3A_181 : vector<16xi32> to vector<16xi32>
        %parallel_loop3A_183 = arith.shrui %parallel_loop3A_180, %broadcast_in_dim3A_12 : vector<16xi32>
        %parallel_loop3A_184 = vector.bitcast %parallel_loop3A_183 : vector<16xi32> to vector<16xi32>
        tpu.vector_store_idx %arg5[%parallel_loop3A_182], %broadcast_in_dim3A_8 {add = true} : memref<38912xi32, #tpu.memory_space<vmem>>[vector<16xi32>], vector<16xi32>,
        tpu.vector_store_idx %arg6[%parallel_loop3A_184], %broadcast_in_dim3A_8 {add = true} : memref<38912xi32, #tpu.memory_space<vmem>>[vector<16xi32>], vector<16xi32>,
      } {sc.loop_unroll_factor = 8 : i64, sc.parallel_access}
      %parallel_loop3A_92 = arith.constant 0 : i32
      %parallel_loop3A_93 = arith.constant 32 : i32
      %parallel_loop3A_94 = arith.constant 1 : i32
      scf.for %parallel_loop3A_170 = %parallel_loop3A_92 to %parallel_loop3A_93 step %parallel_loop3A_94  : i32 {
        %parallel_loop3A_171 = arith.constant 16 : i32
        %parallel_loop3A_172 = arith.muli %parallel_loop3A_170, %parallel_loop3A_171 : i32
        %parallel_loop3A_173 = arith.constant 0 : i32
        %parallel_loop3A_174 = arith.constant 0 : i32
        %parallel_loop3A_175 = arith.constant 2 : i32
        %parallel_loop3A_176 = arith.index_cast %parallel_loop3A_173 : i32 to index
        %parallel_loop3A_177 = arith.index_cast %parallel_loop3A_174 : i32 to index
        %parallel_loop3A_178 = arith.index_cast %parallel_loop3A_175 : i32 to index
        %parallel_loop3A_179 = arith.index_cast %parallel_loop3A_172 : i32 to index
        %parallel_loop3A_180 = tpu.vector_load %arg4[%parallel_loop3A_176, %parallel_loop3A_177, %parallel_loop3A_178, %parallel_loop3A_179] {strides = array<i32>} : memref<2x1x8x512xi32, #tpu.memory_space<vmem>>, vector<16xi32>,
        %parallel_loop3A_181 = arith.andi %parallel_loop3A_180, %broadcast_in_dim3A_10 : vector<16xi32>
        %parallel_loop3A_182 = vector.bitcast %parallel_loop3A_181 : vector<16xi32> to vector<16xi32>
        %parallel_loop3A_183 = arith.shrui %parallel_loop3A_180, %broadcast_in_dim3A_12 : vector<16xi32>
        %parallel_loop3A_184 = vector.bitcast %parallel_loop3A_183 : vector<16xi32> to vector<16xi32>
        tpu.vector_store_idx %arg5[%parallel_loop3A_182], %broadcast_in_dim3A_8 {add = true} : memref<38912xi32, #tpu.memory_space<vmem>>[vector<16xi32>], vector<16xi32>,
        tpu.vector_store_idx %arg6[%parallel_loop3A_184], %broadcast_in_dim3A_8 {add = true} : memref<38912xi32, #tpu.memory_space<vmem>>[vector<16xi32>], vector<16xi32>,
      } {sc.loop_unroll_factor = 8 : i64, sc.parallel_access}
      %parallel_loop3A_95 = arith.constant 0 : i32
      %parallel_loop3A_96 = arith.constant 32 : i32
      %parallel_loop3A_97 = arith.constant 1 : i32
      scf.for %parallel_loop3A_170 = %parallel_loop3A_95 to %parallel_loop3A_96 step %parallel_loop3A_97  : i32 {
        %parallel_loop3A_171 = arith.constant 16 : i32
        %parallel_loop3A_172 = arith.muli %parallel_loop3A_170, %parallel_loop3A_171 : i32
        %parallel_loop3A_173 = arith.constant 0 : i32
        %parallel_loop3A_174 = arith.constant 0 : i32
        %parallel_loop3A_175 = arith.constant 3 : i32
        %parallel_loop3A_176 = arith.index_cast %parallel_loop3A_173 : i32 to index
        %parallel_loop3A_177 = arith.index_cast %parallel_loop3A_174 : i32 to index
        %parallel_loop3A_178 = arith.index_cast %parallel_loop3A_175 : i32 to index
        %parallel_loop3A_179 = arith.index_cast %parallel_loop3A_172 : i32 to index
        %parallel_loop3A_180 = tpu.vector_load %arg4[%parallel_loop3A_176, %parallel_loop3A_177, %parallel_loop3A_178, %parallel_loop3A_179] {strides = array<i32>} : memref<2x1x8x512xi32, #tpu.memory_space<vmem>>, vector<16xi32>,
        %parallel_loop3A_181 = arith.andi %parallel_loop3A_180, %broadcast_in_dim3A_10 : vector<16xi32>
        %parallel_loop3A_182 = vector.bitcast %parallel_loop3A_181 : vector<16xi32> to vector<16xi32>
        %parallel_loop3A_183 = arith.shrui %parallel_loop3A_180, %broadcast_in_dim3A_12 : vector<16xi32>
        %parallel_loop3A_184 = vector.bitcast %parallel_loop3A_183 : vector<16xi32> to vector<16xi32>
        tpu.vector_store_idx %arg5[%parallel_loop3A_182], %broadcast_in_dim3A_8 {add = true} : memref<38912xi32, #tpu.memory_space<vmem>>[vector<16xi32>], vector<16xi32>,
        tpu.vector_store_idx %arg6[%parallel_loop3A_184], %broadcast_in_dim3A_8 {add = true} : memref<38912xi32, #tpu.memory_space<vmem>>[vector<16xi32>], vector<16xi32>,
      } {sc.loop_unroll_factor = 8 : i64, sc.parallel_access}
      %parallel_loop3A_98 = arith.constant 0 : i32
      %parallel_loop3A_99 = arith.constant 32 : i32
      %parallel_loop3A_100 = arith.constant 1 : i32
      scf.for %parallel_loop3A_170 = %parallel_loop3A_98 to %parallel_loop3A_99 step %parallel_loop3A_100  : i32 {
        %parallel_loop3A_171 = arith.constant 16 : i32
        %parallel_loop3A_172 = arith.muli %parallel_loop3A_170, %parallel_loop3A_171 : i32
        %parallel_loop3A_173 = arith.constant 0 : i32
        %parallel_loop3A_174 = arith.constant 0 : i32
        %parallel_loop3A_175 = arith.constant 4 : i32
        %parallel_loop3A_176 = arith.index_cast %parallel_loop3A_173 : i32 to index
        %parallel_loop3A_177 = arith.index_cast %parallel_loop3A_174 : i32 to index
        %parallel_loop3A_178 = arith.index_cast %parallel_loop3A_175 : i32 to index
        %parallel_loop3A_179 = arith.index_cast %parallel_loop3A_172 : i32 to index
        %parallel_loop3A_180 = tpu.vector_load %arg4[%parallel_loop3A_176, %parallel_loop3A_177, %parallel_loop3A_178, %parallel_loop3A_179] {strides = array<i32>} : memref<2x1x8x512xi32, #tpu.memory_space<vmem>>, vector<16xi32>,
        %parallel_loop3A_181 = arith.andi %parallel_loop3A_180, %broadcast_in_dim3A_10 : vector<16xi32>
        %parallel_loop3A_182 = vector.bitcast %parallel_loop3A_181 : vector<16xi32> to vector<16xi32>
        %parallel_loop3A_183 = arith.shrui %parallel_loop3A_180, %broadcast_in_dim3A_12 : vector<16xi32>
        %parallel_loop3A_184 = vector.bitcast %parallel_loop3A_183 : vector<16xi32> to vector<16xi32>
        tpu.vector_store_idx %arg5[%parallel_loop3A_182], %broadcast_in_dim3A_8 {add = true} : memref<38912xi32, #tpu.memory_space<vmem>>[vector<16xi32>], vector<16xi32>,
        tpu.vector_store_idx %arg6[%parallel_loop3A_184], %broadcast_in_dim3A_8 {add = true} : memref<38912xi32, #tpu.memory_space<vmem>>[vector<16xi32>], vector<16xi32>,
      } {sc.loop_unroll_factor = 8 : i64, sc.parallel_access}
      %parallel_loop3A_101 = arith.constant 0 : i32
      %parallel_loop3A_102 = arith.constant 32 : i32
      %parallel_loop3A_103 = arith.constant 1 : i32
      scf.for %parallel_loop3A_170 = %parallel_loop3A_101 to %parallel_loop3A_102 step %parallel_loop3A_103  : i32 {
        %parallel_loop3A_171 = arith.constant 16 : i32
        %parallel_loop3A_172 = arith.muli %parallel_loop3A_170, %parallel_loop3A_171 : i32
        %parallel_loop3A_173 = arith.constant 0 : i32
        %parallel_loop3A_174 = arith.constant 0 : i32
        %parallel_loop3A_175 = arith.constant 5 : i32
        %parallel_loop3A_176 = arith.index_cast %parallel_loop3A_173 : i32 to index
        %parallel_loop3A_177 = arith.index_cast %parallel_loop3A_174 : i32 to index
        %parallel_loop3A_178 = arith.index_cast %parallel_loop3A_175 : i32 to index
        %parallel_loop3A_179 = arith.index_cast %parallel_loop3A_172 : i32 to index
        %parallel_loop3A_180 = tpu.vector_load %arg4[%parallel_loop3A_176, %parallel_loop3A_177, %parallel_loop3A_178, %parallel_loop3A_179] {strides = array<i32>} : memref<2x1x8x512xi32, #tpu.memory_space<vmem>>, vector<16xi32>,
        %parallel_loop3A_181 = arith.andi %parallel_loop3A_180, %broadcast_in_dim3A_10 : vector<16xi32>
        %parallel_loop3A_182 = vector.bitcast %parallel_loop3A_181 : vector<16xi32> to vector<16xi32>
        %parallel_loop3A_183 = arith.shrui %parallel_loop3A_180, %broadcast_in_dim3A_12 : vector<16xi32>
        %parallel_loop3A_184 = vector.bitcast %parallel_loop3A_183 : vector<16xi32> to vector<16xi32>
        tpu.vector_store_idx %arg5[%parallel_loop3A_182], %broadcast_in_dim3A_8 {add = true} : memref<38912xi32, #tpu.memory_space<vmem>>[vector<16xi32>], vector<16xi32>,
        tpu.vector_store_idx %arg6[%parallel_loop3A_184], %broadcast_in_dim3A_8 {add = true} : memref<38912xi32, #tpu.memory_space<vmem>>[vector<16xi32>], vector<16xi32>,
      } {sc.loop_unroll_factor = 8 : i64, sc.parallel_access}
      %parallel_loop3A_104 = arith.constant 0 : i32
      %parallel_loop3A_105 = arith.constant 32 : i32
      %parallel_loop3A_106 = arith.constant 1 : i32
      scf.for %parallel_loop3A_170 = %parallel_loop3A_104 to %parallel_loop3A_105 step %parallel_loop3A_106  : i32 {
        %parallel_loop3A_171 = arith.constant 16 : i32
        %parallel_loop3A_172 = arith.muli %parallel_loop3A_170, %parallel_loop3A_171 : i32
        %parallel_loop3A_173 = arith.constant 0 : i32
        %parallel_loop3A_174 = arith.constant 0 : i32
        %parallel_loop3A_175 = arith.constant 6 : i32
        %parallel_loop3A_176 = arith.index_cast %parallel_loop3A_173 : i32 to index
        %parallel_loop3A_177 = arith.index_cast %parallel_loop3A_174 : i32 to index
        %parallel_loop3A_178 = arith.index_cast %parallel_loop3A_175 : i32 to index
        %parallel_loop3A_179 = arith.index_cast %parallel_loop3A_172 : i32 to index
        %parallel_loop3A_180 = tpu.vector_load %arg4[%parallel_loop3A_176, %parallel_loop3A_177, %parallel_loop3A_178, %parallel_loop3A_179] {strides = array<i32>} : memref<2x1x8x512xi32, #tpu.memory_space<vmem>>, vector<16xi32>,
        %parallel_loop3A_181 = arith.andi %parallel_loop3A_180, %broadcast_in_dim3A_10 : vector<16xi32>
        %parallel_loop3A_182 = vector.bitcast %parallel_loop3A_181 : vector<16xi32> to vector<16xi32>
        %parallel_loop3A_183 = arith.shrui %parallel_loop3A_180, %broadcast_in_dim3A_12 : vector<16xi32>
        %parallel_loop3A_184 = vector.bitcast %parallel_loop3A_183 : vector<16xi32> to vector<16xi32>
        tpu.vector_store_idx %arg5[%parallel_loop3A_182], %broadcast_in_dim3A_8 {add = true} : memref<38912xi32, #tpu.memory_space<vmem>>[vector<16xi32>], vector<16xi32>,
        tpu.vector_store_idx %arg6[%parallel_loop3A_184], %broadcast_in_dim3A_8 {add = true} : memref<38912xi32, #tpu.memory_space<vmem>>[vector<16xi32>], vector<16xi32>,
      } {sc.loop_unroll_factor = 8 : i64, sc.parallel_access}
      %parallel_loop3A_107 = arith.constant 0 : i32
      %parallel_loop3A_108 = arith.constant 32 : i32
      %parallel_loop3A_109 = arith.constant 1 : i32
      scf.for %parallel_loop3A_170 = %parallel_loop3A_107 to %parallel_loop3A_108 step %parallel_loop3A_109  : i32 {
        %parallel_loop3A_171 = arith.constant 16 : i32
        %parallel_loop3A_172 = arith.muli %parallel_loop3A_170, %parallel_loop3A_171 : i32
        %parallel_loop3A_173 = arith.constant 0 : i32
        %parallel_loop3A_174 = arith.constant 0 : i32
        %parallel_loop3A_175 = arith.constant 7 : i32
        %parallel_loop3A_176 = arith.index_cast %parallel_loop3A_173 : i32 to index
        %parallel_loop3A_177 = arith.index_cast %parallel_loop3A_174 : i32 to index
        %parallel_loop3A_178 = arith.index_cast %parallel_loop3A_175 : i32 to index
        %parallel_loop3A_179 = arith.index_cast %parallel_loop3A_172 : i32 to index
        %parallel_loop3A_180 = tpu.vector_load %arg4[%parallel_loop3A_176, %parallel_loop3A_177, %parallel_loop3A_178, %parallel_loop3A_179] {strides = array<i32>} : memref<2x1x8x512xi32, #tpu.memory_space<vmem>>, vector<16xi32>,
        %parallel_loop3A_181 = arith.andi %parallel_loop3A_180, %broadcast_in_dim3A_10 : vector<16xi32>
        %parallel_loop3A_182 = vector.bitcast %parallel_loop3A_181 : vector<16xi32> to vector<16xi32>
        %parallel_loop3A_183 = arith.shrui %parallel_loop3A_180, %broadcast_in_dim3A_12 : vector<16xi32>
        %parallel_loop3A_184 = vector.bitcast %parallel_loop3A_183 : vector<16xi32> to vector<16xi32>
        tpu.vector_store_idx %arg5[%parallel_loop3A_182], %broadcast_in_dim3A_8 {add = true} : memref<38912xi32, #tpu.memory_space<vmem>>[vector<16xi32>], vector<16xi32>,
        tpu.vector_store_idx %arg6[%parallel_loop3A_184], %broadcast_in_dim3A_8 {add = true} : memref<38912xi32, #tpu.memory_space<vmem>>[vector<16xi32>], vector<16xi32>,
      } {sc.loop_unroll_factor = 8 : i64, sc.parallel_access}
      %mul3A_110 = arith.constant 2 : i32
      %mul3A_111 = arith.muli %mul3A_110, %scan3A_66 : i32
      %add3A_112 = arith.constant 2 : i32
      %add3A_113 = arith.addi %mul3A_111, %add3A_112 : i32
      %lt3A = arith.constant 38 : i32
      %lt3A_114 = arith.cmpi slt, %add3A_113, %lt3A : i32
      %convert_element_type3A = arith.extui %lt3A_114 : i1 to i32
      %cond3A = arith.constant 0 : i32
      %cond3A_115 = arith.cmpi ne, %convert_element_type3A, %cond3A : i32
      scf.if %cond3A_115 {
        %mul3A_170 = arith.constant 2 : i32
        %mul3A_171 = arith.muli %mul3A_170, %scan3A_66 : i32
        %add3A_172 = arith.constant 2 : i32
        %add3A_173 = arith.addi %mul3A_171, %add3A_172 : i32
        %mul3A_174 = arith.constant 1 : i32
        %mul3A_175 = arith.muli %add3A_173, %mul3A_174 : i32
        %dma_start3A_176 = arith.constant 0 : i32
        %dma_start3A_177 = arith.constant 0 : i32
        %dma_start3A_178 = arith.constant 0 : i32
        %dma_start3A_179 = arith.constant 0 : i32
        %dma_start3A_180 = tpu.memref_slice %arg4[%dma_start3A_176, %dma_start3A_177, %dma_start3A_178, %dma_start3A_179] : memref<2x1x8x512xi32, #tpu.memory_space<vmem>> -> memref<1x1x8x512xi32, #tpu.memory_space<vmem>>
        %dma_start3A_181 = tpu.memref_squeeze %dma_start3A_180 : memref<1x1x8x512xi32, #tpu.memory_space<vmem>> -> memref<1x8x512xi32, #tpu.memory_space<vmem>>
        %dma_start3A_182 = arith.constant 0 : i32
        %dma_start3A_183 = arith.constant 0 : i32
        %dma_start3A_184 = tpu.memref_slice %arg2[%add3A, %mul3A_175, %dma_start3A_182, %dma_start3A_183] : memref<32x38x8x512xi32, #tpu.memory_space<hbm>> -> memref<1x1x8x512xi32, #tpu.memory_space<hbm>>
        %dma_start3A_185 = tpu.memref_squeeze %dma_start3A_184 : memref<1x1x8x512xi32, #tpu.memory_space<hbm>> -> memref<1x8x512xi32, #tpu.memory_space<hbm>>
        %dma_start3A_186 = arith.constant 0 : i32
        %dma_start3A_187 = arith.constant 0 : i32
        %dma_start3A_188 = arith.constant 0 : i32
        %dma_start3A_189 = tpu.memref_slice %arg4[%dma_start3A_176, %dma_start3A_186, %dma_start3A_187, %dma_start3A_188] : memref<2x1x8x512xi32, #tpu.memory_space<vmem>> -> memref<1x1x8x512xi32, #tpu.memory_space<vmem>>
        %dma_start3A_190 = tpu.memref_squeeze %dma_start3A_189 : memref<1x1x8x512xi32, #tpu.memory_space<vmem>> -> memref<1x8x512xi32, #tpu.memory_space<vmem>>
        %dma_start3A_191 = arith.constant 0 : i32
        %dma_start3A_192 = arith.constant 0 : i32
        %dma_start3A_193 = tpu.memref_slice %arg2[%add3A, %mul3A_175, %dma_start3A_191, %dma_start3A_192] : memref<32x38x8x512xi32, #tpu.memory_space<hbm>> -> memref<1x1x8x512xi32, #tpu.memory_space<hbm>>
        %dma_start3A_194 = tpu.memref_squeeze %dma_start3A_193 : memref<1x1x8x512xi32, #tpu.memory_space<hbm>> -> memref<1x8x512xi32, #tpu.memory_space<hbm>>
        tpu.enqueue_dma source(%dma_start3A_194 : memref<1x8x512xi32, #tpu.memory_space<hbm>>) target(%dma_start3A_190 : memref<1x8x512xi32, #tpu.memory_space<vmem>>) target_semaphore(%arg7 : memref<!tpu.dma_semaphore, #tpu.memory_space<semaphore_mem>>)
      } else {
      }
      %dma_wait3A_116 = arith.constant 1 : i32
      %dma_wait3A_117 = arith.constant 0 : i32
      %dma_wait3A_118 = arith.constant 0 : i32
      %dma_wait3A_119 = arith.constant 0 : i32
      %dma_wait3A_120 = tpu.memref_slice %arg4[%dma_wait3A_116, %dma_wait3A_117, %dma_wait3A_118, %dma_wait3A_119] : memref<2x1x8x512xi32, #tpu.memory_space<vmem>> -> memref<1x1x8x512xi32, #tpu.memory_space<vmem>>
      %dma_wait3A_121 = tpu.memref_squeeze %dma_wait3A_120 : memref<1x1x8x512xi32, #tpu.memory_space<vmem>> -> memref<1x8x512xi32, #tpu.memory_space<vmem>>
      %dma_wait3A_122 = arith.constant 0 : i32
      %dma_wait3A_123 = arith.constant 0 : i32
      %dma_wait3A_124 = arith.constant 0 : i32
      %dma_wait3A_125 = tpu.memref_slice %arg2[%add3A, %dma_wait3A_122, %dma_wait3A_123, %dma_wait3A_124] : memref<32x38x8x512xi32, #tpu.memory_space<hbm>> -> memref<1x1x8x512xi32, #tpu.memory_space<hbm>>
      %dma_wait3A_126 = tpu.memref_squeeze %dma_wait3A_125 : memref<1x1x8x512xi32, #tpu.memory_space<hbm>> -> memref<1x8x512xi32, #tpu.memory_space<hbm>>
      %dma_wait3A_127 = arith.constant 0 : i32
      %dma_wait3A_128 = arith.constant 0 : i32
      %dma_wait3A_129 = arith.constant 0 : i32
      %dma_wait3A_130 = tpu.memref_slice %arg4[%dma_wait3A_116, %dma_wait3A_127, %dma_wait3A_128, %dma_wait3A_129] : memref<2x1x8x512xi32, #tpu.memory_space<vmem>> -> memref<1x1x8x512xi32, #tpu.memory_space<vmem>>
      %dma_wait3A_131 = tpu.memref_squeeze %dma_wait3A_130 : memref<1x1x8x512xi32, #tpu.memory_space<vmem>> -> memref<1x8x512xi32, #tpu.memory_space<vmem>>
      %dma_wait3A_132 = arith.constant 0 : i32
      %dma_wait3A_133 = arith.constant 0 : i32
      %dma_wait3A_134 = arith.constant 0 : i32
      %dma_wait3A_135 = tpu.memref_slice %arg2[%add3A, %dma_wait3A_132, %dma_wait3A_133, %dma_wait3A_134] : memref<32x38x8x512xi32, #tpu.memory_space<hbm>> -> memref<1x1x8x512xi32, #tpu.memory_space<hbm>>
      %dma_wait3A_136 = tpu.memref_squeeze %dma_wait3A_135 : memref<1x1x8x512xi32, #tpu.memory_space<hbm>> -> memref<1x8x512xi32, #tpu.memory_space<hbm>>
      tpu.wait_dma2 semaphore(%arg8 : memref<!tpu.dma_semaphore, #tpu.memory_space<semaphore_mem>>) src(%dma_wait3A_136 : memref<1x8x512xi32, #tpu.memory_space<hbm>>) dst(%dma_wait3A_131 : memref<1x8x512xi32, #tpu.memory_space<vmem>>)
      %parallel_loop3A_137 = arith.constant 0 : i32
      %parallel_loop3A_138 = arith.constant 32 : i32
      %parallel_loop3A_139 = arith.constant 1 : i32
      scf.for %parallel_loop3A_170 = %parallel_loop3A_137 to %parallel_loop3A_138 step %parallel_loop3A_139  : i32 {
        %parallel_loop3A_171 = arith.constant 16 : i32
        %parallel_loop3A_172 = arith.muli %parallel_loop3A_170, %parallel_loop3A_171 : i32
        %parallel_loop3A_173 = arith.constant 1 : i32
        %parallel_loop3A_174 = arith.constant 0 : i32
        %parallel_loop3A_175 = arith.constant 0 : i32
        %parallel_loop3A_176 = arith.index_cast %parallel_loop3A_173 : i32 to index
        %parallel_loop3A_177 = arith.index_cast %parallel_loop3A_174 : i32 to index
        %parallel_loop3A_178 = arith.index_cast %parallel_loop3A_175 : i32 to index
        %parallel_loop3A_179 = arith.index_cast %parallel_loop3A_172 : i32 to index
        %parallel_loop3A_180 = tpu.vector_load %arg4[%parallel_loop3A_176, %parallel_loop3A_177, %parallel_loop3A_178, %parallel_loop3A_179] {strides = array<i32>} : memref<2x1x8x512xi32, #tpu.memory_space<vmem>>, vector<16xi32>,
        %parallel_loop3A_181 = arith.andi %parallel_loop3A_180, %broadcast_in_dim3A_10 : vector<16xi32>
        %parallel_loop3A_182 = vector.bitcast %parallel_loop3A_181 : vector<16xi32> to vector<16xi32>
        %parallel_loop3A_183 = arith.shrui %parallel_loop3A_180, %broadcast_in_dim3A_12 : vector<16xi32>
        %parallel_loop3A_184 = vector.bitcast %parallel_loop3A_183 : vector<16xi32> to vector<16xi32>
        tpu.vector_store_idx %arg5[%parallel_loop3A_182], %broadcast_in_dim3A_8 {add = true} : memref<38912xi32, #tpu.memory_space<vmem>>[vector<16xi32>], vector<16xi32>,
        tpu.vector_store_idx %arg6[%parallel_loop3A_184], %broadcast_in_dim3A_8 {add = true} : memref<38912xi32, #tpu.memory_space<vmem>>[vector<16xi32>], vector<16xi32>,
      } {sc.loop_unroll_factor = 8 : i64, sc.parallel_access}
      %parallel_loop3A_140 = arith.constant 0 : i32
      %parallel_loop3A_141 = arith.constant 32 : i32
      %parallel_loop3A_142 = arith.constant 1 : i32
      scf.for %parallel_loop3A_170 = %parallel_loop3A_140 to %parallel_loop3A_141 step %parallel_loop3A_142  : i32 {
        %parallel_loop3A_171 = arith.constant 16 : i32
        %parallel_loop3A_172 = arith.muli %parallel_loop3A_170, %parallel_loop3A_171 : i32
        %parallel_loop3A_173 = arith.constant 1 : i32
        %parallel_loop3A_174 = arith.constant 0 : i32
        %parallel_loop3A_175 = arith.constant 1 : i32
        %parallel_loop3A_176 = arith.index_cast %parallel_loop3A_173 : i32 to index
        %parallel_loop3A_177 = arith.index_cast %parallel_loop3A_174 : i32 to index
        %parallel_loop3A_178 = arith.index_cast %parallel_loop3A_175 : i32 to index
        %parallel_loop3A_179 = arith.index_cast %parallel_loop3A_172 : i32 to index
        %parallel_loop3A_180 = tpu.vector_load %arg4[%parallel_loop3A_176, %parallel_loop3A_177, %parallel_loop3A_178, %parallel_loop3A_179] {strides = array<i32>} : memref<2x1x8x512xi32, #tpu.memory_space<vmem>>, vector<16xi32>,
        %parallel_loop3A_181 = arith.andi %parallel_loop3A_180, %broadcast_in_dim3A_10 : vector<16xi32>
        %parallel_loop3A_182 = vector.bitcast %parallel_loop3A_181 : vector<16xi32> to vector<16xi32>
        %parallel_loop3A_183 = arith.shrui %parallel_loop3A_180, %broadcast_in_dim3A_12 : vector<16xi32>
        %parallel_loop3A_184 = vector.bitcast %parallel_loop3A_183 : vector<16xi32> to vector<16xi32>
        tpu.vector_store_idx %arg5[%parallel_loop3A_182], %broadcast_in_dim3A_8 {add = true} : memref<38912xi32, #tpu.memory_space<vmem>>[vector<16xi32>], vector<16xi32>,
        tpu.vector_store_idx %arg6[%parallel_loop3A_184], %broadcast_in_dim3A_8 {add = true} : memref<38912xi32, #tpu.memory_space<vmem>>[vector<16xi32>], vector<16xi32>,
      } {sc.loop_unroll_factor = 8 : i64, sc.parallel_access}
      %parallel_loop3A_143 = arith.constant 0 : i32
      %parallel_loop3A_144 = arith.constant 32 : i32
      %parallel_loop3A_145 = arith.constant 1 : i32
      scf.for %parallel_loop3A_170 = %parallel_loop3A_143 to %parallel_loop3A_144 step %parallel_loop3A_145  : i32 {
        %parallel_loop3A_171 = arith.constant 16 : i32
        %parallel_loop3A_172 = arith.muli %parallel_loop3A_170, %parallel_loop3A_171 : i32
        %parallel_loop3A_173 = arith.constant 1 : i32
        %parallel_loop3A_174 = arith.constant 0 : i32
        %parallel_loop3A_175 = arith.constant 2 : i32
        %parallel_loop3A_176 = arith.index_cast %parallel_loop3A_173 : i32 to index
        %parallel_loop3A_177 = arith.index_cast %parallel_loop3A_174 : i32 to index
        %parallel_loop3A_178 = arith.index_cast %parallel_loop3A_175 : i32 to index
        %parallel_loop3A_179 = arith.index_cast %parallel_loop3A_172 : i32 to index
        %parallel_loop3A_180 = tpu.vector_load %arg4[%parallel_loop3A_176, %parallel_loop3A_177, %parallel_loop3A_178, %parallel_loop3A_179] {strides = array<i32>} : memref<2x1x8x512xi32, #tpu.memory_space<vmem>>, vector<16xi32>,
        %parallel_loop3A_181 = arith.andi %parallel_loop3A_180, %broadcast_in_dim3A_10 : vector<16xi32>
        %parallel_loop3A_182 = vector.bitcast %parallel_loop3A_181 : vector<16xi32> to vector<16xi32>
        %parallel_loop3A_183 = arith.shrui %parallel_loop3A_180, %broadcast_in_dim3A_12 : vector<16xi32>
        %parallel_loop3A_184 = vector.bitcast %parallel_loop3A_183 : vector<16xi32> to vector<16xi32>
        tpu.vector_store_idx %arg5[%parallel_loop3A_182], %broadcast_in_dim3A_8 {add = true} : memref<38912xi32, #tpu.memory_space<vmem>>[vector<16xi32>], vector<16xi32>,
        tpu.vector_store_idx %arg6[%parallel_loop3A_184], %broadcast_in_dim3A_8 {add = true} : memref<38912xi32, #tpu.memory_space<vmem>>[vector<16xi32>], vector<16xi32>,
      } {sc.loop_unroll_factor = 8 : i64, sc.parallel_access}
      %parallel_loop3A_146 = arith.constant 0 : i32
      %parallel_loop3A_147 = arith.constant 32 : i32
      %parallel_loop3A_148 = arith.constant 1 : i32
      scf.for %parallel_loop3A_170 = %parallel_loop3A_146 to %parallel_loop3A_147 step %parallel_loop3A_148  : i32 {
        %parallel_loop3A_171 = arith.constant 16 : i32
        %parallel_loop3A_172 = arith.muli %parallel_loop3A_170, %parallel_loop3A_171 : i32
        %parallel_loop3A_173 = arith.constant 1 : i32
        %parallel_loop3A_174 = arith.constant 0 : i32
        %parallel_loop3A_175 = arith.constant 3 : i32
        %parallel_loop3A_176 = arith.index_cast %parallel_loop3A_173 : i32 to index
        %parallel_loop3A_177 = arith.index_cast %parallel_loop3A_174 : i32 to index
        %parallel_loop3A_178 = arith.index_cast %parallel_loop3A_175 : i32 to index
        %parallel_loop3A_179 = arith.index_cast %parallel_loop3A_172 : i32 to index
        %parallel_loop3A_180 = tpu.vector_load %arg4[%parallel_loop3A_176, %parallel_loop3A_177, %parallel_loop3A_178, %parallel_loop3A_179] {strides = array<i32>} : memref<2x1x8x512xi32, #tpu.memory_space<vmem>>, vector<16xi32>,
        %parallel_loop3A_181 = arith.andi %parallel_loop3A_180, %broadcast_in_dim3A_10 : vector<16xi32>
        %parallel_loop3A_182 = vector.bitcast %parallel_loop3A_181 : vector<16xi32> to vector<16xi32>
        %parallel_loop3A_183 = arith.shrui %parallel_loop3A_180, %broadcast_in_dim3A_12 : vector<16xi32>
        %parallel_loop3A_184 = vector.bitcast %parallel_loop3A_183 : vector<16xi32> to vector<16xi32>
        tpu.vector_store_idx %arg5[%parallel_loop3A_182], %broadcast_in_dim3A_8 {add = true} : memref<38912xi32, #tpu.memory_space<vmem>>[vector<16xi32>], vector<16xi32>,
        tpu.vector_store_idx %arg6[%parallel_loop3A_184], %broadcast_in_dim3A_8 {add = true} : memref<38912xi32, #tpu.memory_space<vmem>>[vector<16xi32>], vector<16xi32>,
      } {sc.loop_unroll_factor = 8 : i64, sc.parallel_access}
      %parallel_loop3A_149 = arith.constant 0 : i32
      %parallel_loop3A_150 = arith.constant 32 : i32
      %parallel_loop3A_151 = arith.constant 1 : i32
      scf.for %parallel_loop3A_170 = %parallel_loop3A_149 to %parallel_loop3A_150 step %parallel_loop3A_151  : i32 {
        %parallel_loop3A_171 = arith.constant 16 : i32
        %parallel_loop3A_172 = arith.muli %parallel_loop3A_170, %parallel_loop3A_171 : i32
        %parallel_loop3A_173 = arith.constant 1 : i32
        %parallel_loop3A_174 = arith.constant 0 : i32
        %parallel_loop3A_175 = arith.constant 4 : i32
        %parallel_loop3A_176 = arith.index_cast %parallel_loop3A_173 : i32 to index
        %parallel_loop3A_177 = arith.index_cast %parallel_loop3A_174 : i32 to index
        %parallel_loop3A_178 = arith.index_cast %parallel_loop3A_175 : i32 to index
        %parallel_loop3A_179 = arith.index_cast %parallel_loop3A_172 : i32 to index
        %parallel_loop3A_180 = tpu.vector_load %arg4[%parallel_loop3A_176, %parallel_loop3A_177, %parallel_loop3A_178, %parallel_loop3A_179] {strides = array<i32>} : memref<2x1x8x512xi32, #tpu.memory_space<vmem>>, vector<16xi32>,
        %parallel_loop3A_181 = arith.andi %parallel_loop3A_180, %broadcast_in_dim3A_10 : vector<16xi32>
        %parallel_loop3A_182 = vector.bitcast %parallel_loop3A_181 : vector<16xi32> to vector<16xi32>
        %parallel_loop3A_183 = arith.shrui %parallel_loop3A_180, %broadcast_in_dim3A_12 : vector<16xi32>
        %parallel_loop3A_184 = vector.bitcast %parallel_loop3A_183 : vector<16xi32> to vector<16xi32>
        tpu.vector_store_idx %arg5[%parallel_loop3A_182], %broadcast_in_dim3A_8 {add = true} : memref<38912xi32, #tpu.memory_space<vmem>>[vector<16xi32>], vector<16xi32>,
        tpu.vector_store_idx %arg6[%parallel_loop3A_184], %broadcast_in_dim3A_8 {add = true} : memref<38912xi32, #tpu.memory_space<vmem>>[vector<16xi32>], vector<16xi32>,
      } {sc.loop_unroll_factor = 8 : i64, sc.parallel_access}
      %parallel_loop3A_152 = arith.constant 0 : i32
      %parallel_loop3A_153 = arith.constant 32 : i32
      %parallel_loop3A_154 = arith.constant 1 : i32
      scf.for %parallel_loop3A_170 = %parallel_loop3A_152 to %parallel_loop3A_153 step %parallel_loop3A_154  : i32 {
        %parallel_loop3A_171 = arith.constant 16 : i32
        %parallel_loop3A_172 = arith.muli %parallel_loop3A_170, %parallel_loop3A_171 : i32
        %parallel_loop3A_173 = arith.constant 1 : i32
        %parallel_loop3A_174 = arith.constant 0 : i32
        %parallel_loop3A_175 = arith.constant 5 : i32
        %parallel_loop3A_176 = arith.index_cast %parallel_loop3A_173 : i32 to index
        %parallel_loop3A_177 = arith.index_cast %parallel_loop3A_174 : i32 to index
        %parallel_loop3A_178 = arith.index_cast %parallel_loop3A_175 : i32 to index
        %parallel_loop3A_179 = arith.index_cast %parallel_loop3A_172 : i32 to index
        %parallel_loop3A_180 = tpu.vector_load %arg4[%parallel_loop3A_176, %parallel_loop3A_177, %parallel_loop3A_178, %parallel_loop3A_179] {strides = array<i32>} : memref<2x1x8x512xi32, #tpu.memory_space<vmem>>, vector<16xi32>,
        %parallel_loop3A_181 = arith.andi %parallel_loop3A_180, %broadcast_in_dim3A_10 : vector<16xi32>
        %parallel_loop3A_182 = vector.bitcast %parallel_loop3A_181 : vector<16xi32> to vector<16xi32>
        %parallel_loop3A_183 = arith.shrui %parallel_loop3A_180, %broadcast_in_dim3A_12 : vector<16xi32>
        %parallel_loop3A_184 = vector.bitcast %parallel_loop3A_183 : vector<16xi32> to vector<16xi32>
        tpu.vector_store_idx %arg5[%parallel_loop3A_182], %broadcast_in_dim3A_8 {add = true} : memref<38912xi32, #tpu.memory_space<vmem>>[vector<16xi32>], vector<16xi32>,
        tpu.vector_store_idx %arg6[%parallel_loop3A_184], %broadcast_in_dim3A_8 {add = true} : memref<38912xi32, #tpu.memory_space<vmem>>[vector<16xi32>], vector<16xi32>,
      } {sc.loop_unroll_factor = 8 : i64, sc.parallel_access}
      %parallel_loop3A_155 = arith.constant 0 : i32
      %parallel_loop3A_156 = arith.constant 32 : i32
      %parallel_loop3A_157 = arith.constant 1 : i32
      scf.for %parallel_loop3A_170 = %parallel_loop3A_155 to %parallel_loop3A_156 step %parallel_loop3A_157  : i32 {
        %parallel_loop3A_171 = arith.constant 16 : i32
        %parallel_loop3A_172 = arith.muli %parallel_loop3A_170, %parallel_loop3A_171 : i32
        %parallel_loop3A_173 = arith.constant 1 : i32
        %parallel_loop3A_174 = arith.constant 0 : i32
        %parallel_loop3A_175 = arith.constant 6 : i32
        %parallel_loop3A_176 = arith.index_cast %parallel_loop3A_173 : i32 to index
        %parallel_loop3A_177 = arith.index_cast %parallel_loop3A_174 : i32 to index
        %parallel_loop3A_178 = arith.index_cast %parallel_loop3A_175 : i32 to index
        %parallel_loop3A_179 = arith.index_cast %parallel_loop3A_172 : i32 to index
        %parallel_loop3A_180 = tpu.vector_load %arg4[%parallel_loop3A_176, %parallel_loop3A_177, %parallel_loop3A_178, %parallel_loop3A_179] {strides = array<i32>} : memref<2x1x8x512xi32, #tpu.memory_space<vmem>>, vector<16xi32>,
        %parallel_loop3A_181 = arith.andi %parallel_loop3A_180, %broadcast_in_dim3A_10 : vector<16xi32>
        %parallel_loop3A_182 = vector.bitcast %parallel_loop3A_181 : vector<16xi32> to vector<16xi32>
        %parallel_loop3A_183 = arith.shrui %parallel_loop3A_180, %broadcast_in_dim3A_12 : vector<16xi32>
        %parallel_loop3A_184 = vector.bitcast %parallel_loop3A_183 : vector<16xi32> to vector<16xi32>
        tpu.vector_store_idx %arg5[%parallel_loop3A_182], %broadcast_in_dim3A_8 {add = true} : memref<38912xi32, #tpu.memory_space<vmem>>[vector<16xi32>], vector<16xi32>,
        tpu.vector_store_idx %arg6[%parallel_loop3A_184], %broadcast_in_dim3A_8 {add = true} : memref<38912xi32, #tpu.memory_space<vmem>>[vector<16xi32>], vector<16xi32>,
      } {sc.loop_unroll_factor = 8 : i64, sc.parallel_access}
      %parallel_loop3A_158 = arith.constant 0 : i32
      %parallel_loop3A_159 = arith.constant 32 : i32
      %parallel_loop3A_160 = arith.constant 1 : i32
      scf.for %parallel_loop3A_170 = %parallel_loop3A_158 to %parallel_loop3A_159 step %parallel_loop3A_160  : i32 {
        %parallel_loop3A_171 = arith.constant 16 : i32
        %parallel_loop3A_172 = arith.muli %parallel_loop3A_170, %parallel_loop3A_171 : i32
        %parallel_loop3A_173 = arith.constant 1 : i32
        %parallel_loop3A_174 = arith.constant 0 : i32
        %parallel_loop3A_175 = arith.constant 7 : i32
        %parallel_loop3A_176 = arith.index_cast %parallel_loop3A_173 : i32 to index
        %parallel_loop3A_177 = arith.index_cast %parallel_loop3A_174 : i32 to index
        %parallel_loop3A_178 = arith.index_cast %parallel_loop3A_175 : i32 to index
        %parallel_loop3A_179 = arith.index_cast %parallel_loop3A_172 : i32 to index
        %parallel_loop3A_180 = tpu.vector_load %arg4[%parallel_loop3A_176, %parallel_loop3A_177, %parallel_loop3A_178, %parallel_loop3A_179] {strides = array<i32>} : memref<2x1x8x512xi32, #tpu.memory_space<vmem>>, vector<16xi32>,
        %parallel_loop3A_181 = arith.andi %parallel_loop3A_180, %broadcast_in_dim3A_10 : vector<16xi32>
        %parallel_loop3A_182 = vector.bitcast %parallel_loop3A_181 : vector<16xi32> to vector<16xi32>
        %parallel_loop3A_183 = arith.shrui %parallel_loop3A_180, %broadcast_in_dim3A_12 : vector<16xi32>
        %parallel_loop3A_184 = vector.bitcast %parallel_loop3A_183 : vector<16xi32> to vector<16xi32>
        tpu.vector_store_idx %arg5[%parallel_loop3A_182], %broadcast_in_dim3A_8 {add = true} : memref<38912xi32, #tpu.memory_space<vmem>>[vector<16xi32>], vector<16xi32>,
        tpu.vector_store_idx %arg6[%parallel_loop3A_184], %broadcast_in_dim3A_8 {add = true} : memref<38912xi32, #tpu.memory_space<vmem>>[vector<16xi32>], vector<16xi32>,
      } {sc.loop_unroll_factor = 8 : i64, sc.parallel_access}
      %mul3A_161 = arith.constant 2 : i32
      %mul3A_162 = arith.muli %mul3A_161, %scan3A_66 : i32
      %add3A_163 = arith.constant 3 : i32
      %add3A_164 = arith.addi %mul3A_162, %add3A_163 : i32
      %lt3A_165 = arith.constant 38 : i32
      %lt3A_166 = arith.cmpi slt, %add3A_164, %lt3A_165 : i32
      %convert_element_type3A_167 = arith.extui %lt3A_166 : i1 to i32
      %cond3A_168 = arith.constant 0 : i32
      %cond3A_169 = arith.cmpi ne, %convert_element_type3A_167, %cond3A_168 : i32
      scf.if %cond3A_169 {
        %mul3A_170 = arith.constant 2 : i32
        %mul3A_171 = arith.muli %mul3A_170, %scan3A_66 : i32
        %add3A_172 = arith.constant 3 : i32
        %add3A_173 = arith.addi %mul3A_171, %add3A_172 : i32
        %mul3A_174 = arith.constant 1 : i32
        %mul3A_175 = arith.muli %add3A_173, %mul3A_174 : i32
        %dma_start3A_176 = arith.constant 1 : i32
        %dma_start3A_177 = arith.constant 0 : i32
        %dma_start3A_178 = arith.constant 0 : i32
        %dma_start3A_179 = arith.constant 0 : i32
        %dma_start3A_180 = tpu.memref_slice %arg4[%dma_start3A_176, %dma_start3A_177, %dma_start3A_178, %dma_start3A_179] : memref<2x1x8x512xi32, #tpu.memory_space<vmem>> -> memref<1x1x8x512xi32, #tpu.memory_space<vmem>>
        %dma_start3A_181 = tpu.memref_squeeze %dma_start3A_180 : memref<1x1x8x512xi32, #tpu.memory_space<vmem>> -> memref<1x8x512xi32, #tpu.memory_space<vmem>>
        %dma_start3A_182 = arith.constant 0 : i32
        %dma_start3A_183 = arith.constant 0 : i32
        %dma_start3A_184 = tpu.memref_slice %arg2[%add3A, %mul3A_175, %dma_start3A_182, %dma_start3A_183] : memref<32x38x8x512xi32, #tpu.memory_space<hbm>> -> memref<1x1x8x512xi32, #tpu.memory_space<hbm>>
        %dma_start3A_185 = tpu.memref_squeeze %dma_start3A_184 : memref<1x1x8x512xi32, #tpu.memory_space<hbm>> -> memref<1x8x512xi32, #tpu.memory_space<hbm>>
        %dma_start3A_186 = arith.constant 0 : i32
        %dma_start3A_187 = arith.constant 0 : i32
        %dma_start3A_188 = arith.constant 0 : i32
        %dma_start3A_189 = tpu.memref_slice %arg4[%dma_start3A_176, %dma_start3A_186, %dma_start3A_187, %dma_start3A_188] : memref<2x1x8x512xi32, #tpu.memory_space<vmem>> -> memref<1x1x8x512xi32, #tpu.memory_space<vmem>>
        %dma_start3A_190 = tpu.memref_squeeze %dma_start3A_189 : memref<1x1x8x512xi32, #tpu.memory_space<vmem>> -> memref<1x8x512xi32, #tpu.memory_space<vmem>>
        %dma_start3A_191 = arith.constant 0 : i32
        %dma_start3A_192 = arith.constant 0 : i32
        %dma_start3A_193 = tpu.memref_slice %arg2[%add3A, %mul3A_175, %dma_start3A_191, %dma_start3A_192] : memref<32x38x8x512xi32, #tpu.memory_space<hbm>> -> memref<1x1x8x512xi32, #tpu.memory_space<hbm>>
        %dma_start3A_194 = tpu.memref_squeeze %dma_start3A_193 : memref<1x1x8x512xi32, #tpu.memory_space<hbm>> -> memref<1x8x512xi32, #tpu.memory_space<hbm>>
        tpu.enqueue_dma source(%dma_start3A_194 : memref<1x8x512xi32, #tpu.memory_space<hbm>>) target(%dma_start3A_190 : memref<1x8x512xi32, #tpu.memory_space<vmem>>) target_semaphore(%arg8 : memref<!tpu.dma_semaphore, #tpu.memory_space<semaphore_mem>>)
      } else {
      }
    }
    %scan3A_59 = arith.constant 19 : i32
    %mul3A_60 = arith.constant 2 : i32
    %mul3A_61 = arith.muli %mul3A_60, %add3A : i32
    "tpu.region"() ({
      %run_scoped3A = tpu.sem_alloc : memref<!tpu.dma_semaphore, #tpu.memory_space<semaphore_mem>>
      %dma_start3A_66 = arith.constant 0 : i32
      %dma_start3A_67 = tpu.memref_slice %arg3[%mul3A_61, %dma_start3A_66] : memref<64x38912xi32, #tpu.memory_space<hbm>> -> memref<1x38912xi32, #tpu.memory_space<hbm>>
      %dma_start3A_68 = tpu.memref_squeeze %dma_start3A_67 : memref<1x38912xi32, #tpu.memory_space<hbm>> -> memref<38912xi32, #tpu.memory_space<hbm>>
      %dma_start3A_69 = arith.constant 0 : i32
      %dma_start3A_70 = tpu.memref_slice %arg3[%mul3A_61, %dma_start3A_69] : memref<64x38912xi32, #tpu.memory_space<hbm>> -> memref<1x38912xi32, #tpu.memory_space<hbm>>
      %dma_start3A_71 = tpu.memref_squeeze %dma_start3A_70 : memref<1x38912xi32, #tpu.memory_space<hbm>> -> memref<38912xi32, #tpu.memory_space<hbm>>
      tpu.enqueue_dma source(%arg5 : memref<38912xi32, #tpu.memory_space<vmem>>) target(%dma_start3A_71 : memref<38912xi32, #tpu.memory_space<hbm>>) target_semaphore(%run_scoped3A : memref<!tpu.dma_semaphore, #tpu.memory_space<semaphore_mem>>)
      %dma_wait3A = arith.constant 0 : i32
      %dma_wait3A_72 = tpu.memref_slice %arg3[%mul3A_61, %dma_wait3A] : memref<64x38912xi32, #tpu.memory_space<hbm>> -> memref<1x38912xi32, #tpu.memory_space<hbm>>
      %dma_wait3A_73 = tpu.memref_squeeze %dma_wait3A_72 : memref<1x38912xi32, #tpu.memory_space<hbm>> -> memref<38912xi32, #tpu.memory_space<hbm>>
      %dma_wait3A_74 = arith.constant 0 : i32
      %dma_wait3A_75 = tpu.memref_slice %arg3[%mul3A_61, %dma_wait3A_74] : memref<64x38912xi32, #tpu.memory_space<hbm>> -> memref<1x38912xi32, #tpu.memory_space<hbm>>
      %dma_wait3A_76 = tpu.memref_squeeze %dma_wait3A_75 : memref<1x38912xi32, #tpu.memory_space<hbm>> -> memref<38912xi32, #tpu.memory_space<hbm>>
      tpu.wait_dma2 semaphore(%run_scoped3A : memref<!tpu.dma_semaphore, #tpu.memory_space<semaphore_mem>>) src(%arg5 : memref<38912xi32, #tpu.memory_space<vmem>>) dst(%dma_wait3A_76 : memref<38912xi32, #tpu.memory_space<hbm>>)
      tpu.yield
    }) : () -> ()
    %mul3A_62 = arith.constant 2 : i32
    %mul3A_63 = arith.muli %mul3A_62, %add3A : i32
    %add3A_64 = arith.constant 1 : i32
    %add3A_65 = arith.addi %mul3A_63, %add3A_64 : i32
    "tpu.region"() ({
      %run_scoped3A = tpu.sem_alloc : memref<!tpu.dma_semaphore, #tpu.memory_space<semaphore_mem>>
      %dma_start3A_66 = arith.constant 0 : i32
      %dma_start3A_67 = tpu.memref_slice %arg3[%add3A_65, %dma_start3A_66] : memref<64x38912xi32, #tpu.memory_space<hbm>> -> memref<1x38912xi32, #tpu.memory_space<hbm>>
      %dma_start3A_68 = tpu.memref_squeeze %dma_start3A_67 : memref<1x38912xi32, #tpu.memory_space<hbm>> -> memref<38912xi32, #tpu.memory_space<hbm>>
      %dma_start3A_69 = arith.constant 0 : i32
      %dma_start3A_70 = tpu.memref_slice %arg3[%add3A_65, %dma_start3A_69] : memref<64x38912xi32, #tpu.memory_space<hbm>> -> memref<1x38912xi32, #tpu.memory_space<hbm>>
      %dma_start3A_71 = tpu.memref_squeeze %dma_start3A_70 : memref<1x38912xi32, #tpu.memory_space<hbm>> -> memref<38912xi32, #tpu.memory_space<hbm>>
      tpu.enqueue_dma source(%arg6 : memref<38912xi32, #tpu.memory_space<vmem>>) target(%dma_start3A_71 : memref<38912xi32, #tpu.memory_space<hbm>>) target_semaphore(%run_scoped3A : memref<!tpu.dma_semaphore, #tpu.memory_space<semaphore_mem>>)
      %dma_wait3A = arith.constant 0 : i32
      %dma_wait3A_72 = tpu.memref_slice %arg3[%add3A_65, %dma_wait3A] : memref<64x38912xi32, #tpu.memory_space<hbm>> -> memref<1x38912xi32, #tpu.memory_space<hbm>>
      %dma_wait3A_73 = tpu.memref_squeeze %dma_wait3A_72 : memref<1x38912xi32, #tpu.memory_space<hbm>> -> memref<38912xi32, #tpu.memory_space<hbm>>
      %dma_wait3A_74 = arith.constant 0 : i32
      %dma_wait3A_75 = tpu.memref_slice %arg3[%add3A_65, %dma_wait3A_74] : memref<64x38912xi32, #tpu.memory_space<hbm>> -> memref<1x38912xi32, #tpu.memory_space<hbm>>
      %dma_wait3A_76 = tpu.memref_squeeze %dma_wait3A_75 : memref<1x38912xi32, #tpu.memory_space<hbm>> -> memref<38912xi32, #tpu.memory_space<hbm>>
      tpu.wait_dma2 semaphore(%run_scoped3A : memref<!tpu.dma_semaphore, #tpu.memory_space<semaphore_mem>>) src(%arg6 : memref<38912xi32, #tpu.memory_space<vmem>>) dst(%dma_wait3A_76 : memref<38912xi32, #tpu.memory_space<hbm>>)
      tpu.yield
    }) : () -> ()
    return
  }
}

module attributes {stable_mosaic.version = 14 : i64} {
  func.func @_stage1(%arg0: i32, %arg1: i32, %arg2: memref<1x19x128x512xf32, #tpu.memory_space<vmem>>, %arg3: memref<1x128x512xi32, #tpu.memory_space<vmem>>, %arg4: memref<8x19x8x512xi32, #tpu.memory_space<vmem>>) attributes {dimension_semantics = [#tpu.dimension_semantics<arbitrary>, #tpu.dimension_semantics<arbitrary>], iteration_bounds = array<i64: 2, 4>, scalar_prefetch = 0 : i64, scratch_operands = 0 : i64, tpu.core_type = #tpu.core_type<tc>, window_params = [{transform_indices = @transform_0, window_bounds = array<i64: 1, 19, 128, 512>}, {transform_indices = @transform_1, window_bounds = array<i64: 1, 128, 512>}, {transform_indices = @transform_2, window_bounds = array<i64: 8, 19, 8, 512>}]} {
    %iota3A = tpu.iota {dimensions = array<i32: 0>} : vector<19x128x512xi32>
    %get3A = arith.constant 0 : index
    %get3A_0 = arith.constant 0 : index
    %get3A_1 = arith.constant 0 : index
    %get3A_2 = arith.constant 0 : index
    %get3A_3 = vector.load %arg2[%get3A, %get3A_0, %get3A_1, %get3A_2] : memref<1x19x128x512xf32, #tpu.memory_space<vmem>>, vector<1x19x128x512xf32>
    %get3A_4 = vector.shape_cast %get3A_3 : vector<1x19x128x512xf32> to vector<19x128x512xf32>
    %get3A_5 = arith.constant 0 : index
    %get3A_6 = arith.constant 0 : index
    %get3A_7 = arith.constant 0 : index
    %get3A_8 = vector.load %arg3[%get3A_5, %get3A_6, %get3A_7] : memref<1x128x512xi32, #tpu.memory_space<vmem>>, vector<1x128x512xi32>
    %get3A_9 = vector.shape_cast %get3A_8 : vector<1x128x512xi32> to vector<128x512xi32>
    %exp3A = math.exp %get3A_4 : vector<19x128x512xf32>
    %reduce_sum3A = arith.constant dense<0.000000e+00> : vector<128x512xf32>
    %reduce_sum3A_10 = vector.multi_reduction <add>, %exp3A, %reduce_sum3A [0] : vector<19x128x512xf32> to vector<128x512xf32>
    %broadcast_in_dim3A = vector.shape_cast %reduce_sum3A_10 : vector<128x512xf32> to vector<1x128x512xf32>
    %div3A = arith.constant 1.000000e+00 : f32
    %div3A_11 = vector.broadcast %div3A : f32 to vector<1x128x512xf32>
    %div3A_12 = arith.divf %div3A_11, %broadcast_in_dim3A : vector<1x128x512xf32>
    %mul3A = vector.broadcast %div3A_12 : vector<1x128x512xf32> to vector<19x128x512xf32>
    %mul3A_13 = arith.mulf %exp3A, %mul3A : vector<19x128x512xf32>
    %broadcast_in_dim3A_14 = vector.shape_cast %get3A_9 : vector<128x512xi32> to vector<1x128x512xi32>
    %eq3A = vector.broadcast %broadcast_in_dim3A_14 : vector<1x128x512xi32> to vector<19x128x512xi32>
    %eq3A_15 = arith.cmpi eq, %eq3A, %iota3A : vector<19x128x512xi32>
    %mul3A_16 = arith.constant 1.024000e+03 : f32
    %mul3A_17 = vector.broadcast %mul3A_16 : f32 to vector<19x128x512xf32>
    %mul3A_18 = arith.mulf %mul3A_13, %mul3A_17 : vector<19x128x512xf32>
    %convert_element_type3A = arith.fptosi %mul3A_18 : vector<19x128x512xf32> to vector<19x128x512xi32>
    %min3A = arith.constant 1023 : i32
    %min3A_19 = vector.broadcast %min3A : i32 to vector<19x128x512xi32>
    %min3A_20 = arith.minsi %convert_element_type3A, %min3A_19 : vector<19x128x512xi32>
    %mul3A_21 = arith.constant 1024 : i32
    %mul3A_22 = vector.broadcast %mul3A_21 : i32 to vector<19x128x512xi32>
    %mul3A_23 = arith.muli %iota3A, %mul3A_22 : vector<19x128x512xi32>
    %add3A = arith.addi %mul3A_23, %min3A_20 : vector<19x128x512xi32>
    %mul3A_24 = arith.constant 2 : i32
    %mul3A_25 = vector.broadcast %mul3A_24 : i32 to vector<19x128x512xi32>
    %mul3A_26 = arith.muli %mul3A_25, %min3A_20 : vector<19x128x512xi32>
    %sub3A = arith.constant 20479 : i32
    %sub3A_27 = vector.broadcast %sub3A : i32 to vector<19x128x512xi32>
    %sub3A_28 = arith.subi %sub3A_27, %mul3A_26 : vector<19x128x512xi32>
    %jit3A = arith.constant 0 : i32
    %broadcast_in_dim3A_29 = vector.broadcast %jit3A : i32 to vector<19x128x512xi32>
    %select_n3A = arith.select %eq3A_15, %sub3A_28, %broadcast_in_dim3A_29 : vector<19x128x512xi1>, vector<19x128x512xi32>
    %add3A_30 = arith.addi %add3A, %select_n3A : vector<19x128x512xi32>
    %slice3A = vector.extract_strided_slice %add3A_30 {offsets = [0, 0, 0], sizes = [19, 64, 512], strides = [1, 1, 1]} : vector<19x128x512xi32> to vector<19x64x512xi32>
    %slice3A_31 = vector.extract_strided_slice %add3A_30 {offsets = [0, 64, 0], sizes = [19, 64, 512], strides = [1, 1, 1]} : vector<19x128x512xi32> to vector<19x64x512xi32>
    %shift_left3A = arith.constant 16 : i32
    %shift_left3A_32 = vector.broadcast %shift_left3A : i32 to vector<19x64x512xi32>
    %shift_left3A_33 = arith.shli %slice3A_31, %shift_left3A_32 : vector<19x64x512xi32>
    %or3A = arith.ori %slice3A, %shift_left3A_33 : vector<19x64x512xi32>
    %slice3A_34 = vector.extract_strided_slice %or3A {offsets = [0, 0, 0], sizes = [19, 8, 512], strides = [1, 1, 1]} : vector<19x64x512xi32> to vector<19x8x512xi32>
    %swap3A = arith.constant 0 : index
    %swap3A_35 = arith.constant 0 : index
    %swap3A_36 = arith.constant 0 : index
    %swap3A_37 = arith.constant 0 : index
    %swap3A_38 = vector.load %arg4[%swap3A, %swap3A_35, %swap3A_36, %swap3A_37] : memref<8x19x8x512xi32, #tpu.memory_space<vmem>>, vector<1x19x8x512xi32>
    %swap3A_39 = vector.shape_cast %swap3A_38 : vector<1x19x8x512xi32> to vector<19x8x512xi32>
    %swap3A_40 = vector.shape_cast %slice3A_34 : vector<19x8x512xi32> to vector<1x19x8x512xi32>
    tpu.vector_store %arg4[%swap3A, %swap3A_35, %swap3A_36, %swap3A_37], %swap3A_40 {strides = array<i32>} : memref<8x19x8x512xi32, #tpu.memory_space<vmem>>, vector<1x19x8x512xi32>,
    %slice3A_41 = vector.extract_strided_slice %or3A {offsets = [0, 8, 0], sizes = [19, 8, 512], strides = [1, 1, 1]} : vector<19x64x512xi32> to vector<19x8x512xi32>
    %swap3A_42 = arith.constant 1 : index
    %swap3A_43 = arith.constant 0 : index
    %swap3A_44 = arith.constant 0 : index
    %swap3A_45 = arith.constant 0 : index
    %swap3A_46 = vector.load %arg4[%swap3A_42, %swap3A_43, %swap3A_44, %swap3A_45] : memref<8x19x8x512xi32, #tpu.memory_space<vmem>>, vector<1x19x8x512xi32>
    %swap3A_47 = vector.shape_cast %swap3A_46 : vector<1x19x8x512xi32> to vector<19x8x512xi32>
    %swap3A_48 = vector.shape_cast %slice3A_41 : vector<19x8x512xi32> to vector<1x19x8x512xi32>
    tpu.vector_store %arg4[%swap3A_42, %swap3A_43, %swap3A_44, %swap3A_45], %swap3A_48 {strides = array<i32>} : memref<8x19x8x512xi32, #tpu.memory_space<vmem>>, vector<1x19x8x512xi32>,
    %slice3A_49 = vector.extract_strided_slice %or3A {offsets = [0, 16, 0], sizes = [19, 8, 512], strides = [1, 1, 1]} : vector<19x64x512xi32> to vector<19x8x512xi32>
    %swap3A_50 = arith.constant 2 : index
    %swap3A_51 = arith.constant 0 : index
    %swap3A_52 = arith.constant 0 : index
    %swap3A_53 = arith.constant 0 : index
    %swap3A_54 = vector.load %arg4[%swap3A_50, %swap3A_51, %swap3A_52, %swap3A_53] : memref<8x19x8x512xi32, #tpu.memory_space<vmem>>, vector<1x19x8x512xi32>
    %swap3A_55 = vector.shape_cast %swap3A_54 : vector<1x19x8x512xi32> to vector<19x8x512xi32>
    %swap3A_56 = vector.shape_cast %slice3A_49 : vector<19x8x512xi32> to vector<1x19x8x512xi32>
    tpu.vector_store %arg4[%swap3A_50, %swap3A_51, %swap3A_52, %swap3A_53], %swap3A_56 {strides = array<i32>} : memref<8x19x8x512xi32, #tpu.memory_space<vmem>>, vector<1x19x8x512xi32>,
    %slice3A_57 = vector.extract_strided_slice %or3A {offsets = [0, 24, 0], sizes = [19, 8, 512], strides = [1, 1, 1]} : vector<19x64x512xi32> to vector<19x8x512xi32>
    %swap3A_58 = arith.constant 3 : index
    %swap3A_59 = arith.constant 0 : index
    %swap3A_60 = arith.constant 0 : index
    %swap3A_61 = arith.constant 0 : index
    %swap3A_62 = vector.load %arg4[%swap3A_58, %swap3A_59, %swap3A_60, %swap3A_61] : memref<8x19x8x512xi32, #tpu.memory_space<vmem>>, vector<1x19x8x512xi32>
    %swap3A_63 = vector.shape_cast %swap3A_62 : vector<1x19x8x512xi32> to vector<19x8x512xi32>
    %swap3A_64 = vector.shape_cast %slice3A_57 : vector<19x8x512xi32> to vector<1x19x8x512xi32>
    tpu.vector_store %arg4[%swap3A_58, %swap3A_59, %swap3A_60, %swap3A_61], %swap3A_64 {strides = array<i32>} : memref<8x19x8x512xi32, #tpu.memory_space<vmem>>, vector<1x19x8x512xi32>,
    %slice3A_65 = vector.extract_strided_slice %or3A {offsets = [0, 32, 0], sizes = [19, 8, 512], strides = [1, 1, 1]} : vector<19x64x512xi32> to vector<19x8x512xi32>
    %swap3A_66 = arith.constant 4 : index
    %swap3A_67 = arith.constant 0 : index
    %swap3A_68 = arith.constant 0 : index
    %swap3A_69 = arith.constant 0 : index
    %swap3A_70 = vector.load %arg4[%swap3A_66, %swap3A_67, %swap3A_68, %swap3A_69] : memref<8x19x8x512xi32, #tpu.memory_space<vmem>>, vector<1x19x8x512xi32>
    %swap3A_71 = vector.shape_cast %swap3A_70 : vector<1x19x8x512xi32> to vector<19x8x512xi32>
    %swap3A_72 = vector.shape_cast %slice3A_65 : vector<19x8x512xi32> to vector<1x19x8x512xi32>
    tpu.vector_store %arg4[%swap3A_66, %swap3A_67, %swap3A_68, %swap3A_69], %swap3A_72 {strides = array<i32>} : memref<8x19x8x512xi32, #tpu.memory_space<vmem>>, vector<1x19x8x512xi32>,
    %slice3A_73 = vector.extract_strided_slice %or3A {offsets = [0, 40, 0], sizes = [19, 8, 512], strides = [1, 1, 1]} : vector<19x64x512xi32> to vector<19x8x512xi32>
    %swap3A_74 = arith.constant 5 : index
    %swap3A_75 = arith.constant 0 : index
    %swap3A_76 = arith.constant 0 : index
    %swap3A_77 = arith.constant 0 : index
    %swap3A_78 = vector.load %arg4[%swap3A_74, %swap3A_75, %swap3A_76, %swap3A_77] : memref<8x19x8x512xi32, #tpu.memory_space<vmem>>, vector<1x19x8x512xi32>
    %swap3A_79 = vector.shape_cast %swap3A_78 : vector<1x19x8x512xi32> to vector<19x8x512xi32>
    %swap3A_80 = vector.shape_cast %slice3A_73 : vector<19x8x512xi32> to vector<1x19x8x512xi32>
    tpu.vector_store %arg4[%swap3A_74, %swap3A_75, %swap3A_76, %swap3A_77], %swap3A_80 {strides = array<i32>} : memref<8x19x8x512xi32, #tpu.memory_space<vmem>>, vector<1x19x8x512xi32>,
    %slice3A_81 = vector.extract_strided_slice %or3A {offsets = [0, 48, 0], sizes = [19, 8, 512], strides = [1, 1, 1]} : vector<19x64x512xi32> to vector<19x8x512xi32>
    %swap3A_82 = arith.constant 6 : index
    %swap3A_83 = arith.constant 0 : index
    %swap3A_84 = arith.constant 0 : index
    %swap3A_85 = arith.constant 0 : index
    %swap3A_86 = vector.load %arg4[%swap3A_82, %swap3A_83, %swap3A_84, %swap3A_85] : memref<8x19x8x512xi32, #tpu.memory_space<vmem>>, vector<1x19x8x512xi32>
    %swap3A_87 = vector.shape_cast %swap3A_86 : vector<1x19x8x512xi32> to vector<19x8x512xi32>
    %swap3A_88 = vector.shape_cast %slice3A_81 : vector<19x8x512xi32> to vector<1x19x8x512xi32>
    tpu.vector_store %arg4[%swap3A_82, %swap3A_83, %swap3A_84, %swap3A_85], %swap3A_88 {strides = array<i32>} : memref<8x19x8x512xi32, #tpu.memory_space<vmem>>, vector<1x19x8x512xi32>,
    %slice3A_89 = vector.extract_strided_slice %or3A {offsets = [0, 56, 0], sizes = [19, 8, 512], strides = [1, 1, 1]} : vector<19x64x512xi32> to vector<19x8x512xi32>
    %swap3A_90 = arith.constant 7 : index
    %swap3A_91 = arith.constant 0 : index
    %swap3A_92 = arith.constant 0 : index
    %swap3A_93 = arith.constant 0 : index
    %swap3A_94 = vector.load %arg4[%swap3A_90, %swap3A_91, %swap3A_92, %swap3A_93] : memref<8x19x8x512xi32, #tpu.memory_space<vmem>>, vector<1x19x8x512xi32>
    %swap3A_95 = vector.shape_cast %swap3A_94 : vector<1x19x8x512xi32> to vector<19x8x512xi32>
    %swap3A_96 = vector.shape_cast %slice3A_89 : vector<19x8x512xi32> to vector<1x19x8x512xi32>
    tpu.vector_store %arg4[%swap3A_90, %swap3A_91, %swap3A_92, %swap3A_93], %swap3A_96 {strides = array<i32>} : memref<8x19x8x512xi32, #tpu.memory_space<vmem>>, vector<1x19x8x512xi32>,
    return
  }
  func.func @transform_0(%arg0: i32, %arg1: i32) -> (i32, i32, i32, i32) {
    %add3A = arith.constant 2 : i32
    %add3A_0 = arith.addi %arg0, %add3A : i32
    %c0_i32 = arith.constant 0 : i32
    %c0_i32_1 = arith.constant 0 : i32
    %c0_i32_2 = arith.constant 0 : i32
    return %add3A_0, %c0_i32, %arg1, %c0_i32_1 : i32, i32, i32, i32
  }
  func.func @transform_1(%arg0: i32, %arg1: i32) -> (i32, i32, i32) {
    %add3A = arith.constant 2 : i32
    %add3A_0 = arith.addi %arg0, %add3A : i32
    %c0_i32 = arith.constant 0 : i32
    %c0_i32_1 = arith.constant 0 : i32
    return %add3A_0, %arg1, %c0_i32 : i32, i32, i32
  }
  func.func @transform_2(%arg0: i32, %arg1: i32) -> (i32, i32, i32, i32) {
    %c0_i32 = arith.constant 0 : i32
    %c0_i32_0 = arith.constant 0 : i32
    %c0_i32_1 = arith.constant 0 : i32
    return %arg1, %arg0, %c0_i32, %c0_i32_0 : i32, i32, i32, i32
  }
}

module attributes {stable_mosaic.version = 14 : i64} {
  func.func @_stage3(%arg0: memref<64x38912xi32, #tpu.memory_space<vmem>>, %arg1: memref<64x38912xi32, #tpu.memory_space<vmem>>, %arg2: memref<1x1xf32, #tpu.memory_space<vmem>>) attributes {dimension_semantics = [], scalar_prefetch = 0 : i64, scratch_operands = 0 : i64, tpu.core_type = #tpu.core_type<tc>} {
    %get3A = arith.constant 0 : index
    %get3A_0 = arith.constant 0 : index
    %get3A_1 = vector.load %arg0[%get3A, %get3A_0] : memref<64x38912xi32, #tpu.memory_space<vmem>>, vector<64x38912xi32>
    %convert_element_type3A = arith.sitofp %get3A_1 : vector<64x38912xi32> to vector<64x38912xf32>
    %reduce_sum3A = arith.constant dense<0.000000e+00> : vector<38912xf32>
    %reduce_sum3A_2 = vector.multi_reduction <add>, %convert_element_type3A, %reduce_sum3A [0] : vector<64x38912xf32> to vector<38912xf32>
    %get3A_3 = arith.constant 0 : index
    %get3A_4 = arith.constant 0 : index
    %get3A_5 = vector.load %arg1[%get3A_3, %get3A_4] : memref<64x38912xi32, #tpu.memory_space<vmem>>, vector<64x38912xi32>
    %convert_element_type3A_6 = arith.sitofp %get3A_5 : vector<64x38912xi32> to vector<64x38912xf32>
    %reduce_sum3A_7 = arith.constant dense<0.000000e+00> : vector<38912xf32>
    %reduce_sum3A_8 = vector.multi_reduction <add>, %convert_element_type3A_6, %reduce_sum3A_7 [0] : vector<64x38912xf32> to vector<38912xf32>
    %add3A = arith.addf %reduce_sum3A_2, %reduce_sum3A_8 : vector<38912xf32>
    %reshape3A = vector.shape_cast %add3A : vector<38912xf32> to vector<38x1024xf32>
    %slice3A = vector.extract_strided_slice %reshape3A {offsets = [0, 0], sizes = [19, 1024], strides = [1, 1]} : vector<38x1024xf32> to vector<19x1024xf32>
    %slice3A_9 = vector.extract_strided_slice %reshape3A {offsets = [19, 0], sizes = [19, 1024], strides = [1, 1]} : vector<38x1024xf32> to vector<19x1024xf32>
    %add3A_10 = arith.addf %slice3A, %slice3A_9 : vector<19x1024xf32>
    %iota3A = tpu.iota {dimensions = array<i32: 0>} : vector<1024x1024xi32>
    %iota3A_11 = tpu.iota {dimensions = array<i32: 1>} : vector<1024x1024xi32>
    %ge3A = arith.cmpi sge, %iota3A, %iota3A_11 : vector<1024x1024xi32>
    %convert_element_type3A_12 = arith.extui %ge3A : vector<1024x1024xi1> to vector<1024x1024xi32>
    %convert_element_type3A_13 = arith.sitofp %convert_element_type3A_12 : vector<1024x1024xi32> to vector<1024x1024xf32>
    %dot_general3A = arith.constant dense<0.000000e+00> : vector<19x1024xf32>
    %dot_general3A_14 = tpu.matmul %add3A_10, %convert_element_type3A_13, %dot_general3A {dimension_numbers = #tpu.dot_dimension_numbers<[1], [0], [0], [1], [0, 0, 1, 1], [], []>, transpose_lhs_hint = false} : vector<19x1024xf32>, vector<1024x1024xf32>, vector<19x1024xf32> -> vector<19x1024xf32>
    %dot_general3A_15 = arith.constant dense<0.000000e+00> : vector<19x1024xf32>
    %dot_general3A_16 = tpu.matmul %slice3A_9, %convert_element_type3A_13, %dot_general3A_15 {dimension_numbers = #tpu.dot_dimension_numbers<[1], [0], [0], [1], [0, 0, 1, 1], [], []>, transpose_lhs_hint = false} : vector<19x1024xf32>, vector<1024x1024xf32>, vector<19x1024xf32> -> vector<19x1024xf32>
    %slice3A_17 = vector.extract_strided_slice %dot_general3A_16 {offsets = [0, 0], sizes = [19, 1], strides = [1, 1]} : vector<19x1024xf32> to vector<19x1xf32>
    %sub3A = vector.broadcast %slice3A_17 : vector<19x1xf32> to vector<19x1024xf32>
    %sub3A_18 = arith.subf %sub3A, %dot_general3A_16 : vector<19x1024xf32>
    %add3A_19 = vector.broadcast %slice3A_17 : vector<19x1xf32> to vector<19x1024xf32>
    %add3A_20 = arith.addf %add3A_19, %dot_general3A_14 : vector<19x1024xf32>
    %sub3A_21 = arith.subf %add3A_20, %dot_general3A_16 : vector<19x1024xf32>
    %max3A = arith.constant 5.000000e-01 : f32
    %max3A_22 = vector.broadcast %max3A : f32 to vector<19x1024xf32>
    %max3A_23 = arith.maximumf %sub3A_21, %max3A_22 : vector<19x1024xf32>
    %div3A = arith.divf %sub3A_18, %max3A_23 : vector<19x1024xf32>
    %sub3A_24 = arith.constant 1.000000e+00 : f32
    %sub3A_25 = vector.broadcast %sub3A_24 : f32 to vector<19x1024xf32>
    %sub3A_26 = arith.subf %sub3A_25, %div3A : vector<19x1024xf32>
    %reduce_sum3A_27 = arith.constant dense<0.000000e+00> : vector<19xf32>
    %reduce_sum3A_28 = vector.multi_reduction <add>, %sub3A_26, %reduce_sum3A_27 [1] : vector<19x1024xf32> to vector<19xf32>
    %broadcast_in_dim3A = vector.shape_cast %reduce_sum3A_28 : vector<19xf32> to vector<19x1xf32>
    %slice3A_29 = vector.extract_strided_slice %sub3A_26 {offsets = [0, 0], sizes = [19, 1], strides = [1, 1]} : vector<19x1024xf32> to vector<19x1xf32>
    %mul3A = arith.constant 5.000000e-01 : f32
    %mul3A_30 = vector.broadcast %mul3A : f32 to vector<19x1xf32>
    %mul3A_31 = arith.mulf %mul3A_30, %slice3A_29 : vector<19x1xf32>
    %sub3A_32 = arith.subf %broadcast_in_dim3A, %mul3A_31 : vector<19x1xf32>
    %div3A_33 = arith.constant 1.024000e+03 : f32
    %div3A_34 = vector.broadcast %div3A_33 : f32 to vector<19x1xf32>
    %div3A_35 = arith.divf %sub3A_32, %div3A_34 : vector<19x1xf32>
    %gt3A = arith.constant 0.000000e+00 : f32
    %gt3A_36 = vector.broadcast %gt3A : f32 to vector<19x1xf32>
    %gt3A_37 = arith.cmpf ogt, %slice3A_17, %gt3A_36 : vector<19x1xf32>
    %convert_element_type3A_38 = arith.extui %gt3A_37 : vector<19x1xi1> to vector<19x1xi32>
    %convert_element_type3A_39 = arith.sitofp %convert_element_type3A_38 : vector<19x1xi32> to vector<19x1xf32>
    %max3A_40 = arith.constant 1.000000e-30 : f32
    %max3A_41 = vector.broadcast %max3A_40 : f32 to vector<19x1xf32>
    %max3A_42 = arith.maximumf %div3A_35, %max3A_41 : vector<19x1xf32>
    %log3A = math.log %max3A_42 : vector<19x1xf32>
    %mul3A_43 = arith.constant 1.300000e+00 : f32
    %mul3A_44 = vector.broadcast %mul3A_43 : f32 to vector<19x1xf32>
    %mul3A_45 = arith.mulf %mul3A_44, %log3A : vector<19x1xf32>
    %exp3A = math.exp %mul3A_45 : vector<19x1xf32>
    %mul3A_46 = arith.mulf %exp3A, %convert_element_type3A_39 : vector<19x1xf32>
    %reduce_sum3A_47 = vector.shape_cast %mul3A_46 : vector<19x1xf32> to vector<1x19x1xf32>
    %reduce_sum3A_48 = arith.constant dense<0.000000e+00> : vector<1xf32>
    %reduce_sum3A_49 = vector.multi_reduction <add>, %reduce_sum3A_47, %reduce_sum3A_48 [1, 2] : vector<1x19x1xf32> to vector<1xf32>
    %reduce_sum3A_50 = vector.shape_cast %reduce_sum3A_49 : vector<1xf32> to vector<1x1x1xf32>
    %reduce_sum3A_51 = vector.extract %reduce_sum3A_50[0, 0, 0] : f32 from vector<1x1x1xf32>
    %reduce_sum3A_52 = vector.shape_cast %convert_element_type3A_39 : vector<19x1xf32> to vector<1x19x1xf32>
    %reduce_sum3A_53 = arith.constant dense<0.000000e+00> : vector<1xf32>
    %reduce_sum3A_54 = vector.multi_reduction <add>, %reduce_sum3A_52, %reduce_sum3A_53 [1, 2] : vector<1x19x1xf32> to vector<1xf32>
    %reduce_sum3A_55 = vector.shape_cast %reduce_sum3A_54 : vector<1xf32> to vector<1x1x1xf32>
    %reduce_sum3A_56 = vector.extract %reduce_sum3A_55[0, 0, 0] : f32 from vector<1x1x1xf32>
    %div3A_57 = arith.divf %reduce_sum3A_51, %reduce_sum3A_56 : f32
    %broadcast_in_dim3A_58 = arith.constant 1.000000e+00 : f32
    %broadcast_in_dim3A_59 = vector.broadcast %broadcast_in_dim3A_58 : f32 to vector<1x1xf32>
    %mul3A_60 = vector.broadcast %div3A_57 : f32 to vector<1x1xf32>
    %mul3A_61 = arith.mulf %mul3A_60, %broadcast_in_dim3A_59 : vector<1x1xf32>
    %swap3A = arith.constant 0 : index
    %swap3A_62 = arith.constant 0 : index
    %swap3A_63 = vector.load %arg2[%swap3A, %swap3A_62] : memref<1x1xf32, #tpu.memory_space<vmem>>, vector<1x1xf32>
    tpu.vector_store %arg2[%swap3A, %swap3A_62], %mul3A_61 {strides = array<i32>} : memref<1x1xf32, #tpu.memory_space<vmem>>, vector<1x1xf32>,
    return
  }
}

module attributes {stable_mosaic.version = 14 : i64} {
  func.func @_stage1(%arg0: i32, %arg1: i32, %arg2: memref<1x19x128x512xf32, #tpu.memory_space<vmem>>, %arg3: memref<1x128x512xi32, #tpu.memory_space<vmem>>, %arg4: memref<8x19x8x512xi32, #tpu.memory_space<vmem>>) attributes {dimension_semantics = [#tpu.dimension_semantics<arbitrary>, #tpu.dimension_semantics<arbitrary>], iteration_bounds = array<i64: 2, 4>, scalar_prefetch = 0 : i64, scratch_operands = 0 : i64, tpu.core_type = #tpu.core_type<tc>, window_params = [{transform_indices = @transform_0, window_bounds = array<i64: 1, 19, 128, 512>}, {transform_indices = @transform_1, window_bounds = array<i64: 1, 128, 512>}, {transform_indices = @transform_2, window_bounds = array<i64: 8, 19, 8, 512>}]} {
    %iota3A = tpu.iota {dimensions = array<i32: 0>} : vector<19x128x512xi32>
    %get3A = arith.constant 0 : index
    %get3A_0 = arith.constant 0 : index
    %get3A_1 = arith.constant 0 : index
    %get3A_2 = arith.constant 0 : index
    %get3A_3 = vector.load %arg2[%get3A, %get3A_0, %get3A_1, %get3A_2] : memref<1x19x128x512xf32, #tpu.memory_space<vmem>>, vector<1x19x128x512xf32>
    %get3A_4 = vector.shape_cast %get3A_3 : vector<1x19x128x512xf32> to vector<19x128x512xf32>
    %get3A_5 = arith.constant 0 : index
    %get3A_6 = arith.constant 0 : index
    %get3A_7 = arith.constant 0 : index
    %get3A_8 = vector.load %arg3[%get3A_5, %get3A_6, %get3A_7] : memref<1x128x512xi32, #tpu.memory_space<vmem>>, vector<1x128x512xi32>
    %get3A_9 = vector.shape_cast %get3A_8 : vector<1x128x512xi32> to vector<128x512xi32>
    %exp3A = math.exp %get3A_4 : vector<19x128x512xf32>
    %reduce_sum3A = arith.constant dense<0.000000e+00> : vector<128x512xf32>
    %reduce_sum3A_10 = vector.multi_reduction <add>, %exp3A, %reduce_sum3A [0] : vector<19x128x512xf32> to vector<128x512xf32>
    %broadcast_in_dim3A = vector.shape_cast %reduce_sum3A_10 : vector<128x512xf32> to vector<1x128x512xf32>
    %div3A = arith.constant 1.000000e+00 : f32
    %div3A_11 = vector.broadcast %div3A : f32 to vector<1x128x512xf32>
    %div3A_12 = arith.divf %div3A_11, %broadcast_in_dim3A : vector<1x128x512xf32>
    %mul3A = vector.broadcast %div3A_12 : vector<1x128x512xf32> to vector<19x128x512xf32>
    %mul3A_13 = arith.mulf %exp3A, %mul3A : vector<19x128x512xf32>
    %broadcast_in_dim3A_14 = vector.shape_cast %get3A_9 : vector<128x512xi32> to vector<1x128x512xi32>
    %eq3A = vector.broadcast %broadcast_in_dim3A_14 : vector<1x128x512xi32> to vector<19x128x512xi32>
    %eq3A_15 = arith.cmpi eq, %eq3A, %iota3A : vector<19x128x512xi32>
    %mul3A_16 = arith.constant 1.024000e+03 : f32
    %mul3A_17 = vector.broadcast %mul3A_16 : f32 to vector<19x128x512xf32>
    %mul3A_18 = arith.mulf %mul3A_13, %mul3A_17 : vector<19x128x512xf32>
    %convert_element_type3A = arith.fptosi %mul3A_18 : vector<19x128x512xf32> to vector<19x128x512xi32>
    %min3A = arith.constant 1023 : i32
    %min3A_19 = vector.broadcast %min3A : i32 to vector<19x128x512xi32>
    %min3A_20 = arith.minsi %convert_element_type3A, %min3A_19 : vector<19x128x512xi32>
    %mul3A_21 = arith.constant 1024 : i32
    %mul3A_22 = vector.broadcast %mul3A_21 : i32 to vector<19x128x512xi32>
    %mul3A_23 = arith.muli %iota3A, %mul3A_22 : vector<19x128x512xi32>
    %add3A = arith.addi %mul3A_23, %min3A_20 : vector<19x128x512xi32>
    %mul3A_24 = arith.constant 2 : i32
    %mul3A_25 = vector.broadcast %mul3A_24 : i32 to vector<19x128x512xi32>
    %mul3A_26 = arith.muli %mul3A_25, %min3A_20 : vector<19x128x512xi32>
    %sub3A = arith.constant 20479 : i32
    %sub3A_27 = vector.broadcast %sub3A : i32 to vector<19x128x512xi32>
    %sub3A_28 = arith.subi %sub3A_27, %mul3A_26 : vector<19x128x512xi32>
    %jit3A = arith.constant 0 : i32
    %broadcast_in_dim3A_29 = vector.broadcast %jit3A : i32 to vector<19x128x512xi32>
    %select_n3A = arith.select %eq3A_15, %sub3A_28, %broadcast_in_dim3A_29 : vector<19x128x512xi1>, vector<19x128x512xi32>
    %add3A_30 = arith.addi %add3A, %select_n3A : vector<19x128x512xi32>
    %slice3A = vector.extract_strided_slice %add3A_30 {offsets = [0, 0, 0], sizes = [19, 64, 512], strides = [1, 1, 1]} : vector<19x128x512xi32> to vector<19x64x512xi32>
    %slice3A_31 = vector.extract_strided_slice %add3A_30 {offsets = [0, 64, 0], sizes = [19, 64, 512], strides = [1, 1, 1]} : vector<19x128x512xi32> to vector<19x64x512xi32>
    %shift_left3A = arith.constant 16 : i32
    %shift_left3A_32 = vector.broadcast %shift_left3A : i32 to vector<19x64x512xi32>
    %shift_left3A_33 = arith.shli %slice3A_31, %shift_left3A_32 : vector<19x64x512xi32>
    %or3A = arith.ori %slice3A, %shift_left3A_33 : vector<19x64x512xi32>
    %slice3A_34 = vector.extract_strided_slice %or3A {offsets = [0, 0, 0], sizes = [19, 8, 512], strides = [1, 1, 1]} : vector<19x64x512xi32> to vector<19x8x512xi32>
    %swap3A = arith.constant 0 : index
    %swap3A_35 = arith.constant 0 : index
    %swap3A_36 = arith.constant 0 : index
    %swap3A_37 = arith.constant 0 : index
    %swap3A_38 = vector.load %arg4[%swap3A, %swap3A_35, %swap3A_36, %swap3A_37] : memref<8x19x8x512xi32, #tpu.memory_space<vmem>>, vector<1x19x8x512xi32>
    %swap3A_39 = vector.shape_cast %swap3A_38 : vector<1x19x8x512xi32> to vector<19x8x512xi32>
    %swap3A_40 = vector.shape_cast %slice3A_34 : vector<19x8x512xi32> to vector<1x19x8x512xi32>
    tpu.vector_store %arg4[%swap3A, %swap3A_35, %swap3A_36, %swap3A_37], %swap3A_40 {strides = array<i32>} : memref<8x19x8x512xi32, #tpu.memory_space<vmem>>, vector<1x19x8x512xi32>,
    %slice3A_41 = vector.extract_strided_slice %or3A {offsets = [0, 8, 0], sizes = [19, 8, 512], strides = [1, 1, 1]} : vector<19x64x512xi32> to vector<19x8x512xi32>
    %swap3A_42 = arith.constant 1 : index
    %swap3A_43 = arith.constant 0 : index
    %swap3A_44 = arith.constant 0 : index
    %swap3A_45 = arith.constant 0 : index
    %swap3A_46 = vector.load %arg4[%swap3A_42, %swap3A_43, %swap3A_44, %swap3A_45] : memref<8x19x8x512xi32, #tpu.memory_space<vmem>>, vector<1x19x8x512xi32>
    %swap3A_47 = vector.shape_cast %swap3A_46 : vector<1x19x8x512xi32> to vector<19x8x512xi32>
    %swap3A_48 = vector.shape_cast %slice3A_41 : vector<19x8x512xi32> to vector<1x19x8x512xi32>
    tpu.vector_store %arg4[%swap3A_42, %swap3A_43, %swap3A_44, %swap3A_45], %swap3A_48 {strides = array<i32>} : memref<8x19x8x512xi32, #tpu.memory_space<vmem>>, vector<1x19x8x512xi32>,
    %slice3A_49 = vector.extract_strided_slice %or3A {offsets = [0, 16, 0], sizes = [19, 8, 512], strides = [1, 1, 1]} : vector<19x64x512xi32> to vector<19x8x512xi32>
    %swap3A_50 = arith.constant 2 : index
    %swap3A_51 = arith.constant 0 : index
    %swap3A_52 = arith.constant 0 : index
    %swap3A_53 = arith.constant 0 : index
    %swap3A_54 = vector.load %arg4[%swap3A_50, %swap3A_51, %swap3A_52, %swap3A_53] : memref<8x19x8x512xi32, #tpu.memory_space<vmem>>, vector<1x19x8x512xi32>
    %swap3A_55 = vector.shape_cast %swap3A_54 : vector<1x19x8x512xi32> to vector<19x8x512xi32>
    %swap3A_56 = vector.shape_cast %slice3A_49 : vector<19x8x512xi32> to vector<1x19x8x512xi32>
    tpu.vector_store %arg4[%swap3A_50, %swap3A_51, %swap3A_52, %swap3A_53], %swap3A_56 {strides = array<i32>} : memref<8x19x8x512xi32, #tpu.memory_space<vmem>>, vector<1x19x8x512xi32>,
    %slice3A_57 = vector.extract_strided_slice %or3A {offsets = [0, 24, 0], sizes = [19, 8, 512], strides = [1, 1, 1]} : vector<19x64x512xi32> to vector<19x8x512xi32>
    %swap3A_58 = arith.constant 3 : index
    %swap3A_59 = arith.constant 0 : index
    %swap3A_60 = arith.constant 0 : index
    %swap3A_61 = arith.constant 0 : index
    %swap3A_62 = vector.load %arg4[%swap3A_58, %swap3A_59, %swap3A_60, %swap3A_61] : memref<8x19x8x512xi32, #tpu.memory_space<vmem>>, vector<1x19x8x512xi32>
    %swap3A_63 = vector.shape_cast %swap3A_62 : vector<1x19x8x512xi32> to vector<19x8x512xi32>
    %swap3A_64 = vector.shape_cast %slice3A_57 : vector<19x8x512xi32> to vector<1x19x8x512xi32>
    tpu.vector_store %arg4[%swap3A_58, %swap3A_59, %swap3A_60, %swap3A_61], %swap3A_64 {strides = array<i32>} : memref<8x19x8x512xi32, #tpu.memory_space<vmem>>, vector<1x19x8x512xi32>,
    %slice3A_65 = vector.extract_strided_slice %or3A {offsets = [0, 32, 0], sizes = [19, 8, 512], strides = [1, 1, 1]} : vector<19x64x512xi32> to vector<19x8x512xi32>
    %swap3A_66 = arith.constant 4 : index
    %swap3A_67 = arith.constant 0 : index
    %swap3A_68 = arith.constant 0 : index
    %swap3A_69 = arith.constant 0 : index
    %swap3A_70 = vector.load %arg4[%swap3A_66, %swap3A_67, %swap3A_68, %swap3A_69] : memref<8x19x8x512xi32, #tpu.memory_space<vmem>>, vector<1x19x8x512xi32>
    %swap3A_71 = vector.shape_cast %swap3A_70 : vector<1x19x8x512xi32> to vector<19x8x512xi32>
    %swap3A_72 = vector.shape_cast %slice3A_65 : vector<19x8x512xi32> to vector<1x19x8x512xi32>
    tpu.vector_store %arg4[%swap3A_66, %swap3A_67, %swap3A_68, %swap3A_69], %swap3A_72 {strides = array<i32>} : memref<8x19x8x512xi32, #tpu.memory_space<vmem>>, vector<1x19x8x512xi32>,
    %slice3A_73 = vector.extract_strided_slice %or3A {offsets = [0, 40, 0], sizes = [19, 8, 512], strides = [1, 1, 1]} : vector<19x64x512xi32> to vector<19x8x512xi32>
    %swap3A_74 = arith.constant 5 : index
    %swap3A_75 = arith.constant 0 : index
    %swap3A_76 = arith.constant 0 : index
    %swap3A_77 = arith.constant 0 : index
    %swap3A_78 = vector.load %arg4[%swap3A_74, %swap3A_75, %swap3A_76, %swap3A_77] : memref<8x19x8x512xi32, #tpu.memory_space<vmem>>, vector<1x19x8x512xi32>
    %swap3A_79 = vector.shape_cast %swap3A_78 : vector<1x19x8x512xi32> to vector<19x8x512xi32>
    %swap3A_80 = vector.shape_cast %slice3A_73 : vector<19x8x512xi32> to vector<1x19x8x512xi32>
    tpu.vector_store %arg4[%swap3A_74, %swap3A_75, %swap3A_76, %swap3A_77], %swap3A_80 {strides = array<i32>} : memref<8x19x8x512xi32, #tpu.memory_space<vmem>>, vector<1x19x8x512xi32>,
    %slice3A_81 = vector.extract_strided_slice %or3A {offsets = [0, 48, 0], sizes = [19, 8, 512], strides = [1, 1, 1]} : vector<19x64x512xi32> to vector<19x8x512xi32>
    %swap3A_82 = arith.constant 6 : index
    %swap3A_83 = arith.constant 0 : index
    %swap3A_84 = arith.constant 0 : index
    %swap3A_85 = arith.constant 0 : index
    %swap3A_86 = vector.load %arg4[%swap3A_82, %swap3A_83, %swap3A_84, %swap3A_85] : memref<8x19x8x512xi32, #tpu.memory_space<vmem>>, vector<1x19x8x512xi32>
    %swap3A_87 = vector.shape_cast %swap3A_86 : vector<1x19x8x512xi32> to vector<19x8x512xi32>
    %swap3A_88 = vector.shape_cast %slice3A_81 : vector<19x8x512xi32> to vector<1x19x8x512xi32>
    tpu.vector_store %arg4[%swap3A_82, %swap3A_83, %swap3A_84, %swap3A_85], %swap3A_88 {strides = array<i32>} : memref<8x19x8x512xi32, #tpu.memory_space<vmem>>, vector<1x19x8x512xi32>,
    %slice3A_89 = vector.extract_strided_slice %or3A {offsets = [0, 56, 0], sizes = [19, 8, 512], strides = [1, 1, 1]} : vector<19x64x512xi32> to vector<19x8x512xi32>
    %swap3A_90 = arith.constant 7 : index
    %swap3A_91 = arith.constant 0 : index
    %swap3A_92 = arith.constant 0 : index
    %swap3A_93 = arith.constant 0 : index
    %swap3A_94 = vector.load %arg4[%swap3A_90, %swap3A_91, %swap3A_92, %swap3A_93] : memref<8x19x8x512xi32, #tpu.memory_space<vmem>>, vector<1x19x8x512xi32>
    %swap3A_95 = vector.shape_cast %swap3A_94 : vector<1x19x8x512xi32> to vector<19x8x512xi32>
    %swap3A_96 = vector.shape_cast %slice3A_89 : vector<19x8x512xi32> to vector<1x19x8x512xi32>
    tpu.vector_store %arg4[%swap3A_90, %swap3A_91, %swap3A_92, %swap3A_93], %swap3A_96 {strides = array<i32>} : memref<8x19x8x512xi32, #tpu.memory_space<vmem>>, vector<1x19x8x512xi32>,
    return
  }
  func.func @transform_0(%arg0: i32, %arg1: i32) -> (i32, i32, i32, i32) {
    %add3A = arith.constant 0 : i32
    %add3A_0 = arith.addi %arg0, %add3A : i32
    %c0_i32 = arith.constant 0 : i32
    %c0_i32_1 = arith.constant 0 : i32
    %c0_i32_2 = arith.constant 0 : i32
    return %add3A_0, %c0_i32, %arg1, %c0_i32_1 : i32, i32, i32, i32
  }
  func.func @transform_1(%arg0: i32, %arg1: i32) -> (i32, i32, i32) {
    %add3A = arith.constant 0 : i32
    %add3A_0 = arith.addi %arg0, %add3A : i32
    %c0_i32 = arith.constant 0 : i32
    %c0_i32_1 = arith.constant 0 : i32
    return %add3A_0, %arg1, %c0_i32 : i32, i32, i32
  }
  func.func @transform_2(%arg0: i32, %arg1: i32) -> (i32, i32, i32, i32) {
    %c0_i32 = arith.constant 0 : i32
    %c0_i32_0 = arith.constant 0 : i32
    %c0_i32_1 = arith.constant 0 : i32
    return %arg1, %arg0, %c0_i32, %c0_i32_0 : i32, i32, i32, i32
  }
}

</mosaic_0001>

<sc_bundles>
// kernel: kernel.10.cloned.1.call-start
scs
__scs_entry_jumppad:
0x0: {  	(pc) =	sbr.rel $0x88, $3  }
0x1: {  	(tag) =	ssettag $0x0;
	lr =	simm.s32 $0x1  }
0x2: {  	[smem:$0x3F9F] =	sst lr;
	_ =	strace $0xD0000000  }
0x3: {  	_ = 	snop  }
0x4: {  	_ = 	snop  }
0x5: {  	_ = 	snop  }
0x6: {  	_ = 	snop  }
0x7: {  	_ = 	snop  }
__scs_overlays_trampoline_lowered:
0x8: {  	[smem:$0x3FAE] =	sst s0  }
0x9: {  	[smem:$0x3FAF] =	sst s1  }
0xa: {  	[smem:$0x3FB0] =	sst s2  }
0xb: {  	[smem:$0x3FB1] =	sst s3  }
0xc: {  	[smem:$0x3FB2] =	sst s4  }
0xd: {  	[smem:$0x3FB3] =	sst s5  }
0xe: {  	[smem:$0x3FB4] =	sst s6  }
0xf: {  	[smem:$0x3FB5] =	sst s7  }
0x10: {  	[smem:$0x3FB6] =	sst s8  }
0x11: {  	[smem:$0x3FB7] =	sst s9;
	s0 =	simm.s32 @!p0 $0x0  }
0x12: {  	s1 =	sld [smem:$0x3F9D];
	s0 =	simm.s32 @p0 $0x1  }
0x13: {  	[smem:$0x3FB8] =	sst s0;
	s0 =	simm.s32 @!p1 $0x0  }
0x14: {  	s2 =	sld [smem:$0x3F9C];
	s0 =	simm.s32 @p1 $0x1  }
0x15: {  	[smem:$0x3FB9] =	sst s0;
	s0 =	simm.s32 @!p2 $0x0  }
0x16: {  	s3 =	sld [smem:$0x3FDB];
	s0 =	simm.s32 @p2 $0x1  }
0x17: {  	s4 =	simm.s32 $0x1BF5;
	[smem:$0x3FBB] =	sst s0  }
0x18: {  	s0 =	sld [smem:$0x3F9E];
	_ =	swait.ge [sflag:s4], $0x0  }
0x19: {  	s7 =	sld [smem:$0x3F9F]  }
0x1a: {  	s8 =	sadd.s32 $0xFFFFE003, lr  }
0x1b: {  	s9 =	sadd.s32 $0xFFFFFEF7, lr;
	s5 =	simm.s32 $0xFFFFFFFF;
	p2 =	slt.u32 s8, $0xFFFFF086  }
0x1c: {  	p1 =	slt.u32 s9, $0xF7A;
	s5 =	simm.s32 @!p2 $0x0  }
0x1d: {  	s5 =	simm.s32 @p1 $0x1;
	p0 =	seq.s32 s7, s2  }
0x1e: {  	s7 =	smul.u32 @!p0 $0xF7A, s2;
	p2 =	seq.s32 @!p0 s5, $0x0  }
0x1f: {  	s9 =	smul.u32 $0xF7A, s1;
	s8 =	simm.s32 @!p0 $0x1BF5;
	p2 =	por !p2, p0  }
0x20: {  	[sflag:s8] =	ssyncset.s32 @!p0 $0xFFFFF086;
	s6 =	sadd.s32 @!p0 s3, s7;
	s7 =	simm.s32 @!p0 $0x108  }
0x21: {  	s3 =	sadd.s32 s3, s9;
	s6 =	sadd.s32 @!p0 $0x88, s6;
	s7 =	simm.s32 @p2 $0x1082  }
0x22: {  	[simem:s7], [sflag:s8] =	dma.local @!p0 [hbm:s6], $0xF7A  }
0x23: {  	s9 =	sor.u32 $0xD0000000, s2;
	s6 =	simm.s32 $0x108;
	_ =	swait.ge @!p0 [sflag:s8], $0x0  }
0x24: {  	s3 =	sadd.s32 $0x88, s3;
	s6 =	simm.s32 @!p1 $0x1082;
	[sflag:s4] =	ssyncset.s32 $0xFFFFF086  }
0x25: {  	[simem:s6], [sflag:s4] =	dma.local [hbm:s3], $0xF7A  }
0x26: {  	[smem:$0x3F9F] =	sst s1;
	(tag) =	ssettag s2;
	_ =	strace s9  }
0x27: {  	s1 =	sld [smem:$0x3FAF]  }
0x28: {  	s2 =	sld [smem:$0x3FB0]  }
0x29: {  	s4 =	sld [smem:$0x3FB2]  }
0x2a: {  	p0 =	seq.s32 s5, $0x0;
	s5 =	sld [smem:$0x3FB3]  }
0x2b: {  	s6 =	sld [smem:$0x3FB4]  }
0x2c: {  	s7 =	sld [smem:$0x3FB5]  }
0x2d: {  	s3 =	simm.s32 $0x108;
	s8 =	sld [smem:$0x3FB6]  }
0x2e: {  	s3 =	simm.s32 @!p0 $0x1082;
	s9 =	sld [smem:$0x3FB7]  }
0x2f: {  	lr =	sadd.s32 s0, s3;
	s0 =	sld [smem:$0x3FAE]  }
0x30: {  	s3 =	sld [smem:$0x3FB1]  }
0x31: {  	[smem:$0x3FBA] =	sst s10  }
0x32: {  	s10 =	sld [smem:$0x3FB8];
	_ =	sdelay $0x3  }
0x33: {  	p0 =	seq.s32 s10, $0x1;
	s10 =	sld [smem:$0x3FBA];
	_ =	sdelay $0x3  }
0x34: {  	[smem:$0x3FBA] =	sst s10  }
0x35: {  	s10 =	sld [smem:$0x3FB9];
	_ =	sdelay $0x3  }
0x36: {  	p1 =	seq.s32 s10, $0x1;
	s10 =	sld [smem:$0x3FBA];
	_ =	sdelay $0x3  }
0x37: {  	[smem:$0x3FBA] =	sst s10  }
0x38: {  	s10 =	sld [smem:$0x3FBB]  }
0x39: {  	_ = 	snop;
	(pc) =	sbr.ind lr, $3  }
0x3a: {  	_ = 	snop  }
0x3b: {  	_ = 	snop  }
0x3c: {  	p2 =	seq.s32 s10, $0x1;
	s10 =	sld [smem:$0x3FBA]  }
0x3d: {  	_ =	shalt  }
0x3e: {  	_ =	shalt  }
0x3f: {  	_ =	shalt  }
0x40: {  	_ =	shalt  }
0x41: {  	_ =	shalt  }
0x42: {  	_ =	shalt  }
0x43: {  	_ =	shalt  }
0x44: {  	_ =	shalt  }
0x45: {  	_ =	shalt  }
0x46: {  	_ =	shalt  }
0x47: {  	_ =	shalt  }
0x48: {  	_ =	shalt  }
0x49: {  	_ =	shalt  }
0x4a: {  	_ =	shalt  }
0x4b: {  	_ =	shalt  }
0x4c: {  	_ =	shalt  }
0x4d: {  	_ =	shalt  }
0x4e: {  	_ =	shalt  }
0x4f: {  	_ =	shalt  }
0x50: {  	_ =	shalt  }
0x51: {  	_ =	shalt  }
0x52: {  	_ =	shalt  }
0x53: {  	_ =	shalt  }
0x54: {  	_ =	shalt  }
0x55: {  	_ =	shalt  }
0x56: {  	_ =	shalt  }
0x57: {  	_ =	shalt  }
0x58: {  	_ =	shalt  }
0x59: {  	_ =	shalt  }
0x5a: {  	_ =	shalt  }
0x5b: {  	_ =	shalt  }
0x5c: {  	_ =	shalt  }
0x5d: {  	_ =	shalt  }
0x5e: {  	_ =	shalt  }
0x5f: {  	_ =	shalt  }
0x60: {  	_ =	shalt  }
0x61: {  	_ =	shalt  }
0x62: {  	_ =	shalt  }
0x63: {  	_ =	shalt  }
0x64: {  	_ =	shalt  }
0x65: {  	_ =	shalt  }
0x66: {  	_ =	shalt  }
0x67: {  	_ =	shalt  }
0x68: {  	_ =	shalt  }
0x69: {  	_ =	shalt  }
0x6a: {  	_ =	shalt  }
0x6b: {  	_ =	shalt  }
0x6c: {  	_ =	shalt  }
0x6d: {  	_ =	shalt  }
0x6e: {  	_ =	shalt  }
0x6f: {  	_ =	shalt  }
0x70: {  	_ =	shalt  }
0x71: {  	_ =	shalt  }
0x72: {  	_ =	shalt  }
0x73: {  	_ =	shalt  }
0x74: {  	_ =	shalt  }
0x75: {  	_ =	shalt  }
0x76: {  	_ =	shalt  }
0x77: {  	_ =	shalt  }
0x78: {  	_ =	shalt  }
0x79: {  	_ =	shalt  }
0x7a: {  	_ =	shalt  }
0x7b: {  	_ =	shalt  }
0x7c: {  	_ =	shalt  }
0x7d: {  	_ =	shalt  }
0x7e: {  	_ =	shalt  }
0x7f: {  	_ =	shalt  }
0x80: {  	_ =	shalt  }
0x81: {  	_ =	shalt  }
0x82: {  	_ =	shalt  }
0x83: {  	_ =	shalt  }
0x84: {  	_ =	shalt  }
0x85: {  	_ =	shalt  }
0x86: {  	_ =	shalt  }
0x87: {  	_ =	shalt  }
.Lfunc_end0:
.L_simem_size_0:
called_computation.1_lowered:
.L_overlay_start_0:
0x88: {  	s2 =	sld [smem:$0x3FD9]  }
0x89: {  	s3 =	sld [smem:$0x3FFE];
	_ =	sdelay $0x1  }
0x8a: {  	s1 =	srdreg.scid  }
0x8b: {  	s0 =	sand.u32 $0x1, s1  }
0x8c: {  	s16 =	sshll.u32 s0, $0xA;
	s2 =	sadd.s32 s3, s2  }
0x8d: {  	s2 =	sadd.s32 s2, s16  }
0x8e: {  	[smem:$0x3FC6] =	sst s2  }
0x8f: {  	_ = 	snop  }
0x90: {  	(tm) =	ssettm $0x1  }
0x91: {  	s17 =	sld [smem:$0x3FFB];
	_ =	sdelay $0x3  }
0x92: {  	_ =	strace s17  }
0x93: {  	s2 =	sld [smem:$0x3FFC];
	_ =	sdelay $0x3  }
0x94: {  	_ =	strace s2  }
0x95: {  	s2 =	sld [smem:$0x3FFD];
	_ =	sdelay $0x3  }
0x96: {  	_ =	strace s2  }
0x97: {  	_ =	strace $0x8FFFFFFF  }
0x98: {  	s18 =	sld [smem:$0x3FDB];
	_ =	sdelay $0x1  }
0x99: {  	s19 =	simm.s32 $_scs_section_size  }
0x9a: {  	s4 =	simm.s32 $_size__tile_overlayer_lowered;
	s5 =	simm.s32 $_tile_overlayer_lowered  }
0x9b: {  	s22 =	simm.s32 $0x1BFF;
	s21 =	sshll.u32 s5, $0x1;
	s2 =	sadd.s32 s19, s18  }
0x9c: {  	s6 =	simm.s32 $0x0;
	s20 =	sshll.u32 s4, $0x1;
	s4 =	sadd.s32 s21, s2  }
0x9d: {  	[timem:s6], [sflag:s22] =	dma.local [hbm:s4], s20  }
0x9e: {  	_ =	swait.ge [sflag:s22], s20  }
0x9f: {  	s3 =	ssub.s32 $0x0, s20;
	[sflag:s22] =	ssyncset.done $0x0  }
0xa0: {  	[sflag:s22] =	ssyncadd.s32 s3;
	_ =	sdelay $0x1  }
0xa1: {  	s23 =	simm.s32 $0x1B8B  }
0xa2: {  	_ =	swait.ge [sflag:s23], $0x1  }
0xa3: {  	[sflag:s23] =	ssyncset.done $0x0  }
0xa4: {  	s25 =	simm.s32 $0x1B8E;
	s24 =	sld [smem:$0x3FFE];
	[sflag:s23] =	ssyncadd.s32 $0xFFFFFFFF  }
0xa5: {  	s26 =	simm.s32 $execute0_lowered;
	[smem:$0x3FD2] =	sst s25  }
0xa6: {  	s4 =	sshll.u32 s26, $0x1;
	_ =	strace $0x80000046;
	[dreg:$0x1] =	wrdreg $0xFFFFFFFF  }
0xa7: {  	s28 =	simm.s32 $_size_execute0_lowered;
	s2 =	sadd.s32 s2, s4;
	[dreg:$0x0] =	wrdreg $0x0  }
0xa8: {  	s4 =	sshll.u32 s28, $0x1;
	[dreg:$0x2] =	wrdreg s2  }
0xa9: {  	[dreg:$0x3] =	wrdreg s4  }
0xaa: {  	[dreg:$0x4] =	wrdreg $0xC0  }
0xab: {  	_ =	task [dreg:s6], $0x5FFFF  }
0xac: {  	[dreg:$0x1] =	wrdreg $0xFFFFFFFF  }
0xad: {  	[dreg:$0x0] =	wrdreg $0x60  }
0xae: {  	[dreg:$0x2] =	wrdreg s24  }
0xaf: {  	[dreg:$0x3] =	wrdreg $0xA  }
0xb0: {  	_ =	task.clear_ibuf [dreg:s6], $0x4FFFF;
	_ =	strace $0x90000046  }
0xb1: {  	s29 =	simm.s32 $0xA;
	_ =	strace $0x80000048  }
0xb2: {  	_ =	swait.ge [sflag:s29], $0x1  }
0xb3: {  	[sflag:s29] =	ssyncadd.s32 $0xFFFFFFFF  }
0xb4: {  	_ =	strace $0x90000048  }
0xb5: {  	_ =	sfence  }
0xb6: {  	s30 =	sld [smem:$0x0];
	_ =	sdelay $0x2  }
0xb7: {  	s31 =	sshll.u32 s1, $0xD;
	s1 =	sshrl.u32 s1, $0x2  }
0xb8: {  	s3 =	sand.u32 $0x4000, s31;
	s1 =	sadd.s32 s1, s30  }
0xb9: {  	s0 =	sor.u32 s3, s0;
	s1 =	sshll.u32 s1, $0x11  }
0xba: {  	s0 =	sor.u32 s1, s0  }
0xbb: {  	s0 =	sadd.s32 $0x8F2B, s0  }
0xbc: {  	[sflag:s0] =	ssyncadd.remote.s32 $0x1  }
0xbd: {  	_ =	sfence.sel $0xFFFF  }
0xbe: {  	[dreg:$0x0] =	wrdreg $0xFFFFFFFF;
	(pc) =	sbr.abs _section_cstart, $3  }
0xbf: {  	[dreg:$0x1] =	wrdreg $0xFFFFFFFF  }
0xc0: {  	_ =	task.clear_ibuf [dreg:s6], $0x2FFFF;
	_ =	strace $0x9FFFFFFF  }
0xc1: {  	(tm) =	ssettm $0x7FFFFFFF  }
tec
execute0_lowered:
.L_overlay_start_1:
0x0: {  	(tag) =	ssettag $0x1  }
0x1: {  	s4 =	rddreg [dreg:$0x0];
	s2 =	srdreg.scid  }
0x2: {  	s1 =	stileid.u32;
	s0 =	rddreg [dreg:$0x1]  }
0x3: {  	s12 =	simm.s32 $0x1;
	s13 =	simm.s32 $0x2000;
	s14 =	simm.s32 $0xB800  }
0x4: {  	s15 =	simm.s32 $0x2;
	s16 =	simm.s32 $0x80;
	s17 =	simm.s32 $0x400  }
0x5: {  	s18 =	simm.s32 $0x3;
	s19 =	simm.s32 $0x0;
	s5 =	sand.u32 $0x1, s2  }
0x6: {  	s3 =	sshll.u32 s1, $0x1;
	s2 =	simm.s32 $0x0;
	s6 =	sshrl.u32 s1, $0x1  }
0x7: {  	s3 =	sor.u32 s5, s3;
	[smem:$0x7FF] =	sst s2;
	s6 =	smul.u32 $0x4C000, s6  }
0x8: {  	s5 =	ssub.s32 $0x2, s5;
	s7 =	sshll.u32 s3, $0x8;
	_ =	strace $0x80000047  }
0x9: {  	s8 =	smul.u32 $0x26000, s3;
	s3 =	sadd.s32 $0xE00, s4;
	s7 =	sand.u32 $0x300, s7  }
.Ltmp0:
0xa: {  	s31 =	sshrl.u32 s5, $0x1;
	s6 =	sor.u32 s6, s7;
	(pc) =	sbr.rel .LBB2_1-.Ltmp0, $4  }
0xb: {  	s11 =	ssub.s32 s5, s31;
	s9 =	sshrl.u32 s8, $0x3;
	s6 =	sshrl.u32 s6, $0x3  }
0xc: {  	s7 =	sadd.s32 $0x3000, s8;
	s10 =	sadd.s32 s6, s4;
	s4 =	sadd.s32 s3, s9  }
0xd: {  	s6 =	sadd.s32 $0x2000, s8;
	s5 =	sadd.s32 $0x200, s4;
	s8 =	sadd.s32 $0x98E00, s10  }
0xe: {  	v0 =	vimm.s32 $0x0;
	v1 =	vimm.s32 $0x1;
	s9 =	sadd.s32 $0x98E10, s10;
	s10 =	smax.u32 s11, $0x1;
	s11 =	simm.s32 $0x1000  }
.LBB2_38:
0xf: {  	[hbm4b:s8+s16] =	stream.strided.scatter [tilespmem:s13], [sflag:$0x3], $0x9800, s17, s16, $0x38;
	[tilespmem:$0x15000] =	vst v63  }
0x10: {  	s19 =	sadd.s32 $0x1, s19;
	_ =	swait.ge [sflag:s18], $0x9800  }
0x11: {  	p0 =	sne.s32 s19, s10;
	[sflag:s18] =	ssyncset.done $0x0  }
.Ltmp1:
0x12: {  	[sflag:s18] =	ssyncadd.s32 $0xFFFF6800;
	(pc) =	sbr.rel @!p0 .LBB2_39-.Ltmp1, $4  }
0x13: {  	[hbm4b:s9+s16] =	stream.strided.scatter [tilespmem:s14], [sflag:$0x3], $0x9800, s17, s16, $0x38;
	[tilespmem:$0x15000] =	vst v63  }
0x14: {  	_ =	swait.ge [sflag:s18], $0x9800  }
0x15: {  	[sflag:s18] =	ssyncset.done $0x0  }
0x16: {  	[sflag:s18] =	ssyncadd.s32 $0xFFFF6800  }
.LBB2_1:
0x17: {  	s20 =	simm.s32 $0x0;
	s21 =	simm.s32 $0x200  }
.LBB2_2:
0x18: {  	p0 =	sne.s32 s21, $0x25E00;
	[tilespmem:s20+$0xB870] =	vst v0  }
0x19: {  	[tilespmem:s20+$0x2000] =	vst v0  }
0x1a: {  	[tilespmem:s20+$0xB800] =	vst v0  }
0x1b: {  	[tilespmem:s20+$0x2010] =	vst v0  }
0x1c: {  	[tilespmem:s20+$0xB810] =	vst v0  }
0x1d: {  	[tilespmem:s20+$0x2020] =	vst v0  }
0x1e: {  	[tilespmem:s20+$0xB820] =	vst v0  }
0x1f: {  	[tilespmem:s20+$0x2030] =	vst v0  }
0x20: {  	[tilespmem:s20+$0xB830] =	vst v0  }
0x21: {  	[tilespmem:s20+$0x2040] =	vst v0  }
0x22: {  	[tilespmem:s20+$0xB840] =	vst v0  }
.Ltmp2:
0x23: {  	[tilespmem:s20+$0x2050] =	vst v0;
	(pc) =	sbr.rel @p0 .LBB2_2-.Ltmp2, $4  }
0x24: {  	[tilespmem:s20+$0xB850] =	vst v0  }
0x25: {  	[tilespmem:s20+$0x2060] =	vst v0  }
0x26: {  	[tilespmem:s20+$0xB860] =	vst v0  }
0x27: {  	[tilespmem:s20+$0x2070] =	vst v0;
	s20 =	sshra.s32 s21, $0x2;
	s21 =	sadd.s32 $0x200, s21  }
0x28: {  	[tilespmem:s20+$0xB870] =	vst v0  }
0x29: {  	[tilespmem:s20+$0x2000] =	vst v0  }
0x2a: {  	[tilespmem:s20+$0xB800] =	vst v0  }
0x2b: {  	[tilespmem:s20+$0x2010] =	vst v0  }
0x2c: {  	[tilespmem:s20+$0xB810] =	vst v0  }
0x2d: {  	[tilespmem:s20+$0x2020] =	vst v0  }
0x2e: {  	[tilespmem:s20+$0xB820] =	vst v0  }
0x2f: {  	[tilespmem:s20+$0x2030] =	vst v0  }
0x30: {  	[tilespmem:s20+$0xB830] =	vst v0  }
0x31: {  	[tilespmem:s20+$0x2040] =	vst v0  }
0x32: {  	[tilespmem:s20+$0xB840] =	vst v0  }
0x33: {  	[tilespmem:s20+$0x2050] =	vst v0  }
0x34: {  	[tilespmem:s20+$0xB850] =	vst v0  }
0x35: {  	[tilespmem:s20+$0x2060] =	vst v0  }
0x36: {  	[tilespmem:s20+$0xB860] =	vst v0  }
0x37: {  	[tilespmem:s20+$0x2070] =	vst v0;
	s20 =	simm.s32 $0x0  }
0x38: {  	[tilespmem:s20], [sflag:$0x1] =	stream.linear.gather [hbm4b:s4+s20], $0x1000, $0x38;
	[tilespmem:$0x15000] =	vst v63  }
0x39: {  	_ = 	snop  }
0x3a: {  	[tilespmem:s11], [sflag:$0x2] =	stream.linear.gather [hbm4b:s5+s20], $0x1000, $0x38;
	[tilespmem:$0x15000] =	vst v63  }
.LBB2_4:
0x3b: {  	_ =	swait.ge [sflag:s12], $0x1000  }
0x3c: {  	[sflag:s12] =	ssyncset.done $0x0  }
0x3d: {  	s21 =	simm.s32 $0x40;
	[sflag:s12] =	ssyncadd.s32 $0xFFFFF000  }
0x3e: {  	v2 =	vld [tilespmem:s21+$0x30]  }
0x3f: {  	v3 =	vld [tilespmem:s21+$0xFFFFFFD0]  }
0x40: {  	v4 =	vld [tilespmem:s21+$0xFFFFFFE0]  }
0x41: {  	v5 =	vld [tilespmem:s21+$0xFFFFFFF0];
	_ =	sdelay $0x1  }
0x42: {  	v6 =	vand.u32 $0xFFFF, v2  }
0x43: {  	v10 =	vld [tilespmem:s21+$0x10];
	v8 =	vand.u32 $0xFFFF, v3  }
0x44: {  	v7 =	vld [tilespmem:s21+$0x0];
	v12 =	vand.u32 $0xFFFF, v4  }
0x45: {  	v9 =	vld [tilespmem:s21+$0xFFFFFFC0];
	v60 =	vand.u32 $0xFFFF, v5  }
0x46: {  	v11 =	vld [tilespmem:s21+$0x20];
	v2 =	vshrl.u32 v2, $0x10  }
0x47: {  	v3 =	vshrl.u32 v3, $0x10;
	[tilespmem:v6+s13+$0x0] =	vst.idx.add.s32.msk $0xffff, v1  }
0x48: {  	v62 =	vand.u32 $0xFFFF, v10;
	[tilespmem:v8+s13+$0x0] =	vst.idx.add.s32.msk $0xffff, v1  }
0x49: {  	v4 =	vshrl.u32 v4, $0x10;
	[tilespmem:v12+s13+$0x0] =	vst.idx.add.s32.msk $0xffff, v1  }
0x4a: {  	v63 =	vshrl.u32 v10, $0x10;
	[tilespmem:v60+s13+$0x0] =	vst.idx.add.s32.msk $0xffff, v1  }
0x4b: {  	[tilespmem:v2+s14+$0x0] =	vst.idx.add.s32.msk $0xffff, v1;
	v2 =	vand.u32 $0xFFFF, v9  }
0x4c: {  	[tilespmem:v3+s14+$0x0] =	vst.idx.add.s32.msk $0xffff, v1;
	v3 =	vshrl.u32 v5, $0x10  }
0x4d: {  	[tilespmem:v62+s13+$0x0] =	vst.idx.add.s32.msk $0xffff, v1;
	v5 =	vand.u32 $0xFFFF, v7  }
0x4e: {  	v61 =	vshrl.u32 v9, $0x10;
	[tilespmem:v4+s14+$0x0] =	vst.idx.add.s32.msk $0xffff, v1  }
0x4f: {  	v4 =	vshrl.u32 v7, $0x10;
	[tilespmem:v63+s14+$0x0] =	vst.idx.add.s32.msk $0xffff, v1  }
0x50: {  	[tilespmem:v2+s13+$0x0] =	vst.idx.add.s32.msk $0xffff, v1  }
0x51: {  	[tilespmem:v3+s14+$0x0] =	vst.idx.add.s32.msk $0xffff, v1  }
0x52: {  	[tilespmem:v5+s13+$0x0] =	vst.idx.add.s32.msk $0xffff, v1  }
0x53: {  	[tilespmem:v61+s14+$0x0] =	vst.idx.add.s32.msk $0xffff, v1  }
0x54: {  	s22 =	simm.s32 $0x0;
	s23 =	simm.s32 $0x440;
	s21 =	simm.s32 $0xF0;
	v2 =	vshrl.u32 v11, $0x10;
	v3 =	vand.u32 $0xFFFF, v11;
	[tilespmem:v4+s14+$0x0] =	vst.idx.add.s32.msk $0xffff, v1  }
.LBB2_5:
0x55: {  	v4 =	vld [tilespmem:s23+$0x30]  }
0x56: {  	s22 =	sadd.s32 $0x8, s22;
	v5 =	vld [tilespmem:s23+$0xFFFFFFD0]  }
0x57: {  	p0 =	slt.u32 s22, $0x18;
	v6 =	vld [tilespmem:s23+$0xFFFFFFE0]  }
0x58: {  	v7 =	vld [tilespmem:s23+$0xFFFFFFF0]  }
0x59: {  	v8 =	vld [tilespmem:s23+$0x0]  }
0x5a: {  	v9 =	vld [tilespmem:s23+$0x10];
	v10 =	vand.u32 $0xFFFF, v4  }
0x5b: {  	v4 =	vshrl.u32 v4, $0x10;
	v11 =	vshrl.u32 v5, $0x10;
	v5 =	vand.u32 $0xFFFF, v5;
	v12 =	vld [tilespmem:s23+$0x20]  }
0x5c: {  	v13 =	vld [tilespmem:s23+$0xFFFFFFC0];
	v14 =	vshrl.u32 v6, $0x10;
	v6 =	vand.u32 $0xFFFF, v6  }
0x5d: {  	v15 =	vshrl.u32 v7, $0x10;
	v7 =	vand.u32 $0xFFFF, v7;
	[tilespmem:v3+s13+$0x0] =	vst.idx.add.s32.msk $0xffff, v1  }
0x5e: {  	v16 =	vshrl.u32 v8, $0x10;
	v8 =	vand.u32 $0xFFFF, v8;
	[tilespmem:v2+s14+$0x0] =	vst.idx.add.s32.msk $0xffff, v1  }
0x5f: {  	v17 =	vshrl.u32 v9, $0x10;
	v9 =	vand.u32 $0xFFFF, v9;
	[tilespmem:v10+s13+$0x0] =	vst.idx.add.s32.msk $0xffff, v1  }
0x60: {  	v2 =	vshrl.u32 v12, $0x10;
	v3 =	vand.u32 $0xFFFF, v12;
	[tilespmem:v4+s14+$0x0] =	vst.idx.add.s32.msk $0xffff, v1  }
0x61: {  	v4 =	vshrl.u32 v13, $0x10;
	v10 =	vand.u32 $0xFFFF, v13;
	[tilespmem:v5+s13+$0x0] =	vst.idx.add.s32.msk $0xffff, v1  }
0x62: {  	[tilespmem:v11+s14+$0x0] =	vst.idx.add.s32.msk $0xffff, v1  }
0x63: {  	[tilespmem:v6+s13+$0x0] =	vst.idx.add.s32.msk $0xffff, v1  }
0x64: {  	[tilespmem:v14+s14+$0x0] =	vst.idx.add.s32.msk $0xffff, v1  }
0x65: {  	[tilespmem:v7+s13+$0x0] =	vst.idx.add.s32.msk $0xffff, v1  }
0x66: {  	[tilespmem:v10+s13+$0x0] =	vst.idx.add.s32.msk $0xffff, v1  }
0x67: {  	[tilespmem:v4+s14+$0x0] =	vst.idx.add.s32.msk $0xffff, v1  }
.Ltmp3:
0x68: {  	[tilespmem:v15+s14+$0x0] =	vst.idx.add.s32.msk $0xffff, v1;
	(pc) =	sbr.rel @p0 .LBB2_5-.Ltmp3, $4  }
0x69: {  	[tilespmem:v8+s13+$0x0] =	vst.idx.add.s32.msk $0xffff, v1  }
0x6a: {  	[tilespmem:v16+s14+$0x0] =	vst.idx.add.s32.msk $0xffff, v1  }
0x6b: {  	[tilespmem:v9+s13+$0x0] =	vst.idx.add.s32.msk $0xffff, v1  }
0x6c: {  	s23 =	sadd.s32 $0x400, s23;
	[tilespmem:v17+s14+$0x0] =	vst.idx.add.s32.msk $0xffff, v1  }
0x6d: {  	_ =	sdelay $0x3  }
0x6e: {  	[tilespmem:v3+s13+$0x0] =	vst.idx.add.s32.msk $0xffff, v1  }
0x6f: {  	[tilespmem:v2+s14+$0x0] =	vst.idx.add.s32.msk $0xffff, v1  }
0x70: {  	v2 =	vld [tilespmem:s21+$0x0]  }
0x71: {  	v3 =	vld [tilespmem:s21+$0xFFFFFFA0]  }
0x72: {  	v4 =	vld [tilespmem:s21+$0xFFFFFFB0]  }
0x73: {  	v5 =	vld [tilespmem:s21+$0xFFFFFFC0];
	_ =	sdelay $0x1  }
0x74: {  	v6 =	vand.u32 $0xFFFF, v2  }
0x75: {  	v10 =	vld [tilespmem:s21+$0xFFFFFFE0];
	v8 =	vand.u32 $0xFFFF, v3  }
0x76: {  	v7 =	vld [tilespmem:s21+$0xFFFFFFD0];
	v12 =	vand.u32 $0xFFFF, v4  }
0x77: {  	v9 =	vld [tilespmem:s21+$0xFFFFFF90];
	v60 =	vand.u32 $0xFFFF, v5  }
0x78: {  	v11 =	vld [tilespmem:s21+$0xFFFFFFF0];
	v2 =	vshrl.u32 v2, $0x10  }
0x79: {  	v3 =	vshrl.u32 v3, $0x10;
	[tilespmem:v6+s13+$0x0] =	vst.idx.add.s32.msk $0xffff, v1  }
0x7a: {  	v62 =	vand.u32 $0xFFFF, v10;
	[tilespmem:v8+s13+$0x0] =	vst.idx.add.s32.msk $0xffff, v1  }
0x7b: {  	v4 =	vshrl.u32 v4, $0x10;
	[tilespmem:v12+s13+$0x0] =	vst.idx.add.s32.msk $0xffff, v1  }
0x7c: {  	v63 =	vshrl.u32 v10, $0x10;
	[tilespmem:v60+s13+$0x0] =	vst.idx.add.s32.msk $0xffff, v1  }
0x7d: {  	[tilespmem:v2+s14+$0x0] =	vst.idx.add.s32.msk $0xffff, v1;
	v2 =	vand.u32 $0xFFFF, v9  }
0x7e: {  	[tilespmem:v3+s14+$0x0] =	vst.idx.add.s32.msk $0xffff, v1;
	v3 =	vshrl.u32 v5, $0x10  }
0x7f: {  	[tilespmem:v62+s13+$0x0] =	vst.idx.add.s32.msk $0xffff, v1;
	v5 =	vand.u32 $0xFFFF, v7  }
0x80: {  	v61 =	vshrl.u32 v9, $0x10;
	[tilespmem:v4+s14+$0x0] =	vst.idx.add.s32.msk $0xffff, v1  }
0x81: {  	v4 =	vshrl.u32 v7, $0x10;
	[tilespmem:v63+s14+$0x0] =	vst.idx.add.s32.msk $0xffff, v1  }
0x82: {  	[tilespmem:v2+s13+$0x0] =	vst.idx.add.s32.msk $0xffff, v1  }
0x83: {  	[tilespmem:v3+s14+$0x0] =	vst.idx.add.s32.msk $0xffff, v1  }
0x84: {  	[tilespmem:v5+s13+$0x0] =	vst.idx.add.s32.msk $0xffff, v1  }
0x85: {  	[tilespmem:v61+s14+$0x0] =	vst.idx.add.s32.msk $0xffff, v1  }
0x86: {  	s22 =	simm.s32 $0x0;
	s23 =	simm.s32 $0x4F0;
	s21 =	simm.s32 $0x170;
	v2 =	vshrl.u32 v11, $0x10;
	v3 =	vand.u32 $0xFFFF, v11;
	[tilespmem:v4+s14+$0x0] =	vst.idx.add.s32.msk $0xffff, v1  }
.LBB2_7:
0x87: {  	v4 =	vld [tilespmem:s23+$0x0]  }
0x88: {  	s22 =	sadd.s32 $0x8, s22;
	v5 =	vld [tilespmem:s23+$0xFFFFFFA0]  }
0x89: {  	p0 =	slt.u32 s22, $0x18;
	v6 =	vld [tilespmem:s23+$0xFFFFFFB0]  }
0x8a: {  	v7 =	vld [tilespmem:s23+$0xFFFFFFC0]  }
0x8b: {  	v8 =	vld [tilespmem:s23+$0xFFFFFFD0]  }
0x8c: {  	v9 =	vld [tilespmem:s23+$0xFFFFFFE0];
	v10 =	vand.u32 $0xFFFF, v4  }
0x8d: {  	v4 =	vshrl.u32 v4, $0x10;
	v11 =	vshrl.u32 v5, $0x10;
	v5 =	vand.u32 $0xFFFF, v5;
	v12 =	vld [tilespmem:s23+$0xFFFFFFF0]  }
0x8e: {  	v13 =	vld [tilespmem:s23+$0xFFFFFF90];
	v14 =	vshrl.u32 v6, $0x10;
	v6 =	vand.u32 $0xFFFF, v6  }
0x8f: {  	v15 =	vshrl.u32 v7, $0x10;
	v7 =	vand.u32 $0xFFFF, v7;
	[tilespmem:v3+s13+$0x0] =	vst.idx.add.s32.msk $0xffff, v1  }
0x90: {  	v16 =	vshrl.u32 v8, $0x10;
	v8 =	vand.u32 $0xFFFF, v8;
	[tilespmem:v2+s14+$0x0] =	vst.idx.add.s32.msk $0xffff, v1  }
0x91: {  	v17 =	vshrl.u32 v9, $0x10;
	v9 =	vand.u32 $0xFFFF, v9;
	[tilespmem:v10+s13+$0x0] =	vst.idx.add.s32.msk $0xffff, v1  }
0x92: {  	v2 =	vshrl.u32 v12, $0x10;
	v3 =	vand.u32 $0xFFFF, v12;
	[tilespmem:v4+s14+$0x0] =	vst.idx.add.s32.msk $0xffff, v1  }
0x93: {  	v4 =	vshrl.u32 v13, $0x10;
	v10 =	vand.u32 $0xFFFF, v13;
	[tilespmem:v5+s13+$0x0] =	vst.idx.add.s32.msk $0xffff, v1  }
0x94: {  	[tilespmem:v11+s14+$0x0] =	vst.idx.add.s32.msk $0xffff, v1  }
0x95: {  	[tilespmem:v6+s13+$0x0] =	vst.idx.add.s32.msk $0xffff, v1  }
0x96: {  	[tilespmem:v14+s14+$0x0] =	vst.idx.add.s32.msk $0xffff, v1  }
0x97: {  	[tilespmem:v7+s13+$0x0] =	vst.idx.add.s32.msk $0xffff, v1  }
0x98: {  	[tilespmem:v10+s13+$0x0] =	vst.idx.add.s32.msk $0xffff, v1  }
0x99: {  	[tilespmem:v4+s14+$0x0] =	vst.idx.add.s32.msk $0xffff, v1  }
.Ltmp4:
0x9a: {  	[tilespmem:v15+s14+$0x0] =	vst.idx.add.s32.msk $0xffff, v1;
	(pc) =	sbr.rel @p0 .LBB2_7-.Ltmp4, $4  }
0x9b: {  	[tilespmem:v8+s13+$0x0] =	vst.idx.add.s32.msk $0xffff, v1  }
0x9c: {  	[tilespmem:v16+s14+$0x0] =	vst.idx.add.s32.msk $0xffff, v1  }
0x9d: {  	[tilespmem:v9+s13+$0x0] =	vst.idx.add.s32.msk $0xffff, v1  }
0x9e: {  	s23 =	sadd.s32 $0x400, s23;
	[tilespmem:v17+s14+$0x0] =	vst.idx.add.s32.msk $0xffff, v1  }
0x9f: {  	_ =	sdelay $0x3  }
0xa0: {  	[tilespmem:v3+s13+$0x0] =	vst.idx.add.s32.msk $0xffff, v1  }
0xa1: {  	[tilespmem:v2+s14+$0x0] =	vst.idx.add.s32.msk $0xffff, v1  }
0xa2: {  	v2 =	vld [tilespmem:s21+$0x0]  }
0xa3: {  	v3 =	vld [tilespmem:s21+$0xFFFFFFA0]  }
0xa4: {  	v4 =	vld [tilespmem:s21+$0xFFFFFFB0]  }
0xa5: {  	v5 =	vld [tilespmem:s21+$0xFFFFFFC0];
	_ =	sdelay $0x1  }
0xa6: {  	v6 =	vand.u32 $0xFFFF, v2  }
0xa7: {  	v10 =	vld [tilespmem:s21+$0xFFFFFFE0];
	v8 =	vand.u32 $0xFFFF, v3  }
0xa8: {  	v7 =	vld [tilespmem:s21+$0xFFFFFFD0];
	v12 =	vand.u32 $0xFFFF, v4  }
0xa9: {  	v9 =	vld [tilespmem:s21+$0xFFFFFF90];
	v60 =	vand.u32 $0xFFFF, v5  }
0xaa: {  	v11 =	vld [tilespmem:s21+$0xFFFFFFF0];
	v2 =	vshrl.u32 v2, $0x10  }
0xab: {  	v3 =	vshrl.u32 v3, $0x10;
	[tilespmem:v6+s13+$0x0] =	vst.idx.add.s32.msk $0xffff, v1  }
0xac: {  	v62 =	vand.u32 $0xFFFF, v10;
	[tilespmem:v8+s13+$0x0] =	vst.idx.add.s32.msk $0xffff, v1  }
0xad: {  	v4 =	vshrl.u32 v4, $0x10;
	[tilespmem:v12+s13+$0x0] =	vst.idx.add.s32.msk $0xffff, v1  }
0xae: {  	v63 =	vshrl.u32 v10, $0x10;
	[tilespmem:v60+s13+$0x0] =	vst.idx.add.s32.msk $0xffff, v1  }
0xaf: {  	[tilespmem:v2+s14+$0x0] =	vst.idx.add.s32.msk $0xffff, v1;
	v2 =	vand.u32 $0xFFFF, v9  }
0xb0: {  	[tilespmem:v3+s14+$0x0] =	vst.idx.add.s32.msk $0xffff, v1;
	v3 =	vshrl.u32 v5, $0x10  }
0xb1: {  	[tilespmem:v62+s13+$0x0] =	vst.idx.add.s32.msk $0xffff, v1;
	v5 =	vand.u32 $0xFFFF, v7  }
0xb2: {  	v61 =	vshrl.u32 v9, $0x10;
	[tilespmem:v4+s14+$0x0] =	vst.idx.add.s32.msk $0xffff, v1  }
0xb3: {  	v4 =	vshrl.u32 v7, $0x10;
	[tilespmem:v63+s14+$0x0] =	vst.idx.add.s32.msk $0xffff, v1  }
0xb4: {  	[tilespmem:v2+s13+$0x0] =	vst.idx.add.s32.msk $0xffff, v1  }
0xb5: {  	[tilespmem:v3+s14+$0x0] =	vst.idx.add.s32.msk $0xffff, v1  }
0xb6: {  	[tilespmem:v5+s13+$0x0] =	vst.idx.add.s32.msk $0xffff, v1  }
0xb7: {  	[tilespmem:v61+s14+$0x0] =	vst.idx.add.s32.msk $0xffff, v1  }
0xb8: {  	s22 =	simm.s32 $0x0;
	s23 =	simm.s32 $0x570;
	s21 =	simm.s32 $0x1F0;
	v2 =	vshrl.u32 v11, $0x10;
	v3 =	vand.u32 $0xFFFF, v11;
	[tilespmem:v4+s14+$0x0] =	vst.idx.add.s32.msk $0xffff, v1  }
.LBB2_9:
0xb9: {  	v4 =	vld [tilespmem:s23+$0x0]  }
0xba: {  	s22 =	sadd.s32 $0x8, s22;
	v5 =	vld [tilespmem:s23+$0xFFFFFFA0]  }
0xbb: {  	p0 =	slt.u32 s22, $0x18;
	v6 =	vld [tilespmem:s23+$0xFFFFFFB0]  }
0xbc: {  	v7 =	vld [tilespmem:s23+$0xFFFFFFC0]  }
0xbd: {  	v8 =	vld [tilespmem:s23+$0xFFFFFFD0]  }
0xbe: {  	v9 =	vld [tilespmem:s23+$0xFFFFFFE0];
	v10 =	vand.u32 $0xFFFF, v4  }
0xbf: {  	v4 =	vshrl.u32 v4, $0x10;
	v11 =	vshrl.u32 v5, $0x10;
	v5 =	vand.u32 $0xFFFF, v5;
	v12 =	vld [tilespmem:s23+$0xFFFFFFF0]  }
0xc0: {  	v13 =	vld [tilespmem:s23+$0xFFFFFF90];
	v14 =	vshrl.u32 v6, $0x10;
	v6 =	vand.u32 $0xFFFF, v6  }
0xc1: {  	v15 =	vshrl.u32 v7, $0x10;
	v7 =	vand.u32 $0xFFFF, v7;
	[tilespmem:v3+s13+$0x0] =	vst.idx.add.s32.msk $0xffff, v1  }
0xc2: {  	v16 =	vshrl.u32 v8, $0x10;
	v8 =	vand.u32 $0xFFFF, v8;
	[tilespmem:v2+s14+$0x0] =	vst.idx.add.s32.msk $0xffff, v1  }
0xc3: {  	v17 =	vshrl.u32 v9, $0x10;
	v9 =	vand.u32 $0xFFFF, v9;
	[tilespmem:v10+s13+$0x0] =	vst.idx.add.s32.msk $0xffff, v1  }
0xc4: {  	v2 =	vshrl.u32 v12, $0x10;
	v3 =	vand.u32 $0xFFFF, v12;
	[tilespmem:v4+s14+$0x0] =	vst.idx.add.s32.msk $0xffff, v1  }
0xc5: {  	v4 =	vshrl.u32 v13, $0x10;
	v10 =	vand.u32 $0xFFFF, v13;
	[tilespmem:v5+s13+$0x0] =	vst.idx.add.s32.msk $0xffff, v1  }
0xc6: {  	[tilespmem:v11+s14+$0x0] =	vst.idx.add.s32.msk $0xffff, v1  }
0xc7: {  	[tilespmem:v6+s13+$0x0] =	vst.idx.add.s32.msk $0xffff, v1  }
0xc8: {  	[tilespmem:v14+s14+$0x0] =	vst.idx.add.s32.msk $0xffff, v1  }
0xc9: {  	[tilespmem:v7+s13+$0x0] =	vst.idx.add.s32.msk $0xffff, v1  }
0xca: {  	[tilespmem:v10+s13+$0x0] =	vst.idx.add.s32.msk $0xffff, v1  }
0xcb: {  	[tilespmem:v4+s14+$0x0] =	vst.idx.add.s32.msk $0xffff, v1  }
.Ltmp5:
0xcc: {  	[tilespmem:v15+s14+$0x0] =	vst.idx.add.s32.msk $0xffff, v1;
	(pc) =	sbr.rel @p0 .LBB2_9-.Ltmp5, $4  }
0xcd: {  	[tilespmem:v8+s13+$0x0] =	vst.idx.add.s32.msk $0xffff, v1  }
0xce: {  	[tilespmem:v16+s14+$0x0] =	vst.idx.add.s32.msk $0xffff, v1  }
0xcf: {  	[tilespmem:v9+s13+$0x0] =	vst.idx.add.s32.msk $0xffff, v1  }
0xd0: {  	s23 =	sadd.s32 $0x400, s23;
	[tilespmem:v17+s14+$0x0] =	vst.idx.add.s32.msk $0xffff, v1  }
0xd1: {  	_ =	sdelay $0x3  }
0xd2: {  	[tilespmem:v3+s13+$0x0] =	vst.idx.add.s32.msk $0xffff, v1  }
0xd3: {  	[tilespmem:v2+s14+$0x0] =	vst.idx.add.s32.msk $0xffff, v1  }
0xd4: {  	v2 =	vld [tilespmem:s21+$0x0]  }
0xd5: {  	v3 =	vld [tilespmem:s21+$0xFFFFFFA0]  }
0xd6: {  	v4 =	vld [tilespmem:s21+$0xFFFFFFB0]  }
0xd7: {  	v5 =	vld [tilespmem:s21+$0xFFFFFFC0];
	_ =	sdelay $0x1  }
0xd8: {  	v6 =	vand.u32 $0xFFFF, v2  }
0xd9: {  	v10 =	vld [tilespmem:s21+$0xFFFFFFE0];
	v8 =	vand.u32 $0xFFFF, v3  }
0xda: {  	v7 =	vld [tilespmem:s21+$0xFFFFFFD0];
	v12 =	vand.u32 $0xFFFF, v4  }
0xdb: {  	v9 =	vld [tilespmem:s21+$0xFFFFFF90];
	v60 =	vand.u32 $0xFFFF, v5  }
0xdc: {  	v11 =	vld [tilespmem:s21+$0xFFFFFFF0];
	v2 =	vshrl.u32 v2, $0x10  }
0xdd: {  	v3 =	vshrl.u32 v3, $0x10;
	[tilespmem:v6+s13+$0x0] =	vst.idx.add.s32.msk $0xffff, v1  }
0xde: {  	v62 =	vand.u32 $0xFFFF, v10;
	[tilespmem:v8+s13+$0x0] =	vst.idx.add.s32.msk $0xffff, v1  }
0xdf: {  	v4 =	vshrl.u32 v4, $0x10;
	[tilespmem:v12+s13+$0x0] =	vst.idx.add.s32.msk $0xffff, v1  }
0xe0: {  	v63 =	vshrl.u32 v10, $0x10;
	[tilespmem:v60+s13+$0x0] =	vst.idx.add.s32.msk $0xffff, v1  }
0xe1: {  	[tilespmem:v2+s14+$0x0] =	vst.idx.add.s32.msk $0xffff, v1;
	v2 =	vand.u32 $0xFFFF, v9  }
0xe2: {  	[tilespmem:v3+s14+$0x0] =	vst.idx.add.s32.msk $0xffff, v1;
	v3 =	vshrl.u32 v5, $0x10  }
0xe3: {  	[tilespmem:v62+s13+$0x0] =	vst.idx.add.s32.msk $0xffff, v1;
	v5 =	vand.u32 $0xFFFF, v7  }
0xe4: {  	v61 =	vshrl.u32 v9, $0x10;
	[tilespmem:v4+s14+$0x0] =	vst.idx.add.s32.msk $0xffff, v1  }
0xe5: {  	v4 =	vshrl.u32 v7, $0x10;
	[tilespmem:v63+s14+$0x0] =	vst.idx.add.s32.msk $0xffff, v1  }
0xe6: {  	[tilespmem:v2+s13+$0x0] =	vst.idx.add.s32.msk $0xffff, v1  }
0xe7: {  	[tilespmem:v3+s14+$0x0] =	vst.idx.add.s32.msk $0xffff, v1  }
0xe8: {  	[tilespmem:v5+s13+$0x0] =	vst.idx.add.s32.msk $0xffff, v1  }
0xe9: {  	[tilespmem:v61+s14+$0x0] =	vst.idx.add.s32.msk $0xffff, v1  }
0xea: {  	s22 =	simm.s32 $0x0;
	s23 =	simm.s32 $0x5F0;
	s21 =	simm.s32 $0x270;
	v2 =	vshrl.u32 v11, $0x10;
	v3 =	vand.u32 $0xFFFF, v11;
	[tilespmem:v4+s14+$0x0] =	vst.idx.add.s32.msk $0xffff, v1  }
.LBB2_11:
0xeb: {  	v4 =	vld [tilespmem:s23+$0x0]  }
0xec: {  	s22 =	sadd.s32 $0x8, s22;
	v5 =	vld [tilespmem:s23+$0xFFFFFFA0]  }
0xed: {  	p0 =	slt.u32 s22, $0x18;
	v6 =	vld [tilespmem:s23+$0xFFFFFFB0]  }
0xee: {  	v7 =	vld [tilespmem:s23+$0xFFFFFFC0]  }
0xef: {  	v8 =	vld [tilespmem:s23+$0xFFFFFFD0]  }
0xf0: {  	v9 =	vld [tilespmem:s23+$0xFFFFFFE0];
	v10 =	vand.u32 $0xFFFF, v4  }
0xf1: {  	v4 =	vshrl.u32 v4, $0x10;
	v11 =	vshrl.u32 v5, $0x10;
	v5 =	vand.u32 $0xFFFF, v5;
	v12 =	vld [tilespmem:s23+$0xFFFFFFF0]  }
0xf2: {  	v13 =	vld [tilespmem:s23+$0xFFFFFF90];
	v14 =	vshrl.u32 v6, $0x10;
	v6 =	vand.u32 $0xFFFF, v6  }
0xf3: {  	v15 =	vshrl.u32 v7, $0x10;
	v7 =	vand.u32 $0xFFFF, v7;
	[tilespmem:v3+s13+$0x0] =	vst.idx.add.s32.msk $0xffff, v1  }
0xf4: {  	v16 =	vshrl.u32 v8, $0x10;
	v8 =	vand.u32 $0xFFFF, v8;
	[tilespmem:v2+s14+$0x0] =	vst.idx.add.s32.msk $0xffff, v1  }
0xf5: {  	v17 =	vshrl.u32 v9, $0x10;
	v9 =	vand.u32 $0xFFFF, v9;
	[tilespmem:v10+s13+$0x0] =	vst.idx.add.s32.msk $0xffff, v1  }
0xf6: {  	v2 =	vshrl.u32 v12, $0x10;
	v3 =	vand.u32 $0xFFFF, v12;
	[tilespmem:v4+s14+$0x0] =	vst.idx.add.s32.msk $0xffff, v1  }
0xf7: {  	v4 =	vshrl.u32 v13, $0x10;
	v10 =	vand.u32 $0xFFFF, v13;
	[tilespmem:v5+s13+$0x0] =	vst.idx.add.s32.msk $0xffff, v1  }
0xf8: {  	[tilespmem:v11+s14+$0x0] =	vst.idx.add.s32.msk $0xffff, v1  }
0xf9: {  	[tilespmem:v6+s13+$0x0] =	vst.idx.add.s32.msk $0xffff, v1  }
0xfa: {  	[tilespmem:v14+s14+$0x0] =	vst.idx.add.s32.msk $0xffff, v1  }
0xfb: {  	[tilespmem:v7+s13+$0x0] =	vst.idx.add.s32.msk $0xffff, v1  }
0xfc: {  	[tilespmem:v10+s13+$0x0] =	vst.idx.add.s32.msk $0xffff, v1  }
0xfd: {  	[tilespmem:v4+s14+$0x0] =	vst.idx.add.s32.msk $0xffff, v1  }
.Ltmp6:
0xfe: {  	[tilespmem:v15+s14+$0x0] =	vst.idx.add.s32.msk $0xffff, v1;
	(pc) =	sbr.rel @p0 .LBB2_11-.Ltmp6, $4  }
0xff: {  	[tilespmem:v8+s13+$0x0] =	vst.idx.add.s32.msk $0xffff, v1  }
0x100: {  	[tilespmem:v16+s14+$0x0] =	vst.idx.add.s32.msk $0xffff, v1  }
0x101: {  	[tilespmem:v9+s13+$0x0] =	vst.idx.add.s32.msk $0xffff, v1  }
0x102: {  	s23 =	sadd.s32 $0x400, s23;
	[tilespmem:v17+s14+$0x0] =	vst.idx.add.s32.msk $0xffff, v1  }
0x103: {  	_ =	sdelay $0x3  }
0x104: {  	[tilespmem:v3+s13+$0x0] =	vst.idx.add.s32.msk $0xffff, v1  }
0x105: {  	[tilespmem:v2+s14+$0x0] =	vst.idx.add.s32.msk $0xffff, v1  }
0x106: {  	v2 =	vld [tilespmem:s21+$0x0]  }
0x107: {  	v3 =	vld [tilespmem:s21+$0xFFFFFFA0]  }
0x108: {  	v4 =	vld [tilespmem:s21+$0xFFFFFFB0]  }
0x109: {  	v5 =	vld [tilespmem:s21+$0xFFFFFFC0];
	_ =	sdelay $0x1  }
0x10a: {  	v6 =	vand.u32 $0xFFFF, v2  }
0x10b: {  	v10 =	vld [tilespmem:s21+$0xFFFFFFE0];
	v8 =	vand.u32 $0xFFFF, v3  }
0x10c: {  	v7 =	vld [tilespmem:s21+$0xFFFFFFD0];
	v12 =	vand.u32 $0xFFFF, v4  }
0x10d: {  	v9 =	vld [tilespmem:s21+$0xFFFFFF90];
	v60 =	vand.u32 $0xFFFF, v5  }
0x10e: {  	v11 =	vld [tilespmem:s21+$0xFFFFFFF0];
	v2 =	vshrl.u32 v2, $0x10  }
0x10f: {  	v3 =	vshrl.u32 v3, $0x10;
	[tilespmem:v6+s13+$0x0] =	vst.idx.add.s32.msk $0xffff, v1  }
0x110: {  	v62 =	vand.u32 $0xFFFF, v10;
	[tilespmem:v8+s13+$0x0] =	vst.idx.add.s32.msk $0xffff, v1  }
0x111: {  	v4 =	vshrl.u32 v4, $0x10;
	[tilespmem:v12+s13+$0x0] =	vst.idx.add.s32.msk $0xffff, v1  }
0x112: {  	v63 =	vshrl.u32 v10, $0x10;
	[tilespmem:v60+s13+$0x0] =	vst.idx.add.s32.msk $0xffff, v1  }
0x113: {  	[tilespmem:v2+s14+$0x0] =	vst.idx.add.s32.msk $0xffff, v1;
	v2 =	vand.u32 $0xFFFF, v9  }
0x114: {  	[tilespmem:v3+s14+$0x0] =	vst.idx.add.s32.msk $0xffff, v1;
	v3 =	vshrl.u32 v5, $0x10  }
0x115: {  	[tilespmem:v62+s13+$0x0] =	vst.idx.add.s32.msk $0xffff, v1;
	v5 =	vand.u32 $0xFFFF, v7  }
0x116: {  	v61 =	vshrl.u32 v9, $0x10;
	[tilespmem:v4+s14+$0x0] =	vst.idx.add.s32.msk $0xffff, v1  }
0x117: {  	v4 =	vshrl.u32 v7, $0x10;
	[tilespmem:v63+s14+$0x0] =	vst.idx.add.s32.msk $0xffff, v1  }
0x118: {  	[tilespmem:v2+s13+$0x0] =	vst.idx.add.s32.msk $0xffff, v1  }
0x119: {  	[tilespmem:v3+s14+$0x0] =	vst.idx.add.s32.msk $0xffff, v1  }
0x11a: {  	[tilespmem:v5+s13+$0x0] =	vst.idx.add.s32.msk $0xffff, v1  }
0x11b: {  	[tilespmem:v61+s14+$0x0] =	vst.idx.add.s32.msk $0xffff, v1  }
0x11c: {  	s22 =	simm.s32 $0x0;
	s23 =	simm.s32 $0x670;
	s21 =	simm.s32 $0x2F0;
	v2 =	vshrl.u32 v11, $0x10;
	v3 =	vand.u32 $0xFFFF, v11;
	[tilespmem:v4+s14+$0x0] =	vst.idx.add.s32.msk $0xffff, v1  }
.LBB2_13:
0x11d: {  	v4 =	vld [tilespmem:s23+$0x0]  }
0x11e: {  	s22 =	sadd.s32 $0x8, s22;
	v5 =	vld [tilespmem:s23+$0xFFFFFFA0]  }
0x11f: {  	p0 =	slt.u32 s22, $0x18;
	v6 =	vld [tilespmem:s23+$0xFFFFFFB0]  }
0x120: {  	v7 =	vld [tilespmem:s23+$0xFFFFFFC0]  }
0x121: {  	v8 =	vld [tilespmem:s23+$0xFFFFFFD0]  }
0x122: {  	v9 =	vld [tilespmem:s23+$0xFFFFFFE0];
	v10 =	vand.u32 $0xFFFF, v4  }
0x123: {  	v4 =	vshrl.u32 v4, $0x10;
	v11 =	vshrl.u32 v5, $0x10;
	v5 =	vand.u32 $0xFFFF, v5;
	v12 =	vld [tilespmem:s23+$0xFFFFFFF0]  }
0x124: {  	v13 =	vld [tilespmem:s23+$0xFFFFFF90];
	v14 =	vshrl.u32 v6, $0x10;
	v6 =	vand.u32 $0xFFFF, v6  }
0x125: {  	v15 =	vshrl.u32 v7, $0x10;
	v7 =	vand.u32 $0xFFFF, v7;
	[tilespmem:v3+s13+$0x0] =	vst.idx.add.s32.msk $0xffff, v1  }
0x126: {  	v16 =	vshrl.u32 v8, $0x10;
	v8 =	vand.u32 $0xFFFF, v8;
	[tilespmem:v2+s14+$0x0] =	vst.idx.add.s32.msk $0xffff, v1  }
0x127: {  	v17 =	vshrl.u32 v9, $0x10;
	v9 =	vand.u32 $0xFFFF, v9;
	[tilespmem:v10+s13+$0x0] =	vst.idx.add.s32.msk $0xffff, v1  }
0x128: {  	v2 =	vshrl.u32 v12, $0x10;
	v3 =	vand.u32 $0xFFFF, v12;
	[tilespmem:v4+s14+$0x0] =	vst.idx.add.s32.msk $0xffff, v1  }
0x129: {  	v4 =	vshrl.u32 v13, $0x10;
	v10 =	vand.u32 $0xFFFF, v13;
	[tilespmem:v5+s13+$0x0] =	vst.idx.add.s32.msk $0xffff, v1  }
0x12a: {  	[tilespmem:v11+s14+$0x0] =	vst.idx.add.s32.msk $0xffff, v1  }
0x12b: {  	[tilespmem:v6+s13+$0x0] =	vst.idx.add.s32.msk $0xffff, v1  }
0x12c: {  	[tilespmem:v14+s14+$0x0] =	vst.idx.add.s32.msk $0xffff, v1  }
0x12d: {  	[tilespmem:v7+s13+$0x0] =	vst.idx.add.s32.msk $0xffff, v1  }
0x12e: {  	[tilespmem:v10+s13+$0x0] =	vst.idx.add.s32.msk $0xffff, v1  }
0x12f: {  	[tilespmem:v4+s14+$0x0] =	vst.idx.add.s32.msk $0xffff, v1  }
.Ltmp7:
0x130: {  	[tilespmem:v15+s14+$0x0] =	vst.idx.add.s32.msk $0xffff, v1;
	(pc) =	sbr.rel @p0 .LBB2_13-.Ltmp7, $4  }
0x131: {  	[tilespmem:v8+s13+$0x0] =	vst.idx.add.s32.msk $0xffff, v1  }
0x132: {  	[tilespmem:v16+s14+$0x0] =	vst.idx.add.s32.msk $0xffff, v1  }
0x133: {  	[tilespmem:v9+s13+$0x0] =	vst.idx.add.s32.msk $0xffff, v1  }
0x134: {  	s23 =	sadd.s32 $0x400, s23;
	[tilespmem:v17+s14+$0x0] =	vst.idx.add.s32.msk $0xffff, v1  }
0x135: {  	_ =	sdelay $0x3  }
0x136: {  	[tilespmem:v3+s13+$0x0] =	vst.idx.add.s32.msk $0xffff, v1  }
0x137: {  	[tilespmem:v2+s14+$0x0] =	vst.idx.add.s32.msk $0xffff, v1  }
0x138: {  	v2 =	vld [tilespmem:s21+$0x0]  }
0x139: {  	v3 =	vld [tilespmem:s21+$0xFFFFFFA0]  }
0x13a: {  	v4 =	vld [tilespmem:s21+$0xFFFFFFB0]  }
0x13b: {  	v5 =	vld [tilespmem:s21+$0xFFFFFFC0];
	_ =	sdelay $0x1  }
0x13c: {  	v6 =	vand.u32 $0xFFFF, v2  }
0x13d: {  	v10 =	vld [tilespmem:s21+$0xFFFFFFE0];
	v8 =	vand.u32 $0xFFFF, v3  }
0x13e: {  	v7 =	vld [tilespmem:s21+$0xFFFFFFD0];
	v12 =	vand.u32 $0xFFFF, v4  }
0x13f: {  	v9 =	vld [tilespmem:s21+$0xFFFFFF90];
	v60 =	vand.u32 $0xFFFF, v5  }
0x140: {  	v11 =	vld [tilespmem:s21+$0xFFFFFFF0];
	v2 =	vshrl.u32 v2, $0x10  }
0x141: {  	v3 =	vshrl.u32 v3, $0x10;
	[tilespmem:v6+s13+$0x0] =	vst.idx.add.s32.msk $0xffff, v1  }
0x142: {  	v62 =	vand.u32 $0xFFFF, v10;
	[tilespmem:v8+s13+$0x0] =	vst.idx.add.s32.msk $0xffff, v1  }
0x143: {  	v4 =	vshrl.u32 v4, $0x10;
	[tilespmem:v12+s13+$0x0] =	vst.idx.add.s32.msk $0xffff, v1  }
0x144: {  	v63 =	vshrl.u32 v10, $0x10;
	[tilespmem:v60+s13+$0x0] =	vst.idx.add.s32.msk $0xffff, v1  }
0x145: {  	[tilespmem:v2+s14+$0x0] =	vst.idx.add.s32.msk $0xffff, v1;
	v2 =	vand.u32 $0xFFFF, v9  }
0x146: {  	[tilespmem:v3+s14+$0x0] =	vst.idx.add.s32.msk $0xffff, v1;
	v3 =	vshrl.u32 v5, $0x10  }
0x147: {  	[tilespmem:v62+s13+$0x0] =	vst.idx.add.s32.msk $0xffff, v1;
	v5 =	vand.u32 $0xFFFF, v7  }
0x148: {  	v61 =	vshrl.u32 v9, $0x10;
	[tilespmem:v4+s14+$0x0] =	vst.idx.add.s32.msk $0xffff, v1  }
0x149: {  	v4 =	vshrl.u32 v7, $0x10;
	[tilespmem:v63+s14+$0x0] =	vst.idx.add.s32.msk $0xffff, v1  }
0x14a: {  	[tilespmem:v2+s13+$0x0] =	vst.idx.add.s32.msk $0xffff, v1  }
0x14b: {  	[tilespmem:v3+s14+$0x0] =	vst.idx.add.s32.msk $0xffff, v1  }
0x14c: {  	[tilespmem:v5+s13+$0x0] =	vst.idx.add.s32.msk $0xffff, v1  }
0x14d: {  	[tilespmem:v61+s14+$0x0] =	vst.idx.add.s32.msk $0xffff, v1  }
0x14e: {  	s22 =	simm.s32 $0x0;
	s23 =	simm.s32 $0x6F0;
	s21 =	simm.s32 $0x370;
	v2 =	vshrl.u32 v11, $0x10;
	v3 =	vand.u32 $0xFFFF, v11;
	[tilespmem:v4+s14+$0x0] =	vst.idx.add.s32.msk $0xffff, v1  }
.LBB2_15:
0x14f: {  	v4 =	vld [tilespmem:s23+$0x0]  }
0x150: {  	s22 =	sadd.s32 $0x8, s22;
	v5 =	vld [tilespmem:s23+$0xFFFFFFA0]  }
0x151: {  	p0 =	slt.u32 s22, $0x18;
	v6 =	vld [tilespmem:s23+$0xFFFFFFB0]  }
0x152: {  	v7 =	vld [tilespmem:s23+$0xFFFFFFC0]  }
0x153: {  	v8 =	vld [tilespmem:s23+$0xFFFFFFD0]  }
0x154: {  	v9 =	vld [tilespmem:s23+$0xFFFFFFE0];
	v10 =	vand.u32 $0xFFFF, v4  }
0x155: {  	v4 =	vshrl.u32 v4, $0x10;
	v11 =	vshrl.u32 v5, $0x10;
	v5 =	vand.u32 $0xFFFF, v5;
	v12 =	vld [tilespmem:s23+$0xFFFFFFF0]  }
0x156: {  	v13 =	vld [tilespmem:s23+$0xFFFFFF90];
	v14 =	vshrl.u32 v6, $0x10;
	v6 =	vand.u32 $0xFFFF, v6  }
0x157: {  	v15 =	vshrl.u32 v7, $0x10;
	v7 =	vand.u32 $0xFFFF, v7;
	[tilespmem:v3+s13+$0x0] =	vst.idx.add.s32.msk $0xffff, v1  }
0x158: {  	v16 =	vshrl.u32 v8, $0x10;
	v8 =	vand.u32 $0xFFFF, v8;
	[tilespmem:v2+s14+$0x0] =	vst.idx.add.s32.msk $0xffff, v1  }
0x159: {  	v17 =	vshrl.u32 v9, $0x10;
	v9 =	vand.u32 $0xFFFF, v9;
	[tilespmem:v10+s13+$0x0] =	vst.idx.add.s32.msk $0xffff, v1  }
0x15a: {  	v2 =	vshrl.u32 v12, $0x10;
	v3 =	vand.u32 $0xFFFF, v12;
	[tilespmem:v4+s14+$0x0] =	vst.idx.add.s32.msk $0xffff, v1  }
0x15b: {  	v4 =	vshrl.u32 v13, $0x10;
	v10 =	vand.u32 $0xFFFF, v13;
	[tilespmem:v5+s13+$0x0] =	vst.idx.add.s32.msk $0xffff, v1  }
0x15c: {  	[tilespmem:v11+s14+$0x0] =	vst.idx.add.s32.msk $0xffff, v1  }
0x15d: {  	[tilespmem:v6+s13+$0x0] =	vst.idx.add.s32.msk $0xffff, v1  }
0x15e: {  	[tilespmem:v14+s14+$0x0] =	vst.idx.add.s32.msk $0xffff, v1  }
0x15f: {  	[tilespmem:v7+s13+$0x0] =	vst.idx.add.s32.msk $0xffff, v1  }
0x160: {  	[tilespmem:v10+s13+$0x0] =	vst.idx.add.s32.msk $0xffff, v1  }
0x161: {  	[tilespmem:v4+s14+$0x0] =	vst.idx.add.s32.msk $0xffff, v1  }
.Ltmp8:
0x162: {  	[tilespmem:v15+s14+$0x0] =	vst.idx.add.s32.msk $0xffff, v1;
	(pc) =	sbr.rel @p0 .LBB2_15-.Ltmp8, $4  }
0x163: {  	[tilespmem:v8+s13+$0x0] =	vst.idx.add.s32.msk $0xffff, v1  }
0x164: {  	[tilespmem:v16+s14+$0x0] =	vst.idx.add.s32.msk $0xffff, v1  }
0x165: {  	[tilespmem:v9+s13+$0x0] =	vst.idx.add.s32.msk $0xffff, v1  }
0x166: {  	s23 =	sadd.s32 $0x400, s23;
	[tilespmem:v17+s14+$0x0] =	vst.idx.add.s32.msk $0xffff, v1  }
0x167: {  	_ =	sdelay $0x3  }
0x168: {  	[tilespmem:v3+s13+$0x0] =	vst.idx.add.s32.msk $0xffff, v1  }
0x169: {  	[tilespmem:v2+s14+$0x0] =	vst.idx.add.s32.msk $0xffff, v1  }
0x16a: {  	v2 =	vld [tilespmem:s21+$0x0]  }
0x16b: {  	v3 =	vld [tilespmem:s21+$0xFFFFFFA0]  }
0x16c: {  	v4 =	vld [tilespmem:s21+$0xFFFFFFB0]  }
0x16d: {  	v5 =	vld [tilespmem:s21+$0xFFFFFFC0];
	_ =	sdelay $0x1  }
0x16e: {  	v6 =	vand.u32 $0xFFFF, v2  }
0x16f: {  	v10 =	vld [tilespmem:s21+$0xFFFFFFE0];
	v8 =	vand.u32 $0xFFFF, v3  }
0x170: {  	v7 =	vld [tilespmem:s21+$0xFFFFFFD0];
	v12 =	vand.u32 $0xFFFF, v4  }
0x171: {  	v9 =	vld [tilespmem:s21+$0xFFFFFF90];
	v60 =	vand.u32 $0xFFFF, v5  }
0x172: {  	v11 =	vld [tilespmem:s21+$0xFFFFFFF0];
	v2 =	vshrl.u32 v2, $0x10  }
0x173: {  	v3 =	vshrl.u32 v3, $0x10;
	[tilespmem:v6+s13+$0x0] =	vst.idx.add.s32.msk $0xffff, v1  }
0x174: {  	v62 =	vand.u32 $0xFFFF, v10;
	[tilespmem:v8+s13+$0x0] =	vst.idx.add.s32.msk $0xffff, v1  }
0x175: {  	v4 =	vshrl.u32 v4, $0x10;
	[tilespmem:v12+s13+$0x0] =	vst.idx.add.s32.msk $0xffff, v1  }
0x176: {  	v63 =	vshrl.u32 v10, $0x10;
	[tilespmem:v60+s13+$0x0] =	vst.idx.add.s32.msk $0xffff, v1  }
0x177: {  	[tilespmem:v2+s14+$0x0] =	vst.idx.add.s32.msk $0xffff, v1;
	v2 =	vand.u32 $0xFFFF, v9  }
0x178: {  	[tilespmem:v3+s14+$0x0] =	vst.idx.add.s32.msk $0xffff, v1;
	v3 =	vshrl.u32 v5, $0x10  }
0x179: {  	[tilespmem:v62+s13+$0x0] =	vst.idx.add.s32.msk $0xffff, v1;
	v5 =	vand.u32 $0xFFFF, v7  }
0x17a: {  	v61 =	vshrl.u32 v9, $0x10;
	[tilespmem:v4+s14+$0x0] =	vst.idx.add.s32.msk $0xffff, v1  }
0x17b: {  	v4 =	vshrl.u32 v7, $0x10;
	[tilespmem:v63+s14+$0x0] =	vst.idx.add.s32.msk $0xffff, v1  }
0x17c: {  	[tilespmem:v2+s13+$0x0] =	vst.idx.add.s32.msk $0xffff, v1  }
0x17d: {  	[tilespmem:v3+s14+$0x0] =	vst.idx.add.s32.msk $0xffff, v1  }
0x17e: {  	[tilespmem:v5+s13+$0x0] =	vst.idx.add.s32.msk $0xffff, v1  }
0x17f: {  	[tilespmem:v61+s14+$0x0] =	vst.idx.add.s32.msk $0xffff, v1  }
0x180: {  	s22 =	simm.s32 $0x0;
	s23 =	simm.s32 $0x770;
	s21 =	simm.s32 $0x3F0;
	v2 =	vshrl.u32 v11, $0x10;
	v3 =	vand.u32 $0xFFFF, v11;
	[tilespmem:v4+s14+$0x0] =	vst.idx.add.s32.msk $0xffff, v1  }
.LBB2_17:
0x181: {  	v4 =	vld [tilespmem:s23+$0x0]  }
0x182: {  	s22 =	sadd.s32 $0x8, s22;
	v5 =	vld [tilespmem:s23+$0xFFFFFFA0]  }
0x183: {  	p0 =	slt.u32 s22, $0x18;
	v6 =	vld [tilespmem:s23+$0xFFFFFFB0]  }
0x184: {  	v7 =	vld [tilespmem:s23+$0xFFFFFFC0]  }
0x185: {  	v8 =	vld [tilespmem:s23+$0xFFFFFFD0]  }
0x186: {  	v9 =	vld [tilespmem:s23+$0xFFFFFFE0];
	v10 =	vand.u32 $0xFFFF, v4  }
0x187: {  	v4 =	vshrl.u32 v4, $0x10;
	v11 =	vshrl.u32 v5, $0x10;
	v5 =	vand.u32 $0xFFFF, v5;
	v12 =	vld [tilespmem:s23+$0xFFFFFFF0]  }
0x188: {  	v13 =	vld [tilespmem:s23+$0xFFFFFF90];
	v14 =	vshrl.u32 v6, $0x10;
	v6 =	vand.u32 $0xFFFF, v6  }
0x189: {  	v15 =	vshrl.u32 v7, $0x10;
	v7 =	vand.u32 $0xFFFF, v7;
	[tilespmem:v3+s13+$0x0] =	vst.idx.add.s32.msk $0xffff, v1  }
0x18a: {  	v16 =	vshrl.u32 v8, $0x10;
	v8 =	vand.u32 $0xFFFF, v8;
	[tilespmem:v2+s14+$0x0] =	vst.idx.add.s32.msk $0xffff, v1  }
0x18b: {  	v17 =	vshrl.u32 v9, $0x10;
	v9 =	vand.u32 $0xFFFF, v9;
	[tilespmem:v10+s13+$0x0] =	vst.idx.add.s32.msk $0xffff, v1  }
0x18c: {  	v2 =	vshrl.u32 v12, $0x10;
	v3 =	vand.u32 $0xFFFF, v12;
	[tilespmem:v4+s14+$0x0] =	vst.idx.add.s32.msk $0xffff, v1  }
0x18d: {  	v4 =	vshrl.u32 v13, $0x10;
	v10 =	vand.u32 $0xFFFF, v13;
	[tilespmem:v5+s13+$0x0] =	vst.idx.add.s32.msk $0xffff, v1  }
0x18e: {  	[tilespmem:v11+s14+$0x0] =	vst.idx.add.s32.msk $0xffff, v1  }
0x18f: {  	[tilespmem:v6+s13+$0x0] =	vst.idx.add.s32.msk $0xffff, v1  }
0x190: {  	[tilespmem:v14+s14+$0x0] =	vst.idx.add.s32.msk $0xffff, v1  }
0x191: {  	[tilespmem:v7+s13+$0x0] =	vst.idx.add.s32.msk $0xffff, v1  }
0x192: {  	[tilespmem:v10+s13+$0x0] =	vst.idx.add.s32.msk $0xffff, v1  }
0x193: {  	[tilespmem:v4+s14+$0x0] =	vst.idx.add.s32.msk $0xffff, v1  }
.Ltmp9:
0x194: {  	[tilespmem:v15+s14+$0x0] =	vst.idx.add.s32.msk $0xffff, v1;
	(pc) =	sbr.rel @p0 .LBB2_17-.Ltmp9, $4  }
0x195: {  	[tilespmem:v8+s13+$0x0] =	vst.idx.add.s32.msk $0xffff, v1  }
0x196: {  	[tilespmem:v16+s14+$0x0] =	vst.idx.add.s32.msk $0xffff, v1  }
0x197: {  	[tilespmem:v9+s13+$0x0] =	vst.idx.add.s32.msk $0xffff, v1  }
0x198: {  	s23 =	sadd.s32 $0x400, s23;
	[tilespmem:v17+s14+$0x0] =	vst.idx.add.s32.msk $0xffff, v1  }
0x199: {  	_ =	sdelay $0x3  }
0x19a: {  	[tilespmem:v3+s13+$0x0] =	vst.idx.add.s32.msk $0xffff, v1  }
0x19b: {  	[tilespmem:v2+s14+$0x0] =	vst.idx.add.s32.msk $0xffff, v1  }
0x19c: {  	v2 =	vld [tilespmem:s21+$0x0]  }
0x19d: {  	v3 =	vld [tilespmem:s21+$0xFFFFFFA0]  }
0x19e: {  	v4 =	vld [tilespmem:s21+$0xFFFFFFB0]  }
0x19f: {  	v5 =	vld [tilespmem:s21+$0xFFFFFFC0];
	_ =	sdelay $0x1  }
0x1a0: {  	v6 =	vand.u32 $0xFFFF, v2  }
0x1a1: {  	v10 =	vld [tilespmem:s21+$0xFFFFFFE0];
	v8 =	vand.u32 $0xFFFF, v3  }
0x1a2: {  	v7 =	vld [tilespmem:s21+$0xFFFFFFD0];
	v12 =	vand.u32 $0xFFFF, v4  }
0x1a3: {  	v9 =	vld [tilespmem:s21+$0xFFFFFF90];
	v60 =	vand.u32 $0xFFFF, v5  }
0x1a4: {  	v11 =	vld [tilespmem:s21+$0xFFFFFFF0];
	v2 =	vshrl.u32 v2, $0x10  }
0x1a5: {  	v3 =	vshrl.u32 v3, $0x10;
	[tilespmem:v6+s13+$0x0] =	vst.idx.add.s32.msk $0xffff, v1  }
0x1a6: {  	v62 =	vand.u32 $0xFFFF, v10;
	[tilespmem:v8+s13+$0x0] =	vst.idx.add.s32.msk $0xffff, v1  }
0x1a7: {  	v4 =	vshrl.u32 v4, $0x10;
	[tilespmem:v12+s13+$0x0] =	vst.idx.add.s32.msk $0xffff, v1  }
0x1a8: {  	v63 =	vshrl.u32 v10, $0x10;
	[tilespmem:v60+s13+$0x0] =	vst.idx.add.s32.msk $0xffff, v1  }
0x1a9: {  	[tilespmem:v2+s14+$0x0] =	vst.idx.add.s32.msk $0xffff, v1;
	v2 =	vand.u32 $0xFFFF, v9  }
0x1aa: {  	[tilespmem:v3+s14+$0x0] =	vst.idx.add.s32.msk $0xffff, v1;
	v3 =	vshrl.u32 v5, $0x10  }
0x1ab: {  	[tilespmem:v62+s13+$0x0] =	vst.idx.add.s32.msk $0xffff, v1;
	v5 =	vand.u32 $0xFFFF, v7  }
0x1ac: {  	v61 =	vshrl.u32 v9, $0x10;
	[tilespmem:v4+s14+$0x0] =	vst.idx.add.s32.msk $0xffff, v1  }
0x1ad: {  	v4 =	vshrl.u32 v7, $0x10;
	[tilespmem:v63+s14+$0x0] =	vst.idx.add.s32.msk $0xffff, v1  }
0x1ae: {  	[tilespmem:v2+s13+$0x0] =	vst.idx.add.s32.msk $0xffff, v1  }
0x1af: {  	[tilespmem:v3+s14+$0x0] =	vst.idx.add.s32.msk $0xffff, v1  }
0x1b0: {  	[tilespmem:v5+s13+$0x0] =	vst.idx.add.s32.msk $0xffff, v1  }
0x1b1: {  	[tilespmem:v61+s14+$0x0] =	vst.idx.add.s32.msk $0xffff, v1  }
0x1b2: {  	s22 =	simm.s32 $0x7F0;
	s21 =	simm.s32 $0x0;
	v2 =	vshrl.u32 v11, $0x10;
	v3 =	vand.u32 $0xFFFF, v11;
	[tilespmem:v4+s14+$0x0] =	vst.idx.add.s32.msk $0xffff, v1  }
.LBB2_19:
0x1b3: {  	v4 =	vld [tilespmem:s22+$0x0]  }
0x1b4: {  	s21 =	sadd.s32 $0x8, s21;
	v5 =	vld [tilespmem:s22+$0xFFFFFFA0]  }
0x1b5: {  	p0 =	slt.u32 s21, $0x18;
	v6 =	vld [tilespmem:s22+$0xFFFFFFB0]  }
0x1b6: {  	v7 =	vld [tilespmem:s22+$0xFFFFFFC0]  }
0x1b7: {  	v8 =	vld [tilespmem:s22+$0xFFFFFFD0]  }
0x1b8: {  	v9 =	vld [tilespmem:s22+$0xFFFFFFE0];
	v10 =	vand.u32 $0xFFFF, v4  }
0x1b9: {  	v4 =	vshrl.u32 v4, $0x10;
	v11 =	vshrl.u32 v5, $0x10;
	v5 =	vand.u32 $0xFFFF, v5;
	v12 =	vld [tilespmem:s22+$0xFFFFFFF0]  }
0x1ba: {  	v13 =	vld [tilespmem:s22+$0xFFFFFF90];
	v14 =	vshrl.u32 v6, $0x10;
	v6 =	vand.u32 $0xFFFF, v6  }
0x1bb: {  	v15 =	vshrl.u32 v7, $0x10;
	v7 =	vand.u32 $0xFFFF, v7;
	[tilespmem:v3+s13+$0x0] =	vst.idx.add.s32.msk $0xffff, v1  }
0x1bc: {  	v16 =	vshrl.u32 v8, $0x10;
	v8 =	vand.u32 $0xFFFF, v8;
	[tilespmem:v2+s14+$0x0] =	vst.idx.add.s32.msk $0xffff, v1  }
0x1bd: {  	v17 =	vshrl.u32 v9, $0x10;
	v9 =	vand.u32 $0xFFFF, v9;
	[tilespmem:v10+s13+$0x0] =	vst.idx.add.s32.msk $0xffff, v1  }
0x1be: {  	v2 =	vshrl.u32 v12, $0x10;
	v3 =	vand.u32 $0xFFFF, v12;
	[tilespmem:v4+s14+$0x0] =	vst.idx.add.s32.msk $0xffff, v1  }
0x1bf: {  	v4 =	vshrl.u32 v13, $0x10;
	v10 =	vand.u32 $0xFFFF, v13;
	[tilespmem:v5+s13+$0x0] =	vst.idx.add.s32.msk $0xffff, v1  }
0x1c0: {  	[tilespmem:v11+s14+$0x0] =	vst.idx.add.s32.msk $0xffff, v1  }
0x1c1: {  	[tilespmem:v6+s13+$0x0] =	vst.idx.add.s32.msk $0xffff, v1  }
0x1c2: {  	[tilespmem:v14+s14+$0x0] =	vst.idx.add.s32.msk $0xffff, v1  }
0x1c3: {  	[tilespmem:v7+s13+$0x0] =	vst.idx.add.s32.msk $0xffff, v1  }
0x1c4: {  	[tilespmem:v10+s13+$0x0] =	vst.idx.add.s32.msk $0xffff, v1  }
0x1c5: {  	[tilespmem:v4+s14+$0x0] =	vst.idx.add.s32.msk $0xffff, v1  }
.Ltmp10:
0x1c6: {  	[tilespmem:v15+s14+$0x0] =	vst.idx.add.s32.msk $0xffff, v1;
	(pc) =	sbr.rel @p0 .LBB2_19-.Ltmp10, $4  }
0x1c7: {  	[tilespmem:v8+s13+$0x0] =	vst.idx.add.s32.msk $0xffff, v1  }
0x1c8: {  	[tilespmem:v16+s14+$0x0] =	vst.idx.add.s32.msk $0xffff, v1  }
0x1c9: {  	[tilespmem:v9+s13+$0x0] =	vst.idx.add.s32.msk $0xffff, v1  }
0x1ca: {  	s22 =	sadd.s32 $0x400, s22;
	[tilespmem:v17+s14+$0x0] =	vst.idx.add.s32.msk $0xffff, v1  }
0x1cb: {  	_ =	sdelay $0x1  }
0x1cc: {  	s21 =	sshll.u32 s20, $0xD;
	p0 =	seq.s32 s20, $0x12  }
0x1cd: {  	s22 =	sadd.s32 @!p0 s21, s6  }
0x1ce: {  	[tilespmem:v3+s13+$0x0] =	vst.idx.add.s32.msk $0xffff, v1;
	s22 =	sshrl.u32 @!p0 s22, $0x3  }
0x1cf: {  	[tilespmem:v2+s14+$0x0] =	vst.idx.add.s32.msk $0xffff, v1;
	s23 =	simm.s32 @!p0 $0x0;
	s22 =	sadd.s32 @!p0 s3, s22  }
0x1d0: {  	[tilespmem:s23], [sflag:$0x1] =	stream.linear.gather @!p0 [hbm4b:s22+s23], $0x1000, $0x38;
	[tilespmem:$0x15000] =	vst v63  }
0x1d1: {  	_ =	swait.ge [sflag:s15], $0x1000  }
0x1d2: {  	[sflag:s15] =	ssyncset.done $0x0  }
0x1d3: {  	s31 =	simm.s32 $0x1070;
	[sflag:s15] =	ssyncadd.s32 $0xFFFFF000  }
0x1d4: {  	v2 =	vld [tilespmem:s31+$0x0]  }
0x1d5: {  	v3 =	vld [tilespmem:s31+$0xFFFFFFA0]  }
0x1d6: {  	v4 =	vld [tilespmem:s31+$0xFFFFFFB0]  }
0x1d7: {  	v5 =	vld [tilespmem:s31+$0xFFFFFFC0];
	_ =	sdelay $0x1  }
0x1d8: {  	v6 =	vand.u32 $0xFFFF, v2  }
0x1d9: {  	v10 =	vld [tilespmem:s31+$0xFFFFFFE0];
	v8 =	vand.u32 $0xFFFF, v3  }
0x1da: {  	v7 =	vld [tilespmem:s31+$0xFFFFFFD0];
	v12 =	vand.u32 $0xFFFF, v4  }
0x1db: {  	v9 =	vld [tilespmem:s31+$0xFFFFFF90];
	v60 =	vand.u32 $0xFFFF, v5  }
0x1dc: {  	v11 =	vld [tilespmem:s31+$0xFFFFFFF0];
	v2 =	vshrl.u32 v2, $0x10  }
0x1dd: {  	v3 =	vshrl.u32 v3, $0x10;
	[tilespmem:v6+s13+$0x0] =	vst.idx.add.s32.msk $0xffff, v1  }
0x1de: {  	v62 =	vand.u32 $0xFFFF, v10;
	[tilespmem:v8+s13+$0x0] =	vst.idx.add.s32.msk $0xffff, v1  }
0x1df: {  	v4 =	vshrl.u32 v4, $0x10;
	[tilespmem:v12+s13+$0x0] =	vst.idx.add.s32.msk $0xffff, v1  }
0x1e0: {  	v63 =	vshrl.u32 v10, $0x10;
	[tilespmem:v60+s13+$0x0] =	vst.idx.add.s32.msk $0xffff, v1  }
0x1e1: {  	[tilespmem:v2+s14+$0x0] =	vst.idx.add.s32.msk $0xffff, v1;
	v2 =	vand.u32 $0xFFFF, v9  }
0x1e2: {  	[tilespmem:v3+s14+$0x0] =	vst.idx.add.s32.msk $0xffff, v1;
	v3 =	vshrl.u32 v5, $0x10  }
0x1e3: {  	[tilespmem:v62+s13+$0x0] =	vst.idx.add.s32.msk $0xffff, v1;
	v5 =	vand.u32 $0xFFFF, v7  }
0x1e4: {  	v61 =	vshrl.u32 v9, $0x10;
	[tilespmem:v4+s14+$0x0] =	vst.idx.add.s32.msk $0xffff, v1  }
0x1e5: {  	v4 =	vshrl.u32 v7, $0x10;
	[tilespmem:v63+s14+$0x0] =	vst.idx.add.s32.msk $0xffff, v1  }
0x1e6: {  	[tilespmem:v2+s13+$0x0] =	vst.idx.add.s32.msk $0xffff, v1  }
0x1e7: {  	[tilespmem:v3+s14+$0x0] =	vst.idx.add.s32.msk $0xffff, v1  }
0x1e8: {  	[tilespmem:v5+s13+$0x0] =	vst.idx.add.s32.msk $0xffff, v1  }
0x1e9: {  	[tilespmem:v61+s14+$0x0] =	vst.idx.add.s32.msk $0xffff, v1  }
0x1ea: {  	s24 =	simm.s32 $0x1470;
	s23 =	simm.s32 $0x0;
	s22 =	simm.s32 $0x10F0;
	v2 =	vshrl.u32 v11, $0x10;
	v3 =	vand.u32 $0xFFFF, v11;
	[tilespmem:v4+s14+$0x0] =	vst.idx.add.s32.msk $0xffff, v1  }
.LBB2_21:
0x1eb: {  	v4 =	vld [tilespmem:s24+$0x0]  }
0x1ec: {  	s23 =	sadd.s32 $0x8, s23;
	v5 =	vld [tilespmem:s24+$0xFFFFFFA0]  }
0x1ed: {  	p1 =	slt.u32 s23, $0x18;
	v6 =	vld [tilespmem:s24+$0xFFFFFFB0]  }
0x1ee: {  	v7 =	vld [tilespmem:s24+$0xFFFFFFC0]  }
0x1ef: {  	v8 =	vld [tilespmem:s24+$0xFFFFFFD0]  }
0x1f0: {  	v9 =	vld [tilespmem:s24+$0xFFFFFFE0];
	v10 =	vand.u32 $0xFFFF, v4  }
0x1f1: {  	v4 =	vshrl.u32 v4, $0x10;
	v11 =	vshrl.u32 v5, $0x10;
	v5 =	vand.u32 $0xFFFF, v5;
	v12 =	vld [tilespmem:s24+$0xFFFFFFF0]  }
0x1f2: {  	v13 =	vld [tilespmem:s24+$0xFFFFFF90];
	v14 =	vshrl.u32 v6, $0x10;
	v6 =	vand.u32 $0xFFFF, v6  }
0x1f3: {  	v15 =	vshrl.u32 v7, $0x10;
	v7 =	vand.u32 $0xFFFF, v7;
	[tilespmem:v3+s13+$0x0] =	vst.idx.add.s32.msk $0xffff, v1  }
0x1f4: {  	v16 =	vshrl.u32 v8, $0x10;
	v8 =	vand.u32 $0xFFFF, v8;
	[tilespmem:v2+s14+$0x0] =	vst.idx.add.s32.msk $0xffff, v1  }
0x1f5: {  	v17 =	vshrl.u32 v9, $0x10;
	v9 =	vand.u32 $0xFFFF, v9;
	[tilespmem:v10+s13+$0x0] =	vst.idx.add.s32.msk $0xffff, v1  }
0x1f6: {  	v2 =	vshrl.u32 v12, $0x10;
	v3 =	vand.u32 $0xFFFF, v12;
	[tilespmem:v4+s14+$0x0] =	vst.idx.add.s32.msk $0xffff, v1  }
0x1f7: {  	v4 =	vshrl.u32 v13, $0x10;
	v10 =	vand.u32 $0xFFFF, v13;
	[tilespmem:v5+s13+$0x0] =	vst.idx.add.s32.msk $0xffff, v1  }
0x1f8: {  	[tilespmem:v11+s14+$0x0] =	vst.idx.add.s32.msk $0xffff, v1  }
0x1f9: {  	[tilespmem:v6+s13+$0x0] =	vst.idx.add.s32.msk $0xffff, v1  }
0x1fa: {  	[tilespmem:v14+s14+$0x0] =	vst.idx.add.s32.msk $0xffff, v1  }
0x1fb: {  	[tilespmem:v7+s13+$0x0] =	vst.idx.add.s32.msk $0xffff, v1  }
0x1fc: {  	[tilespmem:v10+s13+$0x0] =	vst.idx.add.s32.msk $0xffff, v1  }
0x1fd: {  	[tilespmem:v4+s14+$0x0] =	vst.idx.add.s32.msk $0xffff, v1  }
.Ltmp11:
0x1fe: {  	[tilespmem:v15+s14+$0x0] =	vst.idx.add.s32.msk $0xffff, v1;
	(pc) =	sbr.rel @p1 .LBB2_21-.Ltmp11, $4  }
0x1ff: {  	[tilespmem:v8+s13+$0x0] =	vst.idx.add.s32.msk $0xffff, v1  }
0x200: {  	[tilespmem:v16+s14+$0x0] =	vst.idx.add.s32.msk $0xffff, v1  }
0x201: {  	[tilespmem:v9+s13+$0x0] =	vst.idx.add.s32.msk $0xffff, v1  }
0x202: {  	s24 =	sadd.s32 $0x400, s24;
	[tilespmem:v17+s14+$0x0] =	vst.idx.add.s32.msk $0xffff, v1  }
0x203: {  	_ =	sdelay $0x3  }
0x204: {  	[tilespmem:v3+s13+$0x0] =	vst.idx.add.s32.msk $0xffff, v1  }
0x205: {  	[tilespmem:v2+s14+$0x0] =	vst.idx.add.s32.msk $0xffff, v1  }
0x206: {  	v2 =	vld [tilespmem:s22+$0x0]  }
0x207: {  	v3 =	vld [tilespmem:s22+$0xFFFFFFA0]  }
0x208: {  	v4 =	vld [tilespmem:s22+$0xFFFFFFB0]  }
0x209: {  	v5 =	vld [tilespmem:s22+$0xFFFFFFC0];
	_ =	sdelay $0x1  }
0x20a: {  	v6 =	vand.u32 $0xFFFF, v2  }
0x20b: {  	v10 =	vld [tilespmem:s22+$0xFFFFFFE0];
	v8 =	vand.u32 $0xFFFF, v3  }
0x20c: {  	v7 =	vld [tilespmem:s22+$0xFFFFFFD0];
	v12 =	vand.u32 $0xFFFF, v4  }
0x20d: {  	v9 =	vld [tilespmem:s22+$0xFFFFFF90];
	v60 =	vand.u32 $0xFFFF, v5  }
0x20e: {  	v11 =	vld [tilespmem:s22+$0xFFFFFFF0];
	v2 =	vshrl.u32 v2, $0x10  }
0x20f: {  	v3 =	vshrl.u32 v3, $0x10;
	[tilespmem:v6+s13+$0x0] =	vst.idx.add.s32.msk $0xffff, v1  }
0x210: {  	v62 =	vand.u32 $0xFFFF, v10;
	[tilespmem:v8+s13+$0x0] =	vst.idx.add.s32.msk $0xffff, v1  }
0x211: {  	v4 =	vshrl.u32 v4, $0x10;
	[tilespmem:v12+s13+$0x0] =	vst.idx.add.s32.msk $0xffff, v1  }
0x212: {  	v63 =	vshrl.u32 v10, $0x10;
	[tilespmem:v60+s13+$0x0] =	vst.idx.add.s32.msk $0xffff, v1  }
0x213: {  	[tilespmem:v2+s14+$0x0] =	vst.idx.add.s32.msk $0xffff, v1;
	v2 =	vand.u32 $0xFFFF, v9  }
0x214: {  	[tilespmem:v3+s14+$0x0] =	vst.idx.add.s32.msk $0xffff, v1;
	v3 =	vshrl.u32 v5, $0x10  }
0x215: {  	[tilespmem:v62+s13+$0x0] =	vst.idx.add.s32.msk $0xffff, v1;
	v5 =	vand.u32 $0xFFFF, v7  }
0x216: {  	v61 =	vshrl.u32 v9, $0x10;
	[tilespmem:v4+s14+$0x0] =	vst.idx.add.s32.msk $0xffff, v1  }
0x217: {  	v4 =	vshrl.u32 v7, $0x10;
	[tilespmem:v63+s14+$0x0] =	vst.idx.add.s32.msk $0xffff, v1  }
0x218: {  	[tilespmem:v2+s13+$0x0] =	vst.idx.add.s32.msk $0xffff, v1  }
0x219: {  	[tilespmem:v3+s14+$0x0] =	vst.idx.add.s32.msk $0xffff, v1  }
0x21a: {  	[tilespmem:v5+s13+$0x0] =	vst.idx.add.s32.msk $0xffff, v1  }
0x21b: {  	[tilespmem:v61+s14+$0x0] =	vst.idx.add.s32.msk $0xffff, v1  }
0x21c: {  	s23 =	simm.s32 $0x0;
	s24 =	simm.s32 $0x14F0;
	s22 =	simm.s32 $0x1170;
	v2 =	vshrl.u32 v11, $0x10;
	v3 =	vand.u32 $0xFFFF, v11;
	[tilespmem:v4+s14+$0x0] =	vst.idx.add.s32.msk $0xffff, v1  }
.LBB2_23:
0x21d: {  	v4 =	vld [tilespmem:s24+$0x0]  }
0x21e: {  	s23 =	sadd.s32 $0x8, s23;
	v5 =	vld [tilespmem:s24+$0xFFFFFFA0]  }
0x21f: {  	p1 =	slt.u32 s23, $0x18;
	v6 =	vld [tilespmem:s24+$0xFFFFFFB0]  }
0x220: {  	v7 =	vld [tilespmem:s24+$0xFFFFFFC0]  }
0x221: {  	v8 =	vld [tilespmem:s24+$0xFFFFFFD0]  }
0x222: {  	v9 =	vld [tilespmem:s24+$0xFFFFFFE0];
	v10 =	vand.u32 $0xFFFF, v4  }
0x223: {  	v4 =	vshrl.u32 v4, $0x10;
	v11 =	vshrl.u32 v5, $0x10;
	v5 =	vand.u32 $0xFFFF, v5;
	v12 =	vld [tilespmem:s24+$0xFFFFFFF0]  }
0x224: {  	v13 =	vld [tilespmem:s24+$0xFFFFFF90];
	v14 =	vshrl.u32 v6, $0x10;
	v6 =	vand.u32 $0xFFFF, v6  }
0x225: {  	v15 =	vshrl.u32 v7, $0x10;
	v7 =	vand.u32 $0xFFFF, v7;
	[tilespmem:v3+s13+$0x0] =	vst.idx.add.s32.msk $0xffff, v1  }
0x226: {  	v16 =	vshrl.u32 v8, $0x10;
	v8 =	vand.u32 $0xFFFF, v8;
	[tilespmem:v2+s14+$0x0] =	vst.idx.add.s32.msk $0xffff, v1  }
0x227: {  	v17 =	vshrl.u32 v9, $0x10;
	v9 =	vand.u32 $0xFFFF, v9;
	[tilespmem:v10+s13+$0x0] =	vst.idx.add.s32.msk $0xffff, v1  }
0x228: {  	v2 =	vshrl.u32 v12, $0x10;
	v3 =	vand.u32 $0xFFFF, v12;
	[tilespmem:v4+s14+$0x0] =	vst.idx.add.s32.msk $0xffff, v1  }
0x229: {  	v4 =	vshrl.u32 v13, $0x10;
	v10 =	vand.u32 $0xFFFF, v13;
	[tilespmem:v5+s13+$0x0] =	vst.idx.add.s32.msk $0xffff, v1  }
0x22a: {  	[tilespmem:v11+s14+$0x0] =	vst.idx.add.s32.msk $0xffff, v1  }
0x22b: {  	[tilespmem:v6+s13+$0x0] =	vst.idx.add.s32.msk $0xffff, v1  }
0x22c: {  	[tilespmem:v14+s14+$0x0] =	vst.idx.add.s32.msk $0xffff, v1  }
0x22d: {  	[tilespmem:v7+s13+$0x0] =	vst.idx.add.s32.msk $0xffff, v1  }
0x22e: {  	[tilespmem:v10+s13+$0x0] =	vst.idx.add.s32.msk $0xffff, v1  }
0x22f: {  	[tilespmem:v4+s14+$0x0] =	vst.idx.add.s32.msk $0xffff, v1  }
.Ltmp12:
0x230: {  	[tilespmem:v15+s14+$0x0] =	vst.idx.add.s32.msk $0xffff, v1;
	(pc) =	sbr.rel @p1 .LBB2_23-.Ltmp12, $4  }
0x231: {  	[tilespmem:v8+s13+$0x0] =	vst.idx.add.s32.msk $0xffff, v1  }
0x232: {  	[tilespmem:v16+s14+$0x0] =	vst.idx.add.s32.msk $0xffff, v1  }
0x233: {  	[tilespmem:v9+s13+$0x0] =	vst.idx.add.s32.msk $0xffff, v1  }
0x234: {  	s24 =	sadd.s32 $0x400, s24;
	[tilespmem:v17+s14+$0x0] =	vst.idx.add.s32.msk $0xffff, v1  }
0x235: {  	_ =	sdelay $0x3  }
0x236: {  	[tilespmem:v3+s13+$0x0] =	vst.idx.add.s32.msk $0xffff, v1  }
0x237: {  	[tilespmem:v2+s14+$0x0] =	vst.idx.add.s32.msk $0xffff, v1  }
0x238: {  	v2 =	vld [tilespmem:s22+$0x0]  }
0x239: {  	v3 =	vld [tilespmem:s22+$0xFFFFFFA0]  }
0x23a: {  	v4 =	vld [tilespmem:s22+$0xFFFFFFB0]  }
0x23b: {  	v5 =	vld [tilespmem:s22+$0xFFFFFFC0];
	_ =	sdelay $0x1  }
0x23c: {  	v6 =	vand.u32 $0xFFFF, v2  }
0x23d: {  	v10 =	vld [tilespmem:s22+$0xFFFFFFE0];
	v8 =	vand.u32 $0xFFFF, v3  }
0x23e: {  	v7 =	vld [tilespmem:s22+$0xFFFFFFD0];
	v12 =	vand.u32 $0xFFFF, v4  }
0x23f: {  	v9 =	vld [tilespmem:s22+$0xFFFFFF90];
	v60 =	vand.u32 $0xFFFF, v5  }
0x240: {  	v11 =	vld [tilespmem:s22+$0xFFFFFFF0];
	v2 =	vshrl.u32 v2, $0x10  }
0x241: {  	v3 =	vshrl.u32 v3, $0x10;
	[tilespmem:v6+s13+$0x0] =	vst.idx.add.s32.msk $0xffff, v1  }
0x242: {  	v62 =	vand.u32 $0xFFFF, v10;
	[tilespmem:v8+s13+$0x0] =	vst.idx.add.s32.msk $0xffff, v1  }
0x243: {  	v4 =	vshrl.u32 v4, $0x10;
	[tilespmem:v12+s13+$0x0] =	vst.idx.add.s32.msk $0xffff, v1  }
0x244: {  	v63 =	vshrl.u32 v10, $0x10;
	[tilespmem:v60+s13+$0x0] =	vst.idx.add.s32.msk $0xffff, v1  }
0x245: {  	[tilespmem:v2+s14+$0x0] =	vst.idx.add.s32.msk $0xffff, v1;
	v2 =	vand.u32 $0xFFFF, v9  }
0x246: {  	[tilespmem:v3+s14+$0x0] =	vst.idx.add.s32.msk $0xffff, v1;
	v3 =	vshrl.u32 v5, $0x10  }
0x247: {  	[tilespmem:v62+s13+$0x0] =	vst.idx.add.s32.msk $0xffff, v1;
	v5 =	vand.u32 $0xFFFF, v7  }
0x248: {  	v61 =	vshrl.u32 v9, $0x10;
	[tilespmem:v4+s14+$0x0] =	vst.idx.add.s32.msk $0xffff, v1  }
0x249: {  	v4 =	vshrl.u32 v7, $0x10;
	[tilespmem:v63+s14+$0x0] =	vst.idx.add.s32.msk $0xffff, v1  }
0x24a: {  	[tilespmem:v2+s13+$0x0] =	vst.idx.add.s32.msk $0xffff, v1  }
0x24b: {  	[tilespmem:v3+s14+$0x0] =	vst.idx.add.s32.msk $0xffff, v1  }
0x24c: {  	[tilespmem:v5+s13+$0x0] =	vst.idx.add.s32.msk $0xffff, v1  }
0x24d: {  	[tilespmem:v61+s14+$0x0] =	vst.idx.add.s32.msk $0xffff, v1  }
0x24e: {  	s23 =	simm.s32 $0x0;
	s24 =	simm.s32 $0x1570;
	s22 =	simm.s32 $0x11F0;
	v2 =	vshrl.u32 v11, $0x10;
	v3 =	vand.u32 $0xFFFF, v11;
	[tilespmem:v4+s14+$0x0] =	vst.idx.add.s32.msk $0xffff, v1  }
.LBB2_25:
0x24f: {  	v4 =	vld [tilespmem:s24+$0x0]  }
0x250: {  	s23 =	sadd.s32 $0x8, s23;
	v5 =	vld [tilespmem:s24+$0xFFFFFFA0]  }
0x251: {  	p1 =	slt.u32 s23, $0x18;
	v6 =	vld [tilespmem:s24+$0xFFFFFFB0]  }
0x252: {  	v7 =	vld [tilespmem:s24+$0xFFFFFFC0]  }
0x253: {  	v8 =	vld [tilespmem:s24+$0xFFFFFFD0]  }
0x254: {  	v9 =	vld [tilespmem:s24+$0xFFFFFFE0];
	v10 =	vand.u32 $0xFFFF, v4  }
0x255: {  	v4 =	vshrl.u32 v4, $0x10;
	v11 =	vshrl.u32 v5, $0x10;
	v5 =	vand.u32 $0xFFFF, v5;
	v12 =	vld [tilespmem:s24+$0xFFFFFFF0]  }
0x256: {  	v13 =	vld [tilespmem:s24+$0xFFFFFF90];
	v14 =	vshrl.u32 v6, $0x10;
	v6 =	vand.u32 $0xFFFF, v6  }
0x257: {  	v15 =	vshrl.u32 v7, $0x10;
	v7 =	vand.u32 $0xFFFF, v7;
	[tilespmem:v3+s13+$0x0] =	vst.idx.add.s32.msk $0xffff, v1  }
0x258: {  	v16 =	vshrl.u32 v8, $0x10;
	v8 =	vand.u32 $0xFFFF, v8;
	[tilespmem:v2+s14+$0x0] =	vst.idx.add.s32.msk $0xffff, v1  }
0x259: {  	v17 =	vshrl.u32 v9, $0x10;
	v9 =	vand.u32 $0xFFFF, v9;
	[tilespmem:v10+s13+$0x0] =	vst.idx.add.s32.msk $0xffff, v1  }
0x25a: {  	v2 =	vshrl.u32 v12, $0x10;
	v3 =	vand.u32 $0xFFFF, v12;
	[tilespmem:v4+s14+$0x0] =	vst.idx.add.s32.msk $0xffff, v1  }
0x25b: {  	v4 =	vshrl.u32 v13, $0x10;
	v10 =	vand.u32 $0xFFFF, v13;
	[tilespmem:v5+s13+$0x0] =	vst.idx.add.s32.msk $0xffff, v1  }
0x25c: {  	[tilespmem:v11+s14+$0x0] =	vst.idx.add.s32.msk $0xffff, v1  }
0x25d: {  	[tilespmem:v6+s13+$0x0] =	vst.idx.add.s32.msk $0xffff, v1  }
0x25e: {  	[tilespmem:v14+s14+$0x0] =	vst.idx.add.s32.msk $0xffff, v1  }
0x25f: {  	[tilespmem:v7+s13+$0x0] =	vst.idx.add.s32.msk $0xffff, v1  }
0x260: {  	[tilespmem:v10+s13+$0x0] =	vst.idx.add.s32.msk $0xffff, v1  }
0x261: {  	[tilespmem:v4+s14+$0x0] =	vst.idx.add.s32.msk $0xffff, v1  }
.Ltmp13:
0x262: {  	[tilespmem:v15+s14+$0x0] =	vst.idx.add.s32.msk $0xffff, v1;
	(pc) =	sbr.rel @p1 .LBB2_25-.Ltmp13, $4  }
0x263: {  	[tilespmem:v8+s13+$0x0] =	vst.idx.add.s32.msk $0xffff, v1  }
0x264: {  	[tilespmem:v16+s14+$0x0] =	vst.idx.add.s32.msk $0xffff, v1  }
0x265: {  	[tilespmem:v9+s13+$0x0] =	vst.idx.add.s32.msk $0xffff, v1  }
0x266: {  	s24 =	sadd.s32 $0x400, s24;
	[tilespmem:v17+s14+$0x0] =	vst.idx.add.s32.msk $0xffff, v1  }
0x267: {  	_ =	sdelay $0x3  }
0x268: {  	[tilespmem:v3+s13+$0x0] =	vst.idx.add.s32.msk $0xffff, v1  }
0x269: {  	[tilespmem:v2+s14+$0x0] =	vst.idx.add.s32.msk $0xffff, v1  }
0x26a: {  	v2 =	vld [tilespmem:s22+$0x0]  }
0x26b: {  	v3 =	vld [tilespmem:s22+$0xFFFFFFA0]  }
0x26c: {  	v4 =	vld [tilespmem:s22+$0xFFFFFFB0]  }
0x26d: {  	v5 =	vld [tilespmem:s22+$0xFFFFFFC0];
	_ =	sdelay $0x1  }
0x26e: {  	v6 =	vand.u32 $0xFFFF, v2  }
0x26f: {  	v10 =	vld [tilespmem:s22+$0xFFFFFFE0];
	v8 =	vand.u32 $0xFFFF, v3  }
0x270: {  	v7 =	vld [tilespmem:s22+$0xFFFFFFD0];
	v12 =	vand.u32 $0xFFFF, v4  }
0x271: {  	v9 =	vld [tilespmem:s22+$0xFFFFFF90];
	v60 =	vand.u32 $0xFFFF, v5  }
0x272: {  	v11 =	vld [tilespmem:s22+$0xFFFFFFF0];
	v2 =	vshrl.u32 v2, $0x10  }
0x273: {  	v3 =	vshrl.u32 v3, $0x10;
	[tilespmem:v6+s13+$0x0] =	vst.idx.add.s32.msk $0xffff, v1  }
0x274: {  	v62 =	vand.u32 $0xFFFF, v10;
	[tilespmem:v8+s13+$0x0] =	vst.idx.add.s32.msk $0xffff, v1  }
0x275: {  	v4 =	vshrl.u32 v4, $0x10;
	[tilespmem:v12+s13+$0x0] =	vst.idx.add.s32.msk $0xffff, v1  }
0x276: {  	v63 =	vshrl.u32 v10, $0x10;
	[tilespmem:v60+s13+$0x0] =	vst.idx.add.s32.msk $0xffff, v1  }
0x277: {  	[tilespmem:v2+s14+$0x0] =	vst.idx.add.s32.msk $0xffff, v1;
	v2 =	vand.u32 $0xFFFF, v9  }
0x278: {  	[tilespmem:v3+s14+$0x0] =	vst.idx.add.s32.msk $0xffff, v1;
	v3 =	vshrl.u32 v5, $0x10  }
0x279: {  	[tilespmem:v62+s13+$0x0] =	vst.idx.add.s32.msk $0xffff, v1;
	v5 =	vand.u32 $0xFFFF, v7  }
0x27a: {  	v61 =	vshrl.u32 v9, $0x10;
	[tilespmem:v4+s14+$0x0] =	vst.idx.add.s32.msk $0xffff, v1  }
0x27b: {  	v4 =	vshrl.u32 v7, $0x10;
	[tilespmem:v63+s14+$0x0] =	vst.idx.add.s32.msk $0xffff, v1  }
0x27c: {  	[tilespmem:v2+s13+$0x0] =	vst.idx.add.s32.msk $0xffff, v1  }
0x27d: {  	[tilespmem:v3+s14+$0x0] =	vst.idx.add.s32.msk $0xffff, v1  }
0x27e: {  	[tilespmem:v5+s13+$0x0] =	vst.idx.add.s32.msk $0xffff, v1  }
0x27f: {  	[tilespmem:v61+s14+$0x0] =	vst.idx.add.s32.msk $0xffff, v1  }
0x280: {  	s23 =	simm.s32 $0x0;
	s24 =	simm.s32 $0x15F0;
	s22 =	simm.s32 $0x1270;
	v2 =	vshrl.u32 v11, $0x10;
	v3 =	vand.u32 $0xFFFF, v11;
	[tilespmem:v4+s14+$0x0] =	vst.idx.add.s32.msk $0xffff, v1  }
.LBB2_27:
0x281: {  	v4 =	vld [tilespmem:s24+$0x0]  }
0x282: {  	s23 =	sadd.s32 $0x8, s23;
	v5 =	vld [tilespmem:s24+$0xFFFFFFA0]  }
0x283: {  	p1 =	slt.u32 s23, $0x18;
	v6 =	vld [tilespmem:s24+$0xFFFFFFB0]  }
0x284: {  	v7 =	vld [tilespmem:s24+$0xFFFFFFC0]  }
0x285: {  	v8 =	vld [tilespmem:s24+$0xFFFFFFD0]  }
0x286: {  	v9 =	vld [tilespmem:s24+$0xFFFFFFE0];
	v10 =	vand.u32 $0xFFFF, v4  }
0x287: {  	v4 =	vshrl.u32 v4, $0x10;
	v11 =	vshrl.u32 v5, $0x10;
	v5 =	vand.u32 $0xFFFF, v5;
	v12 =	vld [tilespmem:s24+$0xFFFFFFF0]  }
0x288: {  	v13 =	vld [tilespmem:s24+$0xFFFFFF90];
	v14 =	vshrl.u32 v6, $0x10;
	v6 =	vand.u32 $0xFFFF, v6  }
0x289: {  	v15 =	vshrl.u32 v7, $0x10;
	v7 =	vand.u32 $0xFFFF, v7;
	[tilespmem:v3+s13+$0x0] =	vst.idx.add.s32.msk $0xffff, v1  }
0x28a: {  	v16 =	vshrl.u32 v8, $0x10;
	v8 =	vand.u32 $0xFFFF, v8;
	[tilespmem:v2+s14+$0x0] =	vst.idx.add.s32.msk $0xffff, v1  }
0x28b: {  	v17 =	vshrl.u32 v9, $0x10;
	v9 =	vand.u32 $0xFFFF, v9;
	[tilespmem:v10+s13+$0x0] =	vst.idx.add.s32.msk $0xffff, v1  }
0x28c: {  	v2 =	vshrl.u32 v12, $0x10;
	v3 =	vand.u32 $0xFFFF, v12;
	[tilespmem:v4+s14+$0x0] =	vst.idx.add.s32.msk $0xffff, v1  }
0x28d: {  	v4 =	vshrl.u32 v13, $0x10;
	v10 =	vand.u32 $0xFFFF, v13;
	[tilespmem:v5+s13+$0x0] =	vst.idx.add.s32.msk $0xffff, v1  }
0x28e: {  	[tilespmem:v11+s14+$0x0] =	vst.idx.add.s32.msk $0xffff, v1  }
0x28f: {  	[tilespmem:v6+s13+$0x0] =	vst.idx.add.s32.msk $0xffff, v1  }
0x290: {  	[tilespmem:v14+s14+$0x0] =	vst.idx.add.s32.msk $0xffff, v1  }
0x291: {  	[tilespmem:v7+s13+$0x0] =	vst.idx.add.s32.msk $0xffff, v1  }
0x292: {  	[tilespmem:v10+s13+$0x0] =	vst.idx.add.s32.msk $0xffff, v1  }
0x293: {  	[tilespmem:v4+s14+$0x0] =	vst.idx.add.s32.msk $0xffff, v1  }
.Ltmp14:
0x294: {  	[tilespmem:v15+s14+$0x0] =	vst.idx.add.s32.msk $0xffff, v1;
	(pc) =	sbr.rel @p1 .LBB2_27-.Ltmp14, $4  }
0x295: {  	[tilespmem:v8+s13+$0x0] =	vst.idx.add.s32.msk $0xffff, v1  }
0x296: {  	[tilespmem:v16+s14+$0x0] =	vst.idx.add.s32.msk $0xffff, v1  }
0x297: {  	[tilespmem:v9+s13+$0x0] =	vst.idx.add.s32.msk $0xffff, v1  }
0x298: {  	s24 =	sadd.s32 $0x400, s24;
	[tilespmem:v17+s14+$0x0] =	vst.idx.add.s32.msk $0xffff, v1  }
0x299: {  	_ =	sdelay $0x3  }
0x29a: {  	[tilespmem:v3+s13+$0x0] =	vst.idx.add.s32.msk $0xffff, v1  }
0x29b: {  	[tilespmem:v2+s14+$0x0] =	vst.idx.add.s32.msk $0xffff, v1  }
0x29c: {  	v2 =	vld [tilespmem:s22+$0x0]  }
0x29d: {  	v3 =	vld [tilespmem:s22+$0xFFFFFFA0]  }
0x29e: {  	v4 =	vld [tilespmem:s22+$0xFFFFFFB0]  }
0x29f: {  	v5 =	vld [tilespmem:s22+$0xFFFFFFC0];
	_ =	sdelay $0x1  }
0x2a0: {  	v6 =	vand.u32 $0xFFFF, v2  }
0x2a1: {  	v10 =	vld [tilespmem:s22+$0xFFFFFFE0];
	v8 =	vand.u32 $0xFFFF, v3  }
0x2a2: {  	v7 =	vld [tilespmem:s22+$0xFFFFFFD0];
	v12 =	vand.u32 $0xFFFF, v4  }
0x2a3: {  	v9 =	vld [tilespmem:s22+$0xFFFFFF90];
	v60 =	vand.u32 $0xFFFF, v5  }
0x2a4: {  	v11 =	vld [tilespmem:s22+$0xFFFFFFF0];
	v2 =	vshrl.u32 v2, $0x10  }
0x2a5: {  	v3 =	vshrl.u32 v3, $0x10;
	[tilespmem:v6+s13+$0x0] =	vst.idx.add.s32.msk $0xffff, v1  }
0x2a6: {  	v62 =	vand.u32 $0xFFFF, v10;
	[tilespmem:v8+s13+$0x0] =	vst.idx.add.s32.msk $0xffff, v1  }
0x2a7: {  	v4 =	vshrl.u32 v4, $0x10;
	[tilespmem:v12+s13+$0x0] =	vst.idx.add.s32.msk $0xffff, v1  }
0x2a8: {  	v63 =	vshrl.u32 v10, $0x10;
	[tilespmem:v60+s13+$0x0] =	vst.idx.add.s32.msk $0xffff, v1  }
0x2a9: {  	[tilespmem:v2+s14+$0x0] =	vst.idx.add.s32.msk $0xffff, v1;
	v2 =	vand.u32 $0xFFFF, v9  }
0x2aa: {  	[tilespmem:v3+s14+$0x0] =	vst.idx.add.s32.msk $0xffff, v1;
	v3 =	vshrl.u32 v5, $0x10  }
0x2ab: {  	[tilespmem:v62+s13+$0x0] =	vst.idx.add.s32.msk $0xffff, v1;
	v5 =	vand.u32 $0xFFFF, v7  }
0x2ac: {  	v61 =	vshrl.u32 v9, $0x10;
	[tilespmem:v4+s14+$0x0] =	vst.idx.add.s32.msk $0xffff, v1  }
0x2ad: {  	v4 =	vshrl.u32 v7, $0x10;
	[tilespmem:v63+s14+$0x0] =	vst.idx.add.s32.msk $0xffff, v1  }
0x2ae: {  	[tilespmem:v2+s13+$0x0] =	vst.idx.add.s32.msk $0xffff, v1  }
0x2af: {  	[tilespmem:v3+s14+$0x0] =	vst.idx.add.s32.msk $0xffff, v1  }
0x2b0: {  	[tilespmem:v5+s13+$0x0] =	vst.idx.add.s32.msk $0xffff, v1  }
0x2b1: {  	[tilespmem:v61+s14+$0x0] =	vst.idx.add.s32.msk $0xffff, v1  }
0x2b2: {  	s23 =	simm.s32 $0x0;
	s24 =	simm.s32 $0x1670;
	s22 =	simm.s32 $0x12F0;
	v2 =	vshrl.u32 v11, $0x10;
	v3 =	vand.u32 $0xFFFF, v11;
	[tilespmem:v4+s14+$0x0] =	vst.idx.add.s32.msk $0xffff, v1  }
.LBB2_29:
0x2b3: {  	v4 =	vld [tilespmem:s24+$0x0]  }
0x2b4: {  	s23 =	sadd.s32 $0x8, s23;
	v5 =	vld [tilespmem:s24+$0xFFFFFFA0]  }
0x2b5: {  	p1 =	slt.u32 s23, $0x18;
	v6 =	vld [tilespmem:s24+$0xFFFFFFB0]  }
0x2b6: {  	v7 =	vld [tilespmem:s24+$0xFFFFFFC0]  }
0x2b7: {  	v8 =	vld [tilespmem:s24+$0xFFFFFFD0]  }
0x2b8: {  	v9 =	vld [tilespmem:s24+$0xFFFFFFE0];
	v10 =	vand.u32 $0xFFFF, v4  }
0x2b9: {  	v4 =	vshrl.u32 v4, $0x10;
	v11 =	vshrl.u32 v5, $0x10;
	v5 =	vand.u32 $0xFFFF, v5;
	v12 =	vld [tilespmem:s24+$0xFFFFFFF0]  }
0x2ba: {  	v13 =	vld [tilespmem:s24+$0xFFFFFF90];
	v14 =	vshrl.u32 v6, $0x10;
	v6 =	vand.u32 $0xFFFF, v6  }
0x2bb: {  	v15 =	vshrl.u32 v7, $0x10;
	v7 =	vand.u32 $0xFFFF, v7;
	[tilespmem:v3+s13+$0x0] =	vst.idx.add.s32.msk $0xffff, v1  }
0x2bc: {  	v16 =	vshrl.u32 v8, $0x10;
	v8 =	vand.u32 $0xFFFF, v8;
	[tilespmem:v2+s14+$0x0] =	vst.idx.add.s32.msk $0xffff, v1  }
0x2bd: {  	v17 =	vshrl.u32 v9, $0x10;
	v9 =	vand.u32 $0xFFFF, v9;
	[tilespmem:v10+s13+$0x0] =	vst.idx.add.s32.msk $0xffff, v1  }
0x2be: {  	v2 =	vshrl.u32 v12, $0x10;
	v3 =	vand.u32 $0xFFFF, v12;
	[tilespmem:v4+s14+$0x0] =	vst.idx.add.s32.msk $0xffff, v1  }
0x2bf: {  	v4 =	vshrl.u32 v13, $0x10;
	v10 =	vand.u32 $0xFFFF, v13;
	[tilespmem:v5+s13+$0x0] =	vst.idx.add.s32.msk $0xffff, v1  }
0x2c0: {  	[tilespmem:v11+s14+$0x0] =	vst.idx.add.s32.msk $0xffff, v1  }
0x2c1: {  	[tilespmem:v6+s13+$0x0] =	vst.idx.add.s32.msk $0xffff, v1  }
0x2c2: {  	[tilespmem:v14+s14+$0x0] =	vst.idx.add.s32.msk $0xffff, v1  }
0x2c3: {  	[tilespmem:v7+s13+$0x0] =	vst.idx.add.s32.msk $0xffff, v1  }
0x2c4: {  	[tilespmem:v10+s13+$0x0] =	vst.idx.add.s32.msk $0xffff, v1  }
0x2c5: {  	[tilespmem:v4+s14+$0x0] =	vst.idx.add.s32.msk $0xffff, v1  }
.Ltmp15:
0x2c6: {  	[tilespmem:v15+s14+$0x0] =	vst.idx.add.s32.msk $0xffff, v1;
	(pc) =	sbr.rel @p1 .LBB2_29-.Ltmp15, $4  }
0x2c7: {  	[tilespmem:v8+s13+$0x0] =	vst.idx.add.s32.msk $0xffff, v1  }
0x2c8: {  	[tilespmem:v16+s14+$0x0] =	vst.idx.add.s32.msk $0xffff, v1  }
0x2c9: {  	[tilespmem:v9+s13+$0x0] =	vst.idx.add.s32.msk $0xffff, v1  }
0x2ca: {  	s24 =	sadd.s32 $0x400, s24;
	[tilespmem:v17+s14+$0x0] =	vst.idx.add.s32.msk $0xffff, v1  }
0x2cb: {  	_ =	sdelay $0x3  }
0x2cc: {  	[tilespmem:v3+s13+$0x0] =	vst.idx.add.s32.msk $0xffff, v1  }
0x2cd: {  	[tilespmem:v2+s14+$0x0] =	vst.idx.add.s32.msk $0xffff, v1  }
0x2ce: {  	v2 =	vld [tilespmem:s22+$0x0]  }
0x2cf: {  	v3 =	vld [tilespmem:s22+$0xFFFFFFA0]  }
0x2d0: {  	v4 =	vld [tilespmem:s22+$0xFFFFFFB0]  }
0x2d1: {  	v5 =	vld [tilespmem:s22+$0xFFFFFFC0];
	_ =	sdelay $0x1  }
0x2d2: {  	v6 =	vand.u32 $0xFFFF, v2  }
0x2d3: {  	v10 =	vld [tilespmem:s22+$0xFFFFFFE0];
	v8 =	vand.u32 $0xFFFF, v3  }
0x2d4: {  	v7 =	vld [tilespmem:s22+$0xFFFFFFD0];
	v12 =	vand.u32 $0xFFFF, v4  }
0x2d5: {  	v9 =	vld [tilespmem:s22+$0xFFFFFF90];
	v60 =	vand.u32 $0xFFFF, v5  }
0x2d6: {  	v11 =	vld [tilespmem:s22+$0xFFFFFFF0];
	v2 =	vshrl.u32 v2, $0x10  }
0x2d7: {  	v3 =	vshrl.u32 v3, $0x10;
	[tilespmem:v6+s13+$0x0] =	vst.idx.add.s32.msk $0xffff, v1  }
0x2d8: {  	v62 =	vand.u32 $0xFFFF, v10;
	[tilespmem:v8+s13+$0x0] =	vst.idx.add.s32.msk $0xffff, v1  }
0x2d9: {  	v4 =	vshrl.u32 v4, $0x10;
	[tilespmem:v12+s13+$0x0] =	vst.idx.add.s32.msk $0xffff, v1  }
0x2da: {  	v63 =	vshrl.u32 v10, $0x10;
	[tilespmem:v60+s13+$0x0] =	vst.idx.add.s32.msk $0xffff, v1  }
0x2db: {  	[tilespmem:v2+s14+$0x0] =	vst.idx.add.s32.msk $0xffff, v1;
	v2 =	vand.u32 $0xFFFF, v9  }
0x2dc: {  	[tilespmem:v3+s14+$0x0] =	vst.idx.add.s32.msk $0xffff, v1;
	v3 =	vshrl.u32 v5, $0x10  }
0x2dd: {  	[tilespmem:v62+s13+$0x0] =	vst.idx.add.s32.msk $0xffff, v1;
	v5 =	vand.u32 $0xFFFF, v7  }
0x2de: {  	v61 =	vshrl.u32 v9, $0x10;
	[tilespmem:v4+s14+$0x0] =	vst.idx.add.s32.msk $0xffff, v1  }
0x2df: {  	v4 =	vshrl.u32 v7, $0x10;
	[tilespmem:v63+s14+$0x0] =	vst.idx.add.s32.msk $0xffff, v1  }
0x2e0: {  	[tilespmem:v2+s13+$0x0] =	vst.idx.add.s32.msk $0xffff, v1  }
0x2e1: {  	[tilespmem:v3+s14+$0x0] =	vst.idx.add.s32.msk $0xffff, v1  }
0x2e2: {  	[tilespmem:v5+s13+$0x0] =	vst.idx.add.s32.msk $0xffff, v1  }
0x2e3: {  	[tilespmem:v61+s14+$0x0] =	vst.idx.add.s32.msk $0xffff, v1  }
0x2e4: {  	s23 =	simm.s32 $0x0;
	s24 =	simm.s32 $0x16F0;
	s22 =	simm.s32 $0x1370;
	v2 =	vshrl.u32 v11, $0x10;
	v3 =	vand.u32 $0xFFFF, v11;
	[tilespmem:v4+s14+$0x0] =	vst.idx.add.s32.msk $0xffff, v1  }
.LBB2_31:
0x2e5: {  	v4 =	vld [tilespmem:s24+$0x0]  }
0x2e6: {  	s23 =	sadd.s32 $0x8, s23;
	v5 =	vld [tilespmem:s24+$0xFFFFFFA0]  }
0x2e7: {  	p1 =	slt.u32 s23, $0x18;
	v6 =	vld [tilespmem:s24+$0xFFFFFFB0]  }
0x2e8: {  	v7 =	vld [tilespmem:s24+$0xFFFFFFC0]  }
0x2e9: {  	v8 =	vld [tilespmem:s24+$0xFFFFFFD0]  }
0x2ea: {  	v9 =	vld [tilespmem:s24+$0xFFFFFFE0];
	v10 =	vand.u32 $0xFFFF, v4  }
0x2eb: {  	v4 =	vshrl.u32 v4, $0x10;
	v11 =	vshrl.u32 v5, $0x10;
	v5 =	vand.u32 $0xFFFF, v5;
	v12 =	vld [tilespmem:s24+$0xFFFFFFF0]  }
0x2ec: {  	v13 =	vld [tilespmem:s24+$0xFFFFFF90];
	v14 =	vshrl.u32 v6, $0x10;
	v6 =	vand.u32 $0xFFFF, v6  }
0x2ed: {  	v15 =	vshrl.u32 v7, $0x10;
	v7 =	vand.u32 $0xFFFF, v7;
	[tilespmem:v3+s13+$0x0] =	vst.idx.add.s32.msk $0xffff, v1  }
0x2ee: {  	v16 =	vshrl.u32 v8, $0x10;
	v8 =	vand.u32 $0xFFFF, v8;
	[tilespmem:v2+s14+$0x0] =	vst.idx.add.s32.msk $0xffff, v1  }
0x2ef: {  	v17 =	vshrl.u32 v9, $0x10;
	v9 =	vand.u32 $0xFFFF, v9;
	[tilespmem:v10+s13+$0x0] =	vst.idx.add.s32.msk $0xffff, v1  }
0x2f0: {  	v2 =	vshrl.u32 v12, $0x10;
	v3 =	vand.u32 $0xFFFF, v12;
	[tilespmem:v4+s14+$0x0] =	vst.idx.add.s32.msk $0xffff, v1  }
0x2f1: {  	v4 =	vshrl.u32 v13, $0x10;
	v10 =	vand.u32 $0xFFFF, v13;
	[tilespmem:v5+s13+$0x0] =	vst.idx.add.s32.msk $0xffff, v1  }
0x2f2: {  	[tilespmem:v11+s14+$0x0] =	vst.idx.add.s32.msk $0xffff, v1  }
0x2f3: {  	[tilespmem:v6+s13+$0x0] =	vst.idx.add.s32.msk $0xffff, v1  }
0x2f4: {  	[tilespmem:v14+s14+$0x0] =	vst.idx.add.s32.msk $0xffff, v1  }
0x2f5: {  	[tilespmem:v7+s13+$0x0] =	vst.idx.add.s32.msk $0xffff, v1  }
0x2f6: {  	[tilespmem:v10+s13+$0x0] =	vst.idx.add.s32.msk $0xffff, v1  }
0x2f7: {  	[tilespmem:v4+s14+$0x0] =	vst.idx.add.s32.msk $0xffff, v1  }
.Ltmp16:
0x2f8: {  	[tilespmem:v15+s14+$0x0] =	vst.idx.add.s32.msk $0xffff, v1;
	(pc) =	sbr.rel @p1 .LBB2_31-.Ltmp16, $4  }
0x2f9: {  	[tilespmem:v8+s13+$0x0] =	vst.idx.add.s32.msk $0xffff, v1  }
0x2fa: {  	[tilespmem:v16+s14+$0x0] =	vst.idx.add.s32.msk $0xffff, v1  }
0x2fb: {  	[tilespmem:v9+s13+$0x0] =	vst.idx.add.s32.msk $0xffff, v1  }
0x2fc: {  	s24 =	sadd.s32 $0x400, s24;
	[tilespmem:v17+s14+$0x0] =	vst.idx.add.s32.msk $0xffff, v1  }
0x2fd: {  	_ =	sdelay $0x3  }
0x2fe: {  	[tilespmem:v3+s13+$0x0] =	vst.idx.add.s32.msk $0xffff, v1  }
0x2ff: {  	[tilespmem:v2+s14+$0x0] =	vst.idx.add.s32.msk $0xffff, v1  }
0x300: {  	v2 =	vld [tilespmem:s22+$0x0]  }
0x301: {  	v3 =	vld [tilespmem:s22+$0xFFFFFFA0]  }
0x302: {  	v4 =	vld [tilespmem:s22+$0xFFFFFFB0]  }
0x303: {  	v5 =	vld [tilespmem:s22+$0xFFFFFFC0];
	_ =	sdelay $0x1  }
0x304: {  	v6 =	vand.u32 $0xFFFF, v2  }
0x305: {  	v10 =	vld [tilespmem:s22+$0xFFFFFFE0];
	v8 =	vand.u32 $0xFFFF, v3  }
0x306: {  	v7 =	vld [tilespmem:s22+$0xFFFFFFD0];
	v12 =	vand.u32 $0xFFFF, v4  }
0x307: {  	v9 =	vld [tilespmem:s22+$0xFFFFFF90];
	v60 =	vand.u32 $0xFFFF, v5  }
0x308: {  	v11 =	vld [tilespmem:s22+$0xFFFFFFF0];
	v2 =	vshrl.u32 v2, $0x10  }
0x309: {  	v3 =	vshrl.u32 v3, $0x10;
	[tilespmem:v6+s13+$0x0] =	vst.idx.add.s32.msk $0xffff, v1  }
0x30a: {  	v62 =	vand.u32 $0xFFFF, v10;
	[tilespmem:v8+s13+$0x0] =	vst.idx.add.s32.msk $0xffff, v1  }
0x30b: {  	v4 =	vshrl.u32 v4, $0x10;
	[tilespmem:v12+s13+$0x0] =	vst.idx.add.s32.msk $0xffff, v1  }
0x30c: {  	v63 =	vshrl.u32 v10, $0x10;
	[tilespmem:v60+s13+$0x0] =	vst.idx.add.s32.msk $0xffff, v1  }
0x30d: {  	[tilespmem:v2+s14+$0x0] =	vst.idx.add.s32.msk $0xffff, v1;
	v2 =	vand.u32 $0xFFFF, v9  }
0x30e: {  	[tilespmem:v3+s14+$0x0] =	vst.idx.add.s32.msk $0xffff, v1;
	v3 =	vshrl.u32 v5, $0x10  }
0x30f: {  	[tilespmem:v62+s13+$0x0] =	vst.idx.add.s32.msk $0xffff, v1;
	v5 =	vand.u32 $0xFFFF, v7  }
0x310: {  	v61 =	vshrl.u32 v9, $0x10;
	[tilespmem:v4+s14+$0x0] =	vst.idx.add.s32.msk $0xffff, v1  }
0x311: {  	v4 =	vshrl.u32 v7, $0x10;
	[tilespmem:v63+s14+$0x0] =	vst.idx.add.s32.msk $0xffff, v1  }
0x312: {  	[tilespmem:v2+s13+$0x0] =	vst.idx.add.s32.msk $0xffff, v1  }
0x313: {  	[tilespmem:v3+s14+$0x0] =	vst.idx.add.s32.msk $0xffff, v1  }
0x314: {  	[tilespmem:v5+s13+$0x0] =	vst.idx.add.s32.msk $0xffff, v1  }
0x315: {  	[tilespmem:v61+s14+$0x0] =	vst.idx.add.s32.msk $0xffff, v1  }
0x316: {  	s23 =	simm.s32 $0x0;
	s24 =	simm.s32 $0x1770;
	s22 =	simm.s32 $0x13F0;
	v2 =	vshrl.u32 v11, $0x10;
	v3 =	vand.u32 $0xFFFF, v11;
	[tilespmem:v4+s14+$0x0] =	vst.idx.add.s32.msk $0xffff, v1  }
.LBB2_33:
0x317: {  	v4 =	vld [tilespmem:s24+$0x0]  }
0x318: {  	s23 =	sadd.s32 $0x8, s23;
	v5 =	vld [tilespmem:s24+$0xFFFFFFA0]  }
0x319: {  	p1 =	slt.u32 s23, $0x18;
	v6 =	vld [tilespmem:s24+$0xFFFFFFB0]  }
0x31a: {  	v7 =	vld [tilespmem:s24+$0xFFFFFFC0]  }
0x31b: {  	v8 =	vld [tilespmem:s24+$0xFFFFFFD0]  }
0x31c: {  	v9 =	vld [tilespmem:s24+$0xFFFFFFE0];
	v10 =	vand.u32 $0xFFFF, v4  }
0x31d: {  	v4 =	vshrl.u32 v4, $0x10;
	v11 =	vshrl.u32 v5, $0x10;
	v5 =	vand.u32 $0xFFFF, v5;
	v12 =	vld [tilespmem:s24+$0xFFFFFFF0]  }
0x31e: {  	v13 =	vld [tilespmem:s24+$0xFFFFFF90];
	v14 =	vshrl.u32 v6, $0x10;
	v6 =	vand.u32 $0xFFFF, v6  }
0x31f: {  	v15 =	vshrl.u32 v7, $0x10;
	v7 =	vand.u32 $0xFFFF, v7;
	[tilespmem:v3+s13+$0x0] =	vst.idx.add.s32.msk $0xffff, v1  }
0x320: {  	v16 =	vshrl.u32 v8, $0x10;
	v8 =	vand.u32 $0xFFFF, v8;
	[tilespmem:v2+s14+$0x0] =	vst.idx.add.s32.msk $0xffff, v1  }
0x321: {  	v17 =	vshrl.u32 v9, $0x10;
	v9 =	vand.u32 $0xFFFF, v9;
	[tilespmem:v10+s13+$0x0] =	vst.idx.add.s32.msk $0xffff, v1  }
0x322: {  	v2 =	vshrl.u32 v12, $0x10;
	v3 =	vand.u32 $0xFFFF, v12;
	[tilespmem:v4+s14+$0x0] =	vst.idx.add.s32.msk $0xffff, v1  }
0x323: {  	v4 =	vshrl.u32 v13, $0x10;
	v10 =	vand.u32 $0xFFFF, v13;
	[tilespmem:v5+s13+$0x0] =	vst.idx.add.s32.msk $0xffff, v1  }
0x324: {  	[tilespmem:v11+s14+$0x0] =	vst.idx.add.s32.msk $0xffff, v1  }
0x325: {  	[tilespmem:v6+s13+$0x0] =	vst.idx.add.s32.msk $0xffff, v1  }
0x326: {  	[tilespmem:v14+s14+$0x0] =	vst.idx.add.s32.msk $0xffff, v1  }
0x327: {  	[tilespmem:v7+s13+$0x0] =	vst.idx.add.s32.msk $0xffff, v1  }
0x328: {  	[tilespmem:v10+s13+$0x0] =	vst.idx.add.s32.msk $0xffff, v1  }
0x329: {  	[tilespmem:v4+s14+$0x0] =	vst.idx.add.s32.msk $0xffff, v1  }
.Ltmp17:
0x32a: {  	[tilespmem:v15+s14+$0x0] =	vst.idx.add.s32.msk $0xffff, v1;
	(pc) =	sbr.rel @p1 .LBB2_33-.Ltmp17, $4  }
0x32b: {  	[tilespmem:v8+s13+$0x0] =	vst.idx.add.s32.msk $0xffff, v1  }
0x32c: {  	[tilespmem:v16+s14+$0x0] =	vst.idx.add.s32.msk $0xffff, v1  }
0x32d: {  	[tilespmem:v9+s13+$0x0] =	vst.idx.add.s32.msk $0xffff, v1  }
0x32e: {  	s24 =	sadd.s32 $0x400, s24;
	[tilespmem:v17+s14+$0x0] =	vst.idx.add.s32.msk $0xffff, v1  }
0x32f: {  	_ =	sdelay $0x3  }
0x330: {  	[tilespmem:v3+s13+$0x0] =	vst.idx.add.s32.msk $0xffff, v1  }
0x331: {  	[tilespmem:v2+s14+$0x0] =	vst.idx.add.s32.msk $0xffff, v1  }
0x332: {  	v2 =	vld [tilespmem:s22+$0x0]  }
0x333: {  	v3 =	vld [tilespmem:s22+$0xFFFFFFA0]  }
0x334: {  	v4 =	vld [tilespmem:s22+$0xFFFFFFB0]  }
0x335: {  	v5 =	vld [tilespmem:s22+$0xFFFFFFC0];
	_ =	sdelay $0x1  }
0x336: {  	v6 =	vand.u32 $0xFFFF, v2  }
0x337: {  	v10 =	vld [tilespmem:s22+$0xFFFFFFE0];
	v8 =	vand.u32 $0xFFFF, v3  }
0x338: {  	v7 =	vld [tilespmem:s22+$0xFFFFFFD0];
	v12 =	vand.u32 $0xFFFF, v4  }
0x339: {  	v9 =	vld [tilespmem:s22+$0xFFFFFF90];
	v60 =	vand.u32 $0xFFFF, v5  }
0x33a: {  	v11 =	vld [tilespmem:s22+$0xFFFFFFF0];
	v2 =	vshrl.u32 v2, $0x10  }
0x33b: {  	v3 =	vshrl.u32 v3, $0x10;
	[tilespmem:v6+s13+$0x0] =	vst.idx.add.s32.msk $0xffff, v1  }
0x33c: {  	v62 =	vand.u32 $0xFFFF, v10;
	[tilespmem:v8+s13+$0x0] =	vst.idx.add.s32.msk $0xffff, v1  }
0x33d: {  	v4 =	vshrl.u32 v4, $0x10;
	[tilespmem:v12+s13+$0x0] =	vst.idx.add.s32.msk $0xffff, v1  }
0x33e: {  	v63 =	vshrl.u32 v10, $0x10;
	[tilespmem:v60+s13+$0x0] =	vst.idx.add.s32.msk $0xffff, v1  }
0x33f: {  	[tilespmem:v2+s14+$0x0] =	vst.idx.add.s32.msk $0xffff, v1;
	v2 =	vand.u32 $0xFFFF, v9  }
0x340: {  	[tilespmem:v3+s14+$0x0] =	vst.idx.add.s32.msk $0xffff, v1;
	v3 =	vshrl.u32 v5, $0x10  }
0x341: {  	[tilespmem:v62+s13+$0x0] =	vst.idx.add.s32.msk $0xffff, v1;
	v5 =	vand.u32 $0xFFFF, v7  }
0x342: {  	v61 =	vshrl.u32 v9, $0x10;
	[tilespmem:v4+s14+$0x0] =	vst.idx.add.s32.msk $0xffff, v1  }
0x343: {  	v4 =	vshrl.u32 v7, $0x10;
	[tilespmem:v63+s14+$0x0] =	vst.idx.add.s32.msk $0xffff, v1  }
0x344: {  	[tilespmem:v2+s13+$0x0] =	vst.idx.add.s32.msk $0xffff, v1  }
0x345: {  	[tilespmem:v3+s14+$0x0] =	vst.idx.add.s32.msk $0xffff, v1  }
0x346: {  	[tilespmem:v5+s13+$0x0] =	vst.idx.add.s32.msk $0xffff, v1  }
0x347: {  	[tilespmem:v61+s14+$0x0] =	vst.idx.add.s32.msk $0xffff, v1  }
0x348: {  	s23 =	simm.s32 $0x17F0;
	s22 =	simm.s32 $0x0;
	v2 =	vshrl.u32 v11, $0x10;
	v3 =	vand.u32 $0xFFFF, v11;
	[tilespmem:v4+s14+$0x0] =	vst.idx.add.s32.msk $0xffff, v1  }
.LBB2_35:
0x349: {  	v4 =	vld [tilespmem:s23+$0x0]  }
0x34a: {  	s22 =	sadd.s32 $0x8, s22;
	v5 =	vld [tilespmem:s23+$0xFFFFFFA0]  }
0x34b: {  	p1 =	slt.u32 s22, $0x18;
	v6 =	vld [tilespmem:s23+$0xFFFFFFB0]  }
0x34c: {  	v7 =	vld [tilespmem:s23+$0xFFFFFFC0]  }
0x34d: {  	v8 =	vld [tilespmem:s23+$0xFFFFFFD0]  }
0x34e: {  	v9 =	vld [tilespmem:s23+$0xFFFFFFE0];
	v10 =	vand.u32 $0xFFFF, v4  }
0x34f: {  	v4 =	vshrl.u32 v4, $0x10;
	v11 =	vshrl.u32 v5, $0x10;
	v5 =	vand.u32 $0xFFFF, v5;
	v12 =	vld [tilespmem:s23+$0xFFFFFFF0]  }
0x350: {  	v13 =	vld [tilespmem:s23+$0xFFFFFF90];
	v14 =	vshrl.u32 v6, $0x10;
	v6 =	vand.u32 $0xFFFF, v6  }
0x351: {  	v15 =	vshrl.u32 v7, $0x10;
	v7 =	vand.u32 $0xFFFF, v7;
	[tilespmem:v3+s13+$0x0] =	vst.idx.add.s32.msk $0xffff, v1  }
0x352: {  	v16 =	vshrl.u32 v8, $0x10;
	v8 =	vand.u32 $0xFFFF, v8;
	[tilespmem:v2+s14+$0x0] =	vst.idx.add.s32.msk $0xffff, v1  }
0x353: {  	v17 =	vshrl.u32 v9, $0x10;
	v9 =	vand.u32 $0xFFFF, v9;
	[tilespmem:v10+s13+$0x0] =	vst.idx.add.s32.msk $0xffff, v1  }
0x354: {  	v2 =	vshrl.u32 v12, $0x10;
	v3 =	vand.u32 $0xFFFF, v12;
	[tilespmem:v4+s14+$0x0] =	vst.idx.add.s32.msk $0xffff, v1  }
0x355: {  	v4 =	vshrl.u32 v13, $0x10;
	v10 =	vand.u32 $0xFFFF, v13;
	[tilespmem:v5+s13+$0x0] =	vst.idx.add.s32.msk $0xffff, v1  }
0x356: {  	[tilespmem:v11+s14+$0x0] =	vst.idx.add.s32.msk $0xffff, v1  }
0x357: {  	[tilespmem:v6+s13+$0x0] =	vst.idx.add.s32.msk $0xffff, v1  }
0x358: {  	[tilespmem:v14+s14+$0x0] =	vst.idx.add.s32.msk $0xffff, v1  }
0x359: {  	[tilespmem:v7+s13+$0x0] =	vst.idx.add.s32.msk $0xffff, v1  }
0x35a: {  	[tilespmem:v10+s13+$0x0] =	vst.idx.add.s32.msk $0xffff, v1  }
0x35b: {  	[tilespmem:v4+s14+$0x0] =	vst.idx.add.s32.msk $0xffff, v1  }
.Ltmp18:
0x35c: {  	[tilespmem:v15+s14+$0x0] =	vst.idx.add.s32.msk $0xffff, v1;
	(pc) =	sbr.rel @p1 .LBB2_35-.Ltmp18, $4  }
0x35d: {  	[tilespmem:v8+s13+$0x0] =	vst.idx.add.s32.msk $0xffff, v1  }
0x35e: {  	[tilespmem:v16+s14+$0x0] =	vst.idx.add.s32.msk $0xffff, v1  }
0x35f: {  	[tilespmem:v9+s13+$0x0] =	vst.idx.add.s32.msk $0xffff, v1  }
0x360: {  	s23 =	sadd.s32 $0x400, s23;
	[tilespmem:v17+s14+$0x0] =	vst.idx.add.s32.msk $0xffff, v1  }
0x361: {  	_ = 	snop  }
.Ltmp19:
0x362: {  	_ = 	snop;
	(pc) =	sbr.rel @p0 .LBB2_38-.Ltmp19, $3  }
0x363: {  	_ =	sdelay $0x1  }
0x364: {  	[tilespmem:v3+s13+$0x0] =	vst.idx.add.s32.msk $0xffff, v1  }
0x365: {  	[tilespmem:v2+s14+$0x0] =	vst.idx.add.s32.msk $0xffff, v1  }
.Ltmp20:
0x366: {  	(pc) =	sbr.rel .LBB2_4-.Ltmp20, $4  }
0x367: {  	s21 =	sadd.s32 s21, s7  }
0x368: {  	s21 =	sshrl.u32 s21, $0x3  }
0x369: {  	s20 =	sadd.s32 $0x1, s20;
	s21 =	sadd.s32 s3, s21  }
0x36a: {  	[tilespmem:s11], [sflag:$0x2] =	stream.linear.gather [hbm4b:s21+s2], $0x1000, $0x38;
	[tilespmem:$0x15000] =	vst v63  }
.LBB2_39:
0x36b: {  	_ =	sfence.sel $0x180000  }
0x36c: {  	[bflag:$0x0] =	sbarrier.arrive $0xFFFF  }
0x36d: {  	p0 =	sne.s32 s1, $0x0;
	_ =	strace $0x90000047  }
0x36e: {  	s0 =	sadd.s32 @!p0 $0x100000, s0;
	[bflag:$0x2] =	sbarrier.arrive $0xFFFF  }
0x36f: {  	[sflag:s0] =	ssyncadd.tile.s32 @!p0 $0x1;
	_ =	shalt  }
.Lfunc_end2:
_tile_overlayer_lowered:
.L_overlay_start_2:
0x370: {  	(tag) =	ssettag $0x2  }
0x371: {  	s0 =	rddreg [dreg:$0x0];
	s2 =	stileid.u32  }
0x372: {  	s1 =	rddreg [dreg:$0x1];
	p0 =	sne.s32 s2, $0x0  }
0x373: {  	s3 =	rddreg [dreg:$0x2];
	[bflag:$0x3] =	sbarrier.arrive $0xFFFF;
	s2 =	simm.s32 @!p0 $0x1C03  }
0x374: {  	[timem:s3], [sflag:s2] =	dma.local @!p0 [hbm:s0], s1  }
0x375: {  	s0 =	simm.s32 @!p0 $0x3  }
0x376: {  	_ =	swait.ge @!p0 [sflag:s0], s1  }
0x377: {  	s1 =	ssub.s32 @!p0 $0x0, s1;
	[sflag:s0] =	ssyncset.done @!p0 $0x0  }
0x378: {  	[sflag:s0] =	ssyncadd.s32 @!p0 s1  }
0x379: {  	[bflag:$0x3] =	sbarrier.arrive $0xFFFF  }
0x37a: {  	_ =	shalt  }

// kernel: kernel.7.cloned.1.call-start
scs
__scs_entry_jumppad:
0x0: {  	(pc) =	sbr.rel $0x88, $3  }
0x1: {  	(tag) =	ssettag $0x0;
	lr =	simm.s32 $0x1  }
0x2: {  	[smem:$0x3F9F] =	sst lr;
	_ =	strace $0xD0000000  }
0x3: {  	_ = 	snop  }
0x4: {  	_ = 	snop  }
0x5: {  	_ = 	snop  }
0x6: {  	_ = 	snop  }
0x7: {  	_ = 	snop  }
__scs_overlays_trampoline_lowered:
0x8: {  	[smem:$0x3FAE] =	sst s0  }
0x9: {  	[smem:$0x3FAF] =	sst s1  }
0xa: {  	[smem:$0x3FB0] =	sst s2  }
0xb: {  	[smem:$0x3FB1] =	sst s3  }
0xc: {  	[smem:$0x3FB2] =	sst s4  }
0xd: {  	[smem:$0x3FB3] =	sst s5  }
0xe: {  	[smem:$0x3FB4] =	sst s6  }
0xf: {  	[smem:$0x3FB5] =	sst s7  }
0x10: {  	[smem:$0x3FB6] =	sst s8  }
0x11: {  	[smem:$0x3FB7] =	sst s9;
	s0 =	simm.s32 @!p0 $0x0  }
0x12: {  	s1 =	sld [smem:$0x3F9D];
	s0 =	simm.s32 @p0 $0x1  }
0x13: {  	[smem:$0x3FB8] =	sst s0;
	s0 =	simm.s32 @!p1 $0x0  }
0x14: {  	s2 =	sld [smem:$0x3F9C];
	s0 =	simm.s32 @p1 $0x1  }
0x15: {  	[smem:$0x3FB9] =	sst s0;
	s0 =	simm.s32 @!p2 $0x0  }
0x16: {  	s3 =	sld [smem:$0x3FDB];
	s0 =	simm.s32 @p2 $0x1  }
0x17: {  	s4 =	simm.s32 $0x1BF5;
	[smem:$0x3FBB] =	sst s0  }
0x18: {  	s0 =	sld [smem:$0x3F9E];
	_ =	swait.ge [sflag:s4], $0x0  }
0x19: {  	s7 =	sld [smem:$0x3F9F]  }
0x1a: {  	s8 =	sadd.s32 $0xFFFFE003, lr  }
0x1b: {  	s9 =	sadd.s32 $0xFFFFFEF7, lr;
	s5 =	simm.s32 $0xFFFFFFFF;
	p2 =	slt.u32 s8, $0xFFFFF086  }
0x1c: {  	p1 =	slt.u32 s9, $0xF7A;
	s5 =	simm.s32 @!p2 $0x0  }
0x1d: {  	s5 =	simm.s32 @p1 $0x1;
	p0 =	seq.s32 s7, s2  }
0x1e: {  	s7 =	smul.u32 @!p0 $0xF7A, s2;
	p2 =	seq.s32 @!p0 s5, $0x0  }
0x1f: {  	s9 =	smul.u32 $0xF7A, s1;
	s8 =	simm.s32 @!p0 $0x1BF5;
	p2 =	por !p2, p0  }
0x20: {  	[sflag:s8] =	ssyncset.s32 @!p0 $0xFFFFF086;
	s6 =	sadd.s32 @!p0 s3, s7;
	s7 =	simm.s32 @!p0 $0x108  }
0x21: {  	s3 =	sadd.s32 s3, s9;
	s6 =	sadd.s32 @!p0 $0x88, s6;
	s7 =	simm.s32 @p2 $0x1082  }
0x22: {  	[simem:s7], [sflag:s8] =	dma.local @!p0 [hbm:s6], $0xF7A  }
0x23: {  	s9 =	sor.u32 $0xD0000000, s2;
	s6 =	simm.s32 $0x108;
	_ =	swait.ge @!p0 [sflag:s8], $0x0  }
0x24: {  	s3 =	sadd.s32 $0x88, s3;
	s6 =	simm.s32 @!p1 $0x1082;
	[sflag:s4] =	ssyncset.s32 $0xFFFFF086  }
0x25: {  	[simem:s6], [sflag:s4] =	dma.local [hbm:s3], $0xF7A  }
0x26: {  	[smem:$0x3F9F] =	sst s1;
	(tag) =	ssettag s2;
	_ =	strace s9  }
0x27: {  	s1 =	sld [smem:$0x3FAF]  }
0x28: {  	s2 =	sld [smem:$0x3FB0]  }
0x29: {  	s4 =	sld [smem:$0x3FB2]  }
0x2a: {  	p0 =	seq.s32 s5, $0x0;
	s5 =	sld [smem:$0x3FB3]  }
0x2b: {  	s6 =	sld [smem:$0x3FB4]  }
0x2c: {  	s7 =	sld [smem:$0x3FB5]  }
0x2d: {  	s3 =	simm.s32 $0x108;
	s8 =	sld [smem:$0x3FB6]  }
0x2e: {  	s3 =	simm.s32 @!p0 $0x1082;
	s9 =	sld [smem:$0x3FB7]  }
0x2f: {  	lr =	sadd.s32 s0, s3;
	s0 =	sld [smem:$0x3FAE]  }
0x30: {  	s3 =	sld [smem:$0x3FB1]  }
0x31: {  	[smem:$0x3FBA] =	sst s10  }
0x32: {  	s10 =	sld [smem:$0x3FB8];
	_ =	sdelay $0x3  }
0x33: {  	p0 =	seq.s32 s10, $0x1;
	s10 =	sld [smem:$0x3FBA];
	_ =	sdelay $0x3  }
0x34: {  	[smem:$0x3FBA] =	sst s10  }
0x35: {  	s10 =	sld [smem:$0x3FB9];
	_ =	sdelay $0x3  }
0x36: {  	p1 =	seq.s32 s10, $0x1;
	s10 =	sld [smem:$0x3FBA];
	_ =	sdelay $0x3  }
0x37: {  	[smem:$0x3FBA] =	sst s10  }
0x38: {  	s10 =	sld [smem:$0x3FBB]  }
0x39: {  	_ = 	snop;
	(pc) =	sbr.ind lr, $3  }
0x3a: {  	_ = 	snop  }
0x3b: {  	_ = 	snop  }
0x3c: {  	p2 =	seq.s32 s10, $0x1;
	s10 =	sld [smem:$0x3FBA]  }
0x3d: {  	_ =	shalt  }
0x3e: {  	_ =	shalt  }
0x3f: {  	_ =	shalt  }
0x40: {  	_ =	shalt  }
0x41: {  	_ =	shalt  }
0x42: {  	_ =	shalt  }
0x43: {  	_ =	shalt  }
0x44: {  	_ =	shalt  }
0x45: {  	_ =	shalt  }
0x46: {  	_ =	shalt  }
0x47: {  	_ =	shalt  }
0x48: {  	_ =	shalt  }
0x49: {  	_ =	shalt  }
0x4a: {  	_ =	shalt  }
0x4b: {  	_ =	shalt  }
0x4c: {  	_ =	shalt  }
0x4d: {  	_ =	shalt  }
0x4e: {  	_ =	shalt  }
0x4f: {  	_ =	shalt  }
0x50: {  	_ =	shalt  }
0x51: {  	_ =	shalt  }
0x52: {  	_ =	shalt  }
0x53: {  	_ =	shalt  }
0x54: {  	_ =	shalt  }
0x55: {  	_ =	shalt  }
0x56: {  	_ =	shalt  }
0x57: {  	_ =	shalt  }
0x58: {  	_ =	shalt  }
0x59: {  	_ =	shalt  }
0x5a: {  	_ =	shalt  }
0x5b: {  	_ =	shalt  }
0x5c: {  	_ =	shalt  }
0x5d: {  	_ =	shalt  }
0x5e: {  	_ =	shalt  }
0x5f: {  	_ =	shalt  }
0x60: {  	_ =	shalt  }
0x61: {  	_ =	shalt  }
0x62: {  	_ =	shalt  }
0x63: {  	_ =	shalt  }
0x64: {  	_ =	shalt  }
0x65: {  	_ =	shalt  }
0x66: {  	_ =	shalt  }
0x67: {  	_ =	shalt  }
0x68: {  	_ =	shalt  }
0x69: {  	_ =	shalt  }
0x6a: {  	_ =	shalt  }
0x6b: {  	_ =	shalt  }
0x6c: {  	_ =	shalt  }
0x6d: {  	_ =	shalt  }
0x6e: {  	_ =	shalt  }
0x6f: {  	_ =	shalt  }
0x70: {  	_ =	shalt  }
0x71: {  	_ =	shalt  }
0x72: {  	_ =	shalt  }
0x73: {  	_ =	shalt  }
0x74: {  	_ =	shalt  }
0x75: {  	_ =	shalt  }
0x76: {  	_ =	shalt  }
0x77: {  	_ =	shalt  }
0x78: {  	_ =	shalt  }
0x79: {  	_ =	shalt  }
0x7a: {  	_ =	shalt  }
0x7b: {  	_ =	shalt  }
0x7c: {  	_ =	shalt  }
0x7d: {  	_ =	shalt  }
0x7e: {  	_ =	shalt  }
0x7f: {  	_ =	shalt  }
0x80: {  	_ =	shalt  }
0x81: {  	_ =	shalt  }
0x82: {  	_ =	shalt  }
0x83: {  	_ =	shalt  }
0x84: {  	_ =	shalt  }
0x85: {  	_ =	shalt  }
0x86: {  	_ =	shalt  }
0x87: {  	_ =	shalt  }
.Lfunc_end0:
.L_simem_size_0:
called_computation_lowered:
.L_overlay_start_0:
0x88: {  	s2 =	sld [smem:$0x3FD9]  }
0x89: {  	s3 =	sld [smem:$0x3FFE];
	_ =	sdelay $0x1  }
0x8a: {  	s1 =	srdreg.scid  }
0x8b: {  	s0 =	sand.u32 $0x1, s1  }
0x8c: {  	s17 =	sshll.u32 s0, $0xA;
	s2 =	sadd.s32 s3, s2  }
0x8d: {  	s2 =	sadd.s32 s2, s17  }
0x8e: {  	[smem:$0x3FC6] =	sst s2  }
0x8f: {  	_ = 	snop  }
0x90: {  	(tm) =	ssettm $0x1  }
0x91: {  	s18 =	sld [smem:$0x3FFB];
	_ =	sdelay $0x3  }
0x92: {  	_ =	strace s18  }
0x93: {  	s2 =	sld [smem:$0x3FFC];
	_ =	sdelay $0x3  }
0x94: {  	_ =	strace s2  }
0x95: {  	s2 =	sld [smem:$0x3FFD];
	_ =	sdelay $0x3  }
0x96: {  	_ =	strace s2  }
0x97: {  	_ =	strace $0x8FFFFFFF  }
0x98: {  	s19 =	sld [smem:$0x3FDB];
	_ =	sdelay $0x1  }
0x99: {  	s20 =	simm.s32 $_scs_section_size  }
0x9a: {  	s4 =	simm.s32 $_size__tile_overlayer_lowered;
	s5 =	simm.s32 $_tile_overlayer_lowered  }
0x9b: {  	s6 =	simm.s32 $0x1BFF;
	s21 =	sshll.u32 s5, $0x1;
	s3 =	sadd.s32 s20, s19  }
0x9c: {  	s22 =	simm.s32 $0x0;
	s4 =	sshll.u32 s4, $0x1;
	s5 =	sadd.s32 s21, s3  }
0x9d: {  	[timem:s22], [sflag:s6] =	dma.local [hbm:s5], s4  }
0x9e: {  	_ =	swait.ge [sflag:s6], s4  }
0x9f: {  	s4 =	ssub.s32 $0x0, s4;
	[sflag:s6] =	ssyncset.done $0x0  }
0xa0: {  	[sflag:s6] =	ssyncadd.s32 s4;
	_ =	sdelay $0x1  }
0xa1: {  	s23 =	simm.s32 $0x1B8B  }
0xa2: {  	_ =	swait.ge [sflag:s23], $0x1  }
0xa3: {  	[sflag:s23] =	ssyncset.done $0x0  }
0xa4: {  	[sflag:s23] =	ssyncadd.s32 $0xFFFFFFFF  }
0xa5: {  	s4 =	sld [smem:$0x0]  }
0xa6: {  	s5 =	sand.u32 $0xFFFFFFFE, s1  }
0xa7: {  	p0 =	sne.s32 s1, s5  }
0xa8: {  	s5 =	sshll.u32 @p0 s5, $0xE  }
0xa9: {  	s5 =	sadd.s32 @p0 $0x11B8D, s5;
	s6 =	sshll.u32 @p0 s4, $0x11  }
0xaa: {  	s5 =	sor.u32 @p0 s6, s5  }
0xab: {  	[sflag:s5] =	ssyncadd.remote.s32 @p0 $0x1;
	_ =	sdelay $0x1  }
0xac: {  	s5 =	simm.s32 @p0 $0x1B8D  }
0xad: {  	_ =	swait.eq @p0 [sflag:s5], $0x1  }
0xae: {  	[sflag:s5] =	ssyncadd.s32 @p0 $0xFFFFFFFF  }
0xaf: {  	s6 =	sshll.u32 @!p0 s1, $0xE  }
0xb0: {  	s6 =	sor.u32 @!p0 $0x4000, s6;
	s5 =	simm.s32 @!p0 $0x1B8D  }
0xb1: {  	s4 =	sshll.u32 @!p0 s4, $0x11;
	s6 =	sadd.s32 @!p0 $0x11B8D, s6;
	_ =	swait.eq @!p0 [sflag:s5], $0x1  }
0xb2: {  	s4 =	sor.u32 @!p0 s4, s6;
	[sflag:s5] =	ssyncadd.s32 @!p0 $0xFFFFFFFF  }
0xb3: {  	s25 =	simm.s32 $0x1B8E;
	s24 =	sld [smem:$0x3FFE];
	[sflag:s4] =	ssyncadd.remote.s32 @!p0 $0x1  }
0xb4: {  	s26 =	simm.s32 $execute0_lowered;
	[smem:$0x3FD2] =	sst s25  }
0xb5: {  	s5 =	sshll.u32 s26, $0x1;
	_ =	strace $0x80000049;
	[dreg:$0x1] =	wrdreg $0xFFFFFFFF  }
0xb6: {  	s28 =	simm.s32 $_size_execute0_lowered;
	s3 =	sadd.s32 s3, s5;
	[dreg:$0x0] =	wrdreg $0x0  }
0xb7: {  	s5 =	sshll.u32 s28, $0x1;
	[dreg:$0x2] =	wrdreg s3  }
0xb8: {  	[dreg:$0x3] =	wrdreg s5  }
0xb9: {  	[dreg:$0x4] =	wrdreg $0xC0  }
0xba: {  	_ =	task [dreg:s22], $0x5FFFF  }
0xbb: {  	[dreg:$0x1] =	wrdreg $0xFFFFFFFF  }
0xbc: {  	[dreg:$0x0] =	wrdreg $0x60  }
0xbd: {  	[dreg:$0x2] =	wrdreg s24  }
0xbe: {  	[dreg:$0x3] =	wrdreg $0x9  }
0xbf: {  	_ =	task.clear_ibuf [dreg:s22], $0x4FFFF;
	_ =	strace $0x90000049  }
0xc0: {  	s29 =	simm.s32 $0x9;
	_ =	strace $0x8000004B  }
0xc1: {  	_ =	swait.ge [sflag:s29], $0x1  }
0xc2: {  	[sflag:s29] =	ssyncadd.s32 $0xFFFFFFFF  }
0xc3: {  	_ =	strace $0x9000004B  }
0xc4: {  	_ =	sfence  }
0xc5: {  	s30 =	sld [smem:$0x0];
	_ =	sdelay $0x2  }
0xc6: {  	s31 =	sshll.u32 s1, $0xD;
	s1 =	sshrl.u32 s1, $0x2  }
0xc7: {  	s4 =	sand.u32 $0x4000, s31;
	s1 =	sadd.s32 s1, s30  }
0xc8: {  	s0 =	sor.u32 s4, s0;
	s1 =	sshll.u32 s1, $0x11  }
0xc9: {  	s0 =	sor.u32 s1, s0  }
0xca: {  	s0 =	sadd.s32 $0x8F2B, s0  }
0xcb: {  	[sflag:s0] =	ssyncadd.remote.s32 $0x1  }
0xcc: {  	_ =	sfence.sel $0xFFFF  }
0xcd: {  	[dreg:$0x0] =	wrdreg $0xFFFFFFFF;
	(pc) =	sbr.abs _section_cstart, $3  }
0xce: {  	[dreg:$0x1] =	wrdreg $0xFFFFFFFF  }
0xcf: {  	_ =	task.clear_ibuf [dreg:s22], $0x2FFFF;
	_ =	strace $0x9FFFFFFF  }
0xd0: {  	(tm) =	ssettm $0x7FFFFFFF  }
0xd1: {  	_ =	shalt  }
tec
execute0_lowered:
.L_overlay_start_1:
0x0: {  	(tag) =	ssettag $0x1  }
0x1: {  	s4 =	rddreg [dreg:$0x0];
	s2 =	srdreg.scid  }
0x2: {  	s1 =	stileid.u32;
	s0 =	rddreg [dreg:$0x1]  }
0x3: {  	s12 =	simm.s32 $0x1;
	s13 =	simm.s32 $0x2000;
	s14 =	simm.s32 $0xB800  }
0x4: {  	s15 =	simm.s32 $0x2;
	s16 =	simm.s32 $0x80;
	s17 =	simm.s32 $0x400  }
0x5: {  	s18 =	simm.s32 $0x3;
	s19 =	simm.s32 $0x0;
	s5 =	sand.u32 $0x1, s2  }
0x6: {  	s3 =	sshll.u32 s1, $0x1;
	s2 =	simm.s32 $0x0;
	s6 =	sshrl.u32 s1, $0x1  }
0x7: {  	s3 =	sor.u32 s5, s3;
	[smem:$0x7FF] =	sst s2;
	s6 =	smul.u32 $0x4C000, s6  }
0x8: {  	s5 =	ssub.s32 $0x2, s5;
	s7 =	sshll.u32 s3, $0x8;
	_ =	strace $0x8000004A  }
0x9: {  	s8 =	smul.u32 $0x26000, s3;
	s3 =	sadd.s32 $0xE4E00, s4;
	s7 =	sand.u32 $0x300, s7  }
.Ltmp0:
0xa: {  	s31 =	sshrl.u32 s5, $0x1;
	s6 =	sor.u32 s6, s7;
	(pc) =	sbr.rel .LBB2_1-.Ltmp0, $4  }
0xb: {  	s11 =	ssub.s32 s5, s31;
	s9 =	sshrl.u32 s8, $0x3;
	s6 =	sshrl.u32 s6, $0x3  }
0xc: {  	s7 =	sadd.s32 $0x3000, s8;
	s10 =	sadd.s32 s6, s4;
	s4 =	sadd.s32 s3, s9  }
0xd: {  	s6 =	sadd.s32 $0x2000, s8;
	s5 =	sadd.s32 $0x200, s4;
	s8 =	sadd.s32 $0x17CE00, s10  }
0xe: {  	v0 =	vimm.s32 $0x0;
	v1 =	vimm.s32 $0x1;
	s9 =	sadd.s32 $0x17CE10, s10;
	s10 =	smax.u32 s11, $0x1;
	s11 =	simm.s32 $0x1000  }
.LBB2_38:
0xf: {  	[hbm4b:s8+s16] =	stream.strided.scatter [tilespmem:s13], [sflag:$0x3], $0x9800, s17, s16, $0x38;
	[tilespmem:$0x15000] =	vst v63  }
0x10: {  	s19 =	sadd.s32 $0x1, s19;
	_ =	swait.ge [sflag:s18], $0x9800  }
0x11: {  	p0 =	sne.s32 s19, s10;
	[sflag:s18] =	ssyncset.done $0x0  }
.Ltmp1:
0x12: {  	[sflag:s18] =	ssyncadd.s32 $0xFFFF6800;
	(pc) =	sbr.rel @!p0 .LBB2_39-.Ltmp1, $4  }
0x13: {  	[hbm4b:s9+s16] =	stream.strided.scatter [tilespmem:s14], [sflag:$0x3], $0x9800, s17, s16, $0x38;
	[tilespmem:$0x15000] =	vst v63  }
0x14: {  	_ =	swait.ge [sflag:s18], $0x9800  }
0x15: {  	[sflag:s18] =	ssyncset.done $0x0  }
0x16: {  	[sflag:s18] =	ssyncadd.s32 $0xFFFF6800  }
.LBB2_1:
0x17: {  	s20 =	simm.s32 $0x0;
	s21 =	simm.s32 $0x200  }
.LBB2_2:
0x18: {  	p0 =	sne.s32 s21, $0x25E00;
	[tilespmem:s20+$0xB870] =	vst v0  }
0x19: {  	[tilespmem:s20+$0x2000] =	vst v0  }
0x1a: {  	[tilespmem:s20+$0xB800] =	vst v0  }
0x1b: {  	[tilespmem:s20+$0x2010] =	vst v0  }
0x1c: {  	[tilespmem:s20+$0xB810] =	vst v0  }
0x1d: {  	[tilespmem:s20+$0x2020] =	vst v0  }
0x1e: {  	[tilespmem:s20+$0xB820] =	vst v0  }
0x1f: {  	[tilespmem:s20+$0x2030] =	vst v0  }
0x20: {  	[tilespmem:s20+$0xB830] =	vst v0  }
0x21: {  	[tilespmem:s20+$0x2040] =	vst v0  }
0x22: {  	[tilespmem:s20+$0xB840] =	vst v0  }
.Ltmp2:
0x23: {  	[tilespmem:s20+$0x2050] =	vst v0;
	(pc) =	sbr.rel @p0 .LBB2_2-.Ltmp2, $4  }
0x24: {  	[tilespmem:s20+$0xB850] =	vst v0  }
0x25: {  	[tilespmem:s20+$0x2060] =	vst v0  }
0x26: {  	[tilespmem:s20+$0xB860] =	vst v0  }
0x27: {  	[tilespmem:s20+$0x2070] =	vst v0;
	s20 =	sshra.s32 s21, $0x2;
	s21 =	sadd.s32 $0x200, s21  }
0x28: {  	[tilespmem:s20+$0xB870] =	vst v0  }
0x29: {  	[tilespmem:s20+$0x2000] =	vst v0  }
0x2a: {  	[tilespmem:s20+$0xB800] =	vst v0  }
0x2b: {  	[tilespmem:s20+$0x2010] =	vst v0  }
0x2c: {  	[tilespmem:s20+$0xB810] =	vst v0  }
0x2d: {  	[tilespmem:s20+$0x2020] =	vst v0  }
0x2e: {  	[tilespmem:s20+$0xB820] =	vst v0  }
0x2f: {  	[tilespmem:s20+$0x2030] =	vst v0  }
0x30: {  	[tilespmem:s20+$0xB830] =	vst v0  }
0x31: {  	[tilespmem:s20+$0x2040] =	vst v0  }
0x32: {  	[tilespmem:s20+$0xB840] =	vst v0  }
0x33: {  	[tilespmem:s20+$0x2050] =	vst v0  }
0x34: {  	[tilespmem:s20+$0xB850] =	vst v0  }
0x35: {  	[tilespmem:s20+$0x2060] =	vst v0  }
0x36: {  	[tilespmem:s20+$0xB860] =	vst v0  }
0x37: {  	[tilespmem:s20+$0x2070] =	vst v0;
	s20 =	simm.s32 $0x0  }
0x38: {  	[tilespmem:s20], [sflag:$0x1] =	stream.linear.gather [hbm4b:s4+s20], $0x1000, $0x38;
	[tilespmem:$0x15000] =	vst v63  }
0x39: {  	_ = 	snop  }
0x3a: {  	[tilespmem:s11], [sflag:$0x2] =	stream.linear.gather [hbm4b:s5+s20], $0x1000, $0x38;
	[tilespmem:$0x15000] =	vst v63  }
.LBB2_4:
0x3b: {  	_ =	swait.ge [sflag:s12], $0x1000  }
0x3c: {  	[sflag:s12] =	ssyncset.done $0x0  }
0x3d: {  	s21 =	simm.s32 $0x40;
	[sflag:s12] =	ssyncadd.s32 $0xFFFFF000  }
0x3e: {  	v2 =	vld [tilespmem:s21+$0x30]  }
0x3f: {  	v3 =	vld [tilespmem:s21+$0xFFFFFFD0]  }
0x40: {  	v4 =	vld [tilespmem:s21+$0xFFFFFFE0]  }
0x41: {  	v5 =	vld [tilespmem:s21+$0xFFFFFFF0];
	_ =	sdelay $0x1  }
0x42: {  	v6 =	vand.u32 $0xFFFF, v2  }
0x43: {  	v10 =	vld [tilespmem:s21+$0x10];
	v8 =	vand.u32 $0xFFFF, v3  }
0x44: {  	v7 =	vld [tilespmem:s21+$0x0];
	v12 =	vand.u32 $0xFFFF, v4  }
0x45: {  	v9 =	vld [tilespmem:s21+$0xFFFFFFC0];
	v60 =	vand.u32 $0xFFFF, v5  }
0x46: {  	v11 =	vld [tilespmem:s21+$0x20];
	v2 =	vshrl.u32 v2, $0x10  }
0x47: {  	v3 =	vshrl.u32 v3, $0x10;
	[tilespmem:v6+s13+$0x0] =	vst.idx.add.s32.msk $0xffff, v1  }
0x48: {  	v62 =	vand.u32 $0xFFFF, v10;
	[tilespmem:v8+s13+$0x0] =	vst.idx.add.s32.msk $0xffff, v1  }
0x49: {  	v4 =	vshrl.u32 v4, $0x10;
	[tilespmem:v12+s13+$0x0] =	vst.idx.add.s32.msk $0xffff, v1  }
0x4a: {  	v63 =	vshrl.u32 v10, $0x10;
	[tilespmem:v60+s13+$0x0] =	vst.idx.add.s32.msk $0xffff, v1  }
0x4b: {  	[tilespmem:v2+s14+$0x0] =	vst.idx.add.s32.msk $0xffff, v1;
	v2 =	vand.u32 $0xFFFF, v9  }
0x4c: {  	[tilespmem:v3+s14+$0x0] =	vst.idx.add.s32.msk $0xffff, v1;
	v3 =	vshrl.u32 v5, $0x10  }
0x4d: {  	[tilespmem:v62+s13+$0x0] =	vst.idx.add.s32.msk $0xffff, v1;
	v5 =	vand.u32 $0xFFFF, v7  }
0x4e: {  	v61 =	vshrl.u32 v9, $0x10;
	[tilespmem:v4+s14+$0x0] =	vst.idx.add.s32.msk $0xffff, v1  }
0x4f: {  	v4 =	vshrl.u32 v7, $0x10;
	[tilespmem:v63+s14+$0x0] =	vst.idx.add.s32.msk $0xffff, v1  }
0x50: {  	[tilespmem:v2+s13+$0x0] =	vst.idx.add.s32.msk $0xffff, v1  }
0x51: {  	[tilespmem:v3+s14+$0x0] =	vst.idx.add.s32.msk $0xffff, v1  }
0x52: {  	[tilespmem:v5+s13+$0x0] =	vst.idx.add.s32.msk $0xffff, v1  }
0x53: {  	[tilespmem:v61+s14+$0x0] =	vst.idx.add.s32.msk $0xffff, v1  }
0x54: {  	s22 =	simm.s32 $0x0;
	s23 =	simm.s32 $0x440;
	s21 =	simm.s32 $0xF0;
	v2 =	vshrl.u32 v11, $0x10;
	v3 =	vand.u32 $0xFFFF, v11;
	[tilespmem:v4+s14+$0x0] =	vst.idx.add.s32.msk $0xffff, v1  }
.LBB2_5:
0x55: {  	v4 =	vld [tilespmem:s23+$0x30]  }
0x56: {  	s22 =	sadd.s32 $0x8, s22;
	v5 =	vld [tilespmem:s23+$0xFFFFFFD0]  }
0x57: {  	p0 =	slt.u32 s22, $0x18;
	v6 =	vld [tilespmem:s23+$0xFFFFFFE0]  }
0x58: {  	v7 =	vld [tilespmem:s23+$0xFFFFFFF0]  }
0x59: {  	v8 =	vld [tilespmem:s23+$0x0]  }
0x5a: {  	v9 =	vld [tilespmem:s23+$0x10];
	v10 =	vand.u32 $0xFFFF, v4  }
0x5b: {  	v4 =	vshrl.u32 v4, $0x10;
	v11 =	vshrl.u32 v5, $0x10;
	v5 =	vand.u32 $0xFFFF, v5;
	v12 =	vld [tilespmem:s23+$0x20]  }
0x5c: {  	v13 =	vld [tilespmem:s23+$0xFFFFFFC0];
	v14 =	vshrl.u32 v6, $0x10;
	v6 =	vand.u32 $0xFFFF, v6  }
0x5d: {  	v15 =	vshrl.u32 v7, $0x10;
	v7 =	vand.u32 $0xFFFF, v7;
	[tilespmem:v3+s13+$0x0] =	vst.idx.add.s32.msk $0xffff, v1  }
0x5e: {  	v16 =	vshrl.u32 v8, $0x10;
	v8 =	vand.u32 $0xFFFF, v8;
	[tilespmem:v2+s14+$0x0] =	vst.idx.add.s32.msk $0xffff, v1  }
0x5f: {  	v17 =	vshrl.u32 v9, $0x10;
	v9 =	vand.u32 $0xFFFF, v9;
	[tilespmem:v10+s13+$0x0] =	vst.idx.add.s32.msk $0xffff, v1  }
0x60: {  	v2 =	vshrl.u32 v12, $0x10;
	v3 =	vand.u32 $0xFFFF, v12;
	[tilespmem:v4+s14+$0x0] =	vst.idx.add.s32.msk $0xffff, v1  }
0x61: {  	v4 =	vshrl.u32 v13, $0x10;
	v10 =	vand.u32 $0xFFFF, v13;
	[tilespmem:v5+s13+$0x0] =	vst.idx.add.s32.msk $0xffff, v1  }
0x62: {  	[tilespmem:v11+s14+$0x0] =	vst.idx.add.s32.msk $0xffff, v1  }
0x63: {  	[tilespmem:v6+s13+$0x0] =	vst.idx.add.s32.msk $0xffff, v1  }
0x64: {  	[tilespmem:v14+s14+$0x0] =	vst.idx.add.s32.msk $0xffff, v1  }
0x65: {  	[tilespmem:v7+s13+$0x0] =	vst.idx.add.s32.msk $0xffff, v1  }
0x66: {  	[tilespmem:v10+s13+$0x0] =	vst.idx.add.s32.msk $0xffff, v1  }
0x67: {  	[tilespmem:v4+s14+$0x0] =	vst.idx.add.s32.msk $0xffff, v1  }
.Ltmp3:
0x68: {  	[tilespmem:v15+s14+$0x0] =	vst.idx.add.s32.msk $0xffff, v1;
	(pc) =	sbr.rel @p0 .LBB2_5-.Ltmp3, $4  }
0x69: {  	[tilespmem:v8+s13+$0x0] =	vst.idx.add.s32.msk $0xffff, v1  }
0x6a: {  	[tilespmem:v16+s14+$0x0] =	vst.idx.add.s32.msk $0xffff, v1  }
0x6b: {  	[tilespmem:v9+s13+$0x0] =	vst.idx.add.s32.msk $0xffff, v1  }
0x6c: {  	s23 =	sadd.s32 $0x400, s23;
	[tilespmem:v17+s14+$0x0] =	vst.idx.add.s32.msk $0xffff, v1  }
0x6d: {  	_ =	sdelay $0x3  }
0x6e: {  	[tilespmem:v3+s13+$0x0] =	vst.idx.add.s32.msk $0xffff, v1  }
0x6f: {  	[tilespmem:v2+s14+$0x0] =	vst.idx.add.s32.msk $0xffff, v1  }
0x70: {  	v2 =	vld [tilespmem:s21+$0x0]  }
0x71: {  	v3 =	vld [tilespmem:s21+$0xFFFFFFA0]  }
0x72: {  	v4 =	vld [tilespmem:s21+$0xFFFFFFB0]  }
0x73: {  	v5 =	vld [tilespmem:s21+$0xFFFFFFC0];
	_ =	sdelay $0x1  }
0x74: {  	v6 =	vand.u32 $0xFFFF, v2  }
0x75: {  	v10 =	vld [tilespmem:s21+$0xFFFFFFE0];
	v8 =	vand.u32 $0xFFFF, v3  }
0x76: {  	v7 =	vld [tilespmem:s21+$0xFFFFFFD0];
	v12 =	vand.u32 $0xFFFF, v4  }
0x77: {  	v9 =	vld [tilespmem:s21+$0xFFFFFF90];
	v60 =	vand.u32 $0xFFFF, v5  }
0x78: {  	v11 =	vld [tilespmem:s21+$0xFFFFFFF0];
	v2 =	vshrl.u32 v2, $0x10  }
0x79: {  	v3 =	vshrl.u32 v3, $0x10;
	[tilespmem:v6+s13+$0x0] =	vst.idx.add.s32.msk $0xffff, v1  }
0x7a: {  	v62 =	vand.u32 $0xFFFF, v10;
	[tilespmem:v8+s13+$0x0] =	vst.idx.add.s32.msk $0xffff, v1  }
0x7b: {  	v4 =	vshrl.u32 v4, $0x10;
	[tilespmem:v12+s13+$0x0] =	vst.idx.add.s32.msk $0xffff, v1  }
0x7c: {  	v63 =	vshrl.u32 v10, $0x10;
	[tilespmem:v60+s13+$0x0] =	vst.idx.add.s32.msk $0xffff, v1  }
0x7d: {  	[tilespmem:v2+s14+$0x0] =	vst.idx.add.s32.msk $0xffff, v1;
	v2 =	vand.u32 $0xFFFF, v9  }
0x7e: {  	[tilespmem:v3+s14+$0x0] =	vst.idx.add.s32.msk $0xffff, v1;
	v3 =	vshrl.u32 v5, $0x10  }
0x7f: {  	[tilespmem:v62+s13+$0x0] =	vst.idx.add.s32.msk $0xffff, v1;
	v5 =	vand.u32 $0xFFFF, v7  }
0x80: {  	v61 =	vshrl.u32 v9, $0x10;
	[tilespmem:v4+s14+$0x0] =	vst.idx.add.s32.msk $0xffff, v1  }
0x81: {  	v4 =	vshrl.u32 v7, $0x10;
	[tilespmem:v63+s14+$0x0] =	vst.idx.add.s32.msk $0xffff, v1  }
0x82: {  	[tilespmem:v2+s13+$0x0] =	vst.idx.add.s32.msk $0xffff, v1  }
0x83: {  	[tilespmem:v3+s14+$0x0] =	vst.idx.add.s32.msk $0xffff, v1  }
0x84: {  	[tilespmem:v5+s13+$0x0] =	vst.idx.add.s32.msk $0xffff, v1  }
0x85: {  	[tilespmem:v61+s14+$0x0] =	vst.idx.add.s32.msk $0xffff, v1  }
0x86: {  	s22 =	simm.s32 $0x0;
	s23 =	simm.s32 $0x4F0;
	s21 =	simm.s32 $0x170;
	v2 =	vshrl.u32 v11, $0x10;
	v3 =	vand.u32 $0xFFFF, v11;
	[tilespmem:v4+s14+$0x0] =	vst.idx.add.s32.msk $0xffff, v1  }
.LBB2_7:
0x87: {  	v4 =	vld [tilespmem:s23+$0x0]  }
0x88: {  	s22 =	sadd.s32 $0x8, s22;
	v5 =	vld [tilespmem:s23+$0xFFFFFFA0]  }
0x89: {  	p0 =	slt.u32 s22, $0x18;
	v6 =	vld [tilespmem:s23+$0xFFFFFFB0]  }
0x8a: {  	v7 =	vld [tilespmem:s23+$0xFFFFFFC0]  }
0x8b: {  	v8 =	vld [tilespmem:s23+$0xFFFFFFD0]  }
0x8c: {  	v9 =	vld [tilespmem:s23+$0xFFFFFFE0];
	v10 =	vand.u32 $0xFFFF, v4  }
0x8d: {  	v4 =	vshrl.u32 v4, $0x10;
	v11 =	vshrl.u32 v5, $0x10;
	v5 =	vand.u32 $0xFFFF, v5;
	v12 =	vld [tilespmem:s23+$0xFFFFFFF0]  }
0x8e: {  	v13 =	vld [tilespmem:s23+$0xFFFFFF90];
	v14 =	vshrl.u32 v6, $0x10;
	v6 =	vand.u32 $0xFFFF, v6  }
0x8f: {  	v15 =	vshrl.u32 v7, $0x10;
	v7 =	vand.u32 $0xFFFF, v7;
	[tilespmem:v3+s13+$0x0] =	vst.idx.add.s32.msk $0xffff, v1  }
0x90: {  	v16 =	vshrl.u32 v8, $0x10;
	v8 =	vand.u32 $0xFFFF, v8;
	[tilespmem:v2+s14+$0x0] =	vst.idx.add.s32.msk $0xffff, v1  }
0x91: {  	v17 =	vshrl.u32 v9, $0x10;
	v9 =	vand.u32 $0xFFFF, v9;
	[tilespmem:v10+s13+$0x0] =	vst.idx.add.s32.msk $0xffff, v1  }
0x92: {  	v2 =	vshrl.u32 v12, $0x10;
	v3 =	vand.u32 $0xFFFF, v12;
	[tilespmem:v4+s14+$0x0] =	vst.idx.add.s32.msk $0xffff, v1  }
0x93: {  	v4 =	vshrl.u32 v13, $0x10;
	v10 =	vand.u32 $0xFFFF, v13;
	[tilespmem:v5+s13+$0x0] =	vst.idx.add.s32.msk $0xffff, v1  }
0x94: {  	[tilespmem:v11+s14+$0x0] =	vst.idx.add.s32.msk $0xffff, v1  }
0x95: {  	[tilespmem:v6+s13+$0x0] =	vst.idx.add.s32.msk $0xffff, v1  }
0x96: {  	[tilespmem:v14+s14+$0x0] =	vst.idx.add.s32.msk $0xffff, v1  }
0x97: {  	[tilespmem:v7+s13+$0x0] =	vst.idx.add.s32.msk $0xffff, v1  }
0x98: {  	[tilespmem:v10+s13+$0x0] =	vst.idx.add.s32.msk $0xffff, v1  }
0x99: {  	[tilespmem:v4+s14+$0x0] =	vst.idx.add.s32.msk $0xffff, v1  }
.Ltmp4:
0x9a: {  	[tilespmem:v15+s14+$0x0] =	vst.idx.add.s32.msk $0xffff, v1;
	(pc) =	sbr.rel @p0 .LBB2_7-.Ltmp4, $4  }
0x9b: {  	[tilespmem:v8+s13+$0x0] =	vst.idx.add.s32.msk $0xffff, v1  }
0x9c: {  	[tilespmem:v16+s14+$0x0] =	vst.idx.add.s32.msk $0xffff, v1  }
0x9d: {  	[tilespmem:v9+s13+$0x0] =	vst.idx.add.s32.msk $0xffff, v1  }
0x9e: {  	s23 =	sadd.s32 $0x400, s23;
	[tilespmem:v17+s14+$0x0] =	vst.idx.add.s32.msk $0xffff, v1  }
0x9f: {  	_ =	sdelay $0x3  }
0xa0: {  	[tilespmem:v3+s13+$0x0] =	vst.idx.add.s32.msk $0xffff, v1  }
0xa1: {  	[tilespmem:v2+s14+$0x0] =	vst.idx.add.s32.msk $0xffff, v1  }
0xa2: {  	v2 =	vld [tilespmem:s21+$0x0]  }
0xa3: {  	v3 =	vld [tilespmem:s21+$0xFFFFFFA0]  }
0xa4: {  	v4 =	vld [tilespmem:s21+$0xFFFFFFB0]  }
0xa5: {  	v5 =	vld [tilespmem:s21+$0xFFFFFFC0];
	_ =	sdelay $0x1  }
0xa6: {  	v6 =	vand.u32 $0xFFFF, v2  }
0xa7: {  	v10 =	vld [tilespmem:s21+$0xFFFFFFE0];
	v8 =	vand.u32 $0xFFFF, v3  }
0xa8: {  	v7 =	vld [tilespmem:s21+$0xFFFFFFD0];
	v12 =	vand.u32 $0xFFFF, v4  }
0xa9: {  	v9 =	vld [tilespmem:s21+$0xFFFFFF90];
	v60 =	vand.u32 $0xFFFF, v5  }
0xaa: {  	v11 =	vld [tilespmem:s21+$0xFFFFFFF0];
	v2 =	vshrl.u32 v2, $0x10  }
0xab: {  	v3 =	vshrl.u32 v3, $0x10;
	[tilespmem:v6+s13+$0x0] =	vst.idx.add.s32.msk $0xffff, v1  }
0xac: {  	v62 =	vand.u32 $0xFFFF, v10;
	[tilespmem:v8+s13+$0x0] =	vst.idx.add.s32.msk $0xffff, v1  }
0xad: {  	v4 =	vshrl.u32 v4, $0x10;
	[tilespmem:v12+s13+$0x0] =	vst.idx.add.s32.msk $0xffff, v1  }
0xae: {  	v63 =	vshrl.u32 v10, $0x10;
	[tilespmem:v60+s13+$0x0] =	vst.idx.add.s32.msk $0xffff, v1  }
0xaf: {  	[tilespmem:v2+s14+$0x0] =	vst.idx.add.s32.msk $0xffff, v1;
	v2 =	vand.u32 $0xFFFF, v9  }
0xb0: {  	[tilespmem:v3+s14+$0x0] =	vst.idx.add.s32.msk $0xffff, v1;
	v3 =	vshrl.u32 v5, $0x10  }
0xb1: {  	[tilespmem:v62+s13+$0x0] =	vst.idx.add.s32.msk $0xffff, v1;
	v5 =	vand.u32 $0xFFFF, v7  }
0xb2: {  	v61 =	vshrl.u32 v9, $0x10;
	[tilespmem:v4+s14+$0x0] =	vst.idx.add.s32.msk $0xffff, v1  }
0xb3: {  	v4 =	vshrl.u32 v7, $0x10;
	[tilespmem:v63+s14+$0x0] =	vst.idx.add.s32.msk $0xffff, v1  }
0xb4: {  	[tilespmem:v2+s13+$0x0] =	vst.idx.add.s32.msk $0xffff, v1  }
0xb5: {  	[tilespmem:v3+s14+$0x0] =	vst.idx.add.s32.msk $0xffff, v1  }
0xb6: {  	[tilespmem:v5+s13+$0x0] =	vst.idx.add.s32.msk $0xffff, v1  }
0xb7: {  	[tilespmem:v61+s14+$0x0] =	vst.idx.add.s32.msk $0xffff, v1  }
0xb8: {  	s22 =	simm.s32 $0x0;
	s23 =	simm.s32 $0x570;
	s21 =	simm.s32 $0x1F0;
	v2 =	vshrl.u32 v11, $0x10;
	v3 =	vand.u32 $0xFFFF, v11;
	[tilespmem:v4+s14+$0x0] =	vst.idx.add.s32.msk $0xffff, v1  }
.LBB2_9:
0xb9: {  	v4 =	vld [tilespmem:s23+$0x0]  }
0xba: {  	s22 =	sadd.s32 $0x8, s22;
	v5 =	vld [tilespmem:s23+$0xFFFFFFA0]  }
0xbb: {  	p0 =	slt.u32 s22, $0x18;
	v6 =	vld [tilespmem:s23+$0xFFFFFFB0]  }
0xbc: {  	v7 =	vld [tilespmem:s23+$0xFFFFFFC0]  }
0xbd: {  	v8 =	vld [tilespmem:s23+$0xFFFFFFD0]  }
0xbe: {  	v9 =	vld [tilespmem:s23+$0xFFFFFFE0];
	v10 =	vand.u32 $0xFFFF, v4  }
0xbf: {  	v4 =	vshrl.u32 v4, $0x10;
	v11 =	vshrl.u32 v5, $0x10;
	v5 =	vand.u32 $0xFFFF, v5;
	v12 =	vld [tilespmem:s23+$0xFFFFFFF0]  }
0xc0: {  	v13 =	vld [tilespmem:s23+$0xFFFFFF90];
	v14 =	vshrl.u32 v6, $0x10;
	v6 =	vand.u32 $0xFFFF, v6  }
0xc1: {  	v15 =	vshrl.u32 v7, $0x10;
	v7 =	vand.u32 $0xFFFF, v7;
	[tilespmem:v3+s13+$0x0] =	vst.idx.add.s32.msk $0xffff, v1  }
0xc2: {  	v16 =	vshrl.u32 v8, $0x10;
	v8 =	vand.u32 $0xFFFF, v8;
	[tilespmem:v2+s14+$0x0] =	vst.idx.add.s32.msk $0xffff, v1  }
0xc3: {  	v17 =	vshrl.u32 v9, $0x10;
	v9 =	vand.u32 $0xFFFF, v9;
	[tilespmem:v10+s13+$0x0] =	vst.idx.add.s32.msk $0xffff, v1  }
0xc4: {  	v2 =	vshrl.u32 v12, $0x10;
	v3 =	vand.u32 $0xFFFF, v12;
	[tilespmem:v4+s14+$0x0] =	vst.idx.add.s32.msk $0xffff, v1  }
0xc5: {  	v4 =	vshrl.u32 v13, $0x10;
	v10 =	vand.u32 $0xFFFF, v13;
	[tilespmem:v5+s13+$0x0] =	vst.idx.add.s32.msk $0xffff, v1  }
0xc6: {  	[tilespmem:v11+s14+$0x0] =	vst.idx.add.s32.msk $0xffff, v1  }
0xc7: {  	[tilespmem:v6+s13+$0x0] =	vst.idx.add.s32.msk $0xffff, v1  }
0xc8: {  	[tilespmem:v14+s14+$0x0] =	vst.idx.add.s32.msk $0xffff, v1  }
0xc9: {  	[tilespmem:v7+s13+$0x0] =	vst.idx.add.s32.msk $0xffff, v1  }
0xca: {  	[tilespmem:v10+s13+$0x0] =	vst.idx.add.s32.msk $0xffff, v1  }
0xcb: {  	[tilespmem:v4+s14+$0x0] =	vst.idx.add.s32.msk $0xffff, v1  }
.Ltmp5:
0xcc: {  	[tilespmem:v15+s14+$0x0] =	vst.idx.add.s32.msk $0xffff, v1;
	(pc) =	sbr.rel @p0 .LBB2_9-.Ltmp5, $4  }
0xcd: {  	[tilespmem:v8+s13+$0x0] =	vst.idx.add.s32.msk $0xffff, v1  }
0xce: {  	[tilespmem:v16+s14+$0x0] =	vst.idx.add.s32.msk $0xffff, v1  }
0xcf: {  	[tilespmem:v9+s13+$0x0] =	vst.idx.add.s32.msk $0xffff, v1  }
0xd0: {  	s23 =	sadd.s32 $0x400, s23;
	[tilespmem:v17+s14+$0x0] =	vst.idx.add.s32.msk $0xffff, v1  }
0xd1: {  	_ =	sdelay $0x3  }
0xd2: {  	[tilespmem:v3+s13+$0x0] =	vst.idx.add.s32.msk $0xffff, v1  }
0xd3: {  	[tilespmem:v2+s14+$0x0] =	vst.idx.add.s32.msk $0xffff, v1  }
0xd4: {  	v2 =	vld [tilespmem:s21+$0x0]  }
0xd5: {  	v3 =	vld [tilespmem:s21+$0xFFFFFFA0]  }
0xd6: {  	v4 =	vld [tilespmem:s21+$0xFFFFFFB0]  }
0xd7: {  	v5 =	vld [tilespmem:s21+$0xFFFFFFC0];
	_ =	sdelay $0x1  }
0xd8: {  	v6 =	vand.u32 $0xFFFF, v2  }
0xd9: {  	v10 =	vld [tilespmem:s21+$0xFFFFFFE0];
	v8 =	vand.u32 $0xFFFF, v3  }
0xda: {  	v7 =	vld [tilespmem:s21+$0xFFFFFFD0];
	v12 =	vand.u32 $0xFFFF, v4  }
0xdb: {  	v9 =	vld [tilespmem:s21+$0xFFFFFF90];
	v60 =	vand.u32 $0xFFFF, v5  }
0xdc: {  	v11 =	vld [tilespmem:s21+$0xFFFFFFF0];
	v2 =	vshrl.u32 v2, $0x10  }
0xdd: {  	v3 =	vshrl.u32 v3, $0x10;
	[tilespmem:v6+s13+$0x0] =	vst.idx.add.s32.msk $0xffff, v1  }
0xde: {  	v62 =	vand.u32 $0xFFFF, v10;
	[tilespmem:v8+s13+$0x0] =	vst.idx.add.s32.msk $0xffff, v1  }
0xdf: {  	v4 =	vshrl.u32 v4, $0x10;
	[tilespmem:v12+s13+$0x0] =	vst.idx.add.s32.msk $0xffff, v1  }
0xe0: {  	v63 =	vshrl.u32 v10, $0x10;
	[tilespmem:v60+s13+$0x0] =	vst.idx.add.s32.msk $0xffff, v1  }
0xe1: {  	[tilespmem:v2+s14+$0x0] =	vst.idx.add.s32.msk $0xffff, v1;
	v2 =	vand.u32 $0xFFFF, v9  }
0xe2: {  	[tilespmem:v3+s14+$0x0] =	vst.idx.add.s32.msk $0xffff, v1;
	v3 =	vshrl.u32 v5, $0x10  }
0xe3: {  	[tilespmem:v62+s13+$0x0] =	vst.idx.add.s32.msk $0xffff, v1;
	v5 =	vand.u32 $0xFFFF, v7  }
0xe4: {  	v61 =	vshrl.u32 v9, $0x10;
	[tilespmem:v4+s14+$0x0] =	vst.idx.add.s32.msk $0xffff, v1  }
0xe5: {  	v4 =	vshrl.u32 v7, $0x10;
	[tilespmem:v63+s14+$0x0] =	vst.idx.add.s32.msk $0xffff, v1  }
0xe6: {  	[tilespmem:v2+s13+$0x0] =	vst.idx.add.s32.msk $0xffff, v1  }
0xe7: {  	[tilespmem:v3+s14+$0x0] =	vst.idx.add.s32.msk $0xffff, v1  }
0xe8: {  	[tilespmem:v5+s13+$0x0] =	vst.idx.add.s32.msk $0xffff, v1  }
0xe9: {  	[tilespmem:v61+s14+$0x0] =	vst.idx.add.s32.msk $0xffff, v1  }
0xea: {  	s22 =	simm.s32 $0x0;
	s23 =	simm.s32 $0x5F0;
	s21 =	simm.s32 $0x270;
	v2 =	vshrl.u32 v11, $0x10;
	v3 =	vand.u32 $0xFFFF, v11;
	[tilespmem:v4+s14+$0x0] =	vst.idx.add.s32.msk $0xffff, v1  }
.LBB2_11:
0xeb: {  	v4 =	vld [tilespmem:s23+$0x0]  }
0xec: {  	s22 =	sadd.s32 $0x8, s22;
	v5 =	vld [tilespmem:s23+$0xFFFFFFA0]  }
0xed: {  	p0 =	slt.u32 s22, $0x18;
	v6 =	vld [tilespmem:s23+$0xFFFFFFB0]  }
0xee: {  	v7 =	vld [tilespmem:s23+$0xFFFFFFC0]  }
0xef: {  	v8 =	vld [tilespmem:s23+$0xFFFFFFD0]  }
0xf0: {  	v9 =	vld [tilespmem:s23+$0xFFFFFFE0];
	v10 =	vand.u32 $0xFFFF, v4  }
0xf1: {  	v4 =	vshrl.u32 v4, $0x10;
	v11 =	vshrl.u32 v5, $0x10;
	v5 =	vand.u32 $0xFFFF, v5;
	v12 =	vld [tilespmem:s23+$0xFFFFFFF0]  }
0xf2: {  	v13 =	vld [tilespmem:s23+$0xFFFFFF90];
	v14 =	vshrl.u32 v6, $0x10;
	v6 =	vand.u32 $0xFFFF, v6  }
0xf3: {  	v15 =	vshrl.u32 v7, $0x10;
	v7 =	vand.u32 $0xFFFF, v7;
	[tilespmem:v3+s13+$0x0] =	vst.idx.add.s32.msk $0xffff, v1  }
0xf4: {  	v16 =	vshrl.u32 v8, $0x10;
	v8 =	vand.u32 $0xFFFF, v8;
	[tilespmem:v2+s14+$0x0] =	vst.idx.add.s32.msk $0xffff, v1  }
0xf5: {  	v17 =	vshrl.u32 v9, $0x10;
	v9 =	vand.u32 $0xFFFF, v9;
	[tilespmem:v10+s13+$0x0] =	vst.idx.add.s32.msk $0xffff, v1  }
0xf6: {  	v2 =	vshrl.u32 v12, $0x10;
	v3 =	vand.u32 $0xFFFF, v12;
	[tilespmem:v4+s14+$0x0] =	vst.idx.add.s32.msk $0xffff, v1  }
0xf7: {  	v4 =	vshrl.u32 v13, $0x10;
	v10 =	vand.u32 $0xFFFF, v13;
	[tilespmem:v5+s13+$0x0] =	vst.idx.add.s32.msk $0xffff, v1  }
0xf8: {  	[tilespmem:v11+s14+$0x0] =	vst.idx.add.s32.msk $0xffff, v1  }
0xf9: {  	[tilespmem:v6+s13+$0x0] =	vst.idx.add.s32.msk $0xffff, v1  }
0xfa: {  	[tilespmem:v14+s14+$0x0] =	vst.idx.add.s32.msk $0xffff, v1  }
0xfb: {  	[tilespmem:v7+s13+$0x0] =	vst.idx.add.s32.msk $0xffff, v1  }
0xfc: {  	[tilespmem:v10+s13+$0x0] =	vst.idx.add.s32.msk $0xffff, v1  }
0xfd: {  	[tilespmem:v4+s14+$0x0] =	vst.idx.add.s32.msk $0xffff, v1  }
.Ltmp6:
0xfe: {  	[tilespmem:v15+s14+$0x0] =	vst.idx.add.s32.msk $0xffff, v1;
	(pc) =	sbr.rel @p0 .LBB2_11-.Ltmp6, $4  }
0xff: {  	[tilespmem:v8+s13+$0x0] =	vst.idx.add.s32.msk $0xffff, v1  }
0x100: {  	[tilespmem:v16+s14+$0x0] =	vst.idx.add.s32.msk $0xffff, v1  }
0x101: {  	[tilespmem:v9+s13+$0x0] =	vst.idx.add.s32.msk $0xffff, v1  }
0x102: {  	s23 =	sadd.s32 $0x400, s23;
	[tilespmem:v17+s14+$0x0] =	vst.idx.add.s32.msk $0xffff, v1  }
0x103: {  	_ =	sdelay $0x3  }
0x104: {  	[tilespmem:v3+s13+$0x0] =	vst.idx.add.s32.msk $0xffff, v1  }
0x105: {  	[tilespmem:v2+s14+$0x0] =	vst.idx.add.s32.msk $0xffff, v1  }
0x106: {  	v2 =	vld [tilespmem:s21+$0x0]  }
0x107: {  	v3 =	vld [tilespmem:s21+$0xFFFFFFA0]  }
0x108: {  	v4 =	vld [tilespmem:s21+$0xFFFFFFB0]  }
0x109: {  	v5 =	vld [tilespmem:s21+$0xFFFFFFC0];
	_ =	sdelay $0x1  }
0x10a: {  	v6 =	vand.u32 $0xFFFF, v2  }
0x10b: {  	v10 =	vld [tilespmem:s21+$0xFFFFFFE0];
	v8 =	vand.u32 $0xFFFF, v3  }
0x10c: {  	v7 =	vld [tilespmem:s21+$0xFFFFFFD0];
	v12 =	vand.u32 $0xFFFF, v4  }
0x10d: {  	v9 =	vld [tilespmem:s21+$0xFFFFFF90];
	v60 =	vand.u32 $0xFFFF, v5  }
0x10e: {  	v11 =	vld [tilespmem:s21+$0xFFFFFFF0];
	v2 =	vshrl.u32 v2, $0x10  }
0x10f: {  	v3 =	vshrl.u32 v3, $0x10;
	[tilespmem:v6+s13+$0x0] =	vst.idx.add.s32.msk $0xffff, v1  }
0x110: {  	v62 =	vand.u32 $0xFFFF, v10;
	[tilespmem:v8+s13+$0x0] =	vst.idx.add.s32.msk $0xffff, v1  }
0x111: {  	v4 =	vshrl.u32 v4, $0x10;
	[tilespmem:v12+s13+$0x0] =	vst.idx.add.s32.msk $0xffff, v1  }
0x112: {  	v63 =	vshrl.u32 v10, $0x10;
	[tilespmem:v60+s13+$0x0] =	vst.idx.add.s32.msk $0xffff, v1  }
0x113: {  	[tilespmem:v2+s14+$0x0] =	vst.idx.add.s32.msk $0xffff, v1;
	v2 =	vand.u32 $0xFFFF, v9  }
0x114: {  	[tilespmem:v3+s14+$0x0] =	vst.idx.add.s32.msk $0xffff, v1;
	v3 =	vshrl.u32 v5, $0x10  }
0x115: {  	[tilespmem:v62+s13+$0x0] =	vst.idx.add.s32.msk $0xffff, v1;
	v5 =	vand.u32 $0xFFFF, v7  }
0x116: {  	v61 =	vshrl.u32 v9, $0x10;
	[tilespmem:v4+s14+$0x0] =	vst.idx.add.s32.msk $0xffff, v1  }
0x117: {  	v4 =	vshrl.u32 v7, $0x10;
	[tilespmem:v63+s14+$0x0] =	vst.idx.add.s32.msk $0xffff, v1  }
0x118: {  	[tilespmem:v2+s13+$0x0] =	vst.idx.add.s32.msk $0xffff, v1  }
0x119: {  	[tilespmem:v3+s14+$0x0] =	vst.idx.add.s32.msk $0xffff, v1  }
0x11a: {  	[tilespmem:v5+s13+$0x0] =	vst.idx.add.s32.msk $0xffff, v1  }
0x11b: {  	[tilespmem:v61+s14+$0x0] =	vst.idx.add.s32.msk $0xffff, v1  }
0x11c: {  	s22 =	simm.s32 $0x0;
	s23 =	simm.s32 $0x670;
	s21 =	simm.s32 $0x2F0;
	v2 =	vshrl.u32 v11, $0x10;
	v3 =	vand.u32 $0xFFFF, v11;
	[tilespmem:v4+s14+$0x0] =	vst.idx.add.s32.msk $0xffff, v1  }
.LBB2_13:
0x11d: {  	v4 =	vld [tilespmem:s23+$0x0]  }
0x11e: {  	s22 =	sadd.s32 $0x8, s22;
	v5 =	vld [tilespmem:s23+$0xFFFFFFA0]  }
0x11f: {  	p0 =	slt.u32 s22, $0x18;
	v6 =	vld [tilespmem:s23+$0xFFFFFFB0]  }
0x120: {  	v7 =	vld [tilespmem:s23+$0xFFFFFFC0]  }
0x121: {  	v8 =	vld [tilespmem:s23+$0xFFFFFFD0]  }
0x122: {  	v9 =	vld [tilespmem:s23+$0xFFFFFFE0];
	v10 =	vand.u32 $0xFFFF, v4  }
0x123: {  	v4 =	vshrl.u32 v4, $0x10;
	v11 =	vshrl.u32 v5, $0x10;
	v5 =	vand.u32 $0xFFFF, v5;
	v12 =	vld [tilespmem:s23+$0xFFFFFFF0]  }
0x124: {  	v13 =	vld [tilespmem:s23+$0xFFFFFF90];
	v14 =	vshrl.u32 v6, $0x10;
	v6 =	vand.u32 $0xFFFF, v6  }
0x125: {  	v15 =	vshrl.u32 v7, $0x10;
	v7 =	vand.u32 $0xFFFF, v7;
	[tilespmem:v3+s13+$0x0] =	vst.idx.add.s32.msk $0xffff, v1  }
0x126: {  	v16 =	vshrl.u32 v8, $0x10;
	v8 =	vand.u32 $0xFFFF, v8;
	[tilespmem:v2+s14+$0x0] =	vst.idx.add.s32.msk $0xffff, v1  }
0x127: {  	v17 =	vshrl.u32 v9, $0x10;
	v9 =	vand.u32 $0xFFFF, v9;
	[tilespmem:v10+s13+$0x0] =	vst.idx.add.s32.msk $0xffff, v1  }
0x128: {  	v2 =	vshrl.u32 v12, $0x10;
	v3 =	vand.u32 $0xFFFF, v12;
	[tilespmem:v4+s14+$0x0] =	vst.idx.add.s32.msk $0xffff, v1  }
0x129: {  	v4 =	vshrl.u32 v13, $0x10;
	v10 =	vand.u32 $0xFFFF, v13;
	[tilespmem:v5+s13+$0x0] =	vst.idx.add.s32.msk $0xffff, v1  }
0x12a: {  	[tilespmem:v11+s14+$0x0] =	vst.idx.add.s32.msk $0xffff, v1  }
0x12b: {  	[tilespmem:v6+s13+$0x0] =	vst.idx.add.s32.msk $0xffff, v1  }
0x12c: {  	[tilespmem:v14+s14+$0x0] =	vst.idx.add.s32.msk $0xffff, v1  }
0x12d: {  	[tilespmem:v7+s13+$0x0] =	vst.idx.add.s32.msk $0xffff, v1  }
0x12e: {  	[tilespmem:v10+s13+$0x0] =	vst.idx.add.s32.msk $0xffff, v1  }
0x12f: {  	[tilespmem:v4+s14+$0x0] =	vst.idx.add.s32.msk $0xffff, v1  }
.Ltmp7:
0x130: {  	[tilespmem:v15+s14+$0x0] =	vst.idx.add.s32.msk $0xffff, v1;
	(pc) =	sbr.rel @p0 .LBB2_13-.Ltmp7, $4  }
0x131: {  	[tilespmem:v8+s13+$0x0] =	vst.idx.add.s32.msk $0xffff, v1  }
0x132: {  	[tilespmem:v16+s14+$0x0] =	vst.idx.add.s32.msk $0xffff, v1  }
0x133: {  	[tilespmem:v9+s13+$0x0] =	vst.idx.add.s32.msk $0xffff, v1  }
0x134: {  	s23 =	sadd.s32 $0x400, s23;
	[tilespmem:v17+s14+$0x0] =	vst.idx.add.s32.msk $0xffff, v1  }
0x135: {  	_ =	sdelay $0x3  }
0x136: {  	[tilespmem:v3+s13+$0x0] =	vst.idx.add.s32.msk $0xffff, v1  }
0x137: {  	[tilespmem:v2+s14+$0x0] =	vst.idx.add.s32.msk $0xffff, v1  }
0x138: {  	v2 =	vld [tilespmem:s21+$0x0]  }
0x139: {  	v3 =	vld [tilespmem:s21+$0xFFFFFFA0]  }
0x13a: {  	v4 =	vld [tilespmem:s21+$0xFFFFFFB0]  }
0x13b: {  	v5 =	vld [tilespmem:s21+$0xFFFFFFC0];
	_ =	sdelay $0x1  }
0x13c: {  	v6 =	vand.u32 $0xFFFF, v2  }
0x13d: {  	v10 =	vld [tilespmem:s21+$0xFFFFFFE0];
	v8 =	vand.u32 $0xFFFF, v3  }
0x13e: {  	v7 =	vld [tilespmem:s21+$0xFFFFFFD0];
	v12 =	vand.u32 $0xFFFF, v4  }
0x13f: {  	v9 =	vld [tilespmem:s21+$0xFFFFFF90];
	v60 =	vand.u32 $0xFFFF, v5  }
0x140: {  	v11 =	vld [tilespmem:s21+$0xFFFFFFF0];
	v2 =	vshrl.u32 v2, $0x10  }
0x141: {  	v3 =	vshrl.u32 v3, $0x10;
	[tilespmem:v6+s13+$0x0] =	vst.idx.add.s32.msk $0xffff, v1  }
0x142: {  	v62 =	vand.u32 $0xFFFF, v10;
	[tilespmem:v8+s13+$0x0] =	vst.idx.add.s32.msk $0xffff, v1  }
0x143: {  	v4 =	vshrl.u32 v4, $0x10;
	[tilespmem:v12+s13+$0x0] =	vst.idx.add.s32.msk $0xffff, v1  }
0x144: {  	v63 =	vshrl.u32 v10, $0x10;
	[tilespmem:v60+s13+$0x0] =	vst.idx.add.s32.msk $0xffff, v1  }
0x145: {  	[tilespmem:v2+s14+$0x0] =	vst.idx.add.s32.msk $0xffff, v1;
	v2 =	vand.u32 $0xFFFF, v9  }
0x146: {  	[tilespmem:v3+s14+$0x0] =	vst.idx.add.s32.msk $0xffff, v1;
	v3 =	vshrl.u32 v5, $0x10  }
0x147: {  	[tilespmem:v62+s13+$0x0] =	vst.idx.add.s32.msk $0xffff, v1;
	v5 =	vand.u32 $0xFFFF, v7  }
0x148: {  	v61 =	vshrl.u32 v9, $0x10;
	[tilespmem:v4+s14+$0x0] =	vst.idx.add.s32.msk $0xffff, v1  }
0x149: {  	v4 =	vshrl.u32 v7, $0x10;
	[tilespmem:v63+s14+$0x0] =	vst.idx.add.s32.msk $0xffff, v1  }
0x14a: {  	[tilespmem:v2+s13+$0x0] =	vst.idx.add.s32.msk $0xffff, v1  }
0x14b: {  	[tilespmem:v3+s14+$0x0] =	vst.idx.add.s32.msk $0xffff, v1  }
0x14c: {  	[tilespmem:v5+s13+$0x0] =	vst.idx.add.s32.msk $0xffff, v1  }
0x14d: {  	[tilespmem:v61+s14+$0x0] =	vst.idx.add.s32.msk $0xffff, v1  }
0x14e: {  	s22 =	simm.s32 $0x0;
	s23 =	simm.s32 $0x6F0;
	s21 =	simm.s32 $0x370;
	v2 =	vshrl.u32 v11, $0x10;
	v3 =	vand.u32 $0xFFFF, v11;
	[tilespmem:v4+s14+$0x0] =	vst.idx.add.s32.msk $0xffff, v1  }
.LBB2_15:
0x14f: {  	v4 =	vld [tilespmem:s23+$0x0]  }
0x150: {  	s22 =	sadd.s32 $0x8, s22;
	v5 =	vld [tilespmem:s23+$0xFFFFFFA0]  }
0x151: {  	p0 =	slt.u32 s22, $0x18;
	v6 =	vld [tilespmem:s23+$0xFFFFFFB0]  }
0x152: {  	v7 =	vld [tilespmem:s23+$0xFFFFFFC0]  }
0x153: {  	v8 =	vld [tilespmem:s23+$0xFFFFFFD0]  }
0x154: {  	v9 =	vld [tilespmem:s23+$0xFFFFFFE0];
	v10 =	vand.u32 $0xFFFF, v4  }
0x155: {  	v4 =	vshrl.u32 v4, $0x10;
	v11 =	vshrl.u32 v5, $0x10;
	v5 =	vand.u32 $0xFFFF, v5;
	v12 =	vld [tilespmem:s23+$0xFFFFFFF0]  }
0x156: {  	v13 =	vld [tilespmem:s23+$0xFFFFFF90];
	v14 =	vshrl.u32 v6, $0x10;
	v6 =	vand.u32 $0xFFFF, v6  }
0x157: {  	v15 =	vshrl.u32 v7, $0x10;
	v7 =	vand.u32 $0xFFFF, v7;
	[tilespmem:v3+s13+$0x0] =	vst.idx.add.s32.msk $0xffff, v1  }
0x158: {  	v16 =	vshrl.u32 v8, $0x10;
	v8 =	vand.u32 $0xFFFF, v8;
	[tilespmem:v2+s14+$0x0] =	vst.idx.add.s32.msk $0xffff, v1  }
0x159: {  	v17 =	vshrl.u32 v9, $0x10;
	v9 =	vand.u32 $0xFFFF, v9;
	[tilespmem:v10+s13+$0x0] =	vst.idx.add.s32.msk $0xffff, v1  }
0x15a: {  	v2 =	vshrl.u32 v12, $0x10;
	v3 =	vand.u32 $0xFFFF, v12;
	[tilespmem:v4+s14+$0x0] =	vst.idx.add.s32.msk $0xffff, v1  }
0x15b: {  	v4 =	vshrl.u32 v13, $0x10;
	v10 =	vand.u32 $0xFFFF, v13;
	[tilespmem:v5+s13+$0x0] =	vst.idx.add.s32.msk $0xffff, v1  }
0x15c: {  	[tilespmem:v11+s14+$0x0] =	vst.idx.add.s32.msk $0xffff, v1  }
0x15d: {  	[tilespmem:v6+s13+$0x0] =	vst.idx.add.s32.msk $0xffff, v1  }
0x15e: {  	[tilespmem:v14+s14+$0x0] =	vst.idx.add.s32.msk $0xffff, v1  }
0x15f: {  	[tilespmem:v7+s13+$0x0] =	vst.idx.add.s32.msk $0xffff, v1  }
0x160: {  	[tilespmem:v10+s13+$0x0] =	vst.idx.add.s32.msk $0xffff, v1  }
0x161: {  	[tilespmem:v4+s14+$0x0] =	vst.idx.add.s32.msk $0xffff, v1  }
.Ltmp8:
0x162: {  	[tilespmem:v15+s14+$0x0] =	vst.idx.add.s32.msk $0xffff, v1;
	(pc) =	sbr.rel @p0 .LBB2_15-.Ltmp8, $4  }
0x163: {  	[tilespmem:v8+s13+$0x0] =	vst.idx.add.s32.msk $0xffff, v1  }
0x164: {  	[tilespmem:v16+s14+$0x0] =	vst.idx.add.s32.msk $0xffff, v1  }
0x165: {  	[tilespmem:v9+s13+$0x0] =	vst.idx.add.s32.msk $0xffff, v1  }
0x166: {  	s23 =	sadd.s32 $0x400, s23;
	[tilespmem:v17+s14+$0x0] =	vst.idx.add.s32.msk $0xffff, v1  }
0x167: {  	_ =	sdelay $0x3  }
0x168: {  	[tilespmem:v3+s13+$0x0] =	vst.idx.add.s32.msk $0xffff, v1  }
0x169: {  	[tilespmem:v2+s14+$0x0] =	vst.idx.add.s32.msk $0xffff, v1  }
0x16a: {  	v2 =	vld [tilespmem:s21+$0x0]  }
0x16b: {  	v3 =	vld [tilespmem:s21+$0xFFFFFFA0]  }
0x16c: {  	v4 =	vld [tilespmem:s21+$0xFFFFFFB0]  }
0x16d: {  	v5 =	vld [tilespmem:s21+$0xFFFFFFC0];
	_ =	sdelay $0x1  }
0x16e: {  	v6 =	vand.u32 $0xFFFF, v2  }
0x16f: {  	v10 =	vld [tilespmem:s21+$0xFFFFFFE0];
	v8 =	vand.u32 $0xFFFF, v3  }
0x170: {  	v7 =	vld [tilespmem:s21+$0xFFFFFFD0];
	v12 =	vand.u32 $0xFFFF, v4  }
0x171: {  	v9 =	vld [tilespmem:s21+$0xFFFFFF90];
	v60 =	vand.u32 $0xFFFF, v5  }
0x172: {  	v11 =	vld [tilespmem:s21+$0xFFFFFFF0];
	v2 =	vshrl.u32 v2, $0x10  }
0x173: {  	v3 =	vshrl.u32 v3, $0x10;
	[tilespmem:v6+s13+$0x0] =	vst.idx.add.s32.msk $0xffff, v1  }
0x174: {  	v62 =	vand.u32 $0xFFFF, v10;
	[tilespmem:v8+s13+$0x0] =	vst.idx.add.s32.msk $0xffff, v1  }
0x175: {  	v4 =	vshrl.u32 v4, $0x10;
	[tilespmem:v12+s13+$0x0] =	vst.idx.add.s32.msk $0xffff, v1  }
0x176: {  	v63 =	vshrl.u32 v10, $0x10;
	[tilespmem:v60+s13+$0x0] =	vst.idx.add.s32.msk $0xffff, v1  }
0x177: {  	[tilespmem:v2+s14+$0x0] =	vst.idx.add.s32.msk $0xffff, v1;
	v2 =	vand.u32 $0xFFFF, v9  }
0x178: {  	[tilespmem:v3+s14+$0x0] =	vst.idx.add.s32.msk $0xffff, v1;
	v3 =	vshrl.u32 v5, $0x10  }
0x179: {  	[tilespmem:v62+s13+$0x0] =	vst.idx.add.s32.msk $0xffff, v1;
	v5 =	vand.u32 $0xFFFF, v7  }
0x17a: {  	v61 =	vshrl.u32 v9, $0x10;
	[tilespmem:v4+s14+$0x0] =	vst.idx.add.s32.msk $0xffff, v1  }
0x17b: {  	v4 =	vshrl.u32 v7, $0x10;
	[tilespmem:v63+s14+$0x0] =	vst.idx.add.s32.msk $0xffff, v1  }
0x17c: {  	[tilespmem:v2+s13+$0x0] =	vst.idx.add.s32.msk $0xffff, v1  }
0x17d: {  	[tilespmem:v3+s14+$0x0] =	vst.idx.add.s32.msk $0xffff, v1  }
0x17e: {  	[tilespmem:v5+s13+$0x0] =	vst.idx.add.s32.msk $0xffff, v1  }
0x17f: {  	[tilespmem:v61+s14+$0x0] =	vst.idx.add.s32.msk $0xffff, v1  }
0x180: {  	s22 =	simm.s32 $0x0;
	s23 =	simm.s32 $0x770;
	s21 =	simm.s32 $0x3F0;
	v2 =	vshrl.u32 v11, $0x10;
	v3 =	vand.u32 $0xFFFF, v11;
	[tilespmem:v4+s14+$0x0] =	vst.idx.add.s32.msk $0xffff, v1  }
.LBB2_17:
0x181: {  	v4 =	vld [tilespmem:s23+$0x0]  }
0x182: {  	s22 =	sadd.s32 $0x8, s22;
	v5 =	vld [tilespmem:s23+$0xFFFFFFA0]  }
0x183: {  	p0 =	slt.u32 s22, $0x18;
	v6 =	vld [tilespmem:s23+$0xFFFFFFB0]  }
0x184: {  	v7 =	vld [tilespmem:s23+$0xFFFFFFC0]  }
0x185: {  	v8 =	vld [tilespmem:s23+$0xFFFFFFD0]  }
0x186: {  	v9 =	vld [tilespmem:s23+$0xFFFFFFE0];
	v10 =	vand.u32 $0xFFFF, v4  }
0x187: {  	v4 =	vshrl.u32 v4, $0x10;
	v11 =	vshrl.u32 v5, $0x10;
	v5 =	vand.u32 $0xFFFF, v5;
	v12 =	vld [tilespmem:s23+$0xFFFFFFF0]  }
0x188: {  	v13 =	vld [tilespmem:s23+$0xFFFFFF90];
	v14 =	vshrl.u32 v6, $0x10;
	v6 =	vand.u32 $0xFFFF, v6  }
0x189: {  	v15 =	vshrl.u32 v7, $0x10;
	v7 =	vand.u32 $0xFFFF, v7;
	[tilespmem:v3+s13+$0x0] =	vst.idx.add.s32.msk $0xffff, v1  }
0x18a: {  	v16 =	vshrl.u32 v8, $0x10;
	v8 =	vand.u32 $0xFFFF, v8;
	[tilespmem:v2+s14+$0x0] =	vst.idx.add.s32.msk $0xffff, v1  }
0x18b: {  	v17 =	vshrl.u32 v9, $0x10;
	v9 =	vand.u32 $0xFFFF, v9;
	[tilespmem:v10+s13+$0x0] =	vst.idx.add.s32.msk $0xffff, v1  }
0x18c: {  	v2 =	vshrl.u32 v12, $0x10;
	v3 =	vand.u32 $0xFFFF, v12;
	[tilespmem:v4+s14+$0x0] =	vst.idx.add.s32.msk $0xffff, v1  }
0x18d: {  	v4 =	vshrl.u32 v13, $0x10;
	v10 =	vand.u32 $0xFFFF, v13;
	[tilespmem:v5+s13+$0x0] =	vst.idx.add.s32.msk $0xffff, v1  }
0x18e: {  	[tilespmem:v11+s14+$0x0] =	vst.idx.add.s32.msk $0xffff, v1  }
0x18f: {  	[tilespmem:v6+s13+$0x0] =	vst.idx.add.s32.msk $0xffff, v1  }
0x190: {  	[tilespmem:v14+s14+$0x0] =	vst.idx.add.s32.msk $0xffff, v1  }
0x191: {  	[tilespmem:v7+s13+$0x0] =	vst.idx.add.s32.msk $0xffff, v1  }
0x192: {  	[tilespmem:v10+s13+$0x0] =	vst.idx.add.s32.msk $0xffff, v1  }
0x193: {  	[tilespmem:v4+s14+$0x0] =	vst.idx.add.s32.msk $0xffff, v1  }
.Ltmp9:
0x194: {  	[tilespmem:v15+s14+$0x0] =	vst.idx.add.s32.msk $0xffff, v1;
	(pc) =	sbr.rel @p0 .LBB2_17-.Ltmp9, $4  }
0x195: {  	[tilespmem:v8+s13+$0x0] =	vst.idx.add.s32.msk $0xffff, v1  }
0x196: {  	[tilespmem:v16+s14+$0x0] =	vst.idx.add.s32.msk $0xffff, v1  }
0x197: {  	[tilespmem:v9+s13+$0x0] =	vst.idx.add.s32.msk $0xffff, v1  }
0x198: {  	s23 =	sadd.s32 $0x400, s23;
	[tilespmem:v17+s14+$0x0] =	vst.idx.add.s32.msk $0xffff, v1  }
0x199: {  	_ =	sdelay $0x3  }
0x19a: {  	[tilespmem:v3+s13+$0x0] =	vst.idx.add.s32.msk $0xffff, v1  }
0x19b: {  	[tilespmem:v2+s14+$0x0] =	vst.idx.add.s32.msk $0xffff, v1  }
0x19c: {  	v2 =	vld [tilespmem:s21+$0x0]  }
0x19d: {  	v3 =	vld [tilespmem:s21+$0xFFFFFFA0]  }
0x19e: {  	v4 =	vld [tilespmem:s21+$0xFFFFFFB0]  }
0x19f: {  	v5 =	vld [tilespmem:s21+$0xFFFFFFC0];
	_ =	sdelay $0x1  }
0x1a0: {  	v6 =	vand.u32 $0xFFFF, v2  }
0x1a1: {  	v10 =	vld [tilespmem:s21+$0xFFFFFFE0];
	v8 =	vand.u32 $0xFFFF, v3  }
0x1a2: {  	v7 =	vld [tilespmem:s21+$0xFFFFFFD0];
	v12 =	vand.u32 $0xFFFF, v4  }
0x1a3: {  	v9 =	vld [tilespmem:s21+$0xFFFFFF90];
	v60 =	vand.u32 $0xFFFF, v5  }
0x1a4: {  	v11 =	vld [tilespmem:s21+$0xFFFFFFF0];
	v2 =	vshrl.u32 v2, $0x10  }
0x1a5: {  	v3 =	vshrl.u32 v3, $0x10;
	[tilespmem:v6+s13+$0x0] =	vst.idx.add.s32.msk $0xffff, v1  }
0x1a6: {  	v62 =	vand.u32 $0xFFFF, v10;
	[tilespmem:v8+s13+$0x0] =	vst.idx.add.s32.msk $0xffff, v1  }
0x1a7: {  	v4 =	vshrl.u32 v4, $0x10;
	[tilespmem:v12+s13+$0x0] =	vst.idx.add.s32.msk $0xffff, v1  }
0x1a8: {  	v63 =	vshrl.u32 v10, $0x10;
	[tilespmem:v60+s13+$0x0] =	vst.idx.add.s32.msk $0xffff, v1  }
0x1a9: {  	[tilespmem:v2+s14+$0x0] =	vst.idx.add.s32.msk $0xffff, v1;
	v2 =	vand.u32 $0xFFFF, v9  }
0x1aa: {  	[tilespmem:v3+s14+$0x0] =	vst.idx.add.s32.msk $0xffff, v1;
	v3 =	vshrl.u32 v5, $0x10  }
0x1ab: {  	[tilespmem:v62+s13+$0x0] =	vst.idx.add.s32.msk $0xffff, v1;
	v5 =	vand.u32 $0xFFFF, v7  }
0x1ac: {  	v61 =	vshrl.u32 v9, $0x10;
	[tilespmem:v4+s14+$0x0] =	vst.idx.add.s32.msk $0xffff, v1  }
0x1ad: {  	v4 =	vshrl.u32 v7, $0x10;
	[tilespmem:v63+s14+$0x0] =	vst.idx.add.s32.msk $0xffff, v1  }
0x1ae: {  	[tilespmem:v2+s13+$0x0] =	vst.idx.add.s32.msk $0xffff, v1  }
0x1af: {  	[tilespmem:v3+s14+$0x0] =	vst.idx.add.s32.msk $0xffff, v1  }
0x1b0: {  	[tilespmem:v5+s13+$0x0] =	vst.idx.add.s32.msk $0xffff, v1  }
0x1b1: {  	[tilespmem:v61+s14+$0x0] =	vst.idx.add.s32.msk $0xffff, v1  }
0x1b2: {  	s22 =	simm.s32 $0x7F0;
	s21 =	simm.s32 $0x0;
	v2 =	vshrl.u32 v11, $0x10;
	v3 =	vand.u32 $0xFFFF, v11;
	[tilespmem:v4+s14+$0x0] =	vst.idx.add.s32.msk $0xffff, v1  }
.LBB2_19:
0x1b3: {  	v4 =	vld [tilespmem:s22+$0x0]  }
0x1b4: {  	s21 =	sadd.s32 $0x8, s21;
	v5 =	vld [tilespmem:s22+$0xFFFFFFA0]  }
0x1b5: {  	p0 =	slt.u32 s21, $0x18;
	v6 =	vld [tilespmem:s22+$0xFFFFFFB0]  }
0x1b6: {  	v7 =	vld [tilespmem:s22+$0xFFFFFFC0]  }
0x1b7: {  	v8 =	vld [tilespmem:s22+$0xFFFFFFD0]  }
0x1b8: {  	v9 =	vld [tilespmem:s22+$0xFFFFFFE0];
	v10 =	vand.u32 $0xFFFF, v4  }
0x1b9: {  	v4 =	vshrl.u32 v4, $0x10;
	v11 =	vshrl.u32 v5, $0x10;
	v5 =	vand.u32 $0xFFFF, v5;
	v12 =	vld [tilespmem:s22+$0xFFFFFFF0]  }
0x1ba: {  	v13 =	vld [tilespmem:s22+$0xFFFFFF90];
	v14 =	vshrl.u32 v6, $0x10;
	v6 =	vand.u32 $0xFFFF, v6  }
0x1bb: {  	v15 =	vshrl.u32 v7, $0x10;
	v7 =	vand.u32 $0xFFFF, v7;
	[tilespmem:v3+s13+$0x0] =	vst.idx.add.s32.msk $0xffff, v1  }
0x1bc: {  	v16 =	vshrl.u32 v8, $0x10;
	v8 =	vand.u32 $0xFFFF, v8;
	[tilespmem:v2+s14+$0x0] =	vst.idx.add.s32.msk $0xffff, v1  }
0x1bd: {  	v17 =	vshrl.u32 v9, $0x10;
	v9 =	vand.u32 $0xFFFF, v9;
	[tilespmem:v10+s13+$0x0] =	vst.idx.add.s32.msk $0xffff, v1  }
0x1be: {  	v2 =	vshrl.u32 v12, $0x10;
	v3 =	vand.u32 $0xFFFF, v12;
	[tilespmem:v4+s14+$0x0] =	vst.idx.add.s32.msk $0xffff, v1  }
0x1bf: {  	v4 =	vshrl.u32 v13, $0x10;
	v10 =	vand.u32 $0xFFFF, v13;
	[tilespmem:v5+s13+$0x0] =	vst.idx.add.s32.msk $0xffff, v1  }
0x1c0: {  	[tilespmem:v11+s14+$0x0] =	vst.idx.add.s32.msk $0xffff, v1  }
0x1c1: {  	[tilespmem:v6+s13+$0x0] =	vst.idx.add.s32.msk $0xffff, v1  }
0x1c2: {  	[tilespmem:v14+s14+$0x0] =	vst.idx.add.s32.msk $0xffff, v1  }
0x1c3: {  	[tilespmem:v7+s13+$0x0] =	vst.idx.add.s32.msk $0xffff, v1  }
0x1c4: {  	[tilespmem:v10+s13+$0x0] =	vst.idx.add.s32.msk $0xffff, v1  }
0x1c5: {  	[tilespmem:v4+s14+$0x0] =	vst.idx.add.s32.msk $0xffff, v1  }
.Ltmp10:
0x1c6: {  	[tilespmem:v15+s14+$0x0] =	vst.idx.add.s32.msk $0xffff, v1;
	(pc) =	sbr.rel @p0 .LBB2_19-.Ltmp10, $4  }
0x1c7: {  	[tilespmem:v8+s13+$0x0] =	vst.idx.add.s32.msk $0xffff, v1  }
0x1c8: {  	[tilespmem:v16+s14+$0x0] =	vst.idx.add.s32.msk $0xffff, v1  }
0x1c9: {  	[tilespmem:v9+s13+$0x0] =	vst.idx.add.s32.msk $0xffff, v1  }
0x1ca: {  	s22 =	sadd.s32 $0x400, s22;
	[tilespmem:v17+s14+$0x0] =	vst.idx.add.s32.msk $0xffff, v1  }
0x1cb: {  	_ =	sdelay $0x1  }
0x1cc: {  	s21 =	sshll.u32 s20, $0xD;
	p0 =	seq.s32 s20, $0x12  }
0x1cd: {  	s22 =	sadd.s32 @!p0 s21, s6  }
0x1ce: {  	[tilespmem:v3+s13+$0x0] =	vst.idx.add.s32.msk $0xffff, v1;
	s22 =	sshrl.u32 @!p0 s22, $0x3  }
0x1cf: {  	[tilespmem:v2+s14+$0x0] =	vst.idx.add.s32.msk $0xffff, v1;
	s23 =	simm.s32 @!p0 $0x0;
	s22 =	sadd.s32 @!p0 s3, s22  }
0x1d0: {  	[tilespmem:s23], [sflag:$0x1] =	stream.linear.gather @!p0 [hbm4b:s22+s23], $0x1000, $0x38;
	[tilespmem:$0x15000] =	vst v63  }
0x1d1: {  	_ =	swait.ge [sflag:s15], $0x1000  }
0x1d2: {  	[sflag:s15] =	ssyncset.done $0x0  }
0x1d3: {  	s31 =	simm.s32 $0x1070;
	[sflag:s15] =	ssyncadd.s32 $0xFFFFF000  }
0x1d4: {  	v2 =	vld [tilespmem:s31+$0x0]  }
0x1d5: {  	v3 =	vld [tilespmem:s31+$0xFFFFFFA0]  }
0x1d6: {  	v4 =	vld [tilespmem:s31+$0xFFFFFFB0]  }
0x1d7: {  	v5 =	vld [tilespmem:s31+$0xFFFFFFC0];
	_ =	sdelay $0x1  }
0x1d8: {  	v6 =	vand.u32 $0xFFFF, v2  }
0x1d9: {  	v10 =	vld [tilespmem:s31+$0xFFFFFFE0];
	v8 =	vand.u32 $0xFFFF, v3  }
0x1da: {  	v7 =	vld [tilespmem:s31+$0xFFFFFFD0];
	v12 =	vand.u32 $0xFFFF, v4  }
0x1db: {  	v9 =	vld [tilespmem:s31+$0xFFFFFF90];
	v60 =	vand.u32 $0xFFFF, v5  }
0x1dc: {  	v11 =	vld [tilespmem:s31+$0xFFFFFFF0];
	v2 =	vshrl.u32 v2, $0x10  }
0x1dd: {  	v3 =	vshrl.u32 v3, $0x10;
	[tilespmem:v6+s13+$0x0] =	vst.idx.add.s32.msk $0xffff, v1  }
0x1de: {  	v62 =	vand.u32 $0xFFFF, v10;
	[tilespmem:v8+s13+$0x0] =	vst.idx.add.s32.msk $0xffff, v1  }
0x1df: {  	v4 =	vshrl.u32 v4, $0x10;
	[tilespmem:v12+s13+$0x0] =	vst.idx.add.s32.msk $0xffff, v1  }
0x1e0: {  	v63 =	vshrl.u32 v10, $0x10;
	[tilespmem:v60+s13+$0x0] =	vst.idx.add.s32.msk $0xffff, v1  }
0x1e1: {  	[tilespmem:v2+s14+$0x0] =	vst.idx.add.s32.msk $0xffff, v1;
	v2 =	vand.u32 $0xFFFF, v9  }
0x1e2: {  	[tilespmem:v3+s14+$0x0] =	vst.idx.add.s32.msk $0xffff, v1;
	v3 =	vshrl.u32 v5, $0x10  }
0x1e3: {  	[tilespmem:v62+s13+$0x0] =	vst.idx.add.s32.msk $0xffff, v1;
	v5 =	vand.u32 $0xFFFF, v7  }
0x1e4: {  	v61 =	vshrl.u32 v9, $0x10;
	[tilespmem:v4+s14+$0x0] =	vst.idx.add.s32.msk $0xffff, v1  }
0x1e5: {  	v4 =	vshrl.u32 v7, $0x10;
	[tilespmem:v63+s14+$0x0] =	vst.idx.add.s32.msk $0xffff, v1  }
0x1e6: {  	[tilespmem:v2+s13+$0x0] =	vst.idx.add.s32.msk $0xffff, v1  }
0x1e7: {  	[tilespmem:v3+s14+$0x0] =	vst.idx.add.s32.msk $0xffff, v1  }
0x1e8: {  	[tilespmem:v5+s13+$0x0] =	vst.idx.add.s32.msk $0xffff, v1  }
0x1e9: {  	[tilespmem:v61+s14+$0x0] =	vst.idx.add.s32.msk $0xffff, v1  }
0x1ea: {  	s24 =	simm.s32 $0x1470;
	s23 =	simm.s32 $0x0;
	s22 =	simm.s32 $0x10F0;
	v2 =	vshrl.u32 v11, $0x10;
	v3 =	vand.u32 $0xFFFF, v11;
	[tilespmem:v4+s14+$0x0] =	vst.idx.add.s32.msk $0xffff, v1  }
.LBB2_21:
0x1eb: {  	v4 =	vld [tilespmem:s24+$0x0]  }
0x1ec: {  	s23 =	sadd.s32 $0x8, s23;
	v5 =	vld [tilespmem:s24+$0xFFFFFFA0]  }
0x1ed: {  	p1 =	slt.u32 s23, $0x18;
	v6 =	vld [tilespmem:s24+$0xFFFFFFB0]  }
0x1ee: {  	v7 =	vld [tilespmem:s24+$0xFFFFFFC0]  }
0x1ef: {  	v8 =	vld [tilespmem:s24+$0xFFFFFFD0]  }
0x1f0: {  	v9 =	vld [tilespmem:s24+$0xFFFFFFE0];
	v10 =	vand.u32 $0xFFFF, v4  }
0x1f1: {  	v4 =	vshrl.u32 v4, $0x10;
	v11 =	vshrl.u32 v5, $0x10;
	v5 =	vand.u32 $0xFFFF, v5;
	v12 =	vld [tilespmem:s24+$0xFFFFFFF0]  }
0x1f2: {  	v13 =	vld [tilespmem:s24+$0xFFFFFF90];
	v14 =	vshrl.u32 v6, $0x10;
	v6 =	vand.u32 $0xFFFF, v6  }
0x1f3: {  	v15 =	vshrl.u32 v7, $0x10;
	v7 =	vand.u32 $0xFFFF, v7;
	[tilespmem:v3+s13+$0x0] =	vst.idx.add.s32.msk $0xffff, v1  }
0x1f4: {  	v16 =	vshrl.u32 v8, $0x10;
	v8 =	vand.u32 $0xFFFF, v8;
	[tilespmem:v2+s14+$0x0] =	vst.idx.add.s32.msk $0xffff, v1  }
0x1f5: {  	v17 =	vshrl.u32 v9, $0x10;
	v9 =	vand.u32 $0xFFFF, v9;
	[tilespmem:v10+s13+$0x0] =	vst.idx.add.s32.msk $0xffff, v1  }
0x1f6: {  	v2 =	vshrl.u32 v12, $0x10;
	v3 =	vand.u32 $0xFFFF, v12;
	[tilespmem:v4+s14+$0x0] =	vst.idx.add.s32.msk $0xffff, v1  }
0x1f7: {  	v4 =	vshrl.u32 v13, $0x10;
	v10 =	vand.u32 $0xFFFF, v13;
	[tilespmem:v5+s13+$0x0] =	vst.idx.add.s32.msk $0xffff, v1  }
0x1f8: {  	[tilespmem:v11+s14+$0x0] =	vst.idx.add.s32.msk $0xffff, v1  }
0x1f9: {  	[tilespmem:v6+s13+$0x0] =	vst.idx.add.s32.msk $0xffff, v1  }
0x1fa: {  	[tilespmem:v14+s14+$0x0] =	vst.idx.add.s32.msk $0xffff, v1  }
0x1fb: {  	[tilespmem:v7+s13+$0x0] =	vst.idx.add.s32.msk $0xffff, v1  }
0x1fc: {  	[tilespmem:v10+s13+$0x0] =	vst.idx.add.s32.msk $0xffff, v1  }
0x1fd: {  	[tilespmem:v4+s14+$0x0] =	vst.idx.add.s32.msk $0xffff, v1  }
.Ltmp11:
0x1fe: {  	[tilespmem:v15+s14+$0x0] =	vst.idx.add.s32.msk $0xffff, v1;
	(pc) =	sbr.rel @p1 .LBB2_21-.Ltmp11, $4  }
0x1ff: {  	[tilespmem:v8+s13+$0x0] =	vst.idx.add.s32.msk $0xffff, v1  }
0x200: {  	[tilespmem:v16+s14+$0x0] =	vst.idx.add.s32.msk $0xffff, v1  }
0x201: {  	[tilespmem:v9+s13+$0x0] =	vst.idx.add.s32.msk $0xffff, v1  }
0x202: {  	s24 =	sadd.s32 $0x400, s24;
	[tilespmem:v17+s14+$0x0] =	vst.idx.add.s32.msk $0xffff, v1  }
0x203: {  	_ =	sdelay $0x3  }
0x204: {  	[tilespmem:v3+s13+$0x0] =	vst.idx.add.s32.msk $0xffff, v1  }
0x205: {  	[tilespmem:v2+s14+$0x0] =	vst.idx.add.s32.msk $0xffff, v1  }
0x206: {  	v2 =	vld [tilespmem:s22+$0x0]  }
0x207: {  	v3 =	vld [tilespmem:s22+$0xFFFFFFA0]  }
0x208: {  	v4 =	vld [tilespmem:s22+$0xFFFFFFB0]  }
0x209: {  	v5 =	vld [tilespmem:s22+$0xFFFFFFC0];
	_ =	sdelay $0x1  }
0x20a: {  	v6 =	vand.u32 $0xFFFF, v2  }
0x20b: {  	v10 =	vld [tilespmem:s22+$0xFFFFFFE0];
	v8 =	vand.u32 $0xFFFF, v3  }
0x20c: {  	v7 =	vld [tilespmem:s22+$0xFFFFFFD0];
	v12 =	vand.u32 $0xFFFF, v4  }
0x20d: {  	v9 =	vld [tilespmem:s22+$0xFFFFFF90];
	v60 =	vand.u32 $0xFFFF, v5  }
0x20e: {  	v11 =	vld [tilespmem:s22+$0xFFFFFFF0];
	v2 =	vshrl.u32 v2, $0x10  }
0x20f: {  	v3 =	vshrl.u32 v3, $0x10;
	[tilespmem:v6+s13+$0x0] =	vst.idx.add.s32.msk $0xffff, v1  }
0x210: {  	v62 =	vand.u32 $0xFFFF, v10;
	[tilespmem:v8+s13+$0x0] =	vst.idx.add.s32.msk $0xffff, v1  }
0x211: {  	v4 =	vshrl.u32 v4, $0x10;
	[tilespmem:v12+s13+$0x0] =	vst.idx.add.s32.msk $0xffff, v1  }
0x212: {  	v63 =	vshrl.u32 v10, $0x10;
	[tilespmem:v60+s13+$0x0] =	vst.idx.add.s32.msk $0xffff, v1  }
0x213: {  	[tilespmem:v2+s14+$0x0] =	vst.idx.add.s32.msk $0xffff, v1;
	v2 =	vand.u32 $0xFFFF, v9  }
0x214: {  	[tilespmem:v3+s14+$0x0] =	vst.idx.add.s32.msk $0xffff, v1;
	v3 =	vshrl.u32 v5, $0x10  }
0x215: {  	[tilespmem:v62+s13+$0x0] =	vst.idx.add.s32.msk $0xffff, v1;
	v5 =	vand.u32 $0xFFFF, v7  }
0x216: {  	v61 =	vshrl.u32 v9, $0x10;
	[tilespmem:v4+s14+$0x0] =	vst.idx.add.s32.msk $0xffff, v1  }
0x217: {  	v4 =	vshrl.u32 v7, $0x10;
	[tilespmem:v63+s14+$0x0] =	vst.idx.add.s32.msk $0xffff, v1  }
0x218: {  	[tilespmem:v2+s13+$0x0] =	vst.idx.add.s32.msk $0xffff, v1  }
0x219: {  	[tilespmem:v3+s14+$0x0] =	vst.idx.add.s32.msk $0xffff, v1  }
0x21a: {  	[tilespmem:v5+s13+$0x0] =	vst.idx.add.s32.msk $0xffff, v1  }
0x21b: {  	[tilespmem:v61+s14+$0x0] =	vst.idx.add.s32.msk $0xffff, v1  }
0x21c: {  	s23 =	simm.s32 $0x0;
	s24 =	simm.s32 $0x14F0;
	s22 =	simm.s32 $0x1170;
	v2 =	vshrl.u32 v11, $0x10;
	v3 =	vand.u32 $0xFFFF, v11;
	[tilespmem:v4+s14+$0x0] =	vst.idx.add.s32.msk $0xffff, v1  }
.LBB2_23:
0x21d: {  	v4 =	vld [tilespmem:s24+$0x0]  }
0x21e: {  	s23 =	sadd.s32 $0x8, s23;
	v5 =	vld [tilespmem:s24+$0xFFFFFFA0]  }
0x21f: {  	p1 =	slt.u32 s23, $0x18;
	v6 =	vld [tilespmem:s24+$0xFFFFFFB0]  }
0x220: {  	v7 =	vld [tilespmem:s24+$0xFFFFFFC0]  }
0x221: {  	v8 =	vld [tilespmem:s24+$0xFFFFFFD0]  }
0x222: {  	v9 =	vld [tilespmem:s24+$0xFFFFFFE0];
	v10 =	vand.u32 $0xFFFF, v4  }
0x223: {  	v4 =	vshrl.u32 v4, $0x10;
	v11 =	vshrl.u32 v5, $0x10;
	v5 =	vand.u32 $0xFFFF, v5;
	v12 =	vld [tilespmem:s24+$0xFFFFFFF0]  }
0x224: {  	v13 =	vld [tilespmem:s24+$0xFFFFFF90];
	v14 =	vshrl.u32 v6, $0x10;
	v6 =	vand.u32 $0xFFFF, v6  }
0x225: {  	v15 =	vshrl.u32 v7, $0x10;
	v7 =	vand.u32 $0xFFFF, v7;
	[tilespmem:v3+s13+$0x0] =	vst.idx.add.s32.msk $0xffff, v1  }
0x226: {  	v16 =	vshrl.u32 v8, $0x10;
	v8 =	vand.u32 $0xFFFF, v8;
	[tilespmem:v2+s14+$0x0] =	vst.idx.add.s32.msk $0xffff, v1  }
0x227: {  	v17 =	vshrl.u32 v9, $0x10;
	v9 =	vand.u32 $0xFFFF, v9;
	[tilespmem:v10+s13+$0x0] =	vst.idx.add.s32.msk $0xffff, v1  }
0x228: {  	v2 =	vshrl.u32 v12, $0x10;
	v3 =	vand.u32 $0xFFFF, v12;
	[tilespmem:v4+s14+$0x0] =	vst.idx.add.s32.msk $0xffff, v1  }
0x229: {  	v4 =	vshrl.u32 v13, $0x10;
	v10 =	vand.u32 $0xFFFF, v13;
	[tilespmem:v5+s13+$0x0] =	vst.idx.add.s32.msk $0xffff, v1  }
0x22a: {  	[tilespmem:v11+s14+$0x0] =	vst.idx.add.s32.msk $0xffff, v1  }
0x22b: {  	[tilespmem:v6+s13+$0x0] =	vst.idx.add.s32.msk $0xffff, v1  }
0x22c: {  	[tilespmem:v14+s14+$0x0] =	vst.idx.add.s32.msk $0xffff, v1  }
0x22d: {  	[tilespmem:v7+s13+$0x0] =	vst.idx.add.s32.msk $0xffff, v1  }
0x22e: {  	[tilespmem:v10+s13+$0x0] =	vst.idx.add.s32.msk $0xffff, v1  }
0x22f: {  	[tilespmem:v4+s14+$0x0] =	vst.idx.add.s32.msk $0xffff, v1  }
.Ltmp12:
0x230: {  	[tilespmem:v15+s14+$0x0] =	vst.idx.add.s32.msk $0xffff, v1;
	(pc) =	sbr.rel @p1 .LBB2_23-.Ltmp12, $4  }
0x231: {  	[tilespmem:v8+s13+$0x0] =	vst.idx.add.s32.msk $0xffff, v1  }
0x232: {  	[tilespmem:v16+s14+$0x0] =	vst.idx.add.s32.msk $0xffff, v1  }
0x233: {  	[tilespmem:v9+s13+$0x0] =	vst.idx.add.s32.msk $0xffff, v1  }
0x234: {  	s24 =	sadd.s32 $0x400, s24;
	[tilespmem:v17+s14+$0x0] =	vst.idx.add.s32.msk $0xffff, v1  }
0x235: {  	_ =	sdelay $0x3  }
0x236: {  	[tilespmem:v3+s13+$0x0] =	vst.idx.add.s32.msk $0xffff, v1  }
0x237: {  	[tilespmem:v2+s14+$0x0] =	vst.idx.add.s32.msk $0xffff, v1  }
0x238: {  	v2 =	vld [tilespmem:s22+$0x0]  }
0x239: {  	v3 =	vld [tilespmem:s22+$0xFFFFFFA0]  }
0x23a: {  	v4 =	vld [tilespmem:s22+$0xFFFFFFB0]  }
0x23b: {  	v5 =	vld [tilespmem:s22+$0xFFFFFFC0];
	_ =	sdelay $0x1  }
0x23c: {  	v6 =	vand.u32 $0xFFFF, v2  }
0x23d: {  	v10 =	vld [tilespmem:s22+$0xFFFFFFE0];
	v8 =	vand.u32 $0xFFFF, v3  }
0x23e: {  	v7 =	vld [tilespmem:s22+$0xFFFFFFD0];
	v12 =	vand.u32 $0xFFFF, v4  }
0x23f: {  	v9 =	vld [tilespmem:s22+$0xFFFFFF90];
	v60 =	vand.u32 $0xFFFF, v5  }
0x240: {  	v11 =	vld [tilespmem:s22+$0xFFFFFFF0];
	v2 =	vshrl.u32 v2, $0x10  }
0x241: {  	v3 =	vshrl.u32 v3, $0x10;
	[tilespmem:v6+s13+$0x0] =	vst.idx.add.s32.msk $0xffff, v1  }
0x242: {  	v62 =	vand.u32 $0xFFFF, v10;
	[tilespmem:v8+s13+$0x0] =	vst.idx.add.s32.msk $0xffff, v1  }
0x243: {  	v4 =	vshrl.u32 v4, $0x10;
	[tilespmem:v12+s13+$0x0] =	vst.idx.add.s32.msk $0xffff, v1  }
0x244: {  	v63 =	vshrl.u32 v10, $0x10;
	[tilespmem:v60+s13+$0x0] =	vst.idx.add.s32.msk $0xffff, v1  }
0x245: {  	[tilespmem:v2+s14+$0x0] =	vst.idx.add.s32.msk $0xffff, v1;
	v2 =	vand.u32 $0xFFFF, v9  }
0x246: {  	[tilespmem:v3+s14+$0x0] =	vst.idx.add.s32.msk $0xffff, v1;
	v3 =	vshrl.u32 v5, $0x10  }
0x247: {  	[tilespmem:v62+s13+$0x0] =	vst.idx.add.s32.msk $0xffff, v1;
	v5 =	vand.u32 $0xFFFF, v7  }
0x248: {  	v61 =	vshrl.u32 v9, $0x10;
	[tilespmem:v4+s14+$0x0] =	vst.idx.add.s32.msk $0xffff, v1  }
0x249: {  	v4 =	vshrl.u32 v7, $0x10;
	[tilespmem:v63+s14+$0x0] =	vst.idx.add.s32.msk $0xffff, v1  }
0x24a: {  	[tilespmem:v2+s13+$0x0] =	vst.idx.add.s32.msk $0xffff, v1  }
0x24b: {  	[tilespmem:v3+s14+$0x0] =	vst.idx.add.s32.msk $0xffff, v1  }
0x24c: {  	[tilespmem:v5+s13+$0x0] =	vst.idx.add.s32.msk $0xffff, v1  }
0x24d: {  	[tilespmem:v61+s14+$0x0] =	vst.idx.add.s32.msk $0xffff, v1  }
0x24e: {  	s23 =	simm.s32 $0x0;
	s24 =	simm.s32 $0x1570;
	s22 =	simm.s32 $0x11F0;
	v2 =	vshrl.u32 v11, $0x10;
	v3 =	vand.u32 $0xFFFF, v11;
	[tilespmem:v4+s14+$0x0] =	vst.idx.add.s32.msk $0xffff, v1  }
.LBB2_25:
0x24f: {  	v4 =	vld [tilespmem:s24+$0x0]  }
0x250: {  	s23 =	sadd.s32 $0x8, s23;
	v5 =	vld [tilespmem:s24+$0xFFFFFFA0]  }
0x251: {  	p1 =	slt.u32 s23, $0x18;
	v6 =	vld [tilespmem:s24+$0xFFFFFFB0]  }
0x252: {  	v7 =	vld [tilespmem:s24+$0xFFFFFFC0]  }
0x253: {  	v8 =	vld [tilespmem:s24+$0xFFFFFFD0]  }
0x254: {  	v9 =	vld [tilespmem:s24+$0xFFFFFFE0];
	v10 =	vand.u32 $0xFFFF, v4  }
0x255: {  	v4 =	vshrl.u32 v4, $0x10;
	v11 =	vshrl.u32 v5, $0x10;
	v5 =	vand.u32 $0xFFFF, v5;
	v12 =	vld [tilespmem:s24+$0xFFFFFFF0]  }
0x256: {  	v13 =	vld [tilespmem:s24+$0xFFFFFF90];
	v14 =	vshrl.u32 v6, $0x10;
	v6 =	vand.u32 $0xFFFF, v6  }
0x257: {  	v15 =	vshrl.u32 v7, $0x10;
	v7 =	vand.u32 $0xFFFF, v7;
	[tilespmem:v3+s13+$0x0] =	vst.idx.add.s32.msk $0xffff, v1  }
0x258: {  	v16 =	vshrl.u32 v8, $0x10;
	v8 =	vand.u32 $0xFFFF, v8;
	[tilespmem:v2+s14+$0x0] =	vst.idx.add.s32.msk $0xffff, v1  }
0x259: {  	v17 =	vshrl.u32 v9, $0x10;
	v9 =	vand.u32 $0xFFFF, v9;
	[tilespmem:v10+s13+$0x0] =	vst.idx.add.s32.msk $0xffff, v1  }
0x25a: {  	v2 =	vshrl.u32 v12, $0x10;
	v3 =	vand.u32 $0xFFFF, v12;
	[tilespmem:v4+s14+$0x0] =	vst.idx.add.s32.msk $0xffff, v1  }
0x25b: {  	v4 =	vshrl.u32 v13, $0x10;
	v10 =	vand.u32 $0xFFFF, v13;
	[tilespmem:v5+s13+$0x0] =	vst.idx.add.s32.msk $0xffff, v1  }
0x25c: {  	[tilespmem:v11+s14+$0x0] =	vst.idx.add.s32.msk $0xffff, v1  }
0x25d: {  	[tilespmem:v6+s13+$0x0] =	vst.idx.add.s32.msk $0xffff, v1  }
0x25e: {  	[tilespmem:v14+s14+$0x0] =	vst.idx.add.s32.msk $0xffff, v1  }
0x25f: {  	[tilespmem:v7+s13+$0x0] =	vst.idx.add.s32.msk $0xffff, v1  }
0x260: {  	[tilespmem:v10+s13+$0x0] =	vst.idx.add.s32.msk $0xffff, v1  }
0x261: {  	[tilespmem:v4+s14+$0x0] =	vst.idx.add.s32.msk $0xffff, v1  }
.Ltmp13:
0x262: {  	[tilespmem:v15+s14+$0x0] =	vst.idx.add.s32.msk $0xffff, v1;
	(pc) =	sbr.rel @p1 .LBB2_25-.Ltmp13, $4  }
0x263: {  	[tilespmem:v8+s13+$0x0] =	vst.idx.add.s32.msk $0xffff, v1  }
0x264: {  	[tilespmem:v16+s14+$0x0] =	vst.idx.add.s32.msk $0xffff, v1  }
0x265: {  	[tilespmem:v9+s13+$0x0] =	vst.idx.add.s32.msk $0xffff, v1  }
0x266: {  	s24 =	sadd.s32 $0x400, s24;
	[tilespmem:v17+s14+$0x0] =	vst.idx.add.s32.msk $0xffff, v1  }
0x267: {  	_ =	sdelay $0x3  }
0x268: {  	[tilespmem:v3+s13+$0x0] =	vst.idx.add.s32.msk $0xffff, v1  }
0x269: {  	[tilespmem:v2+s14+$0x0] =	vst.idx.add.s32.msk $0xffff, v1  }
0x26a: {  	v2 =	vld [tilespmem:s22+$0x0]  }
0x26b: {  	v3 =	vld [tilespmem:s22+$0xFFFFFFA0]  }
0x26c: {  	v4 =	vld [tilespmem:s22+$0xFFFFFFB0]  }
0x26d: {  	v5 =	vld [tilespmem:s22+$0xFFFFFFC0];
	_ =	sdelay $0x1  }
0x26e: {  	v6 =	vand.u32 $0xFFFF, v2  }
0x26f: {  	v10 =	vld [tilespmem:s22+$0xFFFFFFE0];
	v8 =	vand.u32 $0xFFFF, v3  }
0x270: {  	v7 =	vld [tilespmem:s22+$0xFFFFFFD0];
	v12 =	vand.u32 $0xFFFF, v4  }
0x271: {  	v9 =	vld [tilespmem:s22+$0xFFFFFF90];
	v60 =	vand.u32 $0xFFFF, v5  }
0x272: {  	v11 =	vld [tilespmem:s22+$0xFFFFFFF0];
	v2 =	vshrl.u32 v2, $0x10  }
0x273: {  	v3 =	vshrl.u32 v3, $0x10;
	[tilespmem:v6+s13+$0x0] =	vst.idx.add.s32.msk $0xffff, v1  }
0x274: {  	v62 =	vand.u32 $0xFFFF, v10;
	[tilespmem:v8+s13+$0x0] =	vst.idx.add.s32.msk $0xffff, v1  }
0x275: {  	v4 =	vshrl.u32 v4, $0x10;
	[tilespmem:v12+s13+$0x0] =	vst.idx.add.s32.msk $0xffff, v1  }
0x276: {  	v63 =	vshrl.u32 v10, $0x10;
	[tilespmem:v60+s13+$0x0] =	vst.idx.add.s32.msk $0xffff, v1  }
0x277: {  	[tilespmem:v2+s14+$0x0] =	vst.idx.add.s32.msk $0xffff, v1;
	v2 =	vand.u32 $0xFFFF, v9  }
0x278: {  	[tilespmem:v3+s14+$0x0] =	vst.idx.add.s32.msk $0xffff, v1;
	v3 =	vshrl.u32 v5, $0x10  }
0x279: {  	[tilespmem:v62+s13+$0x0] =	vst.idx.add.s32.msk $0xffff, v1;
	v5 =	vand.u32 $0xFFFF, v7  }
0x27a: {  	v61 =	vshrl.u32 v9, $0x10;
	[tilespmem:v4+s14+$0x0] =	vst.idx.add.s32.msk $0xffff, v1  }
0x27b: {  	v4 =	vshrl.u32 v7, $0x10;
	[tilespmem:v63+s14+$0x0] =	vst.idx.add.s32.msk $0xffff, v1  }
0x27c: {  	[tilespmem:v2+s13+$0x0] =	vst.idx.add.s32.msk $0xffff, v1  }
0x27d: {  	[tilespmem:v3+s14+$0x0] =	vst.idx.add.s32.msk $0xffff, v1  }
0x27e: {  	[tilespmem:v5+s13+$0x0] =	vst.idx.add.s32.msk $0xffff, v1  }
0x27f: {  	[tilespmem:v61+s14+$0x0] =	vst.idx.add.s32.msk $0xffff, v1  }
0x280: {  	s23 =	simm.s32 $0x0;
	s24 =	simm.s32 $0x15F0;
	s22 =	simm.s32 $0x1270;
	v2 =	vshrl.u32 v11, $0x10;
	v3 =	vand.u32 $0xFFFF, v11;
	[tilespmem:v4+s14+$0x0] =	vst.idx.add.s32.msk $0xffff, v1  }
.LBB2_27:
0x281: {  	v4 =	vld [tilespmem:s24+$0x0]  }
0x282: {  	s23 =	sadd.s32 $0x8, s23;
	v5 =	vld [tilespmem:s24+$0xFFFFFFA0]  }
0x283: {  	p1 =	slt.u32 s23, $0x18;
	v6 =	vld [tilespmem:s24+$0xFFFFFFB0]  }
0x284: {  	v7 =	vld [tilespmem:s24+$0xFFFFFFC0]  }
0x285: {  	v8 =	vld [tilespmem:s24+$0xFFFFFFD0]  }
0x286: {  	v9 =	vld [tilespmem:s24+$0xFFFFFFE0];
	v10 =	vand.u32 $0xFFFF, v4  }
0x287: {  	v4 =	vshrl.u32 v4, $0x10;
	v11 =	vshrl.u32 v5, $0x10;
	v5 =	vand.u32 $0xFFFF, v5;
	v12 =	vld [tilespmem:s24+$0xFFFFFFF0]  }
0x288: {  	v13 =	vld [tilespmem:s24+$0xFFFFFF90];
	v14 =	vshrl.u32 v6, $0x10;
	v6 =	vand.u32 $0xFFFF, v6  }
0x289: {  	v15 =	vshrl.u32 v7, $0x10;
	v7 =	vand.u32 $0xFFFF, v7;
	[tilespmem:v3+s13+$0x0] =	vst.idx.add.s32.msk $0xffff, v1  }
0x28a: {  	v16 =	vshrl.u32 v8, $0x10;
	v8 =	vand.u32 $0xFFFF, v8;
	[tilespmem:v2+s14+$0x0] =	vst.idx.add.s32.msk $0xffff, v1  }
0x28b: {  	v17 =	vshrl.u32 v9, $0x10;
	v9 =	vand.u32 $0xFFFF, v9;
	[tilespmem:v10+s13+$0x0] =	vst.idx.add.s32.msk $0xffff, v1  }
0x28c: {  	v2 =	vshrl.u32 v12, $0x10;
	v3 =	vand.u32 $0xFFFF, v12;
	[tilespmem:v4+s14+$0x0] =	vst.idx.add.s32.msk $0xffff, v1  }
0x28d: {  	v4 =	vshrl.u32 v13, $0x10;
	v10 =	vand.u32 $0xFFFF, v13;
	[tilespmem:v5+s13+$0x0] =	vst.idx.add.s32.msk $0xffff, v1  }
0x28e: {  	[tilespmem:v11+s14+$0x0] =	vst.idx.add.s32.msk $0xffff, v1  }
0x28f: {  	[tilespmem:v6+s13+$0x0] =	vst.idx.add.s32.msk $0xffff, v1  }
0x290: {  	[tilespmem:v14+s14+$0x0] =	vst.idx.add.s32.msk $0xffff, v1  }
0x291: {  	[tilespmem:v7+s13+$0x0] =	vst.idx.add.s32.msk $0xffff, v1  }
0x292: {  	[tilespmem:v10+s13+$0x0] =	vst.idx.add.s32.msk $0xffff, v1  }
0x293: {  	[tilespmem:v4+s14+$0x0] =	vst.idx.add.s32.msk $0xffff, v1  }
.Ltmp14:
0x294: {  	[tilespmem:v15+s14+$0x0] =	vst.idx.add.s32.msk $0xffff, v1;
	(pc) =	sbr.rel @p1 .LBB2_27-.Ltmp14, $4  }
0x295: {  	[tilespmem:v8+s13+$0x0] =	vst.idx.add.s32.msk $0xffff, v1  }
0x296: {  	[tilespmem:v16+s14+$0x0] =	vst.idx.add.s32.msk $0xffff, v1  }
0x297: {  	[tilespmem:v9+s13+$0x0] =	vst.idx.add.s32.msk $0xffff, v1  }
0x298: {  	s24 =	sadd.s32 $0x400, s24;
	[tilespmem:v17+s14+$0x0] =	vst.idx.add.s32.msk $0xffff, v1  }
0x299: {  	_ =	sdelay $0x3  }
0x29a: {  	[tilespmem:v3+s13+$0x0] =	vst.idx.add.s32.msk $0xffff, v1  }
0x29b: {  	[tilespmem:v2+s14+$0x0] =	vst.idx.add.s32.msk $0xffff, v1  }
0x29c: {  	v2 =	vld [tilespmem:s22+$0x0]  }
0x29d: {  	v3 =	vld [tilespmem:s22+$0xFFFFFFA0]  }
0x29e: {  	v4 =	vld [tilespmem:s22+$0xFFFFFFB0]  }
0x29f: {  	v5 =	vld [tilespmem:s22+$0xFFFFFFC0];
	_ =	sdelay $0x1  }
0x2a0: {  	v6 =	vand.u32 $0xFFFF, v2  }
0x2a1: {  	v10 =	vld [tilespmem:s22+$0xFFFFFFE0];
	v8 =	vand.u32 $0xFFFF, v3  }
0x2a2: {  	v7 =	vld [tilespmem:s22+$0xFFFFFFD0];
	v12 =	vand.u32 $0xFFFF, v4  }
0x2a3: {  	v9 =	vld [tilespmem:s22+$0xFFFFFF90];
	v60 =	vand.u32 $0xFFFF, v5  }
0x2a4: {  	v11 =	vld [tilespmem:s22+$0xFFFFFFF0];
	v2 =	vshrl.u32 v2, $0x10  }
0x2a5: {  	v3 =	vshrl.u32 v3, $0x10;
	[tilespmem:v6+s13+$0x0] =	vst.idx.add.s32.msk $0xffff, v1  }
0x2a6: {  	v62 =	vand.u32 $0xFFFF, v10;
	[tilespmem:v8+s13+$0x0] =	vst.idx.add.s32.msk $0xffff, v1  }
0x2a7: {  	v4 =	vshrl.u32 v4, $0x10;
	[tilespmem:v12+s13+$0x0] =	vst.idx.add.s32.msk $0xffff, v1  }
0x2a8: {  	v63 =	vshrl.u32 v10, $0x10;
	[tilespmem:v60+s13+$0x0] =	vst.idx.add.s32.msk $0xffff, v1  }
0x2a9: {  	[tilespmem:v2+s14+$0x0] =	vst.idx.add.s32.msk $0xffff, v1;
	v2 =	vand.u32 $0xFFFF, v9  }
0x2aa: {  	[tilespmem:v3+s14+$0x0] =	vst.idx.add.s32.msk $0xffff, v1;
	v3 =	vshrl.u32 v5, $0x10  }
0x2ab: {  	[tilespmem:v62+s13+$0x0] =	vst.idx.add.s32.msk $0xffff, v1;
	v5 =	vand.u32 $0xFFFF, v7  }
0x2ac: {  	v61 =	vshrl.u32 v9, $0x10;
	[tilespmem:v4+s14+$0x0] =	vst.idx.add.s32.msk $0xffff, v1  }
0x2ad: {  	v4 =	vshrl.u32 v7, $0x10;
	[tilespmem:v63+s14+$0x0] =	vst.idx.add.s32.msk $0xffff, v1  }
0x2ae: {  	[tilespmem:v2+s13+$0x0] =	vst.idx.add.s32.msk $0xffff, v1  }
0x2af: {  	[tilespmem:v3+s14+$0x0] =	vst.idx.add.s32.msk $0xffff, v1  }
0x2b0: {  	[tilespmem:v5+s13+$0x0] =	vst.idx.add.s32.msk $0xffff, v1  }
0x2b1: {  	[tilespmem:v61+s14+$0x0] =	vst.idx.add.s32.msk $0xffff, v1  }
0x2b2: {  	s23 =	simm.s32 $0x0;
	s24 =	simm.s32 $0x1670;
	s22 =	simm.s32 $0x12F0;
	v2 =	vshrl.u32 v11, $0x10;
	v3 =	vand.u32 $0xFFFF, v11;
	[tilespmem:v4+s14+$0x0] =	vst.idx.add.s32.msk $0xffff, v1  }
.LBB2_29:
0x2b3: {  	v4 =	vld [tilespmem:s24+$0x0]  }
0x2b4: {  	s23 =	sadd.s32 $0x8, s23;
	v5 =	vld [tilespmem:s24+$0xFFFFFFA0]  }
0x2b5: {  	p1 =	slt.u32 s23, $0x18;
	v6 =	vld [tilespmem:s24+$0xFFFFFFB0]  }
0x2b6: {  	v7 =	vld [tilespmem:s24+$0xFFFFFFC0]  }
0x2b7: {  	v8 =	vld [tilespmem:s24+$0xFFFFFFD0]  }
0x2b8: {  	v9 =	vld [tilespmem:s24+$0xFFFFFFE0];
	v10 =	vand.u32 $0xFFFF, v4  }
0x2b9: {  	v4 =	vshrl.u32 v4, $0x10;
	v11 =	vshrl.u32 v5, $0x10;
	v5 =	vand.u32 $0xFFFF, v5;
	v12 =	vld [tilespmem:s24+$0xFFFFFFF0]  }
0x2ba: {  	v13 =	vld [tilespmem:s24+$0xFFFFFF90];
	v14 =	vshrl.u32 v6, $0x10;
	v6 =	vand.u32 $0xFFFF, v6  }
0x2bb: {  	v15 =	vshrl.u32 v7, $0x10;
	v7 =	vand.u32 $0xFFFF, v7;
	[tilespmem:v3+s13+$0x0] =	vst.idx.add.s32.msk $0xffff, v1  }
0x2bc: {  	v16 =	vshrl.u32 v8, $0x10;
	v8 =	vand.u32 $0xFFFF, v8;
	[tilespmem:v2+s14+$0x0] =	vst.idx.add.s32.msk $0xffff, v1  }
0x2bd: {  	v17 =	vshrl.u32 v9, $0x10;
	v9 =	vand.u32 $0xFFFF, v9;
	[tilespmem:v10+s13+$0x0] =	vst.idx.add.s32.msk $0xffff, v1  }
0x2be: {  	v2 =	vshrl.u32 v12, $0x10;
	v3 =	vand.u32 $0xFFFF, v12;
	[tilespmem:v4+s14+$0x0] =	vst.idx.add.s32.msk $0xffff, v1  }
0x2bf: {  	v4 =	vshrl.u32 v13, $0x10;
	v10 =	vand.u32 $0xFFFF, v13;
	[tilespmem:v5+s13+$0x0] =	vst.idx.add.s32.msk $0xffff, v1  }
0x2c0: {  	[tilespmem:v11+s14+$0x0] =	vst.idx.add.s32.msk $0xffff, v1  }
0x2c1: {  	[tilespmem:v6+s13+$0x0] =	vst.idx.add.s32.msk $0xffff, v1  }
0x2c2: {  	[tilespmem:v14+s14+$0x0] =	vst.idx.add.s32.msk $0xffff, v1  }
0x2c3: {  	[tilespmem:v7+s13+$0x0] =	vst.idx.add.s32.msk $0xffff, v1  }
0x2c4: {  	[tilespmem:v10+s13+$0x0] =	vst.idx.add.s32.msk $0xffff, v1  }
0x2c5: {  	[tilespmem:v4+s14+$0x0] =	vst.idx.add.s32.msk $0xffff, v1  }
.Ltmp15:
0x2c6: {  	[tilespmem:v15+s14+$0x0] =	vst.idx.add.s32.msk $0xffff, v1;
	(pc) =	sbr.rel @p1 .LBB2_29-.Ltmp15, $4  }
0x2c7: {  	[tilespmem:v8+s13+$0x0] =	vst.idx.add.s32.msk $0xffff, v1  }
0x2c8: {  	[tilespmem:v16+s14+$0x0] =	vst.idx.add.s32.msk $0xffff, v1  }
0x2c9: {  	[tilespmem:v9+s13+$0x0] =	vst.idx.add.s32.msk $0xffff, v1  }
0x2ca: {  	s24 =	sadd.s32 $0x400, s24;
	[tilespmem:v17+s14+$0x0] =	vst.idx.add.s32.msk $0xffff, v1  }
0x2cb: {  	_ =	sdelay $0x3  }
0x2cc: {  	[tilespmem:v3+s13+$0x0] =	vst.idx.add.s32.msk $0xffff, v1  }
0x2cd: {  	[tilespmem:v2+s14+$0x0] =	vst.idx.add.s32.msk $0xffff, v1  }
0x2ce: {  	v2 =	vld [tilespmem:s22+$0x0]  }
0x2cf: {  	v3 =	vld [tilespmem:s22+$0xFFFFFFA0]  }
0x2d0: {  	v4 =	vld [tilespmem:s22+$0xFFFFFFB0]  }
0x2d1: {  	v5 =	vld [tilespmem:s22+$0xFFFFFFC0];
	_ =	sdelay $0x1  }
0x2d2: {  	v6 =	vand.u32 $0xFFFF, v2  }
0x2d3: {  	v10 =	vld [tilespmem:s22+$0xFFFFFFE0];
	v8 =	vand.u32 $0xFFFF, v3  }
0x2d4: {  	v7 =	vld [tilespmem:s22+$0xFFFFFFD0];
	v12 =	vand.u32 $0xFFFF, v4  }
0x2d5: {  	v9 =	vld [tilespmem:s22+$0xFFFFFF90];
	v60 =	vand.u32 $0xFFFF, v5  }
0x2d6: {  	v11 =	vld [tilespmem:s22+$0xFFFFFFF0];
	v2 =	vshrl.u32 v2, $0x10  }
0x2d7: {  	v3 =	vshrl.u32 v3, $0x10;
	[tilespmem:v6+s13+$0x0] =	vst.idx.add.s32.msk $0xffff, v1  }
0x2d8: {  	v62 =	vand.u32 $0xFFFF, v10;
	[tilespmem:v8+s13+$0x0] =	vst.idx.add.s32.msk $0xffff, v1  }
0x2d9: {  	v4 =	vshrl.u32 v4, $0x10;
	[tilespmem:v12+s13+$0x0] =	vst.idx.add.s32.msk $0xffff, v1  }
0x2da: {  	v63 =	vshrl.u32 v10, $0x10;
	[tilespmem:v60+s13+$0x0] =	vst.idx.add.s32.msk $0xffff, v1  }
0x2db: {  	[tilespmem:v2+s14+$0x0] =	vst.idx.add.s32.msk $0xffff, v1;
	v2 =	vand.u32 $0xFFFF, v9  }
0x2dc: {  	[tilespmem:v3+s14+$0x0] =	vst.idx.add.s32.msk $0xffff, v1;
	v3 =	vshrl.u32 v5, $0x10  }
0x2dd: {  	[tilespmem:v62+s13+$0x0] =	vst.idx.add.s32.msk $0xffff, v1;
	v5 =	vand.u32 $0xFFFF, v7  }
0x2de: {  	v61 =	vshrl.u32 v9, $0x10;
	[tilespmem:v4+s14+$0x0] =	vst.idx.add.s32.msk $0xffff, v1  }
0x2df: {  	v4 =	vshrl.u32 v7, $0x10;
	[tilespmem:v63+s14+$0x0] =	vst.idx.add.s32.msk $0xffff, v1  }
0x2e0: {  	[tilespmem:v2+s13+$0x0] =	vst.idx.add.s32.msk $0xffff, v1  }
0x2e1: {  	[tilespmem:v3+s14+$0x0] =	vst.idx.add.s32.msk $0xffff, v1  }
0x2e2: {  	[tilespmem:v5+s13+$0x0] =	vst.idx.add.s32.msk $0xffff, v1  }
0x2e3: {  	[tilespmem:v61+s14+$0x0] =	vst.idx.add.s32.msk $0xffff, v1  }
0x2e4: {  	s23 =	simm.s32 $0x0;
	s24 =	simm.s32 $0x16F0;
	s22 =	simm.s32 $0x1370;
	v2 =	vshrl.u32 v11, $0x10;
	v3 =	vand.u32 $0xFFFF, v11;
	[tilespmem:v4+s14+$0x0] =	vst.idx.add.s32.msk $0xffff, v1  }
.LBB2_31:
0x2e5: {  	v4 =	vld [tilespmem:s24+$0x0]  }
0x2e6: {  	s23 =	sadd.s32 $0x8, s23;
	v5 =	vld [tilespmem:s24+$0xFFFFFFA0]  }
0x2e7: {  	p1 =	slt.u32 s23, $0x18;
	v6 =	vld [tilespmem:s24+$0xFFFFFFB0]  }
0x2e8: {  	v7 =	vld [tilespmem:s24+$0xFFFFFFC0]  }
0x2e9: {  	v8 =	vld [tilespmem:s24+$0xFFFFFFD0]  }
0x2ea: {  	v9 =	vld [tilespmem:s24+$0xFFFFFFE0];
	v10 =	vand.u32 $0xFFFF, v4  }
0x2eb: {  	v4 =	vshrl.u32 v4, $0x10;
	v11 =	vshrl.u32 v5, $0x10;
	v5 =	vand.u32 $0xFFFF, v5;
	v12 =	vld [tilespmem:s24+$0xFFFFFFF0]  }
0x2ec: {  	v13 =	vld [tilespmem:s24+$0xFFFFFF90];
	v14 =	vshrl.u32 v6, $0x10;
	v6 =	vand.u32 $0xFFFF, v6  }
0x2ed: {  	v15 =	vshrl.u32 v7, $0x10;
	v7 =	vand.u32 $0xFFFF, v7;
	[tilespmem:v3+s13+$0x0] =	vst.idx.add.s32.msk $0xffff, v1  }
0x2ee: {  	v16 =	vshrl.u32 v8, $0x10;
	v8 =	vand.u32 $0xFFFF, v8;
	[tilespmem:v2+s14+$0x0] =	vst.idx.add.s32.msk $0xffff, v1  }
0x2ef: {  	v17 =	vshrl.u32 v9, $0x10;
	v9 =	vand.u32 $0xFFFF, v9;
	[tilespmem:v10+s13+$0x0] =	vst.idx.add.s32.msk $0xffff, v1  }
0x2f0: {  	v2 =	vshrl.u32 v12, $0x10;
	v3 =	vand.u32 $0xFFFF, v12;
	[tilespmem:v4+s14+$0x0] =	vst.idx.add.s32.msk $0xffff, v1  }
0x2f1: {  	v4 =	vshrl.u32 v13, $0x10;
	v10 =	vand.u32 $0xFFFF, v13;
	[tilespmem:v5+s13+$0x0] =	vst.idx.add.s32.msk $0xffff, v1  }
0x2f2: {  	[tilespmem:v11+s14+$0x0] =	vst.idx.add.s32.msk $0xffff, v1  }
0x2f3: {  	[tilespmem:v6+s13+$0x0] =	vst.idx.add.s32.msk $0xffff, v1  }
0x2f4: {  	[tilespmem:v14+s14+$0x0] =	vst.idx.add.s32.msk $0xffff, v1  }
0x2f5: {  	[tilespmem:v7+s13+$0x0] =	vst.idx.add.s32.msk $0xffff, v1  }
0x2f6: {  	[tilespmem:v10+s13+$0x0] =	vst.idx.add.s32.msk $0xffff, v1  }
0x2f7: {  	[tilespmem:v4+s14+$0x0] =	vst.idx.add.s32.msk $0xffff, v1  }
.Ltmp16:
0x2f8: {  	[tilespmem:v15+s14+$0x0] =	vst.idx.add.s32.msk $0xffff, v1;
	(pc) =	sbr.rel @p1 .LBB2_31-.Ltmp16, $4  }
0x2f9: {  	[tilespmem:v8+s13+$0x0] =	vst.idx.add.s32.msk $0xffff, v1  }
0x2fa: {  	[tilespmem:v16+s14+$0x0] =	vst.idx.add.s32.msk $0xffff, v1  }
0x2fb: {  	[tilespmem:v9+s13+$0x0] =	vst.idx.add.s32.msk $0xffff, v1  }
0x2fc: {  	s24 =	sadd.s32 $0x400, s24;
	[tilespmem:v17+s14+$0x0] =	vst.idx.add.s32.msk $0xffff, v1  }
0x2fd: {  	_ =	sdelay $0x3  }
0x2fe: {  	[tilespmem:v3+s13+$0x0] =	vst.idx.add.s32.msk $0xffff, v1  }
0x2ff: {  	[tilespmem:v2+s14+$0x0] =	vst.idx.add.s32.msk $0xffff, v1  }
0x300: {  	v2 =	vld [tilespmem:s22+$0x0]  }
0x301: {  	v3 =	vld [tilespmem:s22+$0xFFFFFFA0]  }
0x302: {  	v4 =	vld [tilespmem:s22+$0xFFFFFFB0]  }
0x303: {  	v5 =	vld [tilespmem:s22+$0xFFFFFFC0];
	_ =	sdelay $0x1  }
0x304: {  	v6 =	vand.u32 $0xFFFF, v2  }
0x305: {  	v10 =	vld [tilespmem:s22+$0xFFFFFFE0];
	v8 =	vand.u32 $0xFFFF, v3  }
0x306: {  	v7 =	vld [tilespmem:s22+$0xFFFFFFD0];
	v12 =	vand.u32 $0xFFFF, v4  }
0x307: {  	v9 =	vld [tilespmem:s22+$0xFFFFFF90];
	v60 =	vand.u32 $0xFFFF, v5  }
0x308: {  	v11 =	vld [tilespmem:s22+$0xFFFFFFF0];
	v2 =	vshrl.u32 v2, $0x10  }
0x309: {  	v3 =	vshrl.u32 v3, $0x10;
	[tilespmem:v6+s13+$0x0] =	vst.idx.add.s32.msk $0xffff, v1  }
0x30a: {  	v62 =	vand.u32 $0xFFFF, v10;
	[tilespmem:v8+s13+$0x0] =	vst.idx.add.s32.msk $0xffff, v1  }
0x30b: {  	v4 =	vshrl.u32 v4, $0x10;
	[tilespmem:v12+s13+$0x0] =	vst.idx.add.s32.msk $0xffff, v1  }
0x30c: {  	v63 =	vshrl.u32 v10, $0x10;
	[tilespmem:v60+s13+$0x0] =	vst.idx.add.s32.msk $0xffff, v1  }
0x30d: {  	[tilespmem:v2+s14+$0x0] =	vst.idx.add.s32.msk $0xffff, v1;
	v2 =	vand.u32 $0xFFFF, v9  }
0x30e: {  	[tilespmem:v3+s14+$0x0] =	vst.idx.add.s32.msk $0xffff, v1;
	v3 =	vshrl.u32 v5, $0x10  }
0x30f: {  	[tilespmem:v62+s13+$0x0] =	vst.idx.add.s32.msk $0xffff, v1;
	v5 =	vand.u32 $0xFFFF, v7  }
0x310: {  	v61 =	vshrl.u32 v9, $0x10;
	[tilespmem:v4+s14+$0x0] =	vst.idx.add.s32.msk $0xffff, v1  }
0x311: {  	v4 =	vshrl.u32 v7, $0x10;
	[tilespmem:v63+s14+$0x0] =	vst.idx.add.s32.msk $0xffff, v1  }
0x312: {  	[tilespmem:v2+s13+$0x0] =	vst.idx.add.s32.msk $0xffff, v1  }
0x313: {  	[tilespmem:v3+s14+$0x0] =	vst.idx.add.s32.msk $0xffff, v1  }
0x314: {  	[tilespmem:v5+s13+$0x0] =	vst.idx.add.s32.msk $0xffff, v1  }
0x315: {  	[tilespmem:v61+s14+$0x0] =	vst.idx.add.s32.msk $0xffff, v1  }
0x316: {  	s23 =	simm.s32 $0x0;
	s24 =	simm.s32 $0x1770;
	s22 =	simm.s32 $0x13F0;
	v2 =	vshrl.u32 v11, $0x10;
	v3 =	vand.u32 $0xFFFF, v11;
	[tilespmem:v4+s14+$0x0] =	vst.idx.add.s32.msk $0xffff, v1  }
.LBB2_33:
0x317: {  	v4 =	vld [tilespmem:s24+$0x0]  }
0x318: {  	s23 =	sadd.s32 $0x8, s23;
	v5 =	vld [tilespmem:s24+$0xFFFFFFA0]  }
0x319: {  	p1 =	slt.u32 s23, $0x18;
	v6 =	vld [tilespmem:s24+$0xFFFFFFB0]  }
0x31a: {  	v7 =	vld [tilespmem:s24+$0xFFFFFFC0]  }
0x31b: {  	v8 =	vld [tilespmem:s24+$0xFFFFFFD0]  }
0x31c: {  	v9 =	vld [tilespmem:s24+$0xFFFFFFE0];
	v10 =	vand.u32 $0xFFFF, v4  }
0x31d: {  	v4 =	vshrl.u32 v4, $0x10;
	v11 =	vshrl.u32 v5, $0x10;
	v5 =	vand.u32 $0xFFFF, v5;
	v12 =	vld [tilespmem:s24+$0xFFFFFFF0]  }
0x31e: {  	v13 =	vld [tilespmem:s24+$0xFFFFFF90];
	v14 =	vshrl.u32 v6, $0x10;
	v6 =	vand.u32 $0xFFFF, v6  }
0x31f: {  	v15 =	vshrl.u32 v7, $0x10;
	v7 =	vand.u32 $0xFFFF, v7;
	[tilespmem:v3+s13+$0x0] =	vst.idx.add.s32.msk $0xffff, v1  }
0x320: {  	v16 =	vshrl.u32 v8, $0x10;
	v8 =	vand.u32 $0xFFFF, v8;
	[tilespmem:v2+s14+$0x0] =	vst.idx.add.s32.msk $0xffff, v1  }
0x321: {  	v17 =	vshrl.u32 v9, $0x10;
	v9 =	vand.u32 $0xFFFF, v9;
	[tilespmem:v10+s13+$0x0] =	vst.idx.add.s32.msk $0xffff, v1  }
0x322: {  	v2 =	vshrl.u32 v12, $0x10;
	v3 =	vand.u32 $0xFFFF, v12;
	[tilespmem:v4+s14+$0x0] =	vst.idx.add.s32.msk $0xffff, v1  }
0x323: {  	v4 =	vshrl.u32 v13, $0x10;
	v10 =	vand.u32 $0xFFFF, v13;
	[tilespmem:v5+s13+$0x0] =	vst.idx.add.s32.msk $0xffff, v1  }
0x324: {  	[tilespmem:v11+s14+$0x0] =	vst.idx.add.s32.msk $0xffff, v1  }
0x325: {  	[tilespmem:v6+s13+$0x0] =	vst.idx.add.s32.msk $0xffff, v1  }
0x326: {  	[tilespmem:v14+s14+$0x0] =	vst.idx.add.s32.msk $0xffff, v1  }
0x327: {  	[tilespmem:v7+s13+$0x0] =	vst.idx.add.s32.msk $0xffff, v1  }
0x328: {  	[tilespmem:v10+s13+$0x0] =	vst.idx.add.s32.msk $0xffff, v1  }
0x329: {  	[tilespmem:v4+s14+$0x0] =	vst.idx.add.s32.msk $0xffff, v1  }
.Ltmp17:
0x32a: {  	[tilespmem:v15+s14+$0x0] =	vst.idx.add.s32.msk $0xffff, v1;
	(pc) =	sbr.rel @p1 .LBB2_33-.Ltmp17, $4  }
0x32b: {  	[tilespmem:v8+s13+$0x0] =	vst.idx.add.s32.msk $0xffff, v1  }
0x32c: {  	[tilespmem:v16+s14+$0x0] =	vst.idx.add.s32.msk $0xffff, v1  }
0x32d: {  	[tilespmem:v9+s13+$0x0] =	vst.idx.add.s32.msk $0xffff, v1  }
0x32e: {  	s24 =	sadd.s32 $0x400, s24;
	[tilespmem:v17+s14+$0x0] =	vst.idx.add.s32.msk $0xffff, v1  }
0x32f: {  	_ =	sdelay $0x3  }
0x330: {  	[tilespmem:v3+s13+$0x0] =	vst.idx.add.s32.msk $0xffff, v1  }
0x331: {  	[tilespmem:v2+s14+$0x0] =	vst.idx.add.s32.msk $0xffff, v1  }
0x332: {  	v2 =	vld [tilespmem:s22+$0x0]  }
0x333: {  	v3 =	vld [tilespmem:s22+$0xFFFFFFA0]  }
0x334: {  	v4 =	vld [tilespmem:s22+$0xFFFFFFB0]  }
0x335: {  	v5 =	vld [tilespmem:s22+$0xFFFFFFC0];
	_ =	sdelay $0x1  }
0x336: {  	v6 =	vand.u32 $0xFFFF, v2  }
0x337: {  	v10 =	vld [tilespmem:s22+$0xFFFFFFE0];
	v8 =	vand.u32 $0xFFFF, v3  }
0x338: {  	v7 =	vld [tilespmem:s22+$0xFFFFFFD0];
	v12 =	vand.u32 $0xFFFF, v4  }
0x339: {  	v9 =	vld [tilespmem:s22+$0xFFFFFF90];
	v60 =	vand.u32 $0xFFFF, v5  }
0x33a: {  	v11 =	vld [tilespmem:s22+$0xFFFFFFF0];
	v2 =	vshrl.u32 v2, $0x10  }
0x33b: {  	v3 =	vshrl.u32 v3, $0x10;
	[tilespmem:v6+s13+$0x0] =	vst.idx.add.s32.msk $0xffff, v1  }
0x33c: {  	v62 =	vand.u32 $0xFFFF, v10;
	[tilespmem:v8+s13+$0x0] =	vst.idx.add.s32.msk $0xffff, v1  }
0x33d: {  	v4 =	vshrl.u32 v4, $0x10;
	[tilespmem:v12+s13+$0x0] =	vst.idx.add.s32.msk $0xffff, v1  }
0x33e: {  	v63 =	vshrl.u32 v10, $0x10;
	[tilespmem:v60+s13+$0x0] =	vst.idx.add.s32.msk $0xffff, v1  }
0x33f: {  	[tilespmem:v2+s14+$0x0] =	vst.idx.add.s32.msk $0xffff, v1;
	v2 =	vand.u32 $0xFFFF, v9  }
0x340: {  	[tilespmem:v3+s14+$0x0] =	vst.idx.add.s32.msk $0xffff, v1;
	v3 =	vshrl.u32 v5, $0x10  }
0x341: {  	[tilespmem:v62+s13+$0x0] =	vst.idx.add.s32.msk $0xffff, v1;
	v5 =	vand.u32 $0xFFFF, v7  }
0x342: {  	v61 =	vshrl.u32 v9, $0x10;
	[tilespmem:v4+s14+$0x0] =	vst.idx.add.s32.msk $0xffff, v1  }
0x343: {  	v4 =	vshrl.u32 v7, $0x10;
	[tilespmem:v63+s14+$0x0] =	vst.idx.add.s32.msk $0xffff, v1  }
0x344: {  	[tilespmem:v2+s13+$0x0] =	vst.idx.add.s32.msk $0xffff, v1  }
0x345: {  	[tilespmem:v3+s14+$0x0] =	vst.idx.add.s32.msk $0xffff, v1  }
0x346: {  	[tilespmem:v5+s13+$0x0] =	vst.idx.add.s32.msk $0xffff, v1  }
0x347: {  	[tilespmem:v61+s14+$0x0] =	vst.idx.add.s32.msk $0xffff, v1  }
0x348: {  	s23 =	simm.s32 $0x17F0;
	s22 =	simm.s32 $0x0;
	v2 =	vshrl.u32 v11, $0x10;
	v3 =	vand.u32 $0xFFFF, v11;
	[tilespmem:v4+s14+$0x0] =	vst.idx.add.s32.msk $0xffff, v1  }
.LBB2_35:
0x349: {  	v4 =	vld [tilespmem:s23+$0x0]  }
0x34a: {  	s22 =	sadd.s32 $0x8, s22;
	v5 =	vld [tilespmem:s23+$0xFFFFFFA0]  }
0x34b: {  	p1 =	slt.u32 s22, $0x18;
	v6 =	vld [tilespmem:s23+$0xFFFFFFB0]  }
0x34c: {  	v7 =	vld [tilespmem:s23+$0xFFFFFFC0]  }
0x34d: {  	v8 =	vld [tilespmem:s23+$0xFFFFFFD0]  }
0x34e: {  	v9 =	vld [tilespmem:s23+$0xFFFFFFE0];
	v10 =	vand.u32 $0xFFFF, v4  }
0x34f: {  	v4 =	vshrl.u32 v4, $0x10;
	v11 =	vshrl.u32 v5, $0x10;
	v5 =	vand.u32 $0xFFFF, v5;
	v12 =	vld [tilespmem:s23+$0xFFFFFFF0]  }
0x350: {  	v13 =	vld [tilespmem:s23+$0xFFFFFF90];
	v14 =	vshrl.u32 v6, $0x10;
	v6 =	vand.u32 $0xFFFF, v6  }
0x351: {  	v15 =	vshrl.u32 v7, $0x10;
	v7 =	vand.u32 $0xFFFF, v7;
	[tilespmem:v3+s13+$0x0] =	vst.idx.add.s32.msk $0xffff, v1  }
0x352: {  	v16 =	vshrl.u32 v8, $0x10;
	v8 =	vand.u32 $0xFFFF, v8;
	[tilespmem:v2+s14+$0x0] =	vst.idx.add.s32.msk $0xffff, v1  }
0x353: {  	v17 =	vshrl.u32 v9, $0x10;
	v9 =	vand.u32 $0xFFFF, v9;
	[tilespmem:v10+s13+$0x0] =	vst.idx.add.s32.msk $0xffff, v1  }
0x354: {  	v2 =	vshrl.u32 v12, $0x10;
	v3 =	vand.u32 $0xFFFF, v12;
	[tilespmem:v4+s14+$0x0] =	vst.idx.add.s32.msk $0xffff, v1  }
0x355: {  	v4 =	vshrl.u32 v13, $0x10;
	v10 =	vand.u32 $0xFFFF, v13;
	[tilespmem:v5+s13+$0x0] =	vst.idx.add.s32.msk $0xffff, v1  }
0x356: {  	[tilespmem:v11+s14+$0x0] =	vst.idx.add.s32.msk $0xffff, v1  }
0x357: {  	[tilespmem:v6+s13+$0x0] =	vst.idx.add.s32.msk $0xffff, v1  }
0x358: {  	[tilespmem:v14+s14+$0x0] =	vst.idx.add.s32.msk $0xffff, v1  }
0x359: {  	[tilespmem:v7+s13+$0x0] =	vst.idx.add.s32.msk $0xffff, v1  }
0x35a: {  	[tilespmem:v10+s13+$0x0] =	vst.idx.add.s32.msk $0xffff, v1  }
0x35b: {  	[tilespmem:v4+s14+$0x0] =	vst.idx.add.s32.msk $0xffff, v1  }
.Ltmp18:
0x35c: {  	[tilespmem:v15+s14+$0x0] =	vst.idx.add.s32.msk $0xffff, v1;
	(pc) =	sbr.rel @p1 .LBB2_35-.Ltmp18, $4  }
0x35d: {  	[tilespmem:v8+s13+$0x0] =	vst.idx.add.s32.msk $0xffff, v1  }
0x35e: {  	[tilespmem:v16+s14+$0x0] =	vst.idx.add.s32.msk $0xffff, v1  }
0x35f: {  	[tilespmem:v9+s13+$0x0] =	vst.idx.add.s32.msk $0xffff, v1  }
0x360: {  	s23 =	sadd.s32 $0x400, s23;
	[tilespmem:v17+s14+$0x0] =	vst.idx.add.s32.msk $0xffff, v1  }
0x361: {  	_ = 	snop  }
.Ltmp19:
0x362: {  	_ = 	snop;
	(pc) =	sbr.rel @p0 .LBB2_38-.Ltmp19, $3  }
0x363: {  	_ =	sdelay $0x1  }
0x364: {  	[tilespmem:v3+s13+$0x0] =	vst.idx.add.s32.msk $0xffff, v1  }
0x365: {  	[tilespmem:v2+s14+$0x0] =	vst.idx.add.s32.msk $0xffff, v1  }
.Ltmp20:
0x366: {  	(pc) =	sbr.rel .LBB2_4-.Ltmp20, $4  }
0x367: {  	s21 =	sadd.s32 s21, s7  }
0x368: {  	s21 =	sshrl.u32 s21, $0x3  }
0x369: {  	s20 =	sadd.s32 $0x1, s20;
	s21 =	sadd.s32 s3, s21  }
0x36a: {  	[tilespmem:s11], [sflag:$0x2] =	stream.linear.gather [hbm4b:s21+s2], $0x1000, $0x38;
	[tilespmem:$0x15000] =	vst v63  }
.LBB2_39:
0x36b: {  	_ =	sfence.sel $0x180000  }
0x36c: {  	[bflag:$0x0] =	sbarrier.arrive $0xFFFF  }
0x36d: {  	p0 =	sne.s32 s1, $0x0;
	_ =	strace $0x9000004A  }
0x36e: {  	s0 =	sadd.s32 @!p0 $0x100000, s0;
	[bflag:$0x2] =	sbarrier.arrive $0xFFFF  }
0x36f: {  	[sflag:s0] =	ssyncadd.tile.s32 @!p0 $0x1;
	_ =	shalt  }
.Lfunc_end2:
_tile_overlayer_lowered:
.L_overlay_start_2:
0x370: {  	(tag) =	ssettag $0x2  }
0x371: {  	s0 =	rddreg [dreg:$0x0];
	s2 =	stileid.u32  }
0x372: {  	s1 =	rddreg [dreg:$0x1];
	p0 =	sne.s32 s2, $0x0  }
0x373: {  	s3 =	rddreg [dreg:$0x2];
	[bflag:$0x3] =	sbarrier.arrive $0xFFFF;
	s2 =	simm.s32 @!p0 $0x1C03  }
0x374: {  	[timem:s3], [sflag:s2] =	dma.local @!p0 [hbm:s0], s1  }
0x375: {  	s0 =	simm.s32 @!p0 $0x3  }
0x376: {  	_ =	swait.ge @!p0 [sflag:s0], s1  }
0x377: {  	s1 =	ssub.s32 @!p0 $0x0, s1;
	[sflag:s0] =	ssyncset.done @!p0 $0x0  }
0x378: {  	[sflag:s0] =	ssyncadd.s32 @!p0 s1  }
0x379: {  	[bflag:$0x3] =	sbarrier.arrive $0xFFFF  }
0x37a: {  	_ =	shalt  }

</sc_bundles>
